<compile_context>
chip_gen: v7x
topology: tpu7x:2x2x1
jax: 0.10.2.dev20260603
libtpu: 0.0.44.dev20260713+nightly
codegen_flags: <defaults>
</compile_context>

<pallas_src>
import jax
import jax.numpy as jnp
from jax import lax
from jax.experimental import pallas as pl
from jax.experimental.pallas import tpu as pltpu
from jax.experimental.pallas import tpu_sc as plsc

NNODE = 10000
DDIM = 128
NEDGE = 320000
NLAYER = 3

NCORE = 2
NSUB = 16
DH = DDIM // NCORE
CH = 64
NB = 4
IG = 32
NGROUP = 10
NCHUNK = 320
EPT = NCHUNK * CH
EPAD = NSUB * EPT
PADROWS = 8
RPW = 640
NPAD2 = NSUB * RPW
EWC = 80


def _bcast16(ref, idx):
    return plsc.load_gather(ref, [jnp.full((16,), idx, jnp.int32)])


def _sc_body(fr_hbm, to_hbm, emb_hbm, out_hbm,
             s_sh, r_sh, deg_sh,
             fr_g, to_g, buf0, buf1, buf2, buf3, ew_r, ew_a, sbuf,
             dis_v, dis2_v, ones_v,
             gsem0, gsem1, gsem2, gsem3,
             ssem0, ssem1, ssem2, ssem3):
    bufs = (buf0, buf1, buf2, buf3)
    gsems = (gsem0, gsem1, gsem2, gsem3)
    ssems = (ssem0, ssem1, ssem2, ssem3)
    c = lax.axis_index("c")
    s = lax.axis_index("s")
    base = s * RPW
    nrows = jnp.minimum(RPW, jnp.maximum(0, NNODE - base))
    n_ew = nrows // EWC

    def fill_ones(k, _):
        ones_v[pl.ds(k * 16, 16)] = jnp.ones((16,), jnp.float32)
        return 0
    lax.fori_loop(0, CH // 16, fill_ones, 0)

    def zfill(i, _):
        for cv in range(4):
            sbuf[i, pl.ds(cv * 16, 16)] = jnp.zeros((16,), jnp.float32)
        return 0
    lax.fori_loop(0, EWC, zfill, 0)

    def zero_deg(k, _):
        pltpu.sync_copy(sbuf.at[0], deg_sh.at[pl.ds(base + k * DH, DH)])
        return 0
    lax.fori_loop(0, RPW // DH, zero_deg, 0)

    def zero_r(j, _):
        pltpu.sync_copy(sbuf, r_sh.at[pl.ds(base + j * EWC, EWC)])
        return 0
    lax.fori_loop(0, RPW // EWC, zero_r, 0)

    def zero_spad(j, _):
        pltpu.sync_copy(sbuf, s_sh.at[pl.ds(base + j * EWC, EWC)])
        return 0
    lax.fori_loop(n_ew, RPW // EWC, zero_spad, 0)

    plsc.subcore_barrier()

    def deg_grp(g, _):
        pltpu.sync_copy(to_hbm.at[s, pl.ds(g * IG, IG)], to_g)
        for u in range(IG):
            pltpu.async_copy(ones_v, deg_sh.at[to_g.at[u]], ssems[0],
                             add=True)
        return 0
    lax.fori_loop(0, NGROUP, deg_grp, 0)

    def deg_drain(k, _):
        pltpu.make_async_copy(ones_v, deg_sh.at[to_g.at[0]], ssems[0]).wait()
        return 0
    lax.fori_loop(0, NCHUNK, deg_drain, 0)

    plsc.subcore_barrier()

    pltpu.sync_copy(deg_sh.at[pl.ds(base, RPW)], dis_v)

    def newton(k, _):
        sl = pl.ds(k * 16, 16)
        d = dis_v[sl]
        i = lax.bitcast_convert_type(d, jnp.int32)
        i = jnp.int32(0x5F3759DF) - lax.shift_right_logical(i, 1)
        y = lax.bitcast_convert_type(i, jnp.float32)
        for _ in range(3):
            y = y * (1.5 - 0.5 * d * y * y)
        y = jnp.where(d > 0.0, y, 0.0)
        dis_v[sl] = y
        dis2_v[sl] = y * y
        return 0
    lax.fori_loop(0, RPW // 16, newton, 0)

    def s0_blk(j, _):
        r0 = base + j * EWC
        pltpu.sync_copy(emb_hbm.at[c, pl.ds(r0, EWC)], ew_r)

        def row(i, _):
            b = _bcast16(dis_v, j * EWC + i)
            for cv in range(4):
                sl = pl.ds(cv * 16, 16)
                sbuf[i, sl] = b * ew_r[i, sl]
            return 0
        lax.fori_loop(0, EWC, row, 0)
        pltpu.sync_copy(sbuf, s_sh.at[pl.ds(r0, EWC)])
        return 0
    lax.fori_loop(0, n_ew, s0_blk, 0)

    plsc.subcore_barrier()

    for layer in range(NLAYER):
        last = layer == NLAYER - 1

        def edge_grp(g, _):
            pltpu.sync_copy(fr_hbm.at[s, pl.ds(g * IG, IG)], fr_g)
            pltpu.sync_copy(to_hbm.at[s, pl.ds(g * IG, IG)], to_g)

            def edge_blk(b, _):
                gb = g * (IG // NB) + b

                @pl.when(gb > 0)
                def _wait_prev():
                    for u in range(NB):
                        pltpu.make_async_copy(
                            bufs[u], r_sh.at[to_g.at[u]], ssems[u]).wait()

                gds = []
                for u in range(NB):
                    gds.append(pltpu.async_copy(
                        s_sh.at[fr_g.at[b * NB + u]], bufs[u], gsems[u]))
                for u in range(NB):
                    gds[u].wait()
                    pltpu.async_copy(
                        bufs[u], r_sh.at[to_g.at[b * NB + u]], ssems[u],
                        add=True)
                return 0
            lax.fori_loop(0, IG // NB, edge_blk, 0)
            return 0
        lax.fori_loop(0, NGROUP, edge_grp, 0)

        for u in range(NB):
            pltpu.make_async_copy(bufs[u], r_sh.at[to_g.at[u]], ssems[u]).wait()

        plsc.subcore_barrier()

        def ew_blk(j, _):
            r0 = base + j * EWC
            pltpu.sync_copy(r_sh.at[pl.ds(r0, EWC)], ew_r)
            if layer == 0:
                pltpu.sync_copy(ew_r, out_hbm.at[c, pl.ds(r0, EWC)])
            else:
                pltpu.sync_copy(out_hbm.at[c, pl.ds(r0, EWC)], ew_a)
            if last:
                pltpu.sync_copy(emb_hbm.at[c, pl.ds(r0, EWC)],
                                buf0.at[pl.ds(0, EWC)])

            def row(i, _):
                row_l = j * EWC + i
                for cv in range(4):
                    sl = pl.ds(cv * 16, 16)
                    rv = ew_r[i, sl]
                    if last:
                        b = _bcast16(dis_v, row_l)
                        acc = ew_a[i, sl] + rv
                        sbuf[i, sl] = 0.25 * buf0[i, sl] + 0.25 * b * acc
                    else:
                        b2 = _bcast16(dis2_v, row_l)
                        if layer > 0:
                            ew_a[i, sl] = ew_a[i, sl] + rv
                        sbuf[i, sl] = b2 * rv
                return 0
            lax.fori_loop(0, EWC, row, 0)

            if last:
                pltpu.sync_copy(sbuf, out_hbm.at[c, pl.ds(r0, EWC)])
            else:
                if layer > 0:
                    pltpu.sync_copy(ew_a, out_hbm.at[c, pl.ds(r0, EWC)])
                pltpu.sync_copy(sbuf, s_sh.at[pl.ds(r0, EWC)])

                def zf(i, _):
                    for cv in range(4):
                        sbuf[i, pl.ds(cv * 16, 16)] = (
                            jnp.zeros((16,), jnp.float32))
                    return 0
                lax.fori_loop(0, EWC, zf, 0)
                pltpu.sync_copy(sbuf, r_sh.at[pl.ds(r0, EWC)])
            return 0
        lax.fori_loop(0, n_ew, ew_blk, 0)

        if not last:
            plsc.subcore_barrier()


_sc_call = pl.kernel(
    _sc_body,
    out_type=jax.ShapeDtypeStruct((NCORE, NNODE, DH), jnp.float32),
    mesh=plsc.VectorSubcoreMesh(
        core_axis_name="c", subcore_axis_name="s",
        num_cores=NCORE, num_subcores=NSUB),
    scratch_types=[
        pltpu.VMEM_SHARED((NPAD2, DH), jnp.float32),
        pltpu.VMEM_SHARED((NPAD2, DH), jnp.float32),
        pltpu.VMEM_SHARED((NPAD2,), jnp.float32),
        pltpu.VMEM((IG, CH), jnp.int32),
        pltpu.VMEM((IG, CH), jnp.int32),
        pltpu.VMEM((CH, DH), jnp.float32),
        pltpu.VMEM((CH, DH), jnp.float32),
        pltpu.VMEM((CH, DH), jnp.float32),
        pltpu.VMEM((CH, DH), jnp.float32),
        pltpu.VMEM((EWC, DH), jnp.float32),
        pltpu.VMEM((EWC, DH), jnp.float32),
        pltpu.VMEM((EWC, DH), jnp.float32),
        pltpu.VMEM((RPW,), jnp.float32),
        pltpu.VMEM((RPW,), jnp.float32),
        pltpu.VMEM((CH,), jnp.float32),
        pltpu.SemaphoreType.DMA,
        pltpu.SemaphoreType.DMA,
        pltpu.SemaphoreType.DMA,
        pltpu.SemaphoreType.DMA,
        pltpu.SemaphoreType.DMA,
        pltpu.SemaphoreType.DMA,
        pltpu.SemaphoreType.DMA,
        pltpu.SemaphoreType.DMA,
    ],
    compiler_params=pltpu.CompilerParams(
        needs_layout_passes=False, use_tc_tiling_on_sc=False),
)


@jax.jit
def kernel(edge_index, edge_attrs, emb_weight):
    del edge_attrs
    npad = EPAD - NEDGE
    padidx = (jnp.arange(npad, dtype=jnp.int32) % PADROWS) + NNODE
    fr3 = jnp.concatenate([edge_index[0], padidx]).reshape(NSUB, NCHUNK, CH)
    to3 = jnp.concatenate([edge_index[1], padidx]).reshape(NSUB, NCHUNK, CH)
    emb2 = emb_weight.reshape(NNODE, NCORE, DH).transpose(1, 0, 2)
    out2 = _sc_call(fr3, to3, emb2)
    out = out2.transpose(1, 0, 2).reshape(NNODE, DDIM)
    return (emb_weight, out)

# --- scband reference (transcript-rebuilt; emitter-appended) ---
"""Pipeline reference for scband-rec-sys-gnn-79474074845679 (READ-ONLY COPY).

The authoritative reference and input builder live on the scoring server;
editing this copy changes nothing except your own understanding.
"""

import jax, jax.numpy as jnp
import numpy as np

N_USERS = 5000
N_ITEMS = 5000
N = N_USERS + N_ITEMS
E = 320000
D = 128
L = 3


def setup_inputs(seed: int = 0) -> dict:
    key = jax.random.key(seed)
    k1, k2, k3 = jax.random.split(key, 3)
    edge_index = jax.random.randint(k1, (2, E), 0, N, dtype=jnp.int32)
    edge_attrs = jax.random.normal(k2, (E,), dtype=jnp.float32)
    # learned parameter: embedding table, init normal(std=0.1) as in lightGCN branch
    emb_weight = jax.random.normal(k3, (N, D), dtype=jnp.float32) * 0.1
    return {"edge_index": edge_index, "edge_attrs": edge_attrs, "emb_weight": emb_weight}


def reference(edge_index, edge_attrs, emb_weight):
    # RecSysGNN with model='lightGCN': stack of lightGCN propagation layers.
    from_ = edge_index[0]
    to_ = edge_index[1]
    # degree(to_, N) and symmetric norm, computed once and reused (cached in torch module)
    deg = jnp.zeros((N,), dtype=emb_weight.dtype).at[to_].add(1.0)
    deg_inv_sqrt = jnp.where(deg > 0, deg ** -0.5, 0.0)
    norm = deg_inv_sqrt[from_] * deg_inv_sqrt[to_]
    emb0 = emb_weight
    embs = [emb0]
    emb = emb0
    for _ in range(L):
        # message: norm * x_j (gather from source nodes), aggr='add' at destination
        msg = norm[:, None] * jnp.take(emb, from_, axis=0)
        emb = jnp.zeros_like(emb).at[to_].add(msg)
        embs.append(emb)
    out = jnp.mean(jnp.stack(embs, axis=0), axis=0)
    return (emb0, out)

if __name__ == "__main__":
    import jax
    _d = setup_inputs()
    print(jax.jit(kernel)(*tuple(_d.values())))

</pallas_src>

<mosaic_0001>
#map = affine_map<(d0, d1) -> (0, 0, 0)>
module attributes {stable_mosaic.version = 14 : i64} {
  func.func @_sc_body(%arg0: i32, %arg1: i32, %arg2: memref<16x320x64xi32, #tpu.memory_space<hbm>>, %arg3: memref<16x320x64xi32, #tpu.memory_space<hbm>>, %arg4: memref<2x10000x64xf32, #tpu.memory_space<hbm>>, %arg5: memref<2x10000x64xf32, #tpu.memory_space<hbm>>, %arg6: memref<10240x64xf32, #tpu.memory_space<vmem_shared>>, %arg7: memref<10240x64xf32, #tpu.memory_space<vmem_shared>>, %arg8: memref<10240xf32, #tpu.memory_space<vmem_shared>>, %arg9: memref<32x64xi32, #tpu.memory_space<vmem>>, %arg10: memref<32x64xi32, #tpu.memory_space<vmem>>, %arg11: memref<64x64xf32, #tpu.memory_space<vmem>>, %arg12: memref<64x64xf32, #tpu.memory_space<vmem>>, %arg13: memref<64x64xf32, #tpu.memory_space<vmem>>, %arg14: memref<64x64xf32, #tpu.memory_space<vmem>>, %arg15: memref<80x64xf32, #tpu.memory_space<vmem>>, %arg16: memref<80x64xf32, #tpu.memory_space<vmem>>, %arg17: memref<80x64xf32, #tpu.memory_space<vmem>>, %arg18: memref<640xf32, #tpu.memory_space<vmem>>, %arg19: memref<640xf32, #tpu.memory_space<vmem>>, %arg20: memref<64xf32, #tpu.memory_space<vmem>>, %arg21: memref<!tpu.dma_semaphore, #tpu.memory_space<semaphore_mem>>, %arg22: memref<!tpu.dma_semaphore, #tpu.memory_space<semaphore_mem>>, %arg23: memref<!tpu.dma_semaphore, #tpu.memory_space<semaphore_mem>>, %arg24: memref<!tpu.dma_semaphore, #tpu.memory_space<semaphore_mem>>, %arg25: memref<!tpu.dma_semaphore, #tpu.memory_space<semaphore_mem>>, %arg26: memref<!tpu.dma_semaphore, #tpu.memory_space<semaphore_mem>>, %arg27: memref<!tpu.dma_semaphore, #tpu.memory_space<semaphore_mem>>, %arg28: memref<!tpu.dma_semaphore, #tpu.memory_space<semaphore_mem>>) attributes {dimension_semantics = [#tpu.dimension_semantics<core_parallel>, #tpu.dimension_semantics<subcore_parallel>], iteration_bounds = array<i64: 2, 16>, scalar_prefetch = 0 : i64, scratch_operands = 23 : i64, tpu.core_type = #tpu.core_type<sc_vector_subcore>, window_params = [{transform_indices = #map}, {transform_indices = #map}, {transform_indices = #map}, {transform_indices = #map}]} {
    %mul3A = arith.constant 640 : i32
    %mul3A_0 = arith.muli %arg1, %mul3A : i32
    %sub3A = arith.constant 10000 : i32
    %sub3A_1 = arith.subi %sub3A, %mul3A_0 : i32
    %max3A = arith.constant 0 : i32
    %max3A_2 = arith.maxsi %max3A, %sub3A_1 : i32
    %min3A = arith.constant 640 : i32
    %min3A_3 = arith.minsi %min3A, %max3A_2 : i32
    %jit3A = arith.constant 80 : i32
    %div3A = arith.divsi %min3A_3, %jit3A : i32
    %sign3A = arith.constant 0 : i32
    %sign3A_4 = arith.cmpi sgt, %min3A_3, %sign3A : i32
    %sign3A_5 = arith.extui %sign3A_4 : i1 to i32
    %sign3A_6 = arith.constant 0 : i32
    %sign3A_7 = arith.cmpi slt, %min3A_3, %sign3A_6 : i32
    %sign3A_8 = arith.extui %sign3A_7 : i1 to i32
    %sign3A_9 = arith.subi %sign3A_5, %sign3A_8 : i32
    %sign3A_10 = arith.constant 0 : i32
    %sign3A_11 = arith.cmpi sgt, %jit3A, %sign3A_10 : i32
    %sign3A_12 = arith.extui %sign3A_11 : i1 to i32
    %sign3A_13 = arith.constant 0 : i32
    %sign3A_14 = arith.cmpi slt, %jit3A, %sign3A_13 : i32
    %sign3A_15 = arith.extui %sign3A_14 : i1 to i32
    %sign3A_16 = arith.subi %sign3A_12, %sign3A_15 : i32
    %ne3A = arith.cmpi ne, %sign3A_9, %sign3A_16 : i32
    %rem3A = arith.remsi %min3A_3, %jit3A : i32
    %ne3A_17 = arith.constant 0 : i32
    %ne3A_18 = arith.cmpi ne, %rem3A, %ne3A_17 : i32
    %and3A = arith.andi %ne3A, %ne3A_18 : i1
    %sub3A_19 = arith.constant 1 : i32
    %sub3A_20 = arith.subi %div3A, %sub3A_19 : i32
    %select_n3A = arith.select %and3A, %sub3A_20, %div3A : i32
    %scan3A = arith.constant 0 : i32
    %scan3A_21 = arith.constant 0 : i32
    %scan3A_22 = arith.constant 4 : i32
    %scan3A_23 = arith.addi %scan3A_21, %scan3A_22 : i32
    %scan3A_24 = arith.constant 1 : i32
    %scan3A_25 = scf.for %scan3A_239 = %scan3A_21 to %scan3A_23 step %scan3A_24 iter_args(%scan3A_240 = %scan3A) -> (i32)  : i32 {
      %broadcast_in_dim3A = arith.constant 1.000000e+00 : f32
      %broadcast_in_dim3A_241 = vector.broadcast %broadcast_in_dim3A : f32 to vector<16xf32>
      %mul3A_242 = arith.constant 16 : i32
      %mul3A_243 = arith.muli %scan3A_239, %mul3A_242 : i32
      %swap3A = arith.index_cast %mul3A_243 : i32 to index
      %swap3A_244 = tpu.vector_load %arg20[%swap3A] {strides = array<i32>} : memref<64xf32, #tpu.memory_space<vmem>>, vector<16xf32>,
      tpu.vector_store %arg20[%swap3A], %broadcast_in_dim3A_241 {strides = array<i32>} : memref<64xf32, #tpu.memory_space<vmem>>, vector<16xf32>,
      %scan3A_245 = arith.constant 0 : i32
      scf.yield %scan3A_245 : i32
    }
    %scan3A_26 = arith.constant 4 : i32
    %scan3A_27 = arith.constant 0 : i32
    %scan3A_28 = arith.constant 0 : i32
    %scan3A_29 = arith.constant 80 : i32
    %scan3A_30 = arith.addi %scan3A_28, %scan3A_29 : i32
    %scan3A_31 = arith.constant 1 : i32
    %scan3A_32 = scf.for %scan3A_239 = %scan3A_28 to %scan3A_30 step %scan3A_31 iter_args(%scan3A_240 = %scan3A_27) -> (i32)  : i32 {
      %broadcast_in_dim3A = arith.constant 0.000000e+00 : f32
      %broadcast_in_dim3A_241 = vector.broadcast %broadcast_in_dim3A : f32 to vector<16xf32>
      %swap3A = arith.index_cast %scan3A_239 : i32 to index
      %swap3A_242 = arith.constant 0 : index
      %swap3A_243 = tpu.vector_load %arg17[%swap3A, %swap3A_242] {strides = array<i32>} : memref<80x64xf32, #tpu.memory_space<vmem>>, vector<16xf32>,
      tpu.vector_store %arg17[%swap3A, %swap3A_242], %broadcast_in_dim3A_241 {strides = array<i32>} : memref<80x64xf32, #tpu.memory_space<vmem>>, vector<16xf32>,
      %broadcast_in_dim3A_244 = arith.constant 0.000000e+00 : f32
      %broadcast_in_dim3A_245 = vector.broadcast %broadcast_in_dim3A_244 : f32 to vector<16xf32>
      %swap3A_246 = arith.index_cast %scan3A_239 : i32 to index
      %swap3A_247 = arith.constant 16 : index
      %swap3A_248 = tpu.vector_load %arg17[%swap3A_246, %swap3A_247] {strides = array<i32>} : memref<80x64xf32, #tpu.memory_space<vmem>>, vector<16xf32>,
      tpu.vector_store %arg17[%swap3A_246, %swap3A_247], %broadcast_in_dim3A_245 {strides = array<i32>} : memref<80x64xf32, #tpu.memory_space<vmem>>, vector<16xf32>,
      %broadcast_in_dim3A_249 = arith.constant 0.000000e+00 : f32
      %broadcast_in_dim3A_250 = vector.broadcast %broadcast_in_dim3A_249 : f32 to vector<16xf32>
      %swap3A_251 = arith.index_cast %scan3A_239 : i32 to index
      %swap3A_252 = arith.constant 32 : index
      %swap3A_253 = tpu.vector_load %arg17[%swap3A_251, %swap3A_252] {strides = array<i32>} : memref<80x64xf32, #tpu.memory_space<vmem>>, vector<16xf32>,
      tpu.vector_store %arg17[%swap3A_251, %swap3A_252], %broadcast_in_dim3A_250 {strides = array<i32>} : memref<80x64xf32, #tpu.memory_space<vmem>>, vector<16xf32>,
      %broadcast_in_dim3A_254 = arith.constant 0.000000e+00 : f32
      %broadcast_in_dim3A_255 = vector.broadcast %broadcast_in_dim3A_254 : f32 to vector<16xf32>
      %swap3A_256 = arith.index_cast %scan3A_239 : i32 to index
      %swap3A_257 = arith.constant 48 : index
      %swap3A_258 = tpu.vector_load %arg17[%swap3A_256, %swap3A_257] {strides = array<i32>} : memref<80x64xf32, #tpu.memory_space<vmem>>, vector<16xf32>,
      tpu.vector_store %arg17[%swap3A_256, %swap3A_257], %broadcast_in_dim3A_255 {strides = array<i32>} : memref<80x64xf32, #tpu.memory_space<vmem>>, vector<16xf32>,
      %scan3A_259 = arith.constant 0 : i32
      scf.yield %scan3A_259 : i32
    }
    %scan3A_33 = arith.constant 80 : i32
    %scan3A_34 = arith.constant 0 : i32
    %scan3A_35 = arith.constant 0 : i32
    %scan3A_36 = arith.constant 10 : i32
    %scan3A_37 = arith.addi %scan3A_35, %scan3A_36 : i32
    %scan3A_38 = arith.constant 1 : i32
    %scan3A_39 = scf.for %scan3A_239 = %scan3A_35 to %scan3A_37 step %scan3A_38 iter_args(%scan3A_240 = %scan3A_34) -> (i32)  : i32 {
      %mul3A_241 = arith.constant 64 : i32
      %mul3A_242 = arith.muli %scan3A_239, %mul3A_241 : i32
      %add3A = arith.addi %mul3A_0, %mul3A_242 : i32
      %run_scoped3A = arith.constant 0 : i32
      "tpu.region"() ({
        %run_scoped3A_244 = tpu.sem_alloc : memref<!tpu.dma_semaphore, #tpu.memory_space<semaphore_mem>>
        %dma_start3A = arith.constant 0 : i32
        %dma_start3A_245 = tpu.memref_slice %arg17[%run_scoped3A, %dma_start3A] : memref<80x64xf32, #tpu.memory_space<vmem>> -> memref<1x64xf32, #tpu.memory_space<vmem>>
        %dma_start3A_246 = tpu.memref_squeeze %dma_start3A_245 : memref<1x64xf32, #tpu.memory_space<vmem>> -> memref<64xf32, #tpu.memory_space<vmem>>
        %dma_start3A_247 = tpu.memref_slice %arg8[%add3A] : memref<10240xf32, #tpu.memory_space<vmem_shared>> -> memref<64xf32, #tpu.memory_space<vmem_shared>>
        %dma_start3A_248 = tpu.memref_slice %arg8[%add3A] : memref<10240xf32, #tpu.memory_space<vmem_shared>> -> memref<64xf32, #tpu.memory_space<vmem_shared>>
        %dma_start3A_249 = arith.constant 0 : i32
        %dma_start3A_250 = tpu.memref_slice %arg17[%run_scoped3A, %dma_start3A_249] : memref<80x64xf32, #tpu.memory_space<vmem>> -> memref<1x64xf32, #tpu.memory_space<vmem>>
        %dma_start3A_251 = tpu.memref_squeeze %dma_start3A_250 : memref<1x64xf32, #tpu.memory_space<vmem>> -> memref<64xf32, #tpu.memory_space<vmem>>
        tpu.enqueue_dma source(%dma_start3A_251 : memref<64xf32, #tpu.memory_space<vmem>>) target(%dma_start3A_248 : memref<64xf32, #tpu.memory_space<vmem_shared>>) target_semaphore(%run_scoped3A_244 : memref<!tpu.dma_semaphore, #tpu.memory_space<semaphore_mem>>)
        %dma_wait3A_252 = arith.constant 0 : i32
        %dma_wait3A_253 = tpu.memref_slice %arg17[%run_scoped3A, %dma_wait3A_252] : memref<80x64xf32, #tpu.memory_space<vmem>> -> memref<1x64xf32, #tpu.memory_space<vmem>>
        %dma_wait3A_254 = tpu.memref_squeeze %dma_wait3A_253 : memref<1x64xf32, #tpu.memory_space<vmem>> -> memref<64xf32, #tpu.memory_space<vmem>>
        %dma_wait3A_255 = tpu.memref_slice %arg8[%add3A] : memref<10240xf32, #tpu.memory_space<vmem_shared>> -> memref<64xf32, #tpu.memory_space<vmem_shared>>
        %dma_wait3A_256 = tpu.memref_slice %arg8[%add3A] : memref<10240xf32, #tpu.memory_space<vmem_shared>> -> memref<64xf32, #tpu.memory_space<vmem_shared>>
        %dma_wait3A_257 = arith.constant 0 : i32
        %dma_wait3A_258 = tpu.memref_slice %arg17[%run_scoped3A, %dma_wait3A_257] : memref<80x64xf32, #tpu.memory_space<vmem>> -> memref<1x64xf32, #tpu.memory_space<vmem>>
        %dma_wait3A_259 = tpu.memref_squeeze %dma_wait3A_258 : memref<1x64xf32, #tpu.memory_space<vmem>> -> memref<64xf32, #tpu.memory_space<vmem>>
        tpu.wait_dma2 semaphore(%run_scoped3A_244 : memref<!tpu.dma_semaphore, #tpu.memory_space<semaphore_mem>>) src(%dma_wait3A_259 : memref<64xf32, #tpu.memory_space<vmem>>) dst(%dma_wait3A_256 : memref<64xf32, #tpu.memory_space<vmem_shared>>)
        tpu.yield
      }) : () -> ()
      %scan3A_243 = arith.constant 0 : i32
      scf.yield %scan3A_243 : i32
    }
    %scan3A_40 = arith.constant 10 : i32
    %scan3A_41 = arith.constant 0 : i32
    %scan3A_42 = arith.constant 0 : i32
    %scan3A_43 = arith.constant 8 : i32
    %scan3A_44 = arith.addi %scan3A_42, %scan3A_43 : i32
    %scan3A_45 = arith.constant 1 : i32
    %scan3A_46 = scf.for %scan3A_239 = %scan3A_42 to %scan3A_44 step %scan3A_45 iter_args(%scan3A_240 = %scan3A_41) -> (i32)  : i32 {
      %mul3A_241 = arith.constant 80 : i32
      %mul3A_242 = arith.muli %scan3A_239, %mul3A_241 : i32
      %add3A = arith.addi %mul3A_0, %mul3A_242 : i32
      "tpu.region"() ({
        %run_scoped3A = tpu.sem_alloc : memref<!tpu.dma_semaphore, #tpu.memory_space<semaphore_mem>>
        %dma_start3A = arith.constant 0 : i32
        %dma_start3A_244 = tpu.memref_slice %arg7[%add3A, %dma_start3A] : memref<10240x64xf32, #tpu.memory_space<vmem_shared>> -> memref<80x64xf32, #tpu.memory_space<vmem_shared>>
        %dma_start3A_245 = arith.constant 0 : i32
        %dma_start3A_246 = tpu.memref_slice %arg7[%add3A, %dma_start3A_245] : memref<10240x64xf32, #tpu.memory_space<vmem_shared>> -> memref<80x64xf32, #tpu.memory_space<vmem_shared>>
        tpu.enqueue_dma source(%arg17 : memref<80x64xf32, #tpu.memory_space<vmem>>) target(%dma_start3A_246 : memref<80x64xf32, #tpu.memory_space<vmem_shared>>) target_semaphore(%run_scoped3A : memref<!tpu.dma_semaphore, #tpu.memory_space<semaphore_mem>>)
        %dma_wait3A_247 = arith.constant 0 : i32
        %dma_wait3A_248 = tpu.memref_slice %arg7[%add3A, %dma_wait3A_247] : memref<10240x64xf32, #tpu.memory_space<vmem_shared>> -> memref<80x64xf32, #tpu.memory_space<vmem_shared>>
        %dma_wait3A_249 = arith.constant 0 : i32
        %dma_wait3A_250 = tpu.memref_slice %arg7[%add3A, %dma_wait3A_249] : memref<10240x64xf32, #tpu.memory_space<vmem_shared>> -> memref<80x64xf32, #tpu.memory_space<vmem_shared>>
        tpu.wait_dma2 semaphore(%run_scoped3A : memref<!tpu.dma_semaphore, #tpu.memory_space<semaphore_mem>>) src(%arg17 : memref<80x64xf32, #tpu.memory_space<vmem>>) dst(%dma_wait3A_250 : memref<80x64xf32, #tpu.memory_space<vmem_shared>>)
        tpu.yield
      }) : () -> ()
      %scan3A_243 = arith.constant 0 : i32
      scf.yield %scan3A_243 : i32
    }
    %scan3A_47 = arith.constant 8 : i32
    %while3A = arith.constant 8 : i32
    %while3A_48 = arith.constant 0 : i32
    %while3A_49 = arith.subi %while3A, %select_n3A : i32
    %while3A_50 = arith.addi %select_n3A, %while3A_49 : i32
    %while3A_51 = arith.constant 1 : i32
    %while3A_52 = arith.divsi %while3A_49, %while3A_51 : i32
    %while3A_53 = arith.muli %while3A_52, %while3A_51 : i32
    %while3A_54 = arith.addi %select_n3A, %while3A_53 : i32
    %while3A_55 = arith.constant 1 : i32
    %while3A_56 = scf.for %while3A_239 = %select_n3A to %while3A_54 step %while3A_55 iter_args(%while3A_240 = %while3A_48) -> (i32)  : i32 {
      %mul3A_241 = arith.constant 80 : i32
      %mul3A_242 = arith.muli %while3A_239, %mul3A_241 : i32
      %add3A = arith.addi %mul3A_0, %mul3A_242 : i32
      "tpu.region"() ({
        %run_scoped3A = tpu.sem_alloc : memref<!tpu.dma_semaphore, #tpu.memory_space<semaphore_mem>>
        %dma_start3A = arith.constant 0 : i32
        %dma_start3A_244 = tpu.memref_slice %arg6[%add3A, %dma_start3A] : memref<10240x64xf32, #tpu.memory_space<vmem_shared>> -> memref<80x64xf32, #tpu.memory_space<vmem_shared>>
        %dma_start3A_245 = arith.constant 0 : i32
        %dma_start3A_246 = tpu.memref_slice %arg6[%add3A, %dma_start3A_245] : memref<10240x64xf32, #tpu.memory_space<vmem_shared>> -> memref<80x64xf32, #tpu.memory_space<vmem_shared>>
        tpu.enqueue_dma source(%arg17 : memref<80x64xf32, #tpu.memory_space<vmem>>) target(%dma_start3A_246 : memref<80x64xf32, #tpu.memory_space<vmem_shared>>) target_semaphore(%run_scoped3A : memref<!tpu.dma_semaphore, #tpu.memory_space<semaphore_mem>>)
        %dma_wait3A_247 = arith.constant 0 : i32
        %dma_wait3A_248 = tpu.memref_slice %arg6[%add3A, %dma_wait3A_247] : memref<10240x64xf32, #tpu.memory_space<vmem_shared>> -> memref<80x64xf32, #tpu.memory_space<vmem_shared>>
        %dma_wait3A_249 = arith.constant 0 : i32
        %dma_wait3A_250 = tpu.memref_slice %arg6[%add3A, %dma_wait3A_249] : memref<10240x64xf32, #tpu.memory_space<vmem_shared>> -> memref<80x64xf32, #tpu.memory_space<vmem_shared>>
        tpu.wait_dma2 semaphore(%run_scoped3A : memref<!tpu.dma_semaphore, #tpu.memory_space<semaphore_mem>>) src(%arg17 : memref<80x64xf32, #tpu.memory_space<vmem>>) dst(%dma_wait3A_250 : memref<80x64xf32, #tpu.memory_space<vmem_shared>>)
        tpu.yield
      }) : () -> ()
      %while3A_243 = arith.constant 0 : i32
      scf.yield %while3A_243 : i32
    }
    %while3A_57 = arith.constant 1 : i32
    %while3A_58 = scf.for %while3A_239 = %while3A_54 to %while3A_50 step %while3A_57 iter_args(%while3A_240 = %while3A_56) -> (i32)  : i32 {
      %mul3A_241 = arith.constant 80 : i32
      %mul3A_242 = arith.muli %while3A_239, %mul3A_241 : i32
      %add3A = arith.addi %mul3A_0, %mul3A_242 : i32
      "tpu.region"() ({
        %run_scoped3A = tpu.sem_alloc : memref<!tpu.dma_semaphore, #tpu.memory_space<semaphore_mem>>
        %dma_start3A = arith.constant 0 : i32
        %dma_start3A_244 = tpu.memref_slice %arg6[%add3A, %dma_start3A] : memref<10240x64xf32, #tpu.memory_space<vmem_shared>> -> memref<80x64xf32, #tpu.memory_space<vmem_shared>>
        %dma_start3A_245 = arith.constant 0 : i32
        %dma_start3A_246 = tpu.memref_slice %arg6[%add3A, %dma_start3A_245] : memref<10240x64xf32, #tpu.memory_space<vmem_shared>> -> memref<80x64xf32, #tpu.memory_space<vmem_shared>>
        tpu.enqueue_dma source(%arg17 : memref<80x64xf32, #tpu.memory_space<vmem>>) target(%dma_start3A_246 : memref<80x64xf32, #tpu.memory_space<vmem_shared>>) target_semaphore(%run_scoped3A : memref<!tpu.dma_semaphore, #tpu.memory_space<semaphore_mem>>)
        %dma_wait3A_247 = arith.constant 0 : i32
        %dma_wait3A_248 = tpu.memref_slice %arg6[%add3A, %dma_wait3A_247] : memref<10240x64xf32, #tpu.memory_space<vmem_shared>> -> memref<80x64xf32, #tpu.memory_space<vmem_shared>>
        %dma_wait3A_249 = arith.constant 0 : i32
        %dma_wait3A_250 = tpu.memref_slice %arg6[%add3A, %dma_wait3A_249] : memref<10240x64xf32, #tpu.memory_space<vmem_shared>> -> memref<80x64xf32, #tpu.memory_space<vmem_shared>>
        tpu.wait_dma2 semaphore(%run_scoped3A : memref<!tpu.dma_semaphore, #tpu.memory_space<semaphore_mem>>) src(%arg17 : memref<80x64xf32, #tpu.memory_space<vmem>>) dst(%dma_wait3A_250 : memref<80x64xf32, #tpu.memory_space<vmem_shared>>)
        tpu.yield
      }) : () -> ()
      %while3A_243 = arith.constant 0 : i32
      scf.yield %while3A_243 : i32
    }
    %barrier3A = arith.constant 0 : index
    tpu.barrier barrier_id(%barrier3A)
    %scan3A_59 = arith.constant 0 : i32
    %scan3A_60 = arith.constant 0 : i32
    %scan3A_61 = arith.constant 10 : i32
    %scan3A_62 = arith.addi %scan3A_60, %scan3A_61 : i32
    %scan3A_63 = arith.constant 1 : i32
    %scan3A_64 = scf.for %scan3A_239 = %scan3A_60 to %scan3A_62 step %scan3A_63 iter_args(%scan3A_240 = %scan3A_59) -> (i32)  : i32 {
      %mul3A_241 = arith.constant 32 : i32
      %mul3A_242 = arith.muli %scan3A_239, %mul3A_241 : i32
      "tpu.region"() ({
        %run_scoped3A = tpu.sem_alloc : memref<!tpu.dma_semaphore, #tpu.memory_space<semaphore_mem>>
        %dma_start3A_435 = arith.constant 0 : i32
        %dma_start3A_436 = tpu.memref_slice %arg3[%arg1, %mul3A_242, %dma_start3A_435] : memref<16x320x64xi32, #tpu.memory_space<hbm>> -> memref<1x32x64xi32, #tpu.memory_space<hbm>>
        %dma_start3A_437 = tpu.memref_squeeze %dma_start3A_436 : memref<1x32x64xi32, #tpu.memory_space<hbm>> -> memref<32x64xi32, #tpu.memory_space<hbm>>
        %dma_start3A_438 = arith.constant 0 : i32
        %dma_start3A_439 = tpu.memref_slice %arg3[%arg1, %mul3A_242, %dma_start3A_438] : memref<16x320x64xi32, #tpu.memory_space<hbm>> -> memref<1x32x64xi32, #tpu.memory_space<hbm>>
        %dma_start3A_440 = tpu.memref_squeeze %dma_start3A_439 : memref<1x32x64xi32, #tpu.memory_space<hbm>> -> memref<32x64xi32, #tpu.memory_space<hbm>>
        tpu.enqueue_dma source(%dma_start3A_440 : memref<32x64xi32, #tpu.memory_space<hbm>>) target(%arg10 : memref<32x64xi32, #tpu.memory_space<vmem>>) target_semaphore(%run_scoped3A : memref<!tpu.dma_semaphore, #tpu.memory_space<semaphore_mem>>)
        %dma_wait3A_441 = arith.constant 0 : i32
        %dma_wait3A_442 = tpu.memref_slice %arg3[%arg1, %mul3A_242, %dma_wait3A_441] : memref<16x320x64xi32, #tpu.memory_space<hbm>> -> memref<1x32x64xi32, #tpu.memory_space<hbm>>
        %dma_wait3A_443 = tpu.memref_squeeze %dma_wait3A_442 : memref<1x32x64xi32, #tpu.memory_space<hbm>> -> memref<32x64xi32, #tpu.memory_space<hbm>>
        %dma_wait3A_444 = arith.constant 0 : i32
        %dma_wait3A_445 = tpu.memref_slice %arg3[%arg1, %mul3A_242, %dma_wait3A_444] : memref<16x320x64xi32, #tpu.memory_space<hbm>> -> memref<1x32x64xi32, #tpu.memory_space<hbm>>
        %dma_wait3A_446 = tpu.memref_squeeze %dma_wait3A_445 : memref<1x32x64xi32, #tpu.memory_space<hbm>> -> memref<32x64xi32, #tpu.memory_space<hbm>>
        tpu.wait_dma2 semaphore(%run_scoped3A : memref<!tpu.dma_semaphore, #tpu.memory_space<semaphore_mem>>) src(%dma_wait3A_446 : memref<32x64xi32, #tpu.memory_space<hbm>>) dst(%arg10 : memref<32x64xi32, #tpu.memory_space<vmem>>)
        tpu.yield
      }) : () -> ()
      %dma_start3A = arith.constant 0 : i32
      %dma_start3A_243 = arith.constant 0 : i32
      %dma_start3A_244 = tpu.memref_slice %arg10[%dma_start3A, %dma_start3A_243] : memref<32x64xi32, #tpu.memory_space<vmem>> -> memref<1x64xi32, #tpu.memory_space<vmem>>
      %dma_start3A_245 = tpu.memref_squeeze %dma_start3A_244 : memref<1x64xi32, #tpu.memory_space<vmem>> -> memref<64xi32, #tpu.memory_space<vmem>>
      %dma_start3A_246 = arith.constant 0 : i32
      %dma_start3A_247 = tpu.memref_slice %arg8[%dma_start3A_246] : memref<10240xf32, #tpu.memory_space<vmem_shared>> -> memref<10240xf32, #tpu.memory_space<vmem_shared>>
      tpu.enqueue_indirect_dma source(%arg20 : memref<64xf32, #tpu.memory_space<vmem>>) target(%dma_start3A_247 : memref<10240xf32, #tpu.memory_space<vmem_shared>>) offsets(%dma_start3A_245 : memref<64xi32, #tpu.memory_space<vmem>>) semaphore(%arg25 : memref<!tpu.dma_semaphore, #tpu.memory_space<semaphore_mem>>) {add = true}
      %dma_start3A_248 = arith.constant 1 : i32
      %dma_start3A_249 = arith.constant 0 : i32
      %dma_start3A_250 = tpu.memref_slice %arg10[%dma_start3A_248, %dma_start3A_249] : memref<32x64xi32, #tpu.memory_space<vmem>> -> memref<1x64xi32, #tpu.memory_space<vmem>>
      %dma_start3A_251 = tpu.memref_squeeze %dma_start3A_250 : memref<1x64xi32, #tpu.memory_space<vmem>> -> memref<64xi32, #tpu.memory_space<vmem>>
      %dma_start3A_252 = arith.constant 0 : i32
      %dma_start3A_253 = tpu.memref_slice %arg8[%dma_start3A_252] : memref<10240xf32, #tpu.memory_space<vmem_shared>> -> memref<10240xf32, #tpu.memory_space<vmem_shared>>
      tpu.enqueue_indirect_dma source(%arg20 : memref<64xf32, #tpu.memory_space<vmem>>) target(%dma_start3A_253 : memref<10240xf32, #tpu.memory_space<vmem_shared>>) offsets(%dma_start3A_251 : memref<64xi32, #tpu.memory_space<vmem>>) semaphore(%arg25 : memref<!tpu.dma_semaphore, #tpu.memory_space<semaphore_mem>>) {add = true}
      %dma_start3A_254 = arith.constant 2 : i32
      %dma_start3A_255 = arith.constant 0 : i32
      %dma_start3A_256 = tpu.memref_slice %arg10[%dma_start3A_254, %dma_start3A_255] : memref<32x64xi32, #tpu.memory_space<vmem>> -> memref<1x64xi32, #tpu.memory_space<vmem>>
      %dma_start3A_257 = tpu.memref_squeeze %dma_start3A_256 : memref<1x64xi32, #tpu.memory_space<vmem>> -> memref<64xi32, #tpu.memory_space<vmem>>
      %dma_start3A_258 = arith.constant 0 : i32
      %dma_start3A_259 = tpu.memref_slice %arg8[%dma_start3A_258] : memref<10240xf32, #tpu.memory_space<vmem_shared>> -> memref<10240xf32, #tpu.memory_space<vmem_shared>>
      tpu.enqueue_indirect_dma source(%arg20 : memref<64xf32, #tpu.memory_space<vmem>>) target(%dma_start3A_259 : memref<10240xf32, #tpu.memory_space<vmem_shared>>) offsets(%dma_start3A_257 : memref<64xi32, #tpu.memory_space<vmem>>) semaphore(%arg25 : memref<!tpu.dma_semaphore, #tpu.memory_space<semaphore_mem>>) {add = true}
      %dma_start3A_260 = arith.constant 3 : i32
      %dma_start3A_261 = arith.constant 0 : i32
      %dma_start3A_262 = tpu.memref_slice %arg10[%dma_start3A_260, %dma_start3A_261] : memref<32x64xi32, #tpu.memory_space<vmem>> -> memref<1x64xi32, #tpu.memory_space<vmem>>
      %dma_start3A_263 = tpu.memref_squeeze %dma_start3A_262 : memref<1x64xi32, #tpu.memory_space<vmem>> -> memref<64xi32, #tpu.memory_space<vmem>>
      %dma_start3A_264 = arith.constant 0 : i32
      %dma_start3A_265 = tpu.memref_slice %arg8[%dma_start3A_264] : memref<10240xf32, #tpu.memory_space<vmem_shared>> -> memref<10240xf32, #tpu.memory_space<vmem_shared>>
      tpu.enqueue_indirect_dma source(%arg20 : memref<64xf32, #tpu.memory_space<vmem>>) target(%dma_start3A_265 : memref<10240xf32, #tpu.memory_space<vmem_shared>>) offsets(%dma_start3A_263 : memref<64xi32, #tpu.memory_space<vmem>>) semaphore(%arg25 : memref<!tpu.dma_semaphore, #tpu.memory_space<semaphore_mem>>) {add = true}
      %dma_start3A_266 = arith.constant 4 : i32
      %dma_start3A_267 = arith.constant 0 : i32
      %dma_start3A_268 = tpu.memref_slice %arg10[%dma_start3A_266, %dma_start3A_267] : memref<32x64xi32, #tpu.memory_space<vmem>> -> memref<1x64xi32, #tpu.memory_space<vmem>>
      %dma_start3A_269 = tpu.memref_squeeze %dma_start3A_268 : memref<1x64xi32, #tpu.memory_space<vmem>> -> memref<64xi32, #tpu.memory_space<vmem>>
      %dma_start3A_270 = arith.constant 0 : i32
      %dma_start3A_271 = tpu.memref_slice %arg8[%dma_start3A_270] : memref<10240xf32, #tpu.memory_space<vmem_shared>> -> memref<10240xf32, #tpu.memory_space<vmem_shared>>
      tpu.enqueue_indirect_dma source(%arg20 : memref<64xf32, #tpu.memory_space<vmem>>) target(%dma_start3A_271 : memref<10240xf32, #tpu.memory_space<vmem_shared>>) offsets(%dma_start3A_269 : memref<64xi32, #tpu.memory_space<vmem>>) semaphore(%arg25 : memref<!tpu.dma_semaphore, #tpu.memory_space<semaphore_mem>>) {add = true}
      %dma_start3A_272 = arith.constant 5 : i32
      %dma_start3A_273 = arith.constant 0 : i32
      %dma_start3A_274 = tpu.memref_slice %arg10[%dma_start3A_272, %dma_start3A_273] : memref<32x64xi32, #tpu.memory_space<vmem>> -> memref<1x64xi32, #tpu.memory_space<vmem>>
      %dma_start3A_275 = tpu.memref_squeeze %dma_start3A_274 : memref<1x64xi32, #tpu.memory_space<vmem>> -> memref<64xi32, #tpu.memory_space<vmem>>
      %dma_start3A_276 = arith.constant 0 : i32
      %dma_start3A_277 = tpu.memref_slice %arg8[%dma_start3A_276] : memref<10240xf32, #tpu.memory_space<vmem_shared>> -> memref<10240xf32, #tpu.memory_space<vmem_shared>>
      tpu.enqueue_indirect_dma source(%arg20 : memref<64xf32, #tpu.memory_space<vmem>>) target(%dma_start3A_277 : memref<10240xf32, #tpu.memory_space<vmem_shared>>) offsets(%dma_start3A_275 : memref<64xi32, #tpu.memory_space<vmem>>) semaphore(%arg25 : memref<!tpu.dma_semaphore, #tpu.memory_space<semaphore_mem>>) {add = true}
      %dma_start3A_278 = arith.constant 6 : i32
      %dma_start3A_279 = arith.constant 0 : i32
      %dma_start3A_280 = tpu.memref_slice %arg10[%dma_start3A_278, %dma_start3A_279] : memref<32x64xi32, #tpu.memory_space<vmem>> -> memref<1x64xi32, #tpu.memory_space<vmem>>
      %dma_start3A_281 = tpu.memref_squeeze %dma_start3A_280 : memref<1x64xi32, #tpu.memory_space<vmem>> -> memref<64xi32, #tpu.memory_space<vmem>>
      %dma_start3A_282 = arith.constant 0 : i32
      %dma_start3A_283 = tpu.memref_slice %arg8[%dma_start3A_282] : memref<10240xf32, #tpu.memory_space<vmem_shared>> -> memref<10240xf32, #tpu.memory_space<vmem_shared>>
      tpu.enqueue_indirect_dma source(%arg20 : memref<64xf32, #tpu.memory_space<vmem>>) target(%dma_start3A_283 : memref<10240xf32, #tpu.memory_space<vmem_shared>>) offsets(%dma_start3A_281 : memref<64xi32, #tpu.memory_space<vmem>>) semaphore(%arg25 : memref<!tpu.dma_semaphore, #tpu.memory_space<semaphore_mem>>) {add = true}
      %dma_start3A_284 = arith.constant 7 : i32
      %dma_start3A_285 = arith.constant 0 : i32
      %dma_start3A_286 = tpu.memref_slice %arg10[%dma_start3A_284, %dma_start3A_285] : memref<32x64xi32, #tpu.memory_space<vmem>> -> memref<1x64xi32, #tpu.memory_space<vmem>>
      %dma_start3A_287 = tpu.memref_squeeze %dma_start3A_286 : memref<1x64xi32, #tpu.memory_space<vmem>> -> memref<64xi32, #tpu.memory_space<vmem>>
      %dma_start3A_288 = arith.constant 0 : i32
      %dma_start3A_289 = tpu.memref_slice %arg8[%dma_start3A_288] : memref<10240xf32, #tpu.memory_space<vmem_shared>> -> memref<10240xf32, #tpu.memory_space<vmem_shared>>
      tpu.enqueue_indirect_dma source(%arg20 : memref<64xf32, #tpu.memory_space<vmem>>) target(%dma_start3A_289 : memref<10240xf32, #tpu.memory_space<vmem_shared>>) offsets(%dma_start3A_287 : memref<64xi32, #tpu.memory_space<vmem>>) semaphore(%arg25 : memref<!tpu.dma_semaphore, #tpu.memory_space<semaphore_mem>>) {add = true}
      %dma_start3A_290 = arith.constant 8 : i32
      %dma_start3A_291 = arith.constant 0 : i32
      %dma_start3A_292 = tpu.memref_slice %arg10[%dma_start3A_290, %dma_start3A_291] : memref<32x64xi32, #tpu.memory_space<vmem>> -> memref<1x64xi32, #tpu.memory_space<vmem>>
      %dma_start3A_293 = tpu.memref_squeeze %dma_start3A_292 : memref<1x64xi32, #tpu.memory_space<vmem>> -> memref<64xi32, #tpu.memory_space<vmem>>
      %dma_start3A_294 = arith.constant 0 : i32
      %dma_start3A_295 = tpu.memref_slice %arg8[%dma_start3A_294] : memref<10240xf32, #tpu.memory_space<vmem_shared>> -> memref<10240xf32, #tpu.memory_space<vmem_shared>>
      tpu.enqueue_indirect_dma source(%arg20 : memref<64xf32, #tpu.memory_space<vmem>>) target(%dma_start3A_295 : memref<10240xf32, #tpu.memory_space<vmem_shared>>) offsets(%dma_start3A_293 : memref<64xi32, #tpu.memory_space<vmem>>) semaphore(%arg25 : memref<!tpu.dma_semaphore, #tpu.memory_space<semaphore_mem>>) {add = true}
      %dma_start3A_296 = arith.constant 9 : i32
      %dma_start3A_297 = arith.constant 0 : i32
      %dma_start3A_298 = tpu.memref_slice %arg10[%dma_start3A_296, %dma_start3A_297] : memref<32x64xi32, #tpu.memory_space<vmem>> -> memref<1x64xi32, #tpu.memory_space<vmem>>
      %dma_start3A_299 = tpu.memref_squeeze %dma_start3A_298 : memref<1x64xi32, #tpu.memory_space<vmem>> -> memref<64xi32, #tpu.memory_space<vmem>>
      %dma_start3A_300 = arith.constant 0 : i32
      %dma_start3A_301 = tpu.memref_slice %arg8[%dma_start3A_300] : memref<10240xf32, #tpu.memory_space<vmem_shared>> -> memref<10240xf32, #tpu.memory_space<vmem_shared>>
      tpu.enqueue_indirect_dma source(%arg20 : memref<64xf32, #tpu.memory_space<vmem>>) target(%dma_start3A_301 : memref<10240xf32, #tpu.memory_space<vmem_shared>>) offsets(%dma_start3A_299 : memref<64xi32, #tpu.memory_space<vmem>>) semaphore(%arg25 : memref<!tpu.dma_semaphore, #tpu.memory_space<semaphore_mem>>) {add = true}
      %dma_start3A_302 = arith.constant 10 : i32
      %dma_start3A_303 = arith.constant 0 : i32
      %dma_start3A_304 = tpu.memref_slice %arg10[%dma_start3A_302, %dma_start3A_303] : memref<32x64xi32, #tpu.memory_space<vmem>> -> memref<1x64xi32, #tpu.memory_space<vmem>>
      %dma_start3A_305 = tpu.memref_squeeze %dma_start3A_304 : memref<1x64xi32, #tpu.memory_space<vmem>> -> memref<64xi32, #tpu.memory_space<vmem>>
      %dma_start3A_306 = arith.constant 0 : i32
      %dma_start3A_307 = tpu.memref_slice %arg8[%dma_start3A_306] : memref<10240xf32, #tpu.memory_space<vmem_shared>> -> memref<10240xf32, #tpu.memory_space<vmem_shared>>
      tpu.enqueue_indirect_dma source(%arg20 : memref<64xf32, #tpu.memory_space<vmem>>) target(%dma_start3A_307 : memref<10240xf32, #tpu.memory_space<vmem_shared>>) offsets(%dma_start3A_305 : memref<64xi32, #tpu.memory_space<vmem>>) semaphore(%arg25 : memref<!tpu.dma_semaphore, #tpu.memory_space<semaphore_mem>>) {add = true}
      %dma_start3A_308 = arith.constant 11 : i32
      %dma_start3A_309 = arith.constant 0 : i32
      %dma_start3A_310 = tpu.memref_slice %arg10[%dma_start3A_308, %dma_start3A_309] : memref<32x64xi32, #tpu.memory_space<vmem>> -> memref<1x64xi32, #tpu.memory_space<vmem>>
      %dma_start3A_311 = tpu.memref_squeeze %dma_start3A_310 : memref<1x64xi32, #tpu.memory_space<vmem>> -> memref<64xi32, #tpu.memory_space<vmem>>
      %dma_start3A_312 = arith.constant 0 : i32
      %dma_start3A_313 = tpu.memref_slice %arg8[%dma_start3A_312] : memref<10240xf32, #tpu.memory_space<vmem_shared>> -> memref<10240xf32, #tpu.memory_space<vmem_shared>>
      tpu.enqueue_indirect_dma source(%arg20 : memref<64xf32, #tpu.memory_space<vmem>>) target(%dma_start3A_313 : memref<10240xf32, #tpu.memory_space<vmem_shared>>) offsets(%dma_start3A_311 : memref<64xi32, #tpu.memory_space<vmem>>) semaphore(%arg25 : memref<!tpu.dma_semaphore, #tpu.memory_space<semaphore_mem>>) {add = true}
      %dma_start3A_314 = arith.constant 12 : i32
      %dma_start3A_315 = arith.constant 0 : i32
      %dma_start3A_316 = tpu.memref_slice %arg10[%dma_start3A_314, %dma_start3A_315] : memref<32x64xi32, #tpu.memory_space<vmem>> -> memref<1x64xi32, #tpu.memory_space<vmem>>
      %dma_start3A_317 = tpu.memref_squeeze %dma_start3A_316 : memref<1x64xi32, #tpu.memory_space<vmem>> -> memref<64xi32, #tpu.memory_space<vmem>>
      %dma_start3A_318 = arith.constant 0 : i32
      %dma_start3A_319 = tpu.memref_slice %arg8[%dma_start3A_318] : memref<10240xf32, #tpu.memory_space<vmem_shared>> -> memref<10240xf32, #tpu.memory_space<vmem_shared>>
      tpu.enqueue_indirect_dma source(%arg20 : memref<64xf32, #tpu.memory_space<vmem>>) target(%dma_start3A_319 : memref<10240xf32, #tpu.memory_space<vmem_shared>>) offsets(%dma_start3A_317 : memref<64xi32, #tpu.memory_space<vmem>>) semaphore(%arg25 : memref<!tpu.dma_semaphore, #tpu.memory_space<semaphore_mem>>) {add = true}
      %dma_start3A_320 = arith.constant 13 : i32
      %dma_start3A_321 = arith.constant 0 : i32
      %dma_start3A_322 = tpu.memref_slice %arg10[%dma_start3A_320, %dma_start3A_321] : memref<32x64xi32, #tpu.memory_space<vmem>> -> memref<1x64xi32, #tpu.memory_space<vmem>>
      %dma_start3A_323 = tpu.memref_squeeze %dma_start3A_322 : memref<1x64xi32, #tpu.memory_space<vmem>> -> memref<64xi32, #tpu.memory_space<vmem>>
      %dma_start3A_324 = arith.constant 0 : i32
      %dma_start3A_325 = tpu.memref_slice %arg8[%dma_start3A_324] : memref<10240xf32, #tpu.memory_space<vmem_shared>> -> memref<10240xf32, #tpu.memory_space<vmem_shared>>
      tpu.enqueue_indirect_dma source(%arg20 : memref<64xf32, #tpu.memory_space<vmem>>) target(%dma_start3A_325 : memref<10240xf32, #tpu.memory_space<vmem_shared>>) offsets(%dma_start3A_323 : memref<64xi32, #tpu.memory_space<vmem>>) semaphore(%arg25 : memref<!tpu.dma_semaphore, #tpu.memory_space<semaphore_mem>>) {add = true}
      %dma_start3A_326 = arith.constant 14 : i32
      %dma_start3A_327 = arith.constant 0 : i32
      %dma_start3A_328 = tpu.memref_slice %arg10[%dma_start3A_326, %dma_start3A_327] : memref<32x64xi32, #tpu.memory_space<vmem>> -> memref<1x64xi32, #tpu.memory_space<vmem>>
      %dma_start3A_329 = tpu.memref_squeeze %dma_start3A_328 : memref<1x64xi32, #tpu.memory_space<vmem>> -> memref<64xi32, #tpu.memory_space<vmem>>
      %dma_start3A_330 = arith.constant 0 : i32
      %dma_start3A_331 = tpu.memref_slice %arg8[%dma_start3A_330] : memref<10240xf32, #tpu.memory_space<vmem_shared>> -> memref<10240xf32, #tpu.memory_space<vmem_shared>>
      tpu.enqueue_indirect_dma source(%arg20 : memref<64xf32, #tpu.memory_space<vmem>>) target(%dma_start3A_331 : memref<10240xf32, #tpu.memory_space<vmem_shared>>) offsets(%dma_start3A_329 : memref<64xi32, #tpu.memory_space<vmem>>) semaphore(%arg25 : memref<!tpu.dma_semaphore, #tpu.memory_space<semaphore_mem>>) {add = true}
      %dma_start3A_332 = arith.constant 15 : i32
      %dma_start3A_333 = arith.constant 0 : i32
      %dma_start3A_334 = tpu.memref_slice %arg10[%dma_start3A_332, %dma_start3A_333] : memref<32x64xi32, #tpu.memory_space<vmem>> -> memref<1x64xi32, #tpu.memory_space<vmem>>
      %dma_start3A_335 = tpu.memref_squeeze %dma_start3A_334 : memref<1x64xi32, #tpu.memory_space<vmem>> -> memref<64xi32, #tpu.memory_space<vmem>>
      %dma_start3A_336 = arith.constant 0 : i32
      %dma_start3A_337 = tpu.memref_slice %arg8[%dma_start3A_336] : memref<10240xf32, #tpu.memory_space<vmem_shared>> -> memref<10240xf32, #tpu.memory_space<vmem_shared>>
      tpu.enqueue_indirect_dma source(%arg20 : memref<64xf32, #tpu.memory_space<vmem>>) target(%dma_start3A_337 : memref<10240xf32, #tpu.memory_space<vmem_shared>>) offsets(%dma_start3A_335 : memref<64xi32, #tpu.memory_space<vmem>>) semaphore(%arg25 : memref<!tpu.dma_semaphore, #tpu.memory_space<semaphore_mem>>) {add = true}
      %dma_start3A_338 = arith.constant 16 : i32
      %dma_start3A_339 = arith.constant 0 : i32
      %dma_start3A_340 = tpu.memref_slice %arg10[%dma_start3A_338, %dma_start3A_339] : memref<32x64xi32, #tpu.memory_space<vmem>> -> memref<1x64xi32, #tpu.memory_space<vmem>>
      %dma_start3A_341 = tpu.memref_squeeze %dma_start3A_340 : memref<1x64xi32, #tpu.memory_space<vmem>> -> memref<64xi32, #tpu.memory_space<vmem>>
      %dma_start3A_342 = arith.constant 0 : i32
      %dma_start3A_343 = tpu.memref_slice %arg8[%dma_start3A_342] : memref<10240xf32, #tpu.memory_space<vmem_shared>> -> memref<10240xf32, #tpu.memory_space<vmem_shared>>
      tpu.enqueue_indirect_dma source(%arg20 : memref<64xf32, #tpu.memory_space<vmem>>) target(%dma_start3A_343 : memref<10240xf32, #tpu.memory_space<vmem_shared>>) offsets(%dma_start3A_341 : memref<64xi32, #tpu.memory_space<vmem>>) semaphore(%arg25 : memref<!tpu.dma_semaphore, #tpu.memory_space<semaphore_mem>>) {add = true}
      %dma_start3A_344 = arith.constant 17 : i32
      %dma_start3A_345 = arith.constant 0 : i32
      %dma_start3A_346 = tpu.memref_slice %arg10[%dma_start3A_344, %dma_start3A_345] : memref<32x64xi32, #tpu.memory_space<vmem>> -> memref<1x64xi32, #tpu.memory_space<vmem>>
      %dma_start3A_347 = tpu.memref_squeeze %dma_start3A_346 : memref<1x64xi32, #tpu.memory_space<vmem>> -> memref<64xi32, #tpu.memory_space<vmem>>
      %dma_start3A_348 = arith.constant 0 : i32
      %dma_start3A_349 = tpu.memref_slice %arg8[%dma_start3A_348] : memref<10240xf32, #tpu.memory_space<vmem_shared>> -> memref<10240xf32, #tpu.memory_space<vmem_shared>>
      tpu.enqueue_indirect_dma source(%arg20 : memref<64xf32, #tpu.memory_space<vmem>>) target(%dma_start3A_349 : memref<10240xf32, #tpu.memory_space<vmem_shared>>) offsets(%dma_start3A_347 : memref<64xi32, #tpu.memory_space<vmem>>) semaphore(%arg25 : memref<!tpu.dma_semaphore, #tpu.memory_space<semaphore_mem>>) {add = true}
      %dma_start3A_350 = arith.constant 18 : i32
      %dma_start3A_351 = arith.constant 0 : i32
      %dma_start3A_352 = tpu.memref_slice %arg10[%dma_start3A_350, %dma_start3A_351] : memref<32x64xi32, #tpu.memory_space<vmem>> -> memref<1x64xi32, #tpu.memory_space<vmem>>
      %dma_start3A_353 = tpu.memref_squeeze %dma_start3A_352 : memref<1x64xi32, #tpu.memory_space<vmem>> -> memref<64xi32, #tpu.memory_space<vmem>>
      %dma_start3A_354 = arith.constant 0 : i32
      %dma_start3A_355 = tpu.memref_slice %arg8[%dma_start3A_354] : memref<10240xf32, #tpu.memory_space<vmem_shared>> -> memref<10240xf32, #tpu.memory_space<vmem_shared>>
      tpu.enqueue_indirect_dma source(%arg20 : memref<64xf32, #tpu.memory_space<vmem>>) target(%dma_start3A_355 : memref<10240xf32, #tpu.memory_space<vmem_shared>>) offsets(%dma_start3A_353 : memref<64xi32, #tpu.memory_space<vmem>>) semaphore(%arg25 : memref<!tpu.dma_semaphore, #tpu.memory_space<semaphore_mem>>) {add = true}
      %dma_start3A_356 = arith.constant 19 : i32
      %dma_start3A_357 = arith.constant 0 : i32
      %dma_start3A_358 = tpu.memref_slice %arg10[%dma_start3A_356, %dma_start3A_357] : memref<32x64xi32, #tpu.memory_space<vmem>> -> memref<1x64xi32, #tpu.memory_space<vmem>>
      %dma_start3A_359 = tpu.memref_squeeze %dma_start3A_358 : memref<1x64xi32, #tpu.memory_space<vmem>> -> memref<64xi32, #tpu.memory_space<vmem>>
      %dma_start3A_360 = arith.constant 0 : i32
      %dma_start3A_361 = tpu.memref_slice %arg8[%dma_start3A_360] : memref<10240xf32, #tpu.memory_space<vmem_shared>> -> memref<10240xf32, #tpu.memory_space<vmem_shared>>
      tpu.enqueue_indirect_dma source(%arg20 : memref<64xf32, #tpu.memory_space<vmem>>) target(%dma_start3A_361 : memref<10240xf32, #tpu.memory_space<vmem_shared>>) offsets(%dma_start3A_359 : memref<64xi32, #tpu.memory_space<vmem>>) semaphore(%arg25 : memref<!tpu.dma_semaphore, #tpu.memory_space<semaphore_mem>>) {add = true}
      %dma_start3A_362 = arith.constant 20 : i32
      %dma_start3A_363 = arith.constant 0 : i32
      %dma_start3A_364 = tpu.memref_slice %arg10[%dma_start3A_362, %dma_start3A_363] : memref<32x64xi32, #tpu.memory_space<vmem>> -> memref<1x64xi32, #tpu.memory_space<vmem>>
      %dma_start3A_365 = tpu.memref_squeeze %dma_start3A_364 : memref<1x64xi32, #tpu.memory_space<vmem>> -> memref<64xi32, #tpu.memory_space<vmem>>
      %dma_start3A_366 = arith.constant 0 : i32
      %dma_start3A_367 = tpu.memref_slice %arg8[%dma_start3A_366] : memref<10240xf32, #tpu.memory_space<vmem_shared>> -> memref<10240xf32, #tpu.memory_space<vmem_shared>>
      tpu.enqueue_indirect_dma source(%arg20 : memref<64xf32, #tpu.memory_space<vmem>>) target(%dma_start3A_367 : memref<10240xf32, #tpu.memory_space<vmem_shared>>) offsets(%dma_start3A_365 : memref<64xi32, #tpu.memory_space<vmem>>) semaphore(%arg25 : memref<!tpu.dma_semaphore, #tpu.memory_space<semaphore_mem>>) {add = true}
      %dma_start3A_368 = arith.constant 21 : i32
      %dma_start3A_369 = arith.constant 0 : i32
      %dma_start3A_370 = tpu.memref_slice %arg10[%dma_start3A_368, %dma_start3A_369] : memref<32x64xi32, #tpu.memory_space<vmem>> -> memref<1x64xi32, #tpu.memory_space<vmem>>
      %dma_start3A_371 = tpu.memref_squeeze %dma_start3A_370 : memref<1x64xi32, #tpu.memory_space<vmem>> -> memref<64xi32, #tpu.memory_space<vmem>>
      %dma_start3A_372 = arith.constant 0 : i32
      %dma_start3A_373 = tpu.memref_slice %arg8[%dma_start3A_372] : memref<10240xf32, #tpu.memory_space<vmem_shared>> -> memref<10240xf32, #tpu.memory_space<vmem_shared>>
      tpu.enqueue_indirect_dma source(%arg20 : memref<64xf32, #tpu.memory_space<vmem>>) target(%dma_start3A_373 : memref<10240xf32, #tpu.memory_space<vmem_shared>>) offsets(%dma_start3A_371 : memref<64xi32, #tpu.memory_space<vmem>>) semaphore(%arg25 : memref<!tpu.dma_semaphore, #tpu.memory_space<semaphore_mem>>) {add = true}
      %dma_start3A_374 = arith.constant 22 : i32
      %dma_start3A_375 = arith.constant 0 : i32
      %dma_start3A_376 = tpu.memref_slice %arg10[%dma_start3A_374, %dma_start3A_375] : memref<32x64xi32, #tpu.memory_space<vmem>> -> memref<1x64xi32, #tpu.memory_space<vmem>>
      %dma_start3A_377 = tpu.memref_squeeze %dma_start3A_376 : memref<1x64xi32, #tpu.memory_space<vmem>> -> memref<64xi32, #tpu.memory_space<vmem>>
      %dma_start3A_378 = arith.constant 0 : i32
      %dma_start3A_379 = tpu.memref_slice %arg8[%dma_start3A_378] : memref<10240xf32, #tpu.memory_space<vmem_shared>> -> memref<10240xf32, #tpu.memory_space<vmem_shared>>
      tpu.enqueue_indirect_dma source(%arg20 : memref<64xf32, #tpu.memory_space<vmem>>) target(%dma_start3A_379 : memref<10240xf32, #tpu.memory_space<vmem_shared>>) offsets(%dma_start3A_377 : memref<64xi32, #tpu.memory_space<vmem>>) semaphore(%arg25 : memref<!tpu.dma_semaphore, #tpu.memory_space<semaphore_mem>>) {add = true}
      %dma_start3A_380 = arith.constant 23 : i32
      %dma_start3A_381 = arith.constant 0 : i32
      %dma_start3A_382 = tpu.memref_slice %arg10[%dma_start3A_380, %dma_start3A_381] : memref<32x64xi32, #tpu.memory_space<vmem>> -> memref<1x64xi32, #tpu.memory_space<vmem>>
      %dma_start3A_383 = tpu.memref_squeeze %dma_start3A_382 : memref<1x64xi32, #tpu.memory_space<vmem>> -> memref<64xi32, #tpu.memory_space<vmem>>
      %dma_start3A_384 = arith.constant 0 : i32
      %dma_start3A_385 = tpu.memref_slice %arg8[%dma_start3A_384] : memref<10240xf32, #tpu.memory_space<vmem_shared>> -> memref<10240xf32, #tpu.memory_space<vmem_shared>>
      tpu.enqueue_indirect_dma source(%arg20 : memref<64xf32, #tpu.memory_space<vmem>>) target(%dma_start3A_385 : memref<10240xf32, #tpu.memory_space<vmem_shared>>) offsets(%dma_start3A_383 : memref<64xi32, #tpu.memory_space<vmem>>) semaphore(%arg25 : memref<!tpu.dma_semaphore, #tpu.memory_space<semaphore_mem>>) {add = true}
      %dma_start3A_386 = arith.constant 24 : i32
      %dma_start3A_387 = arith.constant 0 : i32
      %dma_start3A_388 = tpu.memref_slice %arg10[%dma_start3A_386, %dma_start3A_387] : memref<32x64xi32, #tpu.memory_space<vmem>> -> memref<1x64xi32, #tpu.memory_space<vmem>>
      %dma_start3A_389 = tpu.memref_squeeze %dma_start3A_388 : memref<1x64xi32, #tpu.memory_space<vmem>> -> memref<64xi32, #tpu.memory_space<vmem>>
      %dma_start3A_390 = arith.constant 0 : i32
      %dma_start3A_391 = tpu.memref_slice %arg8[%dma_start3A_390] : memref<10240xf32, #tpu.memory_space<vmem_shared>> -> memref<10240xf32, #tpu.memory_space<vmem_shared>>
      tpu.enqueue_indirect_dma source(%arg20 : memref<64xf32, #tpu.memory_space<vmem>>) target(%dma_start3A_391 : memref<10240xf32, #tpu.memory_space<vmem_shared>>) offsets(%dma_start3A_389 : memref<64xi32, #tpu.memory_space<vmem>>) semaphore(%arg25 : memref<!tpu.dma_semaphore, #tpu.memory_space<semaphore_mem>>) {add = true}
      %dma_start3A_392 = arith.constant 25 : i32
      %dma_start3A_393 = arith.constant 0 : i32
      %dma_start3A_394 = tpu.memref_slice %arg10[%dma_start3A_392, %dma_start3A_393] : memref<32x64xi32, #tpu.memory_space<vmem>> -> memref<1x64xi32, #tpu.memory_space<vmem>>
      %dma_start3A_395 = tpu.memref_squeeze %dma_start3A_394 : memref<1x64xi32, #tpu.memory_space<vmem>> -> memref<64xi32, #tpu.memory_space<vmem>>
      %dma_start3A_396 = arith.constant 0 : i32
      %dma_start3A_397 = tpu.memref_slice %arg8[%dma_start3A_396] : memref<10240xf32, #tpu.memory_space<vmem_shared>> -> memref<10240xf32, #tpu.memory_space<vmem_shared>>
      tpu.enqueue_indirect_dma source(%arg20 : memref<64xf32, #tpu.memory_space<vmem>>) target(%dma_start3A_397 : memref<10240xf32, #tpu.memory_space<vmem_shared>>) offsets(%dma_start3A_395 : memref<64xi32, #tpu.memory_space<vmem>>) semaphore(%arg25 : memref<!tpu.dma_semaphore, #tpu.memory_space<semaphore_mem>>) {add = true}
      %dma_start3A_398 = arith.constant 26 : i32
      %dma_start3A_399 = arith.constant 0 : i32
      %dma_start3A_400 = tpu.memref_slice %arg10[%dma_start3A_398, %dma_start3A_399] : memref<32x64xi32, #tpu.memory_space<vmem>> -> memref<1x64xi32, #tpu.memory_space<vmem>>
      %dma_start3A_401 = tpu.memref_squeeze %dma_start3A_400 : memref<1x64xi32, #tpu.memory_space<vmem>> -> memref<64xi32, #tpu.memory_space<vmem>>
      %dma_start3A_402 = arith.constant 0 : i32
      %dma_start3A_403 = tpu.memref_slice %arg8[%dma_start3A_402] : memref<10240xf32, #tpu.memory_space<vmem_shared>> -> memref<10240xf32, #tpu.memory_space<vmem_shared>>
      tpu.enqueue_indirect_dma source(%arg20 : memref<64xf32, #tpu.memory_space<vmem>>) target(%dma_start3A_403 : memref<10240xf32, #tpu.memory_space<vmem_shared>>) offsets(%dma_start3A_401 : memref<64xi32, #tpu.memory_space<vmem>>) semaphore(%arg25 : memref<!tpu.dma_semaphore, #tpu.memory_space<semaphore_mem>>) {add = true}
      %dma_start3A_404 = arith.constant 27 : i32
      %dma_start3A_405 = arith.constant 0 : i32
      %dma_start3A_406 = tpu.memref_slice %arg10[%dma_start3A_404, %dma_start3A_405] : memref<32x64xi32, #tpu.memory_space<vmem>> -> memref<1x64xi32, #tpu.memory_space<vmem>>
      %dma_start3A_407 = tpu.memref_squeeze %dma_start3A_406 : memref<1x64xi32, #tpu.memory_space<vmem>> -> memref<64xi32, #tpu.memory_space<vmem>>
      %dma_start3A_408 = arith.constant 0 : i32
      %dma_start3A_409 = tpu.memref_slice %arg8[%dma_start3A_408] : memref<10240xf32, #tpu.memory_space<vmem_shared>> -> memref<10240xf32, #tpu.memory_space<vmem_shared>>
      tpu.enqueue_indirect_dma source(%arg20 : memref<64xf32, #tpu.memory_space<vmem>>) target(%dma_start3A_409 : memref<10240xf32, #tpu.memory_space<vmem_shared>>) offsets(%dma_start3A_407 : memref<64xi32, #tpu.memory_space<vmem>>) semaphore(%arg25 : memref<!tpu.dma_semaphore, #tpu.memory_space<semaphore_mem>>) {add = true}
      %dma_start3A_410 = arith.constant 28 : i32
      %dma_start3A_411 = arith.constant 0 : i32
      %dma_start3A_412 = tpu.memref_slice %arg10[%dma_start3A_410, %dma_start3A_411] : memref<32x64xi32, #tpu.memory_space<vmem>> -> memref<1x64xi32, #tpu.memory_space<vmem>>
      %dma_start3A_413 = tpu.memref_squeeze %dma_start3A_412 : memref<1x64xi32, #tpu.memory_space<vmem>> -> memref<64xi32, #tpu.memory_space<vmem>>
      %dma_start3A_414 = arith.constant 0 : i32
      %dma_start3A_415 = tpu.memref_slice %arg8[%dma_start3A_414] : memref<10240xf32, #tpu.memory_space<vmem_shared>> -> memref<10240xf32, #tpu.memory_space<vmem_shared>>
      tpu.enqueue_indirect_dma source(%arg20 : memref<64xf32, #tpu.memory_space<vmem>>) target(%dma_start3A_415 : memref<10240xf32, #tpu.memory_space<vmem_shared>>) offsets(%dma_start3A_413 : memref<64xi32, #tpu.memory_space<vmem>>) semaphore(%arg25 : memref<!tpu.dma_semaphore, #tpu.memory_space<semaphore_mem>>) {add = true}
      %dma_start3A_416 = arith.constant 29 : i32
      %dma_start3A_417 = arith.constant 0 : i32
      %dma_start3A_418 = tpu.memref_slice %arg10[%dma_start3A_416, %dma_start3A_417] : memref<32x64xi32, #tpu.memory_space<vmem>> -> memref<1x64xi32, #tpu.memory_space<vmem>>
      %dma_start3A_419 = tpu.memref_squeeze %dma_start3A_418 : memref<1x64xi32, #tpu.memory_space<vmem>> -> memref<64xi32, #tpu.memory_space<vmem>>
      %dma_start3A_420 = arith.constant 0 : i32
      %dma_start3A_421 = tpu.memref_slice %arg8[%dma_start3A_420] : memref<10240xf32, #tpu.memory_space<vmem_shared>> -> memref<10240xf32, #tpu.memory_space<vmem_shared>>
      tpu.enqueue_indirect_dma source(%arg20 : memref<64xf32, #tpu.memory_space<vmem>>) target(%dma_start3A_421 : memref<10240xf32, #tpu.memory_space<vmem_shared>>) offsets(%dma_start3A_419 : memref<64xi32, #tpu.memory_space<vmem>>) semaphore(%arg25 : memref<!tpu.dma_semaphore, #tpu.memory_space<semaphore_mem>>) {add = true}
      %dma_start3A_422 = arith.constant 30 : i32
      %dma_start3A_423 = arith.constant 0 : i32
      %dma_start3A_424 = tpu.memref_slice %arg10[%dma_start3A_422, %dma_start3A_423] : memref<32x64xi32, #tpu.memory_space<vmem>> -> memref<1x64xi32, #tpu.memory_space<vmem>>
      %dma_start3A_425 = tpu.memref_squeeze %dma_start3A_424 : memref<1x64xi32, #tpu.memory_space<vmem>> -> memref<64xi32, #tpu.memory_space<vmem>>
      %dma_start3A_426 = arith.constant 0 : i32
      %dma_start3A_427 = tpu.memref_slice %arg8[%dma_start3A_426] : memref<10240xf32, #tpu.memory_space<vmem_shared>> -> memref<10240xf32, #tpu.memory_space<vmem_shared>>
      tpu.enqueue_indirect_dma source(%arg20 : memref<64xf32, #tpu.memory_space<vmem>>) target(%dma_start3A_427 : memref<10240xf32, #tpu.memory_space<vmem_shared>>) offsets(%dma_start3A_425 : memref<64xi32, #tpu.memory_space<vmem>>) semaphore(%arg25 : memref<!tpu.dma_semaphore, #tpu.memory_space<semaphore_mem>>) {add = true}
      %dma_start3A_428 = arith.constant 31 : i32
      %dma_start3A_429 = arith.constant 0 : i32
      %dma_start3A_430 = tpu.memref_slice %arg10[%dma_start3A_428, %dma_start3A_429] : memref<32x64xi32, #tpu.memory_space<vmem>> -> memref<1x64xi32, #tpu.memory_space<vmem>>
      %dma_start3A_431 = tpu.memref_squeeze %dma_start3A_430 : memref<1x64xi32, #tpu.memory_space<vmem>> -> memref<64xi32, #tpu.memory_space<vmem>>
      %dma_start3A_432 = arith.constant 0 : i32
      %dma_start3A_433 = tpu.memref_slice %arg8[%dma_start3A_432] : memref<10240xf32, #tpu.memory_space<vmem_shared>> -> memref<10240xf32, #tpu.memory_space<vmem_shared>>
      tpu.enqueue_indirect_dma source(%arg20 : memref<64xf32, #tpu.memory_space<vmem>>) target(%dma_start3A_433 : memref<10240xf32, #tpu.memory_space<vmem_shared>>) offsets(%dma_start3A_431 : memref<64xi32, #tpu.memory_space<vmem>>) semaphore(%arg25 : memref<!tpu.dma_semaphore, #tpu.memory_space<semaphore_mem>>) {add = true}
      %scan3A_434 = arith.constant 0 : i32
      scf.yield %scan3A_434 : i32
    }
    %scan3A_65 = arith.constant 10 : i32
    %scan3A_66 = arith.constant 0 : i32
    %scan3A_67 = arith.constant 0 : i32
    %scan3A_68 = arith.constant 320 : i32
    %scan3A_69 = arith.addi %scan3A_67, %scan3A_68 : i32
    %scan3A_70 = arith.constant 1 : i32
    %scan3A_71 = scf.for %scan3A_239 = %scan3A_67 to %scan3A_69 step %scan3A_70 iter_args(%scan3A_240 = %scan3A_66) -> (i32)  : i32 {
      %dma_wait3A_241 = arith.constant 0 : i32
      %dma_wait3A_242 = arith.constant 0 : i32
      %dma_wait3A_243 = tpu.memref_slice %arg10[%dma_wait3A_241, %dma_wait3A_242] : memref<32x64xi32, #tpu.memory_space<vmem>> -> memref<1x64xi32, #tpu.memory_space<vmem>>
      %dma_wait3A_244 = tpu.memref_squeeze %dma_wait3A_243 : memref<1x64xi32, #tpu.memory_space<vmem>> -> memref<64xi32, #tpu.memory_space<vmem>>
      %dma_wait3A_245 = arith.constant 0 : i32
      %dma_wait3A_246 = tpu.memref_slice %arg8[%dma_wait3A_245] : memref<10240xf32, #tpu.memory_space<vmem_shared>> -> memref<10240xf32, #tpu.memory_space<vmem_shared>>
      tpu.wait_indirect_dma semaphore(%arg25 : memref<!tpu.dma_semaphore, #tpu.memory_space<semaphore_mem>>) src(%arg20 : memref<64xf32, #tpu.memory_space<vmem>>) dst(%dma_wait3A_246 : memref<10240xf32, #tpu.memory_space<vmem_shared>>)
      %scan3A_247 = arith.constant 0 : i32
      scf.yield %scan3A_247 : i32
    }
    %scan3A_72 = arith.constant 320 : i32
    %barrier3A_73 = arith.constant 0 : index
    tpu.barrier barrier_id(%barrier3A_73)
    "tpu.region"() ({
      %run_scoped3A = tpu.sem_alloc : memref<!tpu.dma_semaphore, #tpu.memory_space<semaphore_mem>>
      %dma_start3A = tpu.memref_slice %arg8[%mul3A_0] : memref<10240xf32, #tpu.memory_space<vmem_shared>> -> memref<640xf32, #tpu.memory_space<vmem_shared>>
      %dma_start3A_239 = tpu.memref_slice %arg8[%mul3A_0] : memref<10240xf32, #tpu.memory_space<vmem_shared>> -> memref<640xf32, #tpu.memory_space<vmem_shared>>
      tpu.enqueue_dma source(%dma_start3A_239 : memref<640xf32, #tpu.memory_space<vmem_shared>>) target(%arg18 : memref<640xf32, #tpu.memory_space<vmem>>) target_semaphore(%run_scoped3A : memref<!tpu.dma_semaphore, #tpu.memory_space<semaphore_mem>>)
      %dma_wait3A_240 = tpu.memref_slice %arg8[%mul3A_0] : memref<10240xf32, #tpu.memory_space<vmem_shared>> -> memref<640xf32, #tpu.memory_space<vmem_shared>>
      %dma_wait3A_241 = tpu.memref_slice %arg8[%mul3A_0] : memref<10240xf32, #tpu.memory_space<vmem_shared>> -> memref<640xf32, #tpu.memory_space<vmem_shared>>
      tpu.wait_dma2 semaphore(%run_scoped3A : memref<!tpu.dma_semaphore, #tpu.memory_space<semaphore_mem>>) src(%dma_wait3A_241 : memref<640xf32, #tpu.memory_space<vmem_shared>>) dst(%arg18 : memref<640xf32, #tpu.memory_space<vmem>>)
      tpu.yield
    }) : () -> ()
    %scan3A_74 = arith.constant 0 : i32
    %scan3A_75 = arith.constant 0 : i32
    %scan3A_76 = arith.constant 40 : i32
    %scan3A_77 = arith.addi %scan3A_75, %scan3A_76 : i32
    %scan3A_78 = arith.constant 1 : i32
    %scan3A_79 = scf.for %scan3A_239 = %scan3A_75 to %scan3A_77 step %scan3A_78 iter_args(%scan3A_240 = %scan3A_74) -> (i32)  : i32 {
      %mul3A_241 = arith.constant 16 : i32
      %mul3A_242 = arith.muli %scan3A_239, %mul3A_241 : i32
      %get3A = arith.index_cast %mul3A_242 : i32 to index
      %get3A_243 = tpu.vector_load %arg18[%get3A] {strides = array<i32>} : memref<640xf32, #tpu.memory_space<vmem>>, vector<16xf32>,
      %bitcast_convert_type3A = tpu.bitcast %get3A_243 : vector<16xf32> -> vector<16xi32>
      %shift_right_logical3A = arith.constant 1 : i32
      %shift_right_logical3A_244 = vector.broadcast %shift_right_logical3A : i32 to vector<16xi32>
      %shift_right_logical3A_245 = arith.shrui %bitcast_convert_type3A, %shift_right_logical3A_244 : vector<16xi32>
      %sub3A_246 = arith.constant 1597463007 : i32
      %sub3A_247 = vector.broadcast %sub3A_246 : i32 to vector<16xi32>
      %sub3A_248 = arith.subi %sub3A_247, %shift_right_logical3A_245 : vector<16xi32>
      %bitcast_convert_type3A_249 = tpu.bitcast %sub3A_248 : vector<16xi32> -> vector<16xf32>
      %mul3A_250 = arith.constant 5.000000e-01 : f32
      %mul3A_251 = vector.broadcast %mul3A_250 : f32 to vector<16xf32>
      %mul3A_252 = arith.mulf %mul3A_251, %get3A_243 : vector<16xf32>
      %mul3A_253 = arith.mulf %mul3A_252, %bitcast_convert_type3A_249 : vector<16xf32>
      %mul3A_254 = arith.mulf %mul3A_253, %bitcast_convert_type3A_249 : vector<16xf32>
      %sub3A_255 = arith.constant 1.500000e+00 : f32
      %sub3A_256 = vector.broadcast %sub3A_255 : f32 to vector<16xf32>
      %sub3A_257 = arith.subf %sub3A_256, %mul3A_254 : vector<16xf32>
      %mul3A_258 = arith.mulf %bitcast_convert_type3A_249, %sub3A_257 : vector<16xf32>
      %mul3A_259 = arith.constant 5.000000e-01 : f32
      %mul3A_260 = vector.broadcast %mul3A_259 : f32 to vector<16xf32>
      %mul3A_261 = arith.mulf %mul3A_260, %get3A_243 : vector<16xf32>
      %mul3A_262 = arith.mulf %mul3A_261, %mul3A_258 : vector<16xf32>
      %mul3A_263 = arith.mulf %mul3A_262, %mul3A_258 : vector<16xf32>
      %sub3A_264 = arith.constant 1.500000e+00 : f32
      %sub3A_265 = vector.broadcast %sub3A_264 : f32 to vector<16xf32>
      %sub3A_266 = arith.subf %sub3A_265, %mul3A_263 : vector<16xf32>
      %mul3A_267 = arith.mulf %mul3A_258, %sub3A_266 : vector<16xf32>
      %mul3A_268 = arith.constant 5.000000e-01 : f32
      %mul3A_269 = vector.broadcast %mul3A_268 : f32 to vector<16xf32>
      %mul3A_270 = arith.mulf %mul3A_269, %get3A_243 : vector<16xf32>
      %mul3A_271 = arith.mulf %mul3A_270, %mul3A_267 : vector<16xf32>
      %mul3A_272 = arith.mulf %mul3A_271, %mul3A_267 : vector<16xf32>
      %sub3A_273 = arith.constant 1.500000e+00 : f32
      %sub3A_274 = vector.broadcast %sub3A_273 : f32 to vector<16xf32>
      %sub3A_275 = arith.subf %sub3A_274, %mul3A_272 : vector<16xf32>
      %mul3A_276 = arith.mulf %mul3A_267, %sub3A_275 : vector<16xf32>
      %gt3A = arith.constant 0.000000e+00 : f32
      %gt3A_277 = vector.broadcast %gt3A : f32 to vector<16xf32>
      %gt3A_278 = arith.cmpf ogt, %get3A_243, %gt3A_277 : vector<16xf32>
      %jit3A_279 = arith.constant 0.000000e+00 : f32
      %broadcast_in_dim3A = vector.broadcast %jit3A_279 : f32 to vector<16xf32>
      %select_n3A_280 = arith.select %gt3A_278, %mul3A_276, %broadcast_in_dim3A : vector<16xi1>, vector<16xf32>
      %swap3A = arith.index_cast %mul3A_242 : i32 to index
      %swap3A_281 = tpu.vector_load %arg18[%swap3A] {strides = array<i32>} : memref<640xf32, #tpu.memory_space<vmem>>, vector<16xf32>,
      tpu.vector_store %arg18[%swap3A], %select_n3A_280 {strides = array<i32>} : memref<640xf32, #tpu.memory_space<vmem>>, vector<16xf32>,
      %mul3A_282 = arith.mulf %select_n3A_280, %select_n3A_280 : vector<16xf32>
      %swap3A_283 = arith.index_cast %mul3A_242 : i32 to index
      %swap3A_284 = tpu.vector_load %arg19[%swap3A_283] {strides = array<i32>} : memref<640xf32, #tpu.memory_space<vmem>>, vector<16xf32>,
      tpu.vector_store %arg19[%swap3A_283], %mul3A_282 {strides = array<i32>} : memref<640xf32, #tpu.memory_space<vmem>>, vector<16xf32>,
      %scan3A_285 = arith.constant 0 : i32
      scf.yield %scan3A_285 : i32
    }
    %scan3A_80 = arith.constant 40 : i32
    %while3A_81 = arith.constant 0 : i32
    %while3A_82 = arith.constant 0 : i32
    %while3A_83 = arith.subi %select_n3A, %while3A_81 : i32
    %while3A_84 = arith.addi %while3A_81, %while3A_83 : i32
    %while3A_85 = arith.constant 1 : i32
    %while3A_86 = arith.divsi %while3A_83, %while3A_85 : i32
    %while3A_87 = arith.muli %while3A_86, %while3A_85 : i32
    %while3A_88 = arith.addi %while3A_81, %while3A_87 : i32
    %while3A_89 = arith.constant 1 : i32
    %while3A_90 = scf.for %while3A_239 = %while3A_81 to %while3A_88 step %while3A_89 iter_args(%while3A_240 = %while3A_82) -> (i32)  : i32 {
      %mul3A_241 = arith.constant 80 : i32
      %mul3A_242 = arith.muli %while3A_239, %mul3A_241 : i32
      %add3A = arith.addi %mul3A_0, %mul3A_242 : i32
      "tpu.region"() ({
        %run_scoped3A = tpu.sem_alloc : memref<!tpu.dma_semaphore, #tpu.memory_space<semaphore_mem>>
        %dma_start3A = arith.constant 0 : i32
        %dma_start3A_251 = tpu.memref_slice %arg4[%arg0, %add3A, %dma_start3A] : memref<2x10000x64xf32, #tpu.memory_space<hbm>> -> memref<1x80x64xf32, #tpu.memory_space<hbm>>
        %dma_start3A_252 = tpu.memref_squeeze %dma_start3A_251 : memref<1x80x64xf32, #tpu.memory_space<hbm>> -> memref<80x64xf32, #tpu.memory_space<hbm>>
        %dma_start3A_253 = arith.constant 0 : i32
        %dma_start3A_254 = tpu.memref_slice %arg4[%arg0, %add3A, %dma_start3A_253] : memref<2x10000x64xf32, #tpu.memory_space<hbm>> -> memref<1x80x64xf32, #tpu.memory_space<hbm>>
        %dma_start3A_255 = tpu.memref_squeeze %dma_start3A_254 : memref<1x80x64xf32, #tpu.memory_space<hbm>> -> memref<80x64xf32, #tpu.memory_space<hbm>>
        tpu.enqueue_dma source(%dma_start3A_255 : memref<80x64xf32, #tpu.memory_space<hbm>>) target(%arg15 : memref<80x64xf32, #tpu.memory_space<vmem>>) target_semaphore(%run_scoped3A : memref<!tpu.dma_semaphore, #tpu.memory_space<semaphore_mem>>)
        %dma_wait3A_256 = arith.constant 0 : i32
        %dma_wait3A_257 = tpu.memref_slice %arg4[%arg0, %add3A, %dma_wait3A_256] : memref<2x10000x64xf32, #tpu.memory_space<hbm>> -> memref<1x80x64xf32, #tpu.memory_space<hbm>>
        %dma_wait3A_258 = tpu.memref_squeeze %dma_wait3A_257 : memref<1x80x64xf32, #tpu.memory_space<hbm>> -> memref<80x64xf32, #tpu.memory_space<hbm>>
        %dma_wait3A_259 = arith.constant 0 : i32
        %dma_wait3A_260 = tpu.memref_slice %arg4[%arg0, %add3A, %dma_wait3A_259] : memref<2x10000x64xf32, #tpu.memory_space<hbm>> -> memref<1x80x64xf32, #tpu.memory_space<hbm>>
        %dma_wait3A_261 = tpu.memref_squeeze %dma_wait3A_260 : memref<1x80x64xf32, #tpu.memory_space<hbm>> -> memref<80x64xf32, #tpu.memory_space<hbm>>
        tpu.wait_dma2 semaphore(%run_scoped3A : memref<!tpu.dma_semaphore, #tpu.memory_space<semaphore_mem>>) src(%dma_wait3A_261 : memref<80x64xf32, #tpu.memory_space<hbm>>) dst(%arg15 : memref<80x64xf32, #tpu.memory_space<vmem>>)
        tpu.yield
      }) : () -> ()
      %scan3A_243 = arith.constant 0 : i32
      %scan3A_244 = arith.constant 0 : i32
      %scan3A_245 = arith.constant 80 : i32
      %scan3A_246 = arith.addi %scan3A_244, %scan3A_245 : i32
      %scan3A_247 = arith.constant 1 : i32
      %scan3A_248 = scf.for %scan3A_251 = %scan3A_244 to %scan3A_246 step %scan3A_247 iter_args(%scan3A_252 = %scan3A_243) -> (i32)  : i32 {
        %mul3A_253 = arith.constant 80 : i32
        %mul3A_254 = arith.muli %while3A_239, %mul3A_253 : i32
        %add3A_255 = arith.addi %mul3A_254, %scan3A_251 : i32
        %broadcast_in_dim3A = vector.broadcast %add3A_255 : i32 to vector<16xi32>
        %gather3A = tpu.vector_load_idx %arg18[%broadcast_in_dim3A] : memref<640xf32, #tpu.memory_space<vmem>>[vector<16xi32>], vector<16xf32>,
        %get3A = arith.index_cast %scan3A_251 : i32 to index
        %get3A_256 = arith.constant 0 : index
        %get3A_257 = tpu.vector_load %arg15[%get3A, %get3A_256] {strides = array<i32>} : memref<80x64xf32, #tpu.memory_space<vmem>>, vector<16xf32>,
        %mul3A_258 = arith.mulf %gather3A, %get3A_257 : vector<16xf32>
        %swap3A = arith.index_cast %scan3A_251 : i32 to index
        %swap3A_259 = arith.constant 0 : index
        %swap3A_260 = tpu.vector_load %arg17[%swap3A, %swap3A_259] {strides = array<i32>} : memref<80x64xf32, #tpu.memory_space<vmem>>, vector<16xf32>,
        tpu.vector_store %arg17[%swap3A, %swap3A_259], %mul3A_258 {strides = array<i32>} : memref<80x64xf32, #tpu.memory_space<vmem>>, vector<16xf32>,
        %get3A_261 = arith.index_cast %scan3A_251 : i32 to index
        %get3A_262 = arith.constant 16 : index
        %get3A_263 = tpu.vector_load %arg15[%get3A_261, %get3A_262] {strides = array<i32>} : memref<80x64xf32, #tpu.memory_space<vmem>>, vector<16xf32>,
        %mul3A_264 = arith.mulf %gather3A, %get3A_263 : vector<16xf32>
        %swap3A_265 = arith.index_cast %scan3A_251 : i32 to index
        %swap3A_266 = arith.constant 16 : index
        %swap3A_267 = tpu.vector_load %arg17[%swap3A_265, %swap3A_266] {strides = array<i32>} : memref<80x64xf32, #tpu.memory_space<vmem>>, vector<16xf32>,
        tpu.vector_store %arg17[%swap3A_265, %swap3A_266], %mul3A_264 {strides = array<i32>} : memref<80x64xf32, #tpu.memory_space<vmem>>, vector<16xf32>,
        %get3A_268 = arith.index_cast %scan3A_251 : i32 to index
        %get3A_269 = arith.constant 32 : index
        %get3A_270 = tpu.vector_load %arg15[%get3A_268, %get3A_269] {strides = array<i32>} : memref<80x64xf32, #tpu.memory_space<vmem>>, vector<16xf32>,
        %mul3A_271 = arith.mulf %gather3A, %get3A_270 : vector<16xf32>
        %swap3A_272 = arith.index_cast %scan3A_251 : i32 to index
        %swap3A_273 = arith.constant 32 : index
        %swap3A_274 = tpu.vector_load %arg17[%swap3A_272, %swap3A_273] {strides = array<i32>} : memref<80x64xf32, #tpu.memory_space<vmem>>, vector<16xf32>,
        tpu.vector_store %arg17[%swap3A_272, %swap3A_273], %mul3A_271 {strides = array<i32>} : memref<80x64xf32, #tpu.memory_space<vmem>>, vector<16xf32>,
        %get3A_275 = arith.index_cast %scan3A_251 : i32 to index
        %get3A_276 = arith.constant 48 : index
        %get3A_277 = tpu.vector_load %arg15[%get3A_275, %get3A_276] {strides = array<i32>} : memref<80x64xf32, #tpu.memory_space<vmem>>, vector<16xf32>,
        %mul3A_278 = arith.mulf %gather3A, %get3A_277 : vector<16xf32>
        %swap3A_279 = arith.index_cast %scan3A_251 : i32 to index
        %swap3A_280 = arith.constant 48 : index
        %swap3A_281 = tpu.vector_load %arg17[%swap3A_279, %swap3A_280] {strides = array<i32>} : memref<80x64xf32, #tpu.memory_space<vmem>>, vector<16xf32>,
        tpu.vector_store %arg17[%swap3A_279, %swap3A_280], %mul3A_278 {strides = array<i32>} : memref<80x64xf32, #tpu.memory_space<vmem>>, vector<16xf32>,
        %scan3A_282 = arith.constant 0 : i32
        scf.yield %scan3A_282 : i32
      }
      %scan3A_249 = arith.constant 80 : i32
      "tpu.region"() ({
        %run_scoped3A = tpu.sem_alloc : memref<!tpu.dma_semaphore, #tpu.memory_space<semaphore_mem>>
        %dma_start3A = arith.constant 0 : i32
        %dma_start3A_251 = tpu.memref_slice %arg6[%add3A, %dma_start3A] : memref<10240x64xf32, #tpu.memory_space<vmem_shared>> -> memref<80x64xf32, #tpu.memory_space<vmem_shared>>
        %dma_start3A_252 = arith.constant 0 : i32
        %dma_start3A_253 = tpu.memref_slice %arg6[%add3A, %dma_start3A_252] : memref<10240x64xf32, #tpu.memory_space<vmem_shared>> -> memref<80x64xf32, #tpu.memory_space<vmem_shared>>
        tpu.enqueue_dma source(%arg17 : memref<80x64xf32, #tpu.memory_space<vmem>>) target(%dma_start3A_253 : memref<80x64xf32, #tpu.memory_space<vmem_shared>>) target_semaphore(%run_scoped3A : memref<!tpu.dma_semaphore, #tpu.memory_space<semaphore_mem>>)
        %dma_wait3A_254 = arith.constant 0 : i32
        %dma_wait3A_255 = tpu.memref_slice %arg6[%add3A, %dma_wait3A_254] : memref<10240x64xf32, #tpu.memory_space<vmem_shared>> -> memref<80x64xf32, #tpu.memory_space<vmem_shared>>
        %dma_wait3A_256 = arith.constant 0 : i32
        %dma_wait3A_257 = tpu.memref_slice %arg6[%add3A, %dma_wait3A_256] : memref<10240x64xf32, #tpu.memory_space<vmem_shared>> -> memref<80x64xf32, #tpu.memory_space<vmem_shared>>
        tpu.wait_dma2 semaphore(%run_scoped3A : memref<!tpu.dma_semaphore, #tpu.memory_space<semaphore_mem>>) src(%arg17 : memref<80x64xf32, #tpu.memory_space<vmem>>) dst(%dma_wait3A_257 : memref<80x64xf32, #tpu.memory_space<vmem_shared>>)
        tpu.yield
      }) : () -> ()
      %while3A_250 = arith.constant 0 : i32
      scf.yield %while3A_250 : i32
    }
    %while3A_91 = arith.constant 1 : i32
    %while3A_92 = scf.for %while3A_239 = %while3A_88 to %while3A_84 step %while3A_91 iter_args(%while3A_240 = %while3A_90) -> (i32)  : i32 {
      %mul3A_241 = arith.constant 80 : i32
      %mul3A_242 = arith.muli %while3A_239, %mul3A_241 : i32
      %add3A = arith.addi %mul3A_0, %mul3A_242 : i32
      "tpu.region"() ({
        %run_scoped3A = tpu.sem_alloc : memref<!tpu.dma_semaphore, #tpu.memory_space<semaphore_mem>>
        %dma_start3A = arith.constant 0 : i32
        %dma_start3A_251 = tpu.memref_slice %arg4[%arg0, %add3A, %dma_start3A] : memref<2x10000x64xf32, #tpu.memory_space<hbm>> -> memref<1x80x64xf32, #tpu.memory_space<hbm>>
        %dma_start3A_252 = tpu.memref_squeeze %dma_start3A_251 : memref<1x80x64xf32, #tpu.memory_space<hbm>> -> memref<80x64xf32, #tpu.memory_space<hbm>>
        %dma_start3A_253 = arith.constant 0 : i32
        %dma_start3A_254 = tpu.memref_slice %arg4[%arg0, %add3A, %dma_start3A_253] : memref<2x10000x64xf32, #tpu.memory_space<hbm>> -> memref<1x80x64xf32, #tpu.memory_space<hbm>>
        %dma_start3A_255 = tpu.memref_squeeze %dma_start3A_254 : memref<1x80x64xf32, #tpu.memory_space<hbm>> -> memref<80x64xf32, #tpu.memory_space<hbm>>
        tpu.enqueue_dma source(%dma_start3A_255 : memref<80x64xf32, #tpu.memory_space<hbm>>) target(%arg15 : memref<80x64xf32, #tpu.memory_space<vmem>>) target_semaphore(%run_scoped3A : memref<!tpu.dma_semaphore, #tpu.memory_space<semaphore_mem>>)
        %dma_wait3A_256 = arith.constant 0 : i32
        %dma_wait3A_257 = tpu.memref_slice %arg4[%arg0, %add3A, %dma_wait3A_256] : memref<2x10000x64xf32, #tpu.memory_space<hbm>> -> memref<1x80x64xf32, #tpu.memory_space<hbm>>
        %dma_wait3A_258 = tpu.memref_squeeze %dma_wait3A_257 : memref<1x80x64xf32, #tpu.memory_space<hbm>> -> memref<80x64xf32, #tpu.memory_space<hbm>>
        %dma_wait3A_259 = arith.constant 0 : i32
        %dma_wait3A_260 = tpu.memref_slice %arg4[%arg0, %add3A, %dma_wait3A_259] : memref<2x10000x64xf32, #tpu.memory_space<hbm>> -> memref<1x80x64xf32, #tpu.memory_space<hbm>>
        %dma_wait3A_261 = tpu.memref_squeeze %dma_wait3A_260 : memref<1x80x64xf32, #tpu.memory_space<hbm>> -> memref<80x64xf32, #tpu.memory_space<hbm>>
        tpu.wait_dma2 semaphore(%run_scoped3A : memref<!tpu.dma_semaphore, #tpu.memory_space<semaphore_mem>>) src(%dma_wait3A_261 : memref<80x64xf32, #tpu.memory_space<hbm>>) dst(%arg15 : memref<80x64xf32, #tpu.memory_space<vmem>>)
        tpu.yield
      }) : () -> ()
      %scan3A_243 = arith.constant 0 : i32
      %scan3A_244 = arith.constant 0 : i32
      %scan3A_245 = arith.constant 80 : i32
      %scan3A_246 = arith.addi %scan3A_244, %scan3A_245 : i32
      %scan3A_247 = arith.constant 1 : i32
      %scan3A_248 = scf.for %scan3A_251 = %scan3A_244 to %scan3A_246 step %scan3A_247 iter_args(%scan3A_252 = %scan3A_243) -> (i32)  : i32 {
        %mul3A_253 = arith.constant 80 : i32
        %mul3A_254 = arith.muli %while3A_239, %mul3A_253 : i32
        %add3A_255 = arith.addi %mul3A_254, %scan3A_251 : i32
        %broadcast_in_dim3A = vector.broadcast %add3A_255 : i32 to vector<16xi32>
        %gather3A = tpu.vector_load_idx %arg18[%broadcast_in_dim3A] : memref<640xf32, #tpu.memory_space<vmem>>[vector<16xi32>], vector<16xf32>,
        %get3A = arith.index_cast %scan3A_251 : i32 to index
        %get3A_256 = arith.constant 0 : index
        %get3A_257 = tpu.vector_load %arg15[%get3A, %get3A_256] {strides = array<i32>} : memref<80x64xf32, #tpu.memory_space<vmem>>, vector<16xf32>,
        %mul3A_258 = arith.mulf %gather3A, %get3A_257 : vector<16xf32>
        %swap3A = arith.index_cast %scan3A_251 : i32 to index
        %swap3A_259 = arith.constant 0 : index
        %swap3A_260 = tpu.vector_load %arg17[%swap3A, %swap3A_259] {strides = array<i32>} : memref<80x64xf32, #tpu.memory_space<vmem>>, vector<16xf32>,
        tpu.vector_store %arg17[%swap3A, %swap3A_259], %mul3A_258 {strides = array<i32>} : memref<80x64xf32, #tpu.memory_space<vmem>>, vector<16xf32>,
        %get3A_261 = arith.index_cast %scan3A_251 : i32 to index
        %get3A_262 = arith.constant 16 : index
        %get3A_263 = tpu.vector_load %arg15[%get3A_261, %get3A_262] {strides = array<i32>} : memref<80x64xf32, #tpu.memory_space<vmem>>, vector<16xf32>,
        %mul3A_264 = arith.mulf %gather3A, %get3A_263 : vector<16xf32>
        %swap3A_265 = arith.index_cast %scan3A_251 : i32 to index
        %swap3A_266 = arith.constant 16 : index
        %swap3A_267 = tpu.vector_load %arg17[%swap3A_265, %swap3A_266] {strides = array<i32>} : memref<80x64xf32, #tpu.memory_space<vmem>>, vector<16xf32>,
        tpu.vector_store %arg17[%swap3A_265, %swap3A_266], %mul3A_264 {strides = array<i32>} : memref<80x64xf32, #tpu.memory_space<vmem>>, vector<16xf32>,
        %get3A_268 = arith.index_cast %scan3A_251 : i32 to index
        %get3A_269 = arith.constant 32 : index
        %get3A_270 = tpu.vector_load %arg15[%get3A_268, %get3A_269] {strides = array<i32>} : memref<80x64xf32, #tpu.memory_space<vmem>>, vector<16xf32>,
        %mul3A_271 = arith.mulf %gather3A, %get3A_270 : vector<16xf32>
        %swap3A_272 = arith.index_cast %scan3A_251 : i32 to index
        %swap3A_273 = arith.constant 32 : index
        %swap3A_274 = tpu.vector_load %arg17[%swap3A_272, %swap3A_273] {strides = array<i32>} : memref<80x64xf32, #tpu.memory_space<vmem>>, vector<16xf32>,
        tpu.vector_store %arg17[%swap3A_272, %swap3A_273], %mul3A_271 {strides = array<i32>} : memref<80x64xf32, #tpu.memory_space<vmem>>, vector<16xf32>,
        %get3A_275 = arith.index_cast %scan3A_251 : i32 to index
        %get3A_276 = arith.constant 48 : index
        %get3A_277 = tpu.vector_load %arg15[%get3A_275, %get3A_276] {strides = array<i32>} : memref<80x64xf32, #tpu.memory_space<vmem>>, vector<16xf32>,
        %mul3A_278 = arith.mulf %gather3A, %get3A_277 : vector<16xf32>
        %swap3A_279 = arith.index_cast %scan3A_251 : i32 to index
        %swap3A_280 = arith.constant 48 : index
        %swap3A_281 = tpu.vector_load %arg17[%swap3A_279, %swap3A_280] {strides = array<i32>} : memref<80x64xf32, #tpu.memory_space<vmem>>, vector<16xf32>,
        tpu.vector_store %arg17[%swap3A_279, %swap3A_280], %mul3A_278 {strides = array<i32>} : memref<80x64xf32, #tpu.memory_space<vmem>>, vector<16xf32>,
        %scan3A_282 = arith.constant 0 : i32
        scf.yield %scan3A_282 : i32
      }
      %scan3A_249 = arith.constant 80 : i32
      "tpu.region"() ({
        %run_scoped3A = tpu.sem_alloc : memref<!tpu.dma_semaphore, #tpu.memory_space<semaphore_mem>>
        %dma_start3A = arith.constant 0 : i32
        %dma_start3A_251 = tpu.memref_slice %arg6[%add3A, %dma_start3A] : memref<10240x64xf32, #tpu.memory_space<vmem_shared>> -> memref<80x64xf32, #tpu.memory_space<vmem_shared>>
        %dma_start3A_252 = arith.constant 0 : i32
        %dma_start3A_253 = tpu.memref_slice %arg6[%add3A, %dma_start3A_252] : memref<10240x64xf32, #tpu.memory_space<vmem_shared>> -> memref<80x64xf32, #tpu.memory_space<vmem_shared>>
        tpu.enqueue_dma source(%arg17 : memref<80x64xf32, #tpu.memory_space<vmem>>) target(%dma_start3A_253 : memref<80x64xf32, #tpu.memory_space<vmem_shared>>) target_semaphore(%run_scoped3A : memref<!tpu.dma_semaphore, #tpu.memory_space<semaphore_mem>>)
        %dma_wait3A_254 = arith.constant 0 : i32
        %dma_wait3A_255 = tpu.memref_slice %arg6[%add3A, %dma_wait3A_254] : memref<10240x64xf32, #tpu.memory_space<vmem_shared>> -> memref<80x64xf32, #tpu.memory_space<vmem_shared>>
        %dma_wait3A_256 = arith.constant 0 : i32
        %dma_wait3A_257 = tpu.memref_slice %arg6[%add3A, %dma_wait3A_256] : memref<10240x64xf32, #tpu.memory_space<vmem_shared>> -> memref<80x64xf32, #tpu.memory_space<vmem_shared>>
        tpu.wait_dma2 semaphore(%run_scoped3A : memref<!tpu.dma_semaphore, #tpu.memory_space<semaphore_mem>>) src(%arg17 : memref<80x64xf32, #tpu.memory_space<vmem>>) dst(%dma_wait3A_257 : memref<80x64xf32, #tpu.memory_space<vmem_shared>>)
        tpu.yield
      }) : () -> ()
      %while3A_250 = arith.constant 0 : i32
      scf.yield %while3A_250 : i32
    }
    %barrier3A_93 = arith.constant 0 : index
    tpu.barrier barrier_id(%barrier3A_93)
    %scan3A_94 = arith.constant 0 : i32
    %scan3A_95 = arith.constant 0 : i32
    %scan3A_96 = arith.constant 10 : i32
    %scan3A_97 = arith.addi %scan3A_95, %scan3A_96 : i32
    %scan3A_98 = arith.constant 1 : i32
    %scan3A_99 = scf.for %scan3A_239 = %scan3A_95 to %scan3A_97 step %scan3A_98 iter_args(%scan3A_240 = %scan3A_94) -> (i32)  : i32 {
      %mul3A_241 = arith.constant 32 : i32
      %mul3A_242 = arith.muli %scan3A_239, %mul3A_241 : i32
      "tpu.region"() ({
        %run_scoped3A = tpu.sem_alloc : memref<!tpu.dma_semaphore, #tpu.memory_space<semaphore_mem>>
        %dma_start3A = arith.constant 0 : i32
        %dma_start3A_253 = tpu.memref_slice %arg2[%arg1, %mul3A_242, %dma_start3A] : memref<16x320x64xi32, #tpu.memory_space<hbm>> -> memref<1x32x64xi32, #tpu.memory_space<hbm>>
        %dma_start3A_254 = tpu.memref_squeeze %dma_start3A_253 : memref<1x32x64xi32, #tpu.memory_space<hbm>> -> memref<32x64xi32, #tpu.memory_space<hbm>>
        %dma_start3A_255 = arith.constant 0 : i32
        %dma_start3A_256 = tpu.memref_slice %arg2[%arg1, %mul3A_242, %dma_start3A_255] : memref<16x320x64xi32, #tpu.memory_space<hbm>> -> memref<1x32x64xi32, #tpu.memory_space<hbm>>
        %dma_start3A_257 = tpu.memref_squeeze %dma_start3A_256 : memref<1x32x64xi32, #tpu.memory_space<hbm>> -> memref<32x64xi32, #tpu.memory_space<hbm>>
        tpu.enqueue_dma source(%dma_start3A_257 : memref<32x64xi32, #tpu.memory_space<hbm>>) target(%arg9 : memref<32x64xi32, #tpu.memory_space<vmem>>) target_semaphore(%run_scoped3A : memref<!tpu.dma_semaphore, #tpu.memory_space<semaphore_mem>>)
        %dma_wait3A_258 = arith.constant 0 : i32
        %dma_wait3A_259 = tpu.memref_slice %arg2[%arg1, %mul3A_242, %dma_wait3A_258] : memref<16x320x64xi32, #tpu.memory_space<hbm>> -> memref<1x32x64xi32, #tpu.memory_space<hbm>>
        %dma_wait3A_260 = tpu.memref_squeeze %dma_wait3A_259 : memref<1x32x64xi32, #tpu.memory_space<hbm>> -> memref<32x64xi32, #tpu.memory_space<hbm>>
        %dma_wait3A_261 = arith.constant 0 : i32
        %dma_wait3A_262 = tpu.memref_slice %arg2[%arg1, %mul3A_242, %dma_wait3A_261] : memref<16x320x64xi32, #tpu.memory_space<hbm>> -> memref<1x32x64xi32, #tpu.memory_space<hbm>>
        %dma_wait3A_263 = tpu.memref_squeeze %dma_wait3A_262 : memref<1x32x64xi32, #tpu.memory_space<hbm>> -> memref<32x64xi32, #tpu.memory_space<hbm>>
        tpu.wait_dma2 semaphore(%run_scoped3A : memref<!tpu.dma_semaphore, #tpu.memory_space<semaphore_mem>>) src(%dma_wait3A_263 : memref<32x64xi32, #tpu.memory_space<hbm>>) dst(%arg9 : memref<32x64xi32, #tpu.memory_space<vmem>>)
        tpu.yield
      }) : () -> ()
      %mul3A_243 = arith.constant 32 : i32
      %mul3A_244 = arith.muli %scan3A_239, %mul3A_243 : i32
      "tpu.region"() ({
        %run_scoped3A = tpu.sem_alloc : memref<!tpu.dma_semaphore, #tpu.memory_space<semaphore_mem>>
        %dma_start3A = arith.constant 0 : i32
        %dma_start3A_253 = tpu.memref_slice %arg3[%arg1, %mul3A_244, %dma_start3A] : memref<16x320x64xi32, #tpu.memory_space<hbm>> -> memref<1x32x64xi32, #tpu.memory_space<hbm>>
        %dma_start3A_254 = tpu.memref_squeeze %dma_start3A_253 : memref<1x32x64xi32, #tpu.memory_space<hbm>> -> memref<32x64xi32, #tpu.memory_space<hbm>>
        %dma_start3A_255 = arith.constant 0 : i32
        %dma_start3A_256 = tpu.memref_slice %arg3[%arg1, %mul3A_244, %dma_start3A_255] : memref<16x320x64xi32, #tpu.memory_space<hbm>> -> memref<1x32x64xi32, #tpu.memory_space<hbm>>
        %dma_start3A_257 = tpu.memref_squeeze %dma_start3A_256 : memref<1x32x64xi32, #tpu.memory_space<hbm>> -> memref<32x64xi32, #tpu.memory_space<hbm>>
        tpu.enqueue_dma source(%dma_start3A_257 : memref<32x64xi32, #tpu.memory_space<hbm>>) target(%arg10 : memref<32x64xi32, #tpu.memory_space<vmem>>) target_semaphore(%run_scoped3A : memref<!tpu.dma_semaphore, #tpu.memory_space<semaphore_mem>>)
        %dma_wait3A_258 = arith.constant 0 : i32
        %dma_wait3A_259 = tpu.memref_slice %arg3[%arg1, %mul3A_244, %dma_wait3A_258] : memref<16x320x64xi32, #tpu.memory_space<hbm>> -> memref<1x32x64xi32, #tpu.memory_space<hbm>>
        %dma_wait3A_260 = tpu.memref_squeeze %dma_wait3A_259 : memref<1x32x64xi32, #tpu.memory_space<hbm>> -> memref<32x64xi32, #tpu.memory_space<hbm>>
        %dma_wait3A_261 = arith.constant 0 : i32
        %dma_wait3A_262 = tpu.memref_slice %arg3[%arg1, %mul3A_244, %dma_wait3A_261] : memref<16x320x64xi32, #tpu.memory_space<hbm>> -> memref<1x32x64xi32, #tpu.memory_space<hbm>>
        %dma_wait3A_263 = tpu.memref_squeeze %dma_wait3A_262 : memref<1x32x64xi32, #tpu.memory_space<hbm>> -> memref<32x64xi32, #tpu.memory_space<hbm>>
        tpu.wait_dma2 semaphore(%run_scoped3A : memref<!tpu.dma_semaphore, #tpu.memory_space<semaphore_mem>>) src(%dma_wait3A_263 : memref<32x64xi32, #tpu.memory_space<hbm>>) dst(%arg10 : memref<32x64xi32, #tpu.memory_space<vmem>>)
        tpu.yield
      }) : () -> ()
      %scan3A_245 = arith.constant 0 : i32
      %scan3A_246 = arith.constant 0 : i32
      %scan3A_247 = arith.constant 8 : i32
      %scan3A_248 = arith.addi %scan3A_246, %scan3A_247 : i32
      %scan3A_249 = arith.constant 1 : i32
      %scan3A_250 = scf.for %scan3A_253 = %scan3A_246 to %scan3A_248 step %scan3A_249 iter_args(%scan3A_254 = %scan3A_245) -> (i32)  : i32 {
        %mul3A_255 = arith.constant 8 : i32
        %mul3A_256 = arith.muli %scan3A_239, %mul3A_255 : i32
        %add3A = arith.addi %mul3A_256, %scan3A_253 : i32
        %gt3A = arith.constant 0 : i32
        %gt3A_257 = arith.cmpi sgt, %add3A, %gt3A : i32
        %convert_element_type3A = arith.extui %gt3A_257 : i1 to i32
        %cond3A = arith.constant 0 : i32
        %cond3A_258 = arith.cmpi ne, %convert_element_type3A, %cond3A : i32
        scf.if %cond3A_258 {
          %dma_wait3A_363 = arith.constant 0 : i32
          %dma_wait3A_364 = arith.constant 0 : i32
          %dma_wait3A_365 = tpu.memref_slice %arg10[%dma_wait3A_363, %dma_wait3A_364] : memref<32x64xi32, #tpu.memory_space<vmem>> -> memref<1x64xi32, #tpu.memory_space<vmem>>
          %dma_wait3A_366 = tpu.memref_squeeze %dma_wait3A_365 : memref<1x64xi32, #tpu.memory_space<vmem>> -> memref<64xi32, #tpu.memory_space<vmem>>
          %dma_wait3A_367 = arith.constant 0 : i32
          %dma_wait3A_368 = arith.constant 0 : i32
          %dma_wait3A_369 = tpu.memref_slice %arg7[%dma_wait3A_367, %dma_wait3A_368] : memref<10240x64xf32, #tpu.memory_space<vmem_shared>> -> memref<10240x64xf32, #tpu.memory_space<vmem_shared>>
          tpu.wait_indirect_dma semaphore(%arg25 : memref<!tpu.dma_semaphore, #tpu.memory_space<semaphore_mem>>) src(%arg11 : memref<64x64xf32, #tpu.memory_space<vmem>>) dst(%dma_wait3A_369 : memref<10240x64xf32, #tpu.memory_space<vmem_shared>>)
          %dma_wait3A_370 = arith.constant 1 : i32
          %dma_wait3A_371 = arith.constant 0 : i32
          %dma_wait3A_372 = tpu.memref_slice %arg10[%dma_wait3A_370, %dma_wait3A_371] : memref<32x64xi32, #tpu.memory_space<vmem>> -> memref<1x64xi32, #tpu.memory_space<vmem>>
          %dma_wait3A_373 = tpu.memref_squeeze %dma_wait3A_372 : memref<1x64xi32, #tpu.memory_space<vmem>> -> memref<64xi32, #tpu.memory_space<vmem>>
          %dma_wait3A_374 = arith.constant 0 : i32
          %dma_wait3A_375 = arith.constant 0 : i32
          %dma_wait3A_376 = tpu.memref_slice %arg7[%dma_wait3A_374, %dma_wait3A_375] : memref<10240x64xf32, #tpu.memory_space<vmem_shared>> -> memref<10240x64xf32, #tpu.memory_space<vmem_shared>>
          tpu.wait_indirect_dma semaphore(%arg26 : memref<!tpu.dma_semaphore, #tpu.memory_space<semaphore_mem>>) src(%arg12 : memref<64x64xf32, #tpu.memory_space<vmem>>) dst(%dma_wait3A_376 : memref<10240x64xf32, #tpu.memory_space<vmem_shared>>)
          %dma_wait3A_377 = arith.constant 2 : i32
          %dma_wait3A_378 = arith.constant 0 : i32
          %dma_wait3A_379 = tpu.memref_slice %arg10[%dma_wait3A_377, %dma_wait3A_378] : memref<32x64xi32, #tpu.memory_space<vmem>> -> memref<1x64xi32, #tpu.memory_space<vmem>>
          %dma_wait3A_380 = tpu.memref_squeeze %dma_wait3A_379 : memref<1x64xi32, #tpu.memory_space<vmem>> -> memref<64xi32, #tpu.memory_space<vmem>>
          %dma_wait3A_381 = arith.constant 0 : i32
          %dma_wait3A_382 = arith.constant 0 : i32
          %dma_wait3A_383 = tpu.memref_slice %arg7[%dma_wait3A_381, %dma_wait3A_382] : memref<10240x64xf32, #tpu.memory_space<vmem_shared>> -> memref<10240x64xf32, #tpu.memory_space<vmem_shared>>
          tpu.wait_indirect_dma semaphore(%arg27 : memref<!tpu.dma_semaphore, #tpu.memory_space<semaphore_mem>>) src(%arg13 : memref<64x64xf32, #tpu.memory_space<vmem>>) dst(%dma_wait3A_383 : memref<10240x64xf32, #tpu.memory_space<vmem_shared>>)
          %dma_wait3A_384 = arith.constant 3 : i32
          %dma_wait3A_385 = arith.constant 0 : i32
          %dma_wait3A_386 = tpu.memref_slice %arg10[%dma_wait3A_384, %dma_wait3A_385] : memref<32x64xi32, #tpu.memory_space<vmem>> -> memref<1x64xi32, #tpu.memory_space<vmem>>
          %dma_wait3A_387 = tpu.memref_squeeze %dma_wait3A_386 : memref<1x64xi32, #tpu.memory_space<vmem>> -> memref<64xi32, #tpu.memory_space<vmem>>
          %dma_wait3A_388 = arith.constant 0 : i32
          %dma_wait3A_389 = arith.constant 0 : i32
          %dma_wait3A_390 = tpu.memref_slice %arg7[%dma_wait3A_388, %dma_wait3A_389] : memref<10240x64xf32, #tpu.memory_space<vmem_shared>> -> memref<10240x64xf32, #tpu.memory_space<vmem_shared>>
          tpu.wait_indirect_dma semaphore(%arg28 : memref<!tpu.dma_semaphore, #tpu.memory_space<semaphore_mem>>) src(%arg14 : memref<64x64xf32, #tpu.memory_space<vmem>>) dst(%dma_wait3A_390 : memref<10240x64xf32, #tpu.memory_space<vmem_shared>>)
        } else {
        }
        %mul3A_259 = arith.constant 4 : i32
        %mul3A_260 = arith.muli %scan3A_253, %mul3A_259 : i32
        %add3A_261 = arith.constant 0 : i32
        %add3A_262 = arith.addi %mul3A_260, %add3A_261 : i32
        %dma_start3A = arith.constant 0 : i32
        %dma_start3A_263 = tpu.memref_slice %arg9[%add3A_262, %dma_start3A] : memref<32x64xi32, #tpu.memory_space<vmem>> -> memref<1x64xi32, #tpu.memory_space<vmem>>
        %dma_start3A_264 = tpu.memref_squeeze %dma_start3A_263 : memref<1x64xi32, #tpu.memory_space<vmem>> -> memref<64xi32, #tpu.memory_space<vmem>>
        %dma_start3A_265 = arith.constant 0 : i32
        %dma_start3A_266 = arith.constant 0 : i32
        %dma_start3A_267 = tpu.memref_slice %arg6[%dma_start3A_265, %dma_start3A_266] : memref<10240x64xf32, #tpu.memory_space<vmem_shared>> -> memref<10240x64xf32, #tpu.memory_space<vmem_shared>>
        tpu.enqueue_indirect_dma source(%dma_start3A_267 : memref<10240x64xf32, #tpu.memory_space<vmem_shared>>) target(%arg11 : memref<64x64xf32, #tpu.memory_space<vmem>>) offsets(%dma_start3A_264 : memref<64xi32, #tpu.memory_space<vmem>>) semaphore(%arg21 : memref<!tpu.dma_semaphore, #tpu.memory_space<semaphore_mem>>)
        %mul3A_268 = arith.constant 4 : i32
        %mul3A_269 = arith.muli %scan3A_253, %mul3A_268 : i32
        %add3A_270 = arith.constant 1 : i32
        %add3A_271 = arith.addi %mul3A_269, %add3A_270 : i32
        %dma_start3A_272 = arith.constant 0 : i32
        %dma_start3A_273 = tpu.memref_slice %arg9[%add3A_271, %dma_start3A_272] : memref<32x64xi32, #tpu.memory_space<vmem>> -> memref<1x64xi32, #tpu.memory_space<vmem>>
        %dma_start3A_274 = tpu.memref_squeeze %dma_start3A_273 : memref<1x64xi32, #tpu.memory_space<vmem>> -> memref<64xi32, #tpu.memory_space<vmem>>
        %dma_start3A_275 = arith.constant 0 : i32
        %dma_start3A_276 = arith.constant 0 : i32
        %dma_start3A_277 = tpu.memref_slice %arg6[%dma_start3A_275, %dma_start3A_276] : memref<10240x64xf32, #tpu.memory_space<vmem_shared>> -> memref<10240x64xf32, #tpu.memory_space<vmem_shared>>
        tpu.enqueue_indirect_dma source(%dma_start3A_277 : memref<10240x64xf32, #tpu.memory_space<vmem_shared>>) target(%arg12 : memref<64x64xf32, #tpu.memory_space<vmem>>) offsets(%dma_start3A_274 : memref<64xi32, #tpu.memory_space<vmem>>) semaphore(%arg22 : memref<!tpu.dma_semaphore, #tpu.memory_space<semaphore_mem>>)
        %mul3A_278 = arith.constant 4 : i32
        %mul3A_279 = arith.muli %scan3A_253, %mul3A_278 : i32
        %add3A_280 = arith.constant 2 : i32
        %add3A_281 = arith.addi %mul3A_279, %add3A_280 : i32
        %dma_start3A_282 = arith.constant 0 : i32
        %dma_start3A_283 = tpu.memref_slice %arg9[%add3A_281, %dma_start3A_282] : memref<32x64xi32, #tpu.memory_space<vmem>> -> memref<1x64xi32, #tpu.memory_space<vmem>>
        %dma_start3A_284 = tpu.memref_squeeze %dma_start3A_283 : memref<1x64xi32, #tpu.memory_space<vmem>> -> memref<64xi32, #tpu.memory_space<vmem>>
        %dma_start3A_285 = arith.constant 0 : i32
        %dma_start3A_286 = arith.constant 0 : i32
        %dma_start3A_287 = tpu.memref_slice %arg6[%dma_start3A_285, %dma_start3A_286] : memref<10240x64xf32, #tpu.memory_space<vmem_shared>> -> memref<10240x64xf32, #tpu.memory_space<vmem_shared>>
        tpu.enqueue_indirect_dma source(%dma_start3A_287 : memref<10240x64xf32, #tpu.memory_space<vmem_shared>>) target(%arg13 : memref<64x64xf32, #tpu.memory_space<vmem>>) offsets(%dma_start3A_284 : memref<64xi32, #tpu.memory_space<vmem>>) semaphore(%arg23 : memref<!tpu.dma_semaphore, #tpu.memory_space<semaphore_mem>>)
        %mul3A_288 = arith.constant 4 : i32
        %mul3A_289 = arith.muli %scan3A_253, %mul3A_288 : i32
        %add3A_290 = arith.constant 3 : i32
        %add3A_291 = arith.addi %mul3A_289, %add3A_290 : i32
        %dma_start3A_292 = arith.constant 0 : i32
        %dma_start3A_293 = tpu.memref_slice %arg9[%add3A_291, %dma_start3A_292] : memref<32x64xi32, #tpu.memory_space<vmem>> -> memref<1x64xi32, #tpu.memory_space<vmem>>
        %dma_start3A_294 = tpu.memref_squeeze %dma_start3A_293 : memref<1x64xi32, #tpu.memory_space<vmem>> -> memref<64xi32, #tpu.memory_space<vmem>>
        %dma_start3A_295 = arith.constant 0 : i32
        %dma_start3A_296 = arith.constant 0 : i32
        %dma_start3A_297 = tpu.memref_slice %arg6[%dma_start3A_295, %dma_start3A_296] : memref<10240x64xf32, #tpu.memory_space<vmem_shared>> -> memref<10240x64xf32, #tpu.memory_space<vmem_shared>>
        tpu.enqueue_indirect_dma source(%dma_start3A_297 : memref<10240x64xf32, #tpu.memory_space<vmem_shared>>) target(%arg14 : memref<64x64xf32, #tpu.memory_space<vmem>>) offsets(%dma_start3A_294 : memref<64xi32, #tpu.memory_space<vmem>>) semaphore(%arg24 : memref<!tpu.dma_semaphore, #tpu.memory_space<semaphore_mem>>)
        %dma_wait3A_298 = arith.constant 0 : i32
        %dma_wait3A_299 = tpu.memref_slice %arg9[%add3A_262, %dma_wait3A_298] : memref<32x64xi32, #tpu.memory_space<vmem>> -> memref<1x64xi32, #tpu.memory_space<vmem>>
        %dma_wait3A_300 = tpu.memref_squeeze %dma_wait3A_299 : memref<1x64xi32, #tpu.memory_space<vmem>> -> memref<64xi32, #tpu.memory_space<vmem>>
        %dma_wait3A_301 = arith.constant 0 : i32
        %dma_wait3A_302 = arith.constant 0 : i32
        %dma_wait3A_303 = tpu.memref_slice %arg6[%dma_wait3A_301, %dma_wait3A_302] : memref<10240x64xf32, #tpu.memory_space<vmem_shared>> -> memref<10240x64xf32, #tpu.memory_space<vmem_shared>>
        tpu.wait_indirect_dma semaphore(%arg21 : memref<!tpu.dma_semaphore, #tpu.memory_space<semaphore_mem>>) src(%dma_wait3A_303 : memref<10240x64xf32, #tpu.memory_space<vmem_shared>>) dst(%arg11 : memref<64x64xf32, #tpu.memory_space<vmem>>)
        %mul3A_304 = arith.constant 4 : i32
        %mul3A_305 = arith.muli %scan3A_253, %mul3A_304 : i32
        %add3A_306 = arith.constant 0 : i32
        %add3A_307 = arith.addi %mul3A_305, %add3A_306 : i32
        %dma_start3A_308 = arith.constant 0 : i32
        %dma_start3A_309 = tpu.memref_slice %arg10[%add3A_307, %dma_start3A_308] : memref<32x64xi32, #tpu.memory_space<vmem>> -> memref<1x64xi32, #tpu.memory_space<vmem>>
        %dma_start3A_310 = tpu.memref_squeeze %dma_start3A_309 : memref<1x64xi32, #tpu.memory_space<vmem>> -> memref<64xi32, #tpu.memory_space<vmem>>
        %dma_start3A_311 = arith.constant 0 : i32
        %dma_start3A_312 = arith.constant 0 : i32
        %dma_start3A_313 = tpu.memref_slice %arg7[%dma_start3A_311, %dma_start3A_312] : memref<10240x64xf32, #tpu.memory_space<vmem_shared>> -> memref<10240x64xf32, #tpu.memory_space<vmem_shared>>
        tpu.enqueue_indirect_dma source(%arg11 : memref<64x64xf32, #tpu.memory_space<vmem>>) target(%dma_start3A_313 : memref<10240x64xf32, #tpu.memory_space<vmem_shared>>) offsets(%dma_start3A_310 : memref<64xi32, #tpu.memory_space<vmem>>) semaphore(%arg25 : memref<!tpu.dma_semaphore, #tpu.memory_space<semaphore_mem>>) {add = true}
        %dma_wait3A_314 = arith.constant 0 : i32
        %dma_wait3A_315 = tpu.memref_slice %arg9[%add3A_271, %dma_wait3A_314] : memref<32x64xi32, #tpu.memory_space<vmem>> -> memref<1x64xi32, #tpu.memory_space<vmem>>
        %dma_wait3A_316 = tpu.memref_squeeze %dma_wait3A_315 : memref<1x64xi32, #tpu.memory_space<vmem>> -> memref<64xi32, #tpu.memory_space<vmem>>
        %dma_wait3A_317 = arith.constant 0 : i32
        %dma_wait3A_318 = arith.constant 0 : i32
        %dma_wait3A_319 = tpu.memref_slice %arg6[%dma_wait3A_317, %dma_wait3A_318] : memref<10240x64xf32, #tpu.memory_space<vmem_shared>> -> memref<10240x64xf32, #tpu.memory_space<vmem_shared>>
        tpu.wait_indirect_dma semaphore(%arg22 : memref<!tpu.dma_semaphore, #tpu.memory_space<semaphore_mem>>) src(%dma_wait3A_319 : memref<10240x64xf32, #tpu.memory_space<vmem_shared>>) dst(%arg12 : memref<64x64xf32, #tpu.memory_space<vmem>>)
        %mul3A_320 = arith.constant 4 : i32
        %mul3A_321 = arith.muli %scan3A_253, %mul3A_320 : i32
        %add3A_322 = arith.constant 1 : i32
        %add3A_323 = arith.addi %mul3A_321, %add3A_322 : i32
        %dma_start3A_324 = arith.constant 0 : i32
        %dma_start3A_325 = tpu.memref_slice %arg10[%add3A_323, %dma_start3A_324] : memref<32x64xi32, #tpu.memory_space<vmem>> -> memref<1x64xi32, #tpu.memory_space<vmem>>
        %dma_start3A_326 = tpu.memref_squeeze %dma_start3A_325 : memref<1x64xi32, #tpu.memory_space<vmem>> -> memref<64xi32, #tpu.memory_space<vmem>>
        %dma_start3A_327 = arith.constant 0 : i32
        %dma_start3A_328 = arith.constant 0 : i32
        %dma_start3A_329 = tpu.memref_slice %arg7[%dma_start3A_327, %dma_start3A_328] : memref<10240x64xf32, #tpu.memory_space<vmem_shared>> -> memref<10240x64xf32, #tpu.memory_space<vmem_shared>>
        tpu.enqueue_indirect_dma source(%arg12 : memref<64x64xf32, #tpu.memory_space<vmem>>) target(%dma_start3A_329 : memref<10240x64xf32, #tpu.memory_space<vmem_shared>>) offsets(%dma_start3A_326 : memref<64xi32, #tpu.memory_space<vmem>>) semaphore(%arg26 : memref<!tpu.dma_semaphore, #tpu.memory_space<semaphore_mem>>) {add = true}
        %dma_wait3A_330 = arith.constant 0 : i32
        %dma_wait3A_331 = tpu.memref_slice %arg9[%add3A_281, %dma_wait3A_330] : memref<32x64xi32, #tpu.memory_space<vmem>> -> memref<1x64xi32, #tpu.memory_space<vmem>>
        %dma_wait3A_332 = tpu.memref_squeeze %dma_wait3A_331 : memref<1x64xi32, #tpu.memory_space<vmem>> -> memref<64xi32, #tpu.memory_space<vmem>>
        %dma_wait3A_333 = arith.constant 0 : i32
        %dma_wait3A_334 = arith.constant 0 : i32
        %dma_wait3A_335 = tpu.memref_slice %arg6[%dma_wait3A_333, %dma_wait3A_334] : memref<10240x64xf32, #tpu.memory_space<vmem_shared>> -> memref<10240x64xf32, #tpu.memory_space<vmem_shared>>
        tpu.wait_indirect_dma semaphore(%arg23 : memref<!tpu.dma_semaphore, #tpu.memory_space<semaphore_mem>>) src(%dma_wait3A_335 : memref<10240x64xf32, #tpu.memory_space<vmem_shared>>) dst(%arg13 : memref<64x64xf32, #tpu.memory_space<vmem>>)
        %mul3A_336 = arith.constant 4 : i32
        %mul3A_337 = arith.muli %scan3A_253, %mul3A_336 : i32
        %add3A_338 = arith.constant 2 : i32
        %add3A_339 = arith.addi %mul3A_337, %add3A_338 : i32
        %dma_start3A_340 = arith.constant 0 : i32
        %dma_start3A_341 = tpu.memref_slice %arg10[%add3A_339, %dma_start3A_340] : memref<32x64xi32, #tpu.memory_space<vmem>> -> memref<1x64xi32, #tpu.memory_space<vmem>>
        %dma_start3A_342 = tpu.memref_squeeze %dma_start3A_341 : memref<1x64xi32, #tpu.memory_space<vmem>> -> memref<64xi32, #tpu.memory_space<vmem>>
        %dma_start3A_343 = arith.constant 0 : i32
        %dma_start3A_344 = arith.constant 0 : i32
        %dma_start3A_345 = tpu.memref_slice %arg7[%dma_start3A_343, %dma_start3A_344] : memref<10240x64xf32, #tpu.memory_space<vmem_shared>> -> memref<10240x64xf32, #tpu.memory_space<vmem_shared>>
        tpu.enqueue_indirect_dma source(%arg13 : memref<64x64xf32, #tpu.memory_space<vmem>>) target(%dma_start3A_345 : memref<10240x64xf32, #tpu.memory_space<vmem_shared>>) offsets(%dma_start3A_342 : memref<64xi32, #tpu.memory_space<vmem>>) semaphore(%arg27 : memref<!tpu.dma_semaphore, #tpu.memory_space<semaphore_mem>>) {add = true}
        %dma_wait3A_346 = arith.constant 0 : i32
        %dma_wait3A_347 = tpu.memref_slice %arg9[%add3A_291, %dma_wait3A_346] : memref<32x64xi32, #tpu.memory_space<vmem>> -> memref<1x64xi32, #tpu.memory_space<vmem>>
        %dma_wait3A_348 = tpu.memref_squeeze %dma_wait3A_347 : memref<1x64xi32, #tpu.memory_space<vmem>> -> memref<64xi32, #tpu.memory_space<vmem>>
        %dma_wait3A_349 = arith.constant 0 : i32
        %dma_wait3A_350 = arith.constant 0 : i32
        %dma_wait3A_351 = tpu.memref_slice %arg6[%dma_wait3A_349, %dma_wait3A_350] : memref<10240x64xf32, #tpu.memory_space<vmem_shared>> -> memref<10240x64xf32, #tpu.memory_space<vmem_shared>>
        tpu.wait_indirect_dma semaphore(%arg24 : memref<!tpu.dma_semaphore, #tpu.memory_space<semaphore_mem>>) src(%dma_wait3A_351 : memref<10240x64xf32, #tpu.memory_space<vmem_shared>>) dst(%arg14 : memref<64x64xf32, #tpu.memory_space<vmem>>)
        %mul3A_352 = arith.constant 4 : i32
        %mul3A_353 = arith.muli %scan3A_253, %mul3A_352 : i32
        %add3A_354 = arith.constant 3 : i32
        %add3A_355 = arith.addi %mul3A_353, %add3A_354 : i32
        %dma_start3A_356 = arith.constant 0 : i32
        %dma_start3A_357 = tpu.memref_slice %arg10[%add3A_355, %dma_start3A_356] : memref<32x64xi32, #tpu.memory_space<vmem>> -> memref<1x64xi32, #tpu.memory_space<vmem>>
        %dma_start3A_358 = tpu.memref_squeeze %dma_start3A_357 : memref<1x64xi32, #tpu.memory_space<vmem>> -> memref<64xi32, #tpu.memory_space<vmem>>
        %dma_start3A_359 = arith.constant 0 : i32
        %dma_start3A_360 = arith.constant 0 : i32
        %dma_start3A_361 = tpu.memref_slice %arg7[%dma_start3A_359, %dma_start3A_360] : memref<10240x64xf32, #tpu.memory_space<vmem_shared>> -> memref<10240x64xf32, #tpu.memory_space<vmem_shared>>
        tpu.enqueue_indirect_dma source(%arg14 : memref<64x64xf32, #tpu.memory_space<vmem>>) target(%dma_start3A_361 : memref<10240x64xf32, #tpu.memory_space<vmem_shared>>) offsets(%dma_start3A_358 : memref<64xi32, #tpu.memory_space<vmem>>) semaphore(%arg28 : memref<!tpu.dma_semaphore, #tpu.memory_space<semaphore_mem>>) {add = true}
        %scan3A_362 = arith.constant 0 : i32
        scf.yield %scan3A_362 : i32
      }
      %scan3A_251 = arith.constant 8 : i32
      %scan3A_252 = arith.constant 0 : i32
      scf.yield %scan3A_252 : i32
    }
    %scan3A_100 = arith.constant 10 : i32
    %dma_wait3A = arith.constant 0 : i32
    %dma_wait3A_101 = arith.constant 0 : i32
    %dma_wait3A_102 = tpu.memref_slice %arg10[%dma_wait3A, %dma_wait3A_101] : memref<32x64xi32, #tpu.memory_space<vmem>> -> memref<1x64xi32, #tpu.memory_space<vmem>>
    %dma_wait3A_103 = tpu.memref_squeeze %dma_wait3A_102 : memref<1x64xi32, #tpu.memory_space<vmem>> -> memref<64xi32, #tpu.memory_space<vmem>>
    %dma_wait3A_104 = arith.constant 0 : i32
    %dma_wait3A_105 = arith.constant 0 : i32
    %dma_wait3A_106 = tpu.memref_slice %arg7[%dma_wait3A_104, %dma_wait3A_105] : memref<10240x64xf32, #tpu.memory_space<vmem_shared>> -> memref<10240x64xf32, #tpu.memory_space<vmem_shared>>
    tpu.wait_indirect_dma semaphore(%arg25 : memref<!tpu.dma_semaphore, #tpu.memory_space<semaphore_mem>>) src(%arg11 : memref<64x64xf32, #tpu.memory_space<vmem>>) dst(%dma_wait3A_106 : memref<10240x64xf32, #tpu.memory_space<vmem_shared>>)
    %dma_wait3A_107 = arith.constant 1 : i32
    %dma_wait3A_108 = arith.constant 0 : i32
    %dma_wait3A_109 = tpu.memref_slice %arg10[%dma_wait3A_107, %dma_wait3A_108] : memref<32x64xi32, #tpu.memory_space<vmem>> -> memref<1x64xi32, #tpu.memory_space<vmem>>
    %dma_wait3A_110 = tpu.memref_squeeze %dma_wait3A_109 : memref<1x64xi32, #tpu.memory_space<vmem>> -> memref<64xi32, #tpu.memory_space<vmem>>
    %dma_wait3A_111 = arith.constant 0 : i32
    %dma_wait3A_112 = arith.constant 0 : i32
    %dma_wait3A_113 = tpu.memref_slice %arg7[%dma_wait3A_111, %dma_wait3A_112] : memref<10240x64xf32, #tpu.memory_space<vmem_shared>> -> memref<10240x64xf32, #tpu.memory_space<vmem_shared>>
    tpu.wait_indirect_dma semaphore(%arg26 : memref<!tpu.dma_semaphore, #tpu.memory_space<semaphore_mem>>) src(%arg12 : memref<64x64xf32, #tpu.memory_space<vmem>>) dst(%dma_wait3A_113 : memref<10240x64xf32, #tpu.memory_space<vmem_shared>>)
    %dma_wait3A_114 = arith.constant 2 : i32
    %dma_wait3A_115 = arith.constant 0 : i32
    %dma_wait3A_116 = tpu.memref_slice %arg10[%dma_wait3A_114, %dma_wait3A_115] : memref<32x64xi32, #tpu.memory_space<vmem>> -> memref<1x64xi32, #tpu.memory_space<vmem>>
    %dma_wait3A_117 = tpu.memref_squeeze %dma_wait3A_116 : memref<1x64xi32, #tpu.memory_space<vmem>> -> memref<64xi32, #tpu.memory_space<vmem>>
    %dma_wait3A_118 = arith.constant 0 : i32
    %dma_wait3A_119 = arith.constant 0 : i32
    %dma_wait3A_120 = tpu.memref_slice %arg7[%dma_wait3A_118, %dma_wait3A_119] : memref<10240x64xf32, #tpu.memory_space<vmem_shared>> -> memref<10240x64xf32, #tpu.memory_space<vmem_shared>>
    tpu.wait_indirect_dma semaphore(%arg27 : memref<!tpu.dma_semaphore, #tpu.memory_space<semaphore_mem>>) src(%arg13 : memref<64x64xf32, #tpu.memory_space<vmem>>) dst(%dma_wait3A_120 : memref<10240x64xf32, #tpu.memory_space<vmem_shared>>)
    %dma_wait3A_121 = arith.constant 3 : i32
    %dma_wait3A_122 = arith.constant 0 : i32
    %dma_wait3A_123 = tpu.memref_slice %arg10[%dma_wait3A_121, %dma_wait3A_122] : memref<32x64xi32, #tpu.memory_space<vmem>> -> memref<1x64xi32, #tpu.memory_space<vmem>>
    %dma_wait3A_124 = tpu.memref_squeeze %dma_wait3A_123 : memref<1x64xi32, #tpu.memory_space<vmem>> -> memref<64xi32, #tpu.memory_space<vmem>>
    %dma_wait3A_125 = arith.constant 0 : i32
    %dma_wait3A_126 = arith.constant 0 : i32
    %dma_wait3A_127 = tpu.memref_slice %arg7[%dma_wait3A_125, %dma_wait3A_126] : memref<10240x64xf32, #tpu.memory_space<vmem_shared>> -> memref<10240x64xf32, #tpu.memory_space<vmem_shared>>
    tpu.wait_indirect_dma semaphore(%arg28 : memref<!tpu.dma_semaphore, #tpu.memory_space<semaphore_mem>>) src(%arg14 : memref<64x64xf32, #tpu.memory_space<vmem>>) dst(%dma_wait3A_127 : memref<10240x64xf32, #tpu.memory_space<vmem_shared>>)
    %barrier3A_128 = arith.constant 0 : index
    tpu.barrier barrier_id(%barrier3A_128)
    %while3A_129 = arith.constant 0 : i32
    %while3A_130 = arith.constant 0 : i32
    %while3A_131 = arith.subi %select_n3A, %while3A_129 : i32
    %while3A_132 = arith.addi %while3A_129, %while3A_131 : i32
    %while3A_133 = arith.constant 1 : i32
    %while3A_134 = arith.divsi %while3A_131, %while3A_133 : i32
    %while3A_135 = arith.muli %while3A_134, %while3A_133 : i32
    %while3A_136 = arith.addi %while3A_129, %while3A_135 : i32
    %while3A_137 = arith.constant 1 : i32
    %while3A_138 = scf.for %while3A_239 = %while3A_129 to %while3A_136 step %while3A_137 iter_args(%while3A_240 = %while3A_130) -> (i32)  : i32 {
      %mul3A_241 = arith.constant 80 : i32
      %mul3A_242 = arith.muli %while3A_239, %mul3A_241 : i32
      %add3A = arith.addi %mul3A_0, %mul3A_242 : i32
      "tpu.region"() ({
        %run_scoped3A = tpu.sem_alloc : memref<!tpu.dma_semaphore, #tpu.memory_space<semaphore_mem>>
        %dma_start3A = arith.constant 0 : i32
        %dma_start3A_258 = tpu.memref_slice %arg7[%add3A, %dma_start3A] : memref<10240x64xf32, #tpu.memory_space<vmem_shared>> -> memref<80x64xf32, #tpu.memory_space<vmem_shared>>
        %dma_start3A_259 = arith.constant 0 : i32
        %dma_start3A_260 = tpu.memref_slice %arg7[%add3A, %dma_start3A_259] : memref<10240x64xf32, #tpu.memory_space<vmem_shared>> -> memref<80x64xf32, #tpu.memory_space<vmem_shared>>
        tpu.enqueue_dma source(%dma_start3A_260 : memref<80x64xf32, #tpu.memory_space<vmem_shared>>) target(%arg15 : memref<80x64xf32, #tpu.memory_space<vmem>>) target_semaphore(%run_scoped3A : memref<!tpu.dma_semaphore, #tpu.memory_space<semaphore_mem>>)
        %dma_wait3A_261 = arith.constant 0 : i32
        %dma_wait3A_262 = tpu.memref_slice %arg7[%add3A, %dma_wait3A_261] : memref<10240x64xf32, #tpu.memory_space<vmem_shared>> -> memref<80x64xf32, #tpu.memory_space<vmem_shared>>
        %dma_wait3A_263 = arith.constant 0 : i32
        %dma_wait3A_264 = tpu.memref_slice %arg7[%add3A, %dma_wait3A_263] : memref<10240x64xf32, #tpu.memory_space<vmem_shared>> -> memref<80x64xf32, #tpu.memory_space<vmem_shared>>
        tpu.wait_dma2 semaphore(%run_scoped3A : memref<!tpu.dma_semaphore, #tpu.memory_space<semaphore_mem>>) src(%dma_wait3A_264 : memref<80x64xf32, #tpu.memory_space<vmem_shared>>) dst(%arg15 : memref<80x64xf32, #tpu.memory_space<vmem>>)
        tpu.yield
      }) : () -> ()
      "tpu.region"() ({
        %run_scoped3A = tpu.sem_alloc : memref<!tpu.dma_semaphore, #tpu.memory_space<semaphore_mem>>
        %dma_start3A = arith.constant 0 : i32
        %dma_start3A_258 = tpu.memref_slice %arg5[%arg0, %add3A, %dma_start3A] : memref<2x10000x64xf32, #tpu.memory_space<hbm>> -> memref<1x80x64xf32, #tpu.memory_space<hbm>>
        %dma_start3A_259 = tpu.memref_squeeze %dma_start3A_258 : memref<1x80x64xf32, #tpu.memory_space<hbm>> -> memref<80x64xf32, #tpu.memory_space<hbm>>
        %dma_start3A_260 = arith.constant 0 : i32
        %dma_start3A_261 = tpu.memref_slice %arg5[%arg0, %add3A, %dma_start3A_260] : memref<2x10000x64xf32, #tpu.memory_space<hbm>> -> memref<1x80x64xf32, #tpu.memory_space<hbm>>
        %dma_start3A_262 = tpu.memref_squeeze %dma_start3A_261 : memref<1x80x64xf32, #tpu.memory_space<hbm>> -> memref<80x64xf32, #tpu.memory_space<hbm>>
        tpu.enqueue_dma source(%arg15 : memref<80x64xf32, #tpu.memory_space<vmem>>) target(%dma_start3A_262 : memref<80x64xf32, #tpu.memory_space<hbm>>) target_semaphore(%run_scoped3A : memref<!tpu.dma_semaphore, #tpu.memory_space<semaphore_mem>>)
        %dma_wait3A_263 = arith.constant 0 : i32
        %dma_wait3A_264 = tpu.memref_slice %arg5[%arg0, %add3A, %dma_wait3A_263] : memref<2x10000x64xf32, #tpu.memory_space<hbm>> -> memref<1x80x64xf32, #tpu.memory_space<hbm>>
        %dma_wait3A_265 = tpu.memref_squeeze %dma_wait3A_264 : memref<1x80x64xf32, #tpu.memory_space<hbm>> -> memref<80x64xf32, #tpu.memory_space<hbm>>
        %dma_wait3A_266 = arith.constant 0 : i32
        %dma_wait3A_267 = tpu.memref_slice %arg5[%arg0, %add3A, %dma_wait3A_266] : memref<2x10000x64xf32, #tpu.memory_space<hbm>> -> memref<1x80x64xf32, #tpu.memory_space<hbm>>
        %dma_wait3A_268 = tpu.memref_squeeze %dma_wait3A_267 : memref<1x80x64xf32, #tpu.memory_space<hbm>> -> memref<80x64xf32, #tpu.memory_space<hbm>>
        tpu.wait_dma2 semaphore(%run_scoped3A : memref<!tpu.dma_semaphore, #tpu.memory_space<semaphore_mem>>) src(%arg15 : memref<80x64xf32, #tpu.memory_space<vmem>>) dst(%dma_wait3A_268 : memref<80x64xf32, #tpu.memory_space<hbm>>)
        tpu.yield
      }) : () -> ()
      %scan3A_243 = arith.constant 0 : i32
      %scan3A_244 = arith.constant 0 : i32
      %scan3A_245 = arith.constant 80 : i32
      %scan3A_246 = arith.addi %scan3A_244, %scan3A_245 : i32
      %scan3A_247 = arith.constant 1 : i32
      %scan3A_248 = scf.for %scan3A_258 = %scan3A_244 to %scan3A_246 step %scan3A_247 iter_args(%scan3A_259 = %scan3A_243) -> (i32)  : i32 {
        %mul3A_260 = arith.constant 80 : i32
        %mul3A_261 = arith.muli %while3A_239, %mul3A_260 : i32
        %add3A_262 = arith.addi %mul3A_261, %scan3A_258 : i32
        %get3A = arith.index_cast %scan3A_258 : i32 to index
        %get3A_263 = arith.constant 0 : index
        %get3A_264 = tpu.vector_load %arg15[%get3A, %get3A_263] {strides = array<i32>} : memref<80x64xf32, #tpu.memory_space<vmem>>, vector<16xf32>,
        %broadcast_in_dim3A = vector.broadcast %add3A_262 : i32 to vector<16xi32>
        %gather3A = tpu.vector_load_idx %arg19[%broadcast_in_dim3A] : memref<640xf32, #tpu.memory_space<vmem>>[vector<16xi32>], vector<16xf32>,
        %mul3A_265 = arith.mulf %gather3A, %get3A_264 : vector<16xf32>
        %swap3A = arith.index_cast %scan3A_258 : i32 to index
        %swap3A_266 = arith.constant 0 : index
        %swap3A_267 = tpu.vector_load %arg17[%swap3A, %swap3A_266] {strides = array<i32>} : memref<80x64xf32, #tpu.memory_space<vmem>>, vector<16xf32>,
        tpu.vector_store %arg17[%swap3A, %swap3A_266], %mul3A_265 {strides = array<i32>} : memref<80x64xf32, #tpu.memory_space<vmem>>, vector<16xf32>,
        %get3A_268 = arith.index_cast %scan3A_258 : i32 to index
        %get3A_269 = arith.constant 16 : index
        %get3A_270 = tpu.vector_load %arg15[%get3A_268, %get3A_269] {strides = array<i32>} : memref<80x64xf32, #tpu.memory_space<vmem>>, vector<16xf32>,
        %broadcast_in_dim3A_271 = vector.broadcast %add3A_262 : i32 to vector<16xi32>
        %gather3A_272 = tpu.vector_load_idx %arg19[%broadcast_in_dim3A_271] : memref<640xf32, #tpu.memory_space<vmem>>[vector<16xi32>], vector<16xf32>,
        %mul3A_273 = arith.mulf %gather3A_272, %get3A_270 : vector<16xf32>
        %swap3A_274 = arith.index_cast %scan3A_258 : i32 to index
        %swap3A_275 = arith.constant 16 : index
        %swap3A_276 = tpu.vector_load %arg17[%swap3A_274, %swap3A_275] {strides = array<i32>} : memref<80x64xf32, #tpu.memory_space<vmem>>, vector<16xf32>,
        tpu.vector_store %arg17[%swap3A_274, %swap3A_275], %mul3A_273 {strides = array<i32>} : memref<80x64xf32, #tpu.memory_space<vmem>>, vector<16xf32>,
        %get3A_277 = arith.index_cast %scan3A_258 : i32 to index
        %get3A_278 = arith.constant 32 : index
        %get3A_279 = tpu.vector_load %arg15[%get3A_277, %get3A_278] {strides = array<i32>} : memref<80x64xf32, #tpu.memory_space<vmem>>, vector<16xf32>,
        %broadcast_in_dim3A_280 = vector.broadcast %add3A_262 : i32 to vector<16xi32>
        %gather3A_281 = tpu.vector_load_idx %arg19[%broadcast_in_dim3A_280] : memref<640xf32, #tpu.memory_space<vmem>>[vector<16xi32>], vector<16xf32>,
        %mul3A_282 = arith.mulf %gather3A_281, %get3A_279 : vector<16xf32>
        %swap3A_283 = arith.index_cast %scan3A_258 : i32 to index
        %swap3A_284 = arith.constant 32 : index
        %swap3A_285 = tpu.vector_load %arg17[%swap3A_283, %swap3A_284] {strides = array<i32>} : memref<80x64xf32, #tpu.memory_space<vmem>>, vector<16xf32>,
        tpu.vector_store %arg17[%swap3A_283, %swap3A_284], %mul3A_282 {strides = array<i32>} : memref<80x64xf32, #tpu.memory_space<vmem>>, vector<16xf32>,
        %get3A_286 = arith.index_cast %scan3A_258 : i32 to index
        %get3A_287 = arith.constant 48 : index
        %get3A_288 = tpu.vector_load %arg15[%get3A_286, %get3A_287] {strides = array<i32>} : memref<80x64xf32, #tpu.memory_space<vmem>>, vector<16xf32>,
        %broadcast_in_dim3A_289 = vector.broadcast %add3A_262 : i32 to vector<16xi32>
        %gather3A_290 = tpu.vector_load_idx %arg19[%broadcast_in_dim3A_289] : memref<640xf32, #tpu.memory_space<vmem>>[vector<16xi32>], vector<16xf32>,
        %mul3A_291 = arith.mulf %gather3A_290, %get3A_288 : vector<16xf32>
        %swap3A_292 = arith.index_cast %scan3A_258 : i32 to index
        %swap3A_293 = arith.constant 48 : index
        %swap3A_294 = tpu.vector_load %arg17[%swap3A_292, %swap3A_293] {strides = array<i32>} : memref<80x64xf32, #tpu.memory_space<vmem>>, vector<16xf32>,
        tpu.vector_store %arg17[%swap3A_292, %swap3A_293], %mul3A_291 {strides = array<i32>} : memref<80x64xf32, #tpu.memory_space<vmem>>, vector<16xf32>,
        %scan3A_295 = arith.constant 0 : i32
        scf.yield %scan3A_295 : i32
      }
      %scan3A_249 = arith.constant 80 : i32
      "tpu.region"() ({
        %run_scoped3A = tpu.sem_alloc : memref<!tpu.dma_semaphore, #tpu.memory_space<semaphore_mem>>
        %dma_start3A = arith.constant 0 : i32
        %dma_start3A_258 = tpu.memref_slice %arg6[%add3A, %dma_start3A] : memref<10240x64xf32, #tpu.memory_space<vmem_shared>> -> memref<80x64xf32, #tpu.memory_space<vmem_shared>>
        %dma_start3A_259 = arith.constant 0 : i32
        %dma_start3A_260 = tpu.memref_slice %arg6[%add3A, %dma_start3A_259] : memref<10240x64xf32, #tpu.memory_space<vmem_shared>> -> memref<80x64xf32, #tpu.memory_space<vmem_shared>>
        tpu.enqueue_dma source(%arg17 : memref<80x64xf32, #tpu.memory_space<vmem>>) target(%dma_start3A_260 : memref<80x64xf32, #tpu.memory_space<vmem_shared>>) target_semaphore(%run_scoped3A : memref<!tpu.dma_semaphore, #tpu.memory_space<semaphore_mem>>)
        %dma_wait3A_261 = arith.constant 0 : i32
        %dma_wait3A_262 = tpu.memref_slice %arg6[%add3A, %dma_wait3A_261] : memref<10240x64xf32, #tpu.memory_space<vmem_shared>> -> memref<80x64xf32, #tpu.memory_space<vmem_shared>>
        %dma_wait3A_263 = arith.constant 0 : i32
        %dma_wait3A_264 = tpu.memref_slice %arg6[%add3A, %dma_wait3A_263] : memref<10240x64xf32, #tpu.memory_space<vmem_shared>> -> memref<80x64xf32, #tpu.memory_space<vmem_shared>>
        tpu.wait_dma2 semaphore(%run_scoped3A : memref<!tpu.dma_semaphore, #tpu.memory_space<semaphore_mem>>) src(%arg17 : memref<80x64xf32, #tpu.memory_space<vmem>>) dst(%dma_wait3A_264 : memref<80x64xf32, #tpu.memory_space<vmem_shared>>)
        tpu.yield
      }) : () -> ()
      %scan3A_250 = arith.constant 0 : i32
      %scan3A_251 = arith.constant 0 : i32
      %scan3A_252 = arith.constant 80 : i32
      %scan3A_253 = arith.addi %scan3A_251, %scan3A_252 : i32
      %scan3A_254 = arith.constant 1 : i32
      %scan3A_255 = scf.for %scan3A_258 = %scan3A_251 to %scan3A_253 step %scan3A_254 iter_args(%scan3A_259 = %scan3A_250) -> (i32)  : i32 {
        %broadcast_in_dim3A = arith.constant 0.000000e+00 : f32
        %broadcast_in_dim3A_260 = vector.broadcast %broadcast_in_dim3A : f32 to vector<16xf32>
        %swap3A = arith.index_cast %scan3A_258 : i32 to index
        %swap3A_261 = arith.constant 0 : index
        %swap3A_262 = tpu.vector_load %arg17[%swap3A, %swap3A_261] {strides = array<i32>} : memref<80x64xf32, #tpu.memory_space<vmem>>, vector<16xf32>,
        tpu.vector_store %arg17[%swap3A, %swap3A_261], %broadcast_in_dim3A_260 {strides = array<i32>} : memref<80x64xf32, #tpu.memory_space<vmem>>, vector<16xf32>,
        %broadcast_in_dim3A_263 = arith.constant 0.000000e+00 : f32
        %broadcast_in_dim3A_264 = vector.broadcast %broadcast_in_dim3A_263 : f32 to vector<16xf32>
        %swap3A_265 = arith.index_cast %scan3A_258 : i32 to index
        %swap3A_266 = arith.constant 16 : index
        %swap3A_267 = tpu.vector_load %arg17[%swap3A_265, %swap3A_266] {strides = array<i32>} : memref<80x64xf32, #tpu.memory_space<vmem>>, vector<16xf32>,
        tpu.vector_store %arg17[%swap3A_265, %swap3A_266], %broadcast_in_dim3A_264 {strides = array<i32>} : memref<80x64xf32, #tpu.memory_space<vmem>>, vector<16xf32>,
        %broadcast_in_dim3A_268 = arith.constant 0.000000e+00 : f32
        %broadcast_in_dim3A_269 = vector.broadcast %broadcast_in_dim3A_268 : f32 to vector<16xf32>
        %swap3A_270 = arith.index_cast %scan3A_258 : i32 to index
        %swap3A_271 = arith.constant 32 : index
        %swap3A_272 = tpu.vector_load %arg17[%swap3A_270, %swap3A_271] {strides = array<i32>} : memref<80x64xf32, #tpu.memory_space<vmem>>, vector<16xf32>,
        tpu.vector_store %arg17[%swap3A_270, %swap3A_271], %broadcast_in_dim3A_269 {strides = array<i32>} : memref<80x64xf32, #tpu.memory_space<vmem>>, vector<16xf32>,
        %broadcast_in_dim3A_273 = arith.constant 0.000000e+00 : f32
        %broadcast_in_dim3A_274 = vector.broadcast %broadcast_in_dim3A_273 : f32 to vector<16xf32>
        %swap3A_275 = arith.index_cast %scan3A_258 : i32 to index
        %swap3A_276 = arith.constant 48 : index
        %swap3A_277 = tpu.vector_load %arg17[%swap3A_275, %swap3A_276] {strides = array<i32>} : memref<80x64xf32, #tpu.memory_space<vmem>>, vector<16xf32>,
        tpu.vector_store %arg17[%swap3A_275, %swap3A_276], %broadcast_in_dim3A_274 {strides = array<i32>} : memref<80x64xf32, #tpu.memory_space<vmem>>, vector<16xf32>,
        %scan3A_278 = arith.constant 0 : i32
        scf.yield %scan3A_278 : i32
      }
      %scan3A_256 = arith.constant 80 : i32
      "tpu.region"() ({
        %run_scoped3A = tpu.sem_alloc : memref<!tpu.dma_semaphore, #tpu.memory_space<semaphore_mem>>
        %dma_start3A = arith.constant 0 : i32
        %dma_start3A_258 = tpu.memref_slice %arg7[%add3A, %dma_start3A] : memref<10240x64xf32, #tpu.memory_space<vmem_shared>> -> memref<80x64xf32, #tpu.memory_space<vmem_shared>>
        %dma_start3A_259 = arith.constant 0 : i32
        %dma_start3A_260 = tpu.memref_slice %arg7[%add3A, %dma_start3A_259] : memref<10240x64xf32, #tpu.memory_space<vmem_shared>> -> memref<80x64xf32, #tpu.memory_space<vmem_shared>>
        tpu.enqueue_dma source(%arg17 : memref<80x64xf32, #tpu.memory_space<vmem>>) target(%dma_start3A_260 : memref<80x64xf32, #tpu.memory_space<vmem_shared>>) target_semaphore(%run_scoped3A : memref<!tpu.dma_semaphore, #tpu.memory_space<semaphore_mem>>)
        %dma_wait3A_261 = arith.constant 0 : i32
        %dma_wait3A_262 = tpu.memref_slice %arg7[%add3A, %dma_wait3A_261] : memref<10240x64xf32, #tpu.memory_space<vmem_shared>> -> memref<80x64xf32, #tpu.memory_space<vmem_shared>>
        %dma_wait3A_263 = arith.constant 0 : i32
        %dma_wait3A_264 = tpu.memref_slice %arg7[%add3A, %dma_wait3A_263] : memref<10240x64xf32, #tpu.memory_space<vmem_shared>> -> memref<80x64xf32, #tpu.memory_space<vmem_shared>>
        tpu.wait_dma2 semaphore(%run_scoped3A : memref<!tpu.dma_semaphore, #tpu.memory_space<semaphore_mem>>) src(%arg17 : memref<80x64xf32, #tpu.memory_space<vmem>>) dst(%dma_wait3A_264 : memref<80x64xf32, #tpu.memory_space<vmem_shared>>)
        tpu.yield
      }) : () -> ()
      %while3A_257 = arith.constant 0 : i32
      scf.yield %while3A_257 : i32
    }
    %while3A_139 = arith.constant 1 : i32
    %while3A_140 = scf.for %while3A_239 = %while3A_136 to %while3A_132 step %while3A_139 iter_args(%while3A_240 = %while3A_138) -> (i32)  : i32 {
      %mul3A_241 = arith.constant 80 : i32
      %mul3A_242 = arith.muli %while3A_239, %mul3A_241 : i32
      %add3A = arith.addi %mul3A_0, %mul3A_242 : i32
      "tpu.region"() ({
        %run_scoped3A = tpu.sem_alloc : memref<!tpu.dma_semaphore, #tpu.memory_space<semaphore_mem>>
        %dma_start3A = arith.constant 0 : i32
        %dma_start3A_258 = tpu.memref_slice %arg7[%add3A, %dma_start3A] : memref<10240x64xf32, #tpu.memory_space<vmem_shared>> -> memref<80x64xf32, #tpu.memory_space<vmem_shared>>
        %dma_start3A_259 = arith.constant 0 : i32
        %dma_start3A_260 = tpu.memref_slice %arg7[%add3A, %dma_start3A_259] : memref<10240x64xf32, #tpu.memory_space<vmem_shared>> -> memref<80x64xf32, #tpu.memory_space<vmem_shared>>
        tpu.enqueue_dma source(%dma_start3A_260 : memref<80x64xf32, #tpu.memory_space<vmem_shared>>) target(%arg15 : memref<80x64xf32, #tpu.memory_space<vmem>>) target_semaphore(%run_scoped3A : memref<!tpu.dma_semaphore, #tpu.memory_space<semaphore_mem>>)
        %dma_wait3A_261 = arith.constant 0 : i32
        %dma_wait3A_262 = tpu.memref_slice %arg7[%add3A, %dma_wait3A_261] : memref<10240x64xf32, #tpu.memory_space<vmem_shared>> -> memref<80x64xf32, #tpu.memory_space<vmem_shared>>
        %dma_wait3A_263 = arith.constant 0 : i32
        %dma_wait3A_264 = tpu.memref_slice %arg7[%add3A, %dma_wait3A_263] : memref<10240x64xf32, #tpu.memory_space<vmem_shared>> -> memref<80x64xf32, #tpu.memory_space<vmem_shared>>
        tpu.wait_dma2 semaphore(%run_scoped3A : memref<!tpu.dma_semaphore, #tpu.memory_space<semaphore_mem>>) src(%dma_wait3A_264 : memref<80x64xf32, #tpu.memory_space<vmem_shared>>) dst(%arg15 : memref<80x64xf32, #tpu.memory_space<vmem>>)
        tpu.yield
      }) : () -> ()
      "tpu.region"() ({
        %run_scoped3A = tpu.sem_alloc : memref<!tpu.dma_semaphore, #tpu.memory_space<semaphore_mem>>
        %dma_start3A = arith.constant 0 : i32
        %dma_start3A_258 = tpu.memref_slice %arg5[%arg0, %add3A, %dma_start3A] : memref<2x10000x64xf32, #tpu.memory_space<hbm>> -> memref<1x80x64xf32, #tpu.memory_space<hbm>>
        %dma_start3A_259 = tpu.memref_squeeze %dma_start3A_258 : memref<1x80x64xf32, #tpu.memory_space<hbm>> -> memref<80x64xf32, #tpu.memory_space<hbm>>
        %dma_start3A_260 = arith.constant 0 : i32
        %dma_start3A_261 = tpu.memref_slice %arg5[%arg0, %add3A, %dma_start3A_260] : memref<2x10000x64xf32, #tpu.memory_space<hbm>> -> memref<1x80x64xf32, #tpu.memory_space<hbm>>
        %dma_start3A_262 = tpu.memref_squeeze %dma_start3A_261 : memref<1x80x64xf32, #tpu.memory_space<hbm>> -> memref<80x64xf32, #tpu.memory_space<hbm>>
        tpu.enqueue_dma source(%arg15 : memref<80x64xf32, #tpu.memory_space<vmem>>) target(%dma_start3A_262 : memref<80x64xf32, #tpu.memory_space<hbm>>) target_semaphore(%run_scoped3A : memref<!tpu.dma_semaphore, #tpu.memory_space<semaphore_mem>>)
        %dma_wait3A_263 = arith.constant 0 : i32
        %dma_wait3A_264 = tpu.memref_slice %arg5[%arg0, %add3A, %dma_wait3A_263] : memref<2x10000x64xf32, #tpu.memory_space<hbm>> -> memref<1x80x64xf32, #tpu.memory_space<hbm>>
        %dma_wait3A_265 = tpu.memref_squeeze %dma_wait3A_264 : memref<1x80x64xf32, #tpu.memory_space<hbm>> -> memref<80x64xf32, #tpu.memory_space<hbm>>
        %dma_wait3A_266 = arith.constant 0 : i32
        %dma_wait3A_267 = tpu.memref_slice %arg5[%arg0, %add3A, %dma_wait3A_266] : memref<2x10000x64xf32, #tpu.memory_space<hbm>> -> memref<1x80x64xf32, #tpu.memory_space<hbm>>
        %dma_wait3A_268 = tpu.memref_squeeze %dma_wait3A_267 : memref<1x80x64xf32, #tpu.memory_space<hbm>> -> memref<80x64xf32, #tpu.memory_space<hbm>>
        tpu.wait_dma2 semaphore(%run_scoped3A : memref<!tpu.dma_semaphore, #tpu.memory_space<semaphore_mem>>) src(%arg15 : memref<80x64xf32, #tpu.memory_space<vmem>>) dst(%dma_wait3A_268 : memref<80x64xf32, #tpu.memory_space<hbm>>)
        tpu.yield
      }) : () -> ()
      %scan3A_243 = arith.constant 0 : i32
      %scan3A_244 = arith.constant 0 : i32
      %scan3A_245 = arith.constant 80 : i32
      %scan3A_246 = arith.addi %scan3A_244, %scan3A_245 : i32
      %scan3A_247 = arith.constant 1 : i32
      %scan3A_248 = scf.for %scan3A_258 = %scan3A_244 to %scan3A_246 step %scan3A_247 iter_args(%scan3A_259 = %scan3A_243) -> (i32)  : i32 {
        %mul3A_260 = arith.constant 80 : i32
        %mul3A_261 = arith.muli %while3A_239, %mul3A_260 : i32
        %add3A_262 = arith.addi %mul3A_261, %scan3A_258 : i32
        %get3A = arith.index_cast %scan3A_258 : i32 to index
        %get3A_263 = arith.constant 0 : index
        %get3A_264 = tpu.vector_load %arg15[%get3A, %get3A_263] {strides = array<i32>} : memref<80x64xf32, #tpu.memory_space<vmem>>, vector<16xf32>,
        %broadcast_in_dim3A = vector.broadcast %add3A_262 : i32 to vector<16xi32>
        %gather3A = tpu.vector_load_idx %arg19[%broadcast_in_dim3A] : memref<640xf32, #tpu.memory_space<vmem>>[vector<16xi32>], vector<16xf32>,
        %mul3A_265 = arith.mulf %gather3A, %get3A_264 : vector<16xf32>
        %swap3A = arith.index_cast %scan3A_258 : i32 to index
        %swap3A_266 = arith.constant 0 : index
        %swap3A_267 = tpu.vector_load %arg17[%swap3A, %swap3A_266] {strides = array<i32>} : memref<80x64xf32, #tpu.memory_space<vmem>>, vector<16xf32>,
        tpu.vector_store %arg17[%swap3A, %swap3A_266], %mul3A_265 {strides = array<i32>} : memref<80x64xf32, #tpu.memory_space<vmem>>, vector<16xf32>,
        %get3A_268 = arith.index_cast %scan3A_258 : i32 to index
        %get3A_269 = arith.constant 16 : index
        %get3A_270 = tpu.vector_load %arg15[%get3A_268, %get3A_269] {strides = array<i32>} : memref<80x64xf32, #tpu.memory_space<vmem>>, vector<16xf32>,
        %broadcast_in_dim3A_271 = vector.broadcast %add3A_262 : i32 to vector<16xi32>
        %gather3A_272 = tpu.vector_load_idx %arg19[%broadcast_in_dim3A_271] : memref<640xf32, #tpu.memory_space<vmem>>[vector<16xi32>], vector<16xf32>,
        %mul3A_273 = arith.mulf %gather3A_272, %get3A_270 : vector<16xf32>
        %swap3A_274 = arith.index_cast %scan3A_258 : i32 to index
        %swap3A_275 = arith.constant 16 : index
        %swap3A_276 = tpu.vector_load %arg17[%swap3A_274, %swap3A_275] {strides = array<i32>} : memref<80x64xf32, #tpu.memory_space<vmem>>, vector<16xf32>,
        tpu.vector_store %arg17[%swap3A_274, %swap3A_275], %mul3A_273 {strides = array<i32>} : memref<80x64xf32, #tpu.memory_space<vmem>>, vector<16xf32>,
        %get3A_277 = arith.index_cast %scan3A_258 : i32 to index
        %get3A_278 = arith.constant 32 : index
        %get3A_279 = tpu.vector_load %arg15[%get3A_277, %get3A_278] {strides = array<i32>} : memref<80x64xf32, #tpu.memory_space<vmem>>, vector<16xf32>,
        %broadcast_in_dim3A_280 = vector.broadcast %add3A_262 : i32 to vector<16xi32>
        %gather3A_281 = tpu.vector_load_idx %arg19[%broadcast_in_dim3A_280] : memref<640xf32, #tpu.memory_space<vmem>>[vector<16xi32>], vector<16xf32>,
        %mul3A_282 = arith.mulf %gather3A_281, %get3A_279 : vector<16xf32>
        %swap3A_283 = arith.index_cast %scan3A_258 : i32 to index
        %swap3A_284 = arith.constant 32 : index
        %swap3A_285 = tpu.vector_load %arg17[%swap3A_283, %swap3A_284] {strides = array<i32>} : memref<80x64xf32, #tpu.memory_space<vmem>>, vector<16xf32>,
        tpu.vector_store %arg17[%swap3A_283, %swap3A_284], %mul3A_282 {strides = array<i32>} : memref<80x64xf32, #tpu.memory_space<vmem>>, vector<16xf32>,
        %get3A_286 = arith.index_cast %scan3A_258 : i32 to index
        %get3A_287 = arith.constant 48 : index
        %get3A_288 = tpu.vector_load %arg15[%get3A_286, %get3A_287] {strides = array<i32>} : memref<80x64xf32, #tpu.memory_space<vmem>>, vector<16xf32>,
        %broadcast_in_dim3A_289 = vector.broadcast %add3A_262 : i32 to vector<16xi32>
        %gather3A_290 = tpu.vector_load_idx %arg19[%broadcast_in_dim3A_289] : memref<640xf32, #tpu.memory_space<vmem>>[vector<16xi32>], vector<16xf32>,
        %mul3A_291 = arith.mulf %gather3A_290, %get3A_288 : vector<16xf32>
        %swap3A_292 = arith.index_cast %scan3A_258 : i32 to index
        %swap3A_293 = arith.constant 48 : index
        %swap3A_294 = tpu.vector_load %arg17[%swap3A_292, %swap3A_293] {strides = array<i32>} : memref<80x64xf32, #tpu.memory_space<vmem>>, vector<16xf32>,
        tpu.vector_store %arg17[%swap3A_292, %swap3A_293], %mul3A_291 {strides = array<i32>} : memref<80x64xf32, #tpu.memory_space<vmem>>, vector<16xf32>,
        %scan3A_295 = arith.constant 0 : i32
        scf.yield %scan3A_295 : i32
      }
      %scan3A_249 = arith.constant 80 : i32
      "tpu.region"() ({
        %run_scoped3A = tpu.sem_alloc : memref<!tpu.dma_semaphore, #tpu.memory_space<semaphore_mem>>
        %dma_start3A = arith.constant 0 : i32
        %dma_start3A_258 = tpu.memref_slice %arg6[%add3A, %dma_start3A] : memref<10240x64xf32, #tpu.memory_space<vmem_shared>> -> memref<80x64xf32, #tpu.memory_space<vmem_shared>>
        %dma_start3A_259 = arith.constant 0 : i32
        %dma_start3A_260 = tpu.memref_slice %arg6[%add3A, %dma_start3A_259] : memref<10240x64xf32, #tpu.memory_space<vmem_shared>> -> memref<80x64xf32, #tpu.memory_space<vmem_shared>>
        tpu.enqueue_dma source(%arg17 : memref<80x64xf32, #tpu.memory_space<vmem>>) target(%dma_start3A_260 : memref<80x64xf32, #tpu.memory_space<vmem_shared>>) target_semaphore(%run_scoped3A : memref<!tpu.dma_semaphore, #tpu.memory_space<semaphore_mem>>)
        %dma_wait3A_261 = arith.constant 0 : i32
        %dma_wait3A_262 = tpu.memref_slice %arg6[%add3A, %dma_wait3A_261] : memref<10240x64xf32, #tpu.memory_space<vmem_shared>> -> memref<80x64xf32, #tpu.memory_space<vmem_shared>>
        %dma_wait3A_263 = arith.constant 0 : i32
        %dma_wait3A_264 = tpu.memref_slice %arg6[%add3A, %dma_wait3A_263] : memref<10240x64xf32, #tpu.memory_space<vmem_shared>> -> memref<80x64xf32, #tpu.memory_space<vmem_shared>>
        tpu.wait_dma2 semaphore(%run_scoped3A : memref<!tpu.dma_semaphore, #tpu.memory_space<semaphore_mem>>) src(%arg17 : memref<80x64xf32, #tpu.memory_space<vmem>>) dst(%dma_wait3A_264 : memref<80x64xf32, #tpu.memory_space<vmem_shared>>)
        tpu.yield
      }) : () -> ()
      %scan3A_250 = arith.constant 0 : i32
      %scan3A_251 = arith.constant 0 : i32
      %scan3A_252 = arith.constant 80 : i32
      %scan3A_253 = arith.addi %scan3A_251, %scan3A_252 : i32
      %scan3A_254 = arith.constant 1 : i32
      %scan3A_255 = scf.for %scan3A_258 = %scan3A_251 to %scan3A_253 step %scan3A_254 iter_args(%scan3A_259 = %scan3A_250) -> (i32)  : i32 {
        %broadcast_in_dim3A = arith.constant 0.000000e+00 : f32
        %broadcast_in_dim3A_260 = vector.broadcast %broadcast_in_dim3A : f32 to vector<16xf32>
        %swap3A = arith.index_cast %scan3A_258 : i32 to index
        %swap3A_261 = arith.constant 0 : index
        %swap3A_262 = tpu.vector_load %arg17[%swap3A, %swap3A_261] {strides = array<i32>} : memref<80x64xf32, #tpu.memory_space<vmem>>, vector<16xf32>,
        tpu.vector_store %arg17[%swap3A, %swap3A_261], %broadcast_in_dim3A_260 {strides = array<i32>} : memref<80x64xf32, #tpu.memory_space<vmem>>, vector<16xf32>,
        %broadcast_in_dim3A_263 = arith.constant 0.000000e+00 : f32
        %broadcast_in_dim3A_264 = vector.broadcast %broadcast_in_dim3A_263 : f32 to vector<16xf32>
        %swap3A_265 = arith.index_cast %scan3A_258 : i32 to index
        %swap3A_266 = arith.constant 16 : index
        %swap3A_267 = tpu.vector_load %arg17[%swap3A_265, %swap3A_266] {strides = array<i32>} : memref<80x64xf32, #tpu.memory_space<vmem>>, vector<16xf32>,
        tpu.vector_store %arg17[%swap3A_265, %swap3A_266], %broadcast_in_dim3A_264 {strides = array<i32>} : memref<80x64xf32, #tpu.memory_space<vmem>>, vector<16xf32>,
        %broadcast_in_dim3A_268 = arith.constant 0.000000e+00 : f32
        %broadcast_in_dim3A_269 = vector.broadcast %broadcast_in_dim3A_268 : f32 to vector<16xf32>
        %swap3A_270 = arith.index_cast %scan3A_258 : i32 to index
        %swap3A_271 = arith.constant 32 : index
        %swap3A_272 = tpu.vector_load %arg17[%swap3A_270, %swap3A_271] {strides = array<i32>} : memref<80x64xf32, #tpu.memory_space<vmem>>, vector<16xf32>,
        tpu.vector_store %arg17[%swap3A_270, %swap3A_271], %broadcast_in_dim3A_269 {strides = array<i32>} : memref<80x64xf32, #tpu.memory_space<vmem>>, vector<16xf32>,
        %broadcast_in_dim3A_273 = arith.constant 0.000000e+00 : f32
        %broadcast_in_dim3A_274 = vector.broadcast %broadcast_in_dim3A_273 : f32 to vector<16xf32>
        %swap3A_275 = arith.index_cast %scan3A_258 : i32 to index
        %swap3A_276 = arith.constant 48 : index
        %swap3A_277 = tpu.vector_load %arg17[%swap3A_275, %swap3A_276] {strides = array<i32>} : memref<80x64xf32, #tpu.memory_space<vmem>>, vector<16xf32>,
        tpu.vector_store %arg17[%swap3A_275, %swap3A_276], %broadcast_in_dim3A_274 {strides = array<i32>} : memref<80x64xf32, #tpu.memory_space<vmem>>, vector<16xf32>,
        %scan3A_278 = arith.constant 0 : i32
        scf.yield %scan3A_278 : i32
      }
      %scan3A_256 = arith.constant 80 : i32
      "tpu.region"() ({
        %run_scoped3A = tpu.sem_alloc : memref<!tpu.dma_semaphore, #tpu.memory_space<semaphore_mem>>
        %dma_start3A = arith.constant 0 : i32
        %dma_start3A_258 = tpu.memref_slice %arg7[%add3A, %dma_start3A] : memref<10240x64xf32, #tpu.memory_space<vmem_shared>> -> memref<80x64xf32, #tpu.memory_space<vmem_shared>>
        %dma_start3A_259 = arith.constant 0 : i32
        %dma_start3A_260 = tpu.memref_slice %arg7[%add3A, %dma_start3A_259] : memref<10240x64xf32, #tpu.memory_space<vmem_shared>> -> memref<80x64xf32, #tpu.memory_space<vmem_shared>>
        tpu.enqueue_dma source(%arg17 : memref<80x64xf32, #tpu.memory_space<vmem>>) target(%dma_start3A_260 : memref<80x64xf32, #tpu.memory_space<vmem_shared>>) target_semaphore(%run_scoped3A : memref<!tpu.dma_semaphore, #tpu.memory_space<semaphore_mem>>)
        %dma_wait3A_261 = arith.constant 0 : i32
        %dma_wait3A_262 = tpu.memref_slice %arg7[%add3A, %dma_wait3A_261] : memref<10240x64xf32, #tpu.memory_space<vmem_shared>> -> memref<80x64xf32, #tpu.memory_space<vmem_shared>>
        %dma_wait3A_263 = arith.constant 0 : i32
        %dma_wait3A_264 = tpu.memref_slice %arg7[%add3A, %dma_wait3A_263] : memref<10240x64xf32, #tpu.memory_space<vmem_shared>> -> memref<80x64xf32, #tpu.memory_space<vmem_shared>>
        tpu.wait_dma2 semaphore(%run_scoped3A : memref<!tpu.dma_semaphore, #tpu.memory_space<semaphore_mem>>) src(%arg17 : memref<80x64xf32, #tpu.memory_space<vmem>>) dst(%dma_wait3A_264 : memref<80x64xf32, #tpu.memory_space<vmem_shared>>)
        tpu.yield
      }) : () -> ()
      %while3A_257 = arith.constant 0 : i32
      scf.yield %while3A_257 : i32
    }
    %barrier3A_141 = arith.constant 0 : index
    tpu.barrier barrier_id(%barrier3A_141)
    %scan3A_142 = arith.constant 0 : i32
    %scan3A_143 = arith.constant 0 : i32
    %scan3A_144 = arith.constant 10 : i32
    %scan3A_145 = arith.addi %scan3A_143, %scan3A_144 : i32
    %scan3A_146 = arith.constant 1 : i32
    %scan3A_147 = scf.for %scan3A_239 = %scan3A_143 to %scan3A_145 step %scan3A_146 iter_args(%scan3A_240 = %scan3A_142) -> (i32)  : i32 {
      %mul3A_241 = arith.constant 32 : i32
      %mul3A_242 = arith.muli %scan3A_239, %mul3A_241 : i32
      "tpu.region"() ({
        %run_scoped3A = tpu.sem_alloc : memref<!tpu.dma_semaphore, #tpu.memory_space<semaphore_mem>>
        %dma_start3A = arith.constant 0 : i32
        %dma_start3A_253 = tpu.memref_slice %arg2[%arg1, %mul3A_242, %dma_start3A] : memref<16x320x64xi32, #tpu.memory_space<hbm>> -> memref<1x32x64xi32, #tpu.memory_space<hbm>>
        %dma_start3A_254 = tpu.memref_squeeze %dma_start3A_253 : memref<1x32x64xi32, #tpu.memory_space<hbm>> -> memref<32x64xi32, #tpu.memory_space<hbm>>
        %dma_start3A_255 = arith.constant 0 : i32
        %dma_start3A_256 = tpu.memref_slice %arg2[%arg1, %mul3A_242, %dma_start3A_255] : memref<16x320x64xi32, #tpu.memory_space<hbm>> -> memref<1x32x64xi32, #tpu.memory_space<hbm>>
        %dma_start3A_257 = tpu.memref_squeeze %dma_start3A_256 : memref<1x32x64xi32, #tpu.memory_space<hbm>> -> memref<32x64xi32, #tpu.memory_space<hbm>>
        tpu.enqueue_dma source(%dma_start3A_257 : memref<32x64xi32, #tpu.memory_space<hbm>>) target(%arg9 : memref<32x64xi32, #tpu.memory_space<vmem>>) target_semaphore(%run_scoped3A : memref<!tpu.dma_semaphore, #tpu.memory_space<semaphore_mem>>)
        %dma_wait3A_258 = arith.constant 0 : i32
        %dma_wait3A_259 = tpu.memref_slice %arg2[%arg1, %mul3A_242, %dma_wait3A_258] : memref<16x320x64xi32, #tpu.memory_space<hbm>> -> memref<1x32x64xi32, #tpu.memory_space<hbm>>
        %dma_wait3A_260 = tpu.memref_squeeze %dma_wait3A_259 : memref<1x32x64xi32, #tpu.memory_space<hbm>> -> memref<32x64xi32, #tpu.memory_space<hbm>>
        %dma_wait3A_261 = arith.constant 0 : i32
        %dma_wait3A_262 = tpu.memref_slice %arg2[%arg1, %mul3A_242, %dma_wait3A_261] : memref<16x320x64xi32, #tpu.memory_space<hbm>> -> memref<1x32x64xi32, #tpu.memory_space<hbm>>
        %dma_wait3A_263 = tpu.memref_squeeze %dma_wait3A_262 : memref<1x32x64xi32, #tpu.memory_space<hbm>> -> memref<32x64xi32, #tpu.memory_space<hbm>>
        tpu.wait_dma2 semaphore(%run_scoped3A : memref<!tpu.dma_semaphore, #tpu.memory_space<semaphore_mem>>) src(%dma_wait3A_263 : memref<32x64xi32, #tpu.memory_space<hbm>>) dst(%arg9 : memref<32x64xi32, #tpu.memory_space<vmem>>)
        tpu.yield
      }) : () -> ()
      %mul3A_243 = arith.constant 32 : i32
      %mul3A_244 = arith.muli %scan3A_239, %mul3A_243 : i32
      "tpu.region"() ({
        %run_scoped3A = tpu.sem_alloc : memref<!tpu.dma_semaphore, #tpu.memory_space<semaphore_mem>>
        %dma_start3A = arith.constant 0 : i32
        %dma_start3A_253 = tpu.memref_slice %arg3[%arg1, %mul3A_244, %dma_start3A] : memref<16x320x64xi32, #tpu.memory_space<hbm>> -> memref<1x32x64xi32, #tpu.memory_space<hbm>>
        %dma_start3A_254 = tpu.memref_squeeze %dma_start3A_253 : memref<1x32x64xi32, #tpu.memory_space<hbm>> -> memref<32x64xi32, #tpu.memory_space<hbm>>
        %dma_start3A_255 = arith.constant 0 : i32
        %dma_start3A_256 = tpu.memref_slice %arg3[%arg1, %mul3A_244, %dma_start3A_255] : memref<16x320x64xi32, #tpu.memory_space<hbm>> -> memref<1x32x64xi32, #tpu.memory_space<hbm>>
        %dma_start3A_257 = tpu.memref_squeeze %dma_start3A_256 : memref<1x32x64xi32, #tpu.memory_space<hbm>> -> memref<32x64xi32, #tpu.memory_space<hbm>>
        tpu.enqueue_dma source(%dma_start3A_257 : memref<32x64xi32, #tpu.memory_space<hbm>>) target(%arg10 : memref<32x64xi32, #tpu.memory_space<vmem>>) target_semaphore(%run_scoped3A : memref<!tpu.dma_semaphore, #tpu.memory_space<semaphore_mem>>)
        %dma_wait3A_258 = arith.constant 0 : i32
        %dma_wait3A_259 = tpu.memref_slice %arg3[%arg1, %mul3A_244, %dma_wait3A_258] : memref<16x320x64xi32, #tpu.memory_space<hbm>> -> memref<1x32x64xi32, #tpu.memory_space<hbm>>
        %dma_wait3A_260 = tpu.memref_squeeze %dma_wait3A_259 : memref<1x32x64xi32, #tpu.memory_space<hbm>> -> memref<32x64xi32, #tpu.memory_space<hbm>>
        %dma_wait3A_261 = arith.constant 0 : i32
        %dma_wait3A_262 = tpu.memref_slice %arg3[%arg1, %mul3A_244, %dma_wait3A_261] : memref<16x320x64xi32, #tpu.memory_space<hbm>> -> memref<1x32x64xi32, #tpu.memory_space<hbm>>
        %dma_wait3A_263 = tpu.memref_squeeze %dma_wait3A_262 : memref<1x32x64xi32, #tpu.memory_space<hbm>> -> memref<32x64xi32, #tpu.memory_space<hbm>>
        tpu.wait_dma2 semaphore(%run_scoped3A : memref<!tpu.dma_semaphore, #tpu.memory_space<semaphore_mem>>) src(%dma_wait3A_263 : memref<32x64xi32, #tpu.memory_space<hbm>>) dst(%arg10 : memref<32x64xi32, #tpu.memory_space<vmem>>)
        tpu.yield
      }) : () -> ()
      %scan3A_245 = arith.constant 0 : i32
      %scan3A_246 = arith.constant 0 : i32
      %scan3A_247 = arith.constant 8 : i32
      %scan3A_248 = arith.addi %scan3A_246, %scan3A_247 : i32
      %scan3A_249 = arith.constant 1 : i32
      %scan3A_250 = scf.for %scan3A_253 = %scan3A_246 to %scan3A_248 step %scan3A_249 iter_args(%scan3A_254 = %scan3A_245) -> (i32)  : i32 {
        %mul3A_255 = arith.constant 8 : i32
        %mul3A_256 = arith.muli %scan3A_239, %mul3A_255 : i32
        %add3A = arith.addi %mul3A_256, %scan3A_253 : i32
        %gt3A = arith.constant 0 : i32
        %gt3A_257 = arith.cmpi sgt, %add3A, %gt3A : i32
        %convert_element_type3A = arith.extui %gt3A_257 : i1 to i32
        %cond3A = arith.constant 0 : i32
        %cond3A_258 = arith.cmpi ne, %convert_element_type3A, %cond3A : i32
        scf.if %cond3A_258 {
          %dma_wait3A_363 = arith.constant 0 : i32
          %dma_wait3A_364 = arith.constant 0 : i32
          %dma_wait3A_365 = tpu.memref_slice %arg10[%dma_wait3A_363, %dma_wait3A_364] : memref<32x64xi32, #tpu.memory_space<vmem>> -> memref<1x64xi32, #tpu.memory_space<vmem>>
          %dma_wait3A_366 = tpu.memref_squeeze %dma_wait3A_365 : memref<1x64xi32, #tpu.memory_space<vmem>> -> memref<64xi32, #tpu.memory_space<vmem>>
          %dma_wait3A_367 = arith.constant 0 : i32
          %dma_wait3A_368 = arith.constant 0 : i32
          %dma_wait3A_369 = tpu.memref_slice %arg7[%dma_wait3A_367, %dma_wait3A_368] : memref<10240x64xf32, #tpu.memory_space<vmem_shared>> -> memref<10240x64xf32, #tpu.memory_space<vmem_shared>>
          tpu.wait_indirect_dma semaphore(%arg25 : memref<!tpu.dma_semaphore, #tpu.memory_space<semaphore_mem>>) src(%arg11 : memref<64x64xf32, #tpu.memory_space<vmem>>) dst(%dma_wait3A_369 : memref<10240x64xf32, #tpu.memory_space<vmem_shared>>)
          %dma_wait3A_370 = arith.constant 1 : i32
          %dma_wait3A_371 = arith.constant 0 : i32
          %dma_wait3A_372 = tpu.memref_slice %arg10[%dma_wait3A_370, %dma_wait3A_371] : memref<32x64xi32, #tpu.memory_space<vmem>> -> memref<1x64xi32, #tpu.memory_space<vmem>>
          %dma_wait3A_373 = tpu.memref_squeeze %dma_wait3A_372 : memref<1x64xi32, #tpu.memory_space<vmem>> -> memref<64xi32, #tpu.memory_space<vmem>>
          %dma_wait3A_374 = arith.constant 0 : i32
          %dma_wait3A_375 = arith.constant 0 : i32
          %dma_wait3A_376 = tpu.memref_slice %arg7[%dma_wait3A_374, %dma_wait3A_375] : memref<10240x64xf32, #tpu.memory_space<vmem_shared>> -> memref<10240x64xf32, #tpu.memory_space<vmem_shared>>
          tpu.wait_indirect_dma semaphore(%arg26 : memref<!tpu.dma_semaphore, #tpu.memory_space<semaphore_mem>>) src(%arg12 : memref<64x64xf32, #tpu.memory_space<vmem>>) dst(%dma_wait3A_376 : memref<10240x64xf32, #tpu.memory_space<vmem_shared>>)
          %dma_wait3A_377 = arith.constant 2 : i32
          %dma_wait3A_378 = arith.constant 0 : i32
          %dma_wait3A_379 = tpu.memref_slice %arg10[%dma_wait3A_377, %dma_wait3A_378] : memref<32x64xi32, #tpu.memory_space<vmem>> -> memref<1x64xi32, #tpu.memory_space<vmem>>
          %dma_wait3A_380 = tpu.memref_squeeze %dma_wait3A_379 : memref<1x64xi32, #tpu.memory_space<vmem>> -> memref<64xi32, #tpu.memory_space<vmem>>
          %dma_wait3A_381 = arith.constant 0 : i32
          %dma_wait3A_382 = arith.constant 0 : i32
          %dma_wait3A_383 = tpu.memref_slice %arg7[%dma_wait3A_381, %dma_wait3A_382] : memref<10240x64xf32, #tpu.memory_space<vmem_shared>> -> memref<10240x64xf32, #tpu.memory_space<vmem_shared>>
          tpu.wait_indirect_dma semaphore(%arg27 : memref<!tpu.dma_semaphore, #tpu.memory_space<semaphore_mem>>) src(%arg13 : memref<64x64xf32, #tpu.memory_space<vmem>>) dst(%dma_wait3A_383 : memref<10240x64xf32, #tpu.memory_space<vmem_shared>>)
          %dma_wait3A_384 = arith.constant 3 : i32
          %dma_wait3A_385 = arith.constant 0 : i32
          %dma_wait3A_386 = tpu.memref_slice %arg10[%dma_wait3A_384, %dma_wait3A_385] : memref<32x64xi32, #tpu.memory_space<vmem>> -> memref<1x64xi32, #tpu.memory_space<vmem>>
          %dma_wait3A_387 = tpu.memref_squeeze %dma_wait3A_386 : memref<1x64xi32, #tpu.memory_space<vmem>> -> memref<64xi32, #tpu.memory_space<vmem>>
          %dma_wait3A_388 = arith.constant 0 : i32
          %dma_wait3A_389 = arith.constant 0 : i32
          %dma_wait3A_390 = tpu.memref_slice %arg7[%dma_wait3A_388, %dma_wait3A_389] : memref<10240x64xf32, #tpu.memory_space<vmem_shared>> -> memref<10240x64xf32, #tpu.memory_space<vmem_shared>>
          tpu.wait_indirect_dma semaphore(%arg28 : memref<!tpu.dma_semaphore, #tpu.memory_space<semaphore_mem>>) src(%arg14 : memref<64x64xf32, #tpu.memory_space<vmem>>) dst(%dma_wait3A_390 : memref<10240x64xf32, #tpu.memory_space<vmem_shared>>)
        } else {
        }
        %mul3A_259 = arith.constant 4 : i32
        %mul3A_260 = arith.muli %scan3A_253, %mul3A_259 : i32
        %add3A_261 = arith.constant 0 : i32
        %add3A_262 = arith.addi %mul3A_260, %add3A_261 : i32
        %dma_start3A = arith.constant 0 : i32
        %dma_start3A_263 = tpu.memref_slice %arg9[%add3A_262, %dma_start3A] : memref<32x64xi32, #tpu.memory_space<vmem>> -> memref<1x64xi32, #tpu.memory_space<vmem>>
        %dma_start3A_264 = tpu.memref_squeeze %dma_start3A_263 : memref<1x64xi32, #tpu.memory_space<vmem>> -> memref<64xi32, #tpu.memory_space<vmem>>
        %dma_start3A_265 = arith.constant 0 : i32
        %dma_start3A_266 = arith.constant 0 : i32
        %dma_start3A_267 = tpu.memref_slice %arg6[%dma_start3A_265, %dma_start3A_266] : memref<10240x64xf32, #tpu.memory_space<vmem_shared>> -> memref<10240x64xf32, #tpu.memory_space<vmem_shared>>
        tpu.enqueue_indirect_dma source(%dma_start3A_267 : memref<10240x64xf32, #tpu.memory_space<vmem_shared>>) target(%arg11 : memref<64x64xf32, #tpu.memory_space<vmem>>) offsets(%dma_start3A_264 : memref<64xi32, #tpu.memory_space<vmem>>) semaphore(%arg21 : memref<!tpu.dma_semaphore, #tpu.memory_space<semaphore_mem>>)
        %mul3A_268 = arith.constant 4 : i32
        %mul3A_269 = arith.muli %scan3A_253, %mul3A_268 : i32
        %add3A_270 = arith.constant 1 : i32
        %add3A_271 = arith.addi %mul3A_269, %add3A_270 : i32
        %dma_start3A_272 = arith.constant 0 : i32
        %dma_start3A_273 = tpu.memref_slice %arg9[%add3A_271, %dma_start3A_272] : memref<32x64xi32, #tpu.memory_space<vmem>> -> memref<1x64xi32, #tpu.memory_space<vmem>>
        %dma_start3A_274 = tpu.memref_squeeze %dma_start3A_273 : memref<1x64xi32, #tpu.memory_space<vmem>> -> memref<64xi32, #tpu.memory_space<vmem>>
        %dma_start3A_275 = arith.constant 0 : i32
        %dma_start3A_276 = arith.constant 0 : i32
        %dma_start3A_277 = tpu.memref_slice %arg6[%dma_start3A_275, %dma_start3A_276] : memref<10240x64xf32, #tpu.memory_space<vmem_shared>> -> memref<10240x64xf32, #tpu.memory_space<vmem_shared>>
        tpu.enqueue_indirect_dma source(%dma_start3A_277 : memref<10240x64xf32, #tpu.memory_space<vmem_shared>>) target(%arg12 : memref<64x64xf32, #tpu.memory_space<vmem>>) offsets(%dma_start3A_274 : memref<64xi32, #tpu.memory_space<vmem>>) semaphore(%arg22 : memref<!tpu.dma_semaphore, #tpu.memory_space<semaphore_mem>>)
        %mul3A_278 = arith.constant 4 : i32
        %mul3A_279 = arith.muli %scan3A_253, %mul3A_278 : i32
        %add3A_280 = arith.constant 2 : i32
        %add3A_281 = arith.addi %mul3A_279, %add3A_280 : i32
        %dma_start3A_282 = arith.constant 0 : i32
        %dma_start3A_283 = tpu.memref_slice %arg9[%add3A_281, %dma_start3A_282] : memref<32x64xi32, #tpu.memory_space<vmem>> -> memref<1x64xi32, #tpu.memory_space<vmem>>
        %dma_start3A_284 = tpu.memref_squeeze %dma_start3A_283 : memref<1x64xi32, #tpu.memory_space<vmem>> -> memref<64xi32, #tpu.memory_space<vmem>>
        %dma_start3A_285 = arith.constant 0 : i32
        %dma_start3A_286 = arith.constant 0 : i32
        %dma_start3A_287 = tpu.memref_slice %arg6[%dma_start3A_285, %dma_start3A_286] : memref<10240x64xf32, #tpu.memory_space<vmem_shared>> -> memref<10240x64xf32, #tpu.memory_space<vmem_shared>>
        tpu.enqueue_indirect_dma source(%dma_start3A_287 : memref<10240x64xf32, #tpu.memory_space<vmem_shared>>) target(%arg13 : memref<64x64xf32, #tpu.memory_space<vmem>>) offsets(%dma_start3A_284 : memref<64xi32, #tpu.memory_space<vmem>>) semaphore(%arg23 : memref<!tpu.dma_semaphore, #tpu.memory_space<semaphore_mem>>)
        %mul3A_288 = arith.constant 4 : i32
        %mul3A_289 = arith.muli %scan3A_253, %mul3A_288 : i32
        %add3A_290 = arith.constant 3 : i32
        %add3A_291 = arith.addi %mul3A_289, %add3A_290 : i32
        %dma_start3A_292 = arith.constant 0 : i32
        %dma_start3A_293 = tpu.memref_slice %arg9[%add3A_291, %dma_start3A_292] : memref<32x64xi32, #tpu.memory_space<vmem>> -> memref<1x64xi32, #tpu.memory_space<vmem>>
        %dma_start3A_294 = tpu.memref_squeeze %dma_start3A_293 : memref<1x64xi32, #tpu.memory_space<vmem>> -> memref<64xi32, #tpu.memory_space<vmem>>
        %dma_start3A_295 = arith.constant 0 : i32
        %dma_start3A_296 = arith.constant 0 : i32
        %dma_start3A_297 = tpu.memref_slice %arg6[%dma_start3A_295, %dma_start3A_296] : memref<10240x64xf32, #tpu.memory_space<vmem_shared>> -> memref<10240x64xf32, #tpu.memory_space<vmem_shared>>
        tpu.enqueue_indirect_dma source(%dma_start3A_297 : memref<10240x64xf32, #tpu.memory_space<vmem_shared>>) target(%arg14 : memref<64x64xf32, #tpu.memory_space<vmem>>) offsets(%dma_start3A_294 : memref<64xi32, #tpu.memory_space<vmem>>) semaphore(%arg24 : memref<!tpu.dma_semaphore, #tpu.memory_space<semaphore_mem>>)
        %dma_wait3A_298 = arith.constant 0 : i32
        %dma_wait3A_299 = tpu.memref_slice %arg9[%add3A_262, %dma_wait3A_298] : memref<32x64xi32, #tpu.memory_space<vmem>> -> memref<1x64xi32, #tpu.memory_space<vmem>>
        %dma_wait3A_300 = tpu.memref_squeeze %dma_wait3A_299 : memref<1x64xi32, #tpu.memory_space<vmem>> -> memref<64xi32, #tpu.memory_space<vmem>>
        %dma_wait3A_301 = arith.constant 0 : i32
        %dma_wait3A_302 = arith.constant 0 : i32
        %dma_wait3A_303 = tpu.memref_slice %arg6[%dma_wait3A_301, %dma_wait3A_302] : memref<10240x64xf32, #tpu.memory_space<vmem_shared>> -> memref<10240x64xf32, #tpu.memory_space<vmem_shared>>
        tpu.wait_indirect_dma semaphore(%arg21 : memref<!tpu.dma_semaphore, #tpu.memory_space<semaphore_mem>>) src(%dma_wait3A_303 : memref<10240x64xf32, #tpu.memory_space<vmem_shared>>) dst(%arg11 : memref<64x64xf32, #tpu.memory_space<vmem>>)
        %mul3A_304 = arith.constant 4 : i32
        %mul3A_305 = arith.muli %scan3A_253, %mul3A_304 : i32
        %add3A_306 = arith.constant 0 : i32
        %add3A_307 = arith.addi %mul3A_305, %add3A_306 : i32
        %dma_start3A_308 = arith.constant 0 : i32
        %dma_start3A_309 = tpu.memref_slice %arg10[%add3A_307, %dma_start3A_308] : memref<32x64xi32, #tpu.memory_space<vmem>> -> memref<1x64xi32, #tpu.memory_space<vmem>>
        %dma_start3A_310 = tpu.memref_squeeze %dma_start3A_309 : memref<1x64xi32, #tpu.memory_space<vmem>> -> memref<64xi32, #tpu.memory_space<vmem>>
        %dma_start3A_311 = arith.constant 0 : i32
        %dma_start3A_312 = arith.constant 0 : i32
        %dma_start3A_313 = tpu.memref_slice %arg7[%dma_start3A_311, %dma_start3A_312] : memref<10240x64xf32, #tpu.memory_space<vmem_shared>> -> memref<10240x64xf32, #tpu.memory_space<vmem_shared>>
        tpu.enqueue_indirect_dma source(%arg11 : memref<64x64xf32, #tpu.memory_space<vmem>>) target(%dma_start3A_313 : memref<10240x64xf32, #tpu.memory_space<vmem_shared>>) offsets(%dma_start3A_310 : memref<64xi32, #tpu.memory_space<vmem>>) semaphore(%arg25 : memref<!tpu.dma_semaphore, #tpu.memory_space<semaphore_mem>>) {add = true}
        %dma_wait3A_314 = arith.constant 0 : i32
        %dma_wait3A_315 = tpu.memref_slice %arg9[%add3A_271, %dma_wait3A_314] : memref<32x64xi32, #tpu.memory_space<vmem>> -> memref<1x64xi32, #tpu.memory_space<vmem>>
        %dma_wait3A_316 = tpu.memref_squeeze %dma_wait3A_315 : memref<1x64xi32, #tpu.memory_space<vmem>> -> memref<64xi32, #tpu.memory_space<vmem>>
        %dma_wait3A_317 = arith.constant 0 : i32
        %dma_wait3A_318 = arith.constant 0 : i32
        %dma_wait3A_319 = tpu.memref_slice %arg6[%dma_wait3A_317, %dma_wait3A_318] : memref<10240x64xf32, #tpu.memory_space<vmem_shared>> -> memref<10240x64xf32, #tpu.memory_space<vmem_shared>>
        tpu.wait_indirect_dma semaphore(%arg22 : memref<!tpu.dma_semaphore, #tpu.memory_space<semaphore_mem>>) src(%dma_wait3A_319 : memref<10240x64xf32, #tpu.memory_space<vmem_shared>>) dst(%arg12 : memref<64x64xf32, #tpu.memory_space<vmem>>)
        %mul3A_320 = arith.constant 4 : i32
        %mul3A_321 = arith.muli %scan3A_253, %mul3A_320 : i32
        %add3A_322 = arith.constant 1 : i32
        %add3A_323 = arith.addi %mul3A_321, %add3A_322 : i32
        %dma_start3A_324 = arith.constant 0 : i32
        %dma_start3A_325 = tpu.memref_slice %arg10[%add3A_323, %dma_start3A_324] : memref<32x64xi32, #tpu.memory_space<vmem>> -> memref<1x64xi32, #tpu.memory_space<vmem>>
        %dma_start3A_326 = tpu.memref_squeeze %dma_start3A_325 : memref<1x64xi32, #tpu.memory_space<vmem>> -> memref<64xi32, #tpu.memory_space<vmem>>
        %dma_start3A_327 = arith.constant 0 : i32
        %dma_start3A_328 = arith.constant 0 : i32
        %dma_start3A_329 = tpu.memref_slice %arg7[%dma_start3A_327, %dma_start3A_328] : memref<10240x64xf32, #tpu.memory_space<vmem_shared>> -> memref<10240x64xf32, #tpu.memory_space<vmem_shared>>
        tpu.enqueue_indirect_dma source(%arg12 : memref<64x64xf32, #tpu.memory_space<vmem>>) target(%dma_start3A_329 : memref<10240x64xf32, #tpu.memory_space<vmem_shared>>) offsets(%dma_start3A_326 : memref<64xi32, #tpu.memory_space<vmem>>) semaphore(%arg26 : memref<!tpu.dma_semaphore, #tpu.memory_space<semaphore_mem>>) {add = true}
        %dma_wait3A_330 = arith.constant 0 : i32
        %dma_wait3A_331 = tpu.memref_slice %arg9[%add3A_281, %dma_wait3A_330] : memref<32x64xi32, #tpu.memory_space<vmem>> -> memref<1x64xi32, #tpu.memory_space<vmem>>
        %dma_wait3A_332 = tpu.memref_squeeze %dma_wait3A_331 : memref<1x64xi32, #tpu.memory_space<vmem>> -> memref<64xi32, #tpu.memory_space<vmem>>
        %dma_wait3A_333 = arith.constant 0 : i32
        %dma_wait3A_334 = arith.constant 0 : i32
        %dma_wait3A_335 = tpu.memref_slice %arg6[%dma_wait3A_333, %dma_wait3A_334] : memref<10240x64xf32, #tpu.memory_space<vmem_shared>> -> memref<10240x64xf32, #tpu.memory_space<vmem_shared>>
        tpu.wait_indirect_dma semaphore(%arg23 : memref<!tpu.dma_semaphore, #tpu.memory_space<semaphore_mem>>) src(%dma_wait3A_335 : memref<10240x64xf32, #tpu.memory_space<vmem_shared>>) dst(%arg13 : memref<64x64xf32, #tpu.memory_space<vmem>>)
        %mul3A_336 = arith.constant 4 : i32
        %mul3A_337 = arith.muli %scan3A_253, %mul3A_336 : i32
        %add3A_338 = arith.constant 2 : i32
        %add3A_339 = arith.addi %mul3A_337, %add3A_338 : i32
        %dma_start3A_340 = arith.constant 0 : i32
        %dma_start3A_341 = tpu.memref_slice %arg10[%add3A_339, %dma_start3A_340] : memref<32x64xi32, #tpu.memory_space<vmem>> -> memref<1x64xi32, #tpu.memory_space<vmem>>
        %dma_start3A_342 = tpu.memref_squeeze %dma_start3A_341 : memref<1x64xi32, #tpu.memory_space<vmem>> -> memref<64xi32, #tpu.memory_space<vmem>>
        %dma_start3A_343 = arith.constant 0 : i32
        %dma_start3A_344 = arith.constant 0 : i32
        %dma_start3A_345 = tpu.memref_slice %arg7[%dma_start3A_343, %dma_start3A_344] : memref<10240x64xf32, #tpu.memory_space<vmem_shared>> -> memref<10240x64xf32, #tpu.memory_space<vmem_shared>>
        tpu.enqueue_indirect_dma source(%arg13 : memref<64x64xf32, #tpu.memory_space<vmem>>) target(%dma_start3A_345 : memref<10240x64xf32, #tpu.memory_space<vmem_shared>>) offsets(%dma_start3A_342 : memref<64xi32, #tpu.memory_space<vmem>>) semaphore(%arg27 : memref<!tpu.dma_semaphore, #tpu.memory_space<semaphore_mem>>) {add = true}
        %dma_wait3A_346 = arith.constant 0 : i32
        %dma_wait3A_347 = tpu.memref_slice %arg9[%add3A_291, %dma_wait3A_346] : memref<32x64xi32, #tpu.memory_space<vmem>> -> memref<1x64xi32, #tpu.memory_space<vmem>>
        %dma_wait3A_348 = tpu.memref_squeeze %dma_wait3A_347 : memref<1x64xi32, #tpu.memory_space<vmem>> -> memref<64xi32, #tpu.memory_space<vmem>>
        %dma_wait3A_349 = arith.constant 0 : i32
        %dma_wait3A_350 = arith.constant 0 : i32
        %dma_wait3A_351 = tpu.memref_slice %arg6[%dma_wait3A_349, %dma_wait3A_350] : memref<10240x64xf32, #tpu.memory_space<vmem_shared>> -> memref<10240x64xf32, #tpu.memory_space<vmem_shared>>
        tpu.wait_indirect_dma semaphore(%arg24 : memref<!tpu.dma_semaphore, #tpu.memory_space<semaphore_mem>>) src(%dma_wait3A_351 : memref<10240x64xf32, #tpu.memory_space<vmem_shared>>) dst(%arg14 : memref<64x64xf32, #tpu.memory_space<vmem>>)
        %mul3A_352 = arith.constant 4 : i32
        %mul3A_353 = arith.muli %scan3A_253, %mul3A_352 : i32
        %add3A_354 = arith.constant 3 : i32
        %add3A_355 = arith.addi %mul3A_353, %add3A_354 : i32
        %dma_start3A_356 = arith.constant 0 : i32
        %dma_start3A_357 = tpu.memref_slice %arg10[%add3A_355, %dma_start3A_356] : memref<32x64xi32, #tpu.memory_space<vmem>> -> memref<1x64xi32, #tpu.memory_space<vmem>>
        %dma_start3A_358 = tpu.memref_squeeze %dma_start3A_357 : memref<1x64xi32, #tpu.memory_space<vmem>> -> memref<64xi32, #tpu.memory_space<vmem>>
        %dma_start3A_359 = arith.constant 0 : i32
        %dma_start3A_360 = arith.constant 0 : i32
        %dma_start3A_361 = tpu.memref_slice %arg7[%dma_start3A_359, %dma_start3A_360] : memref<10240x64xf32, #tpu.memory_space<vmem_shared>> -> memref<10240x64xf32, #tpu.memory_space<vmem_shared>>
        tpu.enqueue_indirect_dma source(%arg14 : memref<64x64xf32, #tpu.memory_space<vmem>>) target(%dma_start3A_361 : memref<10240x64xf32, #tpu.memory_space<vmem_shared>>) offsets(%dma_start3A_358 : memref<64xi32, #tpu.memory_space<vmem>>) semaphore(%arg28 : memref<!tpu.dma_semaphore, #tpu.memory_space<semaphore_mem>>) {add = true}
        %scan3A_362 = arith.constant 0 : i32
        scf.yield %scan3A_362 : i32
      }
      %scan3A_251 = arith.constant 8 : i32
      %scan3A_252 = arith.constant 0 : i32
      scf.yield %scan3A_252 : i32
    }
    %scan3A_148 = arith.constant 10 : i32
    %dma_wait3A_149 = arith.constant 0 : i32
    %dma_wait3A_150 = arith.constant 0 : i32
    %dma_wait3A_151 = tpu.memref_slice %arg10[%dma_wait3A_149, %dma_wait3A_150] : memref<32x64xi32, #tpu.memory_space<vmem>> -> memref<1x64xi32, #tpu.memory_space<vmem>>
    %dma_wait3A_152 = tpu.memref_squeeze %dma_wait3A_151 : memref<1x64xi32, #tpu.memory_space<vmem>> -> memref<64xi32, #tpu.memory_space<vmem>>
    %dma_wait3A_153 = arith.constant 0 : i32
    %dma_wait3A_154 = arith.constant 0 : i32
    %dma_wait3A_155 = tpu.memref_slice %arg7[%dma_wait3A_153, %dma_wait3A_154] : memref<10240x64xf32, #tpu.memory_space<vmem_shared>> -> memref<10240x64xf32, #tpu.memory_space<vmem_shared>>
    tpu.wait_indirect_dma semaphore(%arg25 : memref<!tpu.dma_semaphore, #tpu.memory_space<semaphore_mem>>) src(%arg11 : memref<64x64xf32, #tpu.memory_space<vmem>>) dst(%dma_wait3A_155 : memref<10240x64xf32, #tpu.memory_space<vmem_shared>>)
    %dma_wait3A_156 = arith.constant 1 : i32
    %dma_wait3A_157 = arith.constant 0 : i32
    %dma_wait3A_158 = tpu.memref_slice %arg10[%dma_wait3A_156, %dma_wait3A_157] : memref<32x64xi32, #tpu.memory_space<vmem>> -> memref<1x64xi32, #tpu.memory_space<vmem>>
    %dma_wait3A_159 = tpu.memref_squeeze %dma_wait3A_158 : memref<1x64xi32, #tpu.memory_space<vmem>> -> memref<64xi32, #tpu.memory_space<vmem>>
    %dma_wait3A_160 = arith.constant 0 : i32
    %dma_wait3A_161 = arith.constant 0 : i32
    %dma_wait3A_162 = tpu.memref_slice %arg7[%dma_wait3A_160, %dma_wait3A_161] : memref<10240x64xf32, #tpu.memory_space<vmem_shared>> -> memref<10240x64xf32, #tpu.memory_space<vmem_shared>>
    tpu.wait_indirect_dma semaphore(%arg26 : memref<!tpu.dma_semaphore, #tpu.memory_space<semaphore_mem>>) src(%arg12 : memref<64x64xf32, #tpu.memory_space<vmem>>) dst(%dma_wait3A_162 : memref<10240x64xf32, #tpu.memory_space<vmem_shared>>)
    %dma_wait3A_163 = arith.constant 2 : i32
    %dma_wait3A_164 = arith.constant 0 : i32
    %dma_wait3A_165 = tpu.memref_slice %arg10[%dma_wait3A_163, %dma_wait3A_164] : memref<32x64xi32, #tpu.memory_space<vmem>> -> memref<1x64xi32, #tpu.memory_space<vmem>>
    %dma_wait3A_166 = tpu.memref_squeeze %dma_wait3A_165 : memref<1x64xi32, #tpu.memory_space<vmem>> -> memref<64xi32, #tpu.memory_space<vmem>>
    %dma_wait3A_167 = arith.constant 0 : i32
    %dma_wait3A_168 = arith.constant 0 : i32
    %dma_wait3A_169 = tpu.memref_slice %arg7[%dma_wait3A_167, %dma_wait3A_168] : memref<10240x64xf32, #tpu.memory_space<vmem_shared>> -> memref<10240x64xf32, #tpu.memory_space<vmem_shared>>
    tpu.wait_indirect_dma semaphore(%arg27 : memref<!tpu.dma_semaphore, #tpu.memory_space<semaphore_mem>>) src(%arg13 : memref<64x64xf32, #tpu.memory_space<vmem>>) dst(%dma_wait3A_169 : memref<10240x64xf32, #tpu.memory_space<vmem_shared>>)
    %dma_wait3A_170 = arith.constant 3 : i32
    %dma_wait3A_171 = arith.constant 0 : i32
    %dma_wait3A_172 = tpu.memref_slice %arg10[%dma_wait3A_170, %dma_wait3A_171] : memref<32x64xi32, #tpu.memory_space<vmem>> -> memref<1x64xi32, #tpu.memory_space<vmem>>
    %dma_wait3A_173 = tpu.memref_squeeze %dma_wait3A_172 : memref<1x64xi32, #tpu.memory_space<vmem>> -> memref<64xi32, #tpu.memory_space<vmem>>
    %dma_wait3A_174 = arith.constant 0 : i32
    %dma_wait3A_175 = arith.constant 0 : i32
    %dma_wait3A_176 = tpu.memref_slice %arg7[%dma_wait3A_174, %dma_wait3A_175] : memref<10240x64xf32, #tpu.memory_space<vmem_shared>> -> memref<10240x64xf32, #tpu.memory_space<vmem_shared>>
    tpu.wait_indirect_dma semaphore(%arg28 : memref<!tpu.dma_semaphore, #tpu.memory_space<semaphore_mem>>) src(%arg14 : memref<64x64xf32, #tpu.memory_space<vmem>>) dst(%dma_wait3A_176 : memref<10240x64xf32, #tpu.memory_space<vmem_shared>>)
    %barrier3A_177 = arith.constant 0 : index
    tpu.barrier barrier_id(%barrier3A_177)
    %while3A_178 = arith.constant 0 : i32
    %while3A_179 = arith.constant 0 : i32
    %while3A_180 = arith.subi %select_n3A, %while3A_178 : i32
    %while3A_181 = arith.addi %while3A_178, %while3A_180 : i32
    %while3A_182 = arith.constant 1 : i32
    %while3A_183 = arith.divsi %while3A_180, %while3A_182 : i32
    %while3A_184 = arith.muli %while3A_183, %while3A_182 : i32
    %while3A_185 = arith.addi %while3A_178, %while3A_184 : i32
    %while3A_186 = arith.constant 1 : i32
    %while3A_187 = scf.for %while3A_239 = %while3A_178 to %while3A_185 step %while3A_186 iter_args(%while3A_240 = %while3A_179) -> (i32)  : i32 {
      %mul3A_241 = arith.constant 80 : i32
      %mul3A_242 = arith.muli %while3A_239, %mul3A_241 : i32
      %add3A = arith.addi %mul3A_0, %mul3A_242 : i32
      "tpu.region"() ({
        %run_scoped3A = tpu.sem_alloc : memref<!tpu.dma_semaphore, #tpu.memory_space<semaphore_mem>>
        %dma_start3A = arith.constant 0 : i32
        %dma_start3A_258 = tpu.memref_slice %arg7[%add3A, %dma_start3A] : memref<10240x64xf32, #tpu.memory_space<vmem_shared>> -> memref<80x64xf32, #tpu.memory_space<vmem_shared>>
        %dma_start3A_259 = arith.constant 0 : i32
        %dma_start3A_260 = tpu.memref_slice %arg7[%add3A, %dma_start3A_259] : memref<10240x64xf32, #tpu.memory_space<vmem_shared>> -> memref<80x64xf32, #tpu.memory_space<vmem_shared>>
        tpu.enqueue_dma source(%dma_start3A_260 : memref<80x64xf32, #tpu.memory_space<vmem_shared>>) target(%arg15 : memref<80x64xf32, #tpu.memory_space<vmem>>) target_semaphore(%run_scoped3A : memref<!tpu.dma_semaphore, #tpu.memory_space<semaphore_mem>>)
        %dma_wait3A_261 = arith.constant 0 : i32
        %dma_wait3A_262 = tpu.memref_slice %arg7[%add3A, %dma_wait3A_261] : memref<10240x64xf32, #tpu.memory_space<vmem_shared>> -> memref<80x64xf32, #tpu.memory_space<vmem_shared>>
        %dma_wait3A_263 = arith.constant 0 : i32
        %dma_wait3A_264 = tpu.memref_slice %arg7[%add3A, %dma_wait3A_263] : memref<10240x64xf32, #tpu.memory_space<vmem_shared>> -> memref<80x64xf32, #tpu.memory_space<vmem_shared>>
        tpu.wait_dma2 semaphore(%run_scoped3A : memref<!tpu.dma_semaphore, #tpu.memory_space<semaphore_mem>>) src(%dma_wait3A_264 : memref<80x64xf32, #tpu.memory_space<vmem_shared>>) dst(%arg15 : memref<80x64xf32, #tpu.memory_space<vmem>>)
        tpu.yield
      }) : () -> ()
      "tpu.region"() ({
        %run_scoped3A = tpu.sem_alloc : memref<!tpu.dma_semaphore, #tpu.memory_space<semaphore_mem>>
        %dma_start3A = arith.constant 0 : i32
        %dma_start3A_258 = tpu.memref_slice %arg5[%arg0, %add3A, %dma_start3A] : memref<2x10000x64xf32, #tpu.memory_space<hbm>> -> memref<1x80x64xf32, #tpu.memory_space<hbm>>
        %dma_start3A_259 = tpu.memref_squeeze %dma_start3A_258 : memref<1x80x64xf32, #tpu.memory_space<hbm>> -> memref<80x64xf32, #tpu.memory_space<hbm>>
        %dma_start3A_260 = arith.constant 0 : i32
        %dma_start3A_261 = tpu.memref_slice %arg5[%arg0, %add3A, %dma_start3A_260] : memref<2x10000x64xf32, #tpu.memory_space<hbm>> -> memref<1x80x64xf32, #tpu.memory_space<hbm>>
        %dma_start3A_262 = tpu.memref_squeeze %dma_start3A_261 : memref<1x80x64xf32, #tpu.memory_space<hbm>> -> memref<80x64xf32, #tpu.memory_space<hbm>>
        tpu.enqueue_dma source(%dma_start3A_262 : memref<80x64xf32, #tpu.memory_space<hbm>>) target(%arg16 : memref<80x64xf32, #tpu.memory_space<vmem>>) target_semaphore(%run_scoped3A : memref<!tpu.dma_semaphore, #tpu.memory_space<semaphore_mem>>)
        %dma_wait3A_263 = arith.constant 0 : i32
        %dma_wait3A_264 = tpu.memref_slice %arg5[%arg0, %add3A, %dma_wait3A_263] : memref<2x10000x64xf32, #tpu.memory_space<hbm>> -> memref<1x80x64xf32, #tpu.memory_space<hbm>>
        %dma_wait3A_265 = tpu.memref_squeeze %dma_wait3A_264 : memref<1x80x64xf32, #tpu.memory_space<hbm>> -> memref<80x64xf32, #tpu.memory_space<hbm>>
        %dma_wait3A_266 = arith.constant 0 : i32
        %dma_wait3A_267 = tpu.memref_slice %arg5[%arg0, %add3A, %dma_wait3A_266] : memref<2x10000x64xf32, #tpu.memory_space<hbm>> -> memref<1x80x64xf32, #tpu.memory_space<hbm>>
        %dma_wait3A_268 = tpu.memref_squeeze %dma_wait3A_267 : memref<1x80x64xf32, #tpu.memory_space<hbm>> -> memref<80x64xf32, #tpu.memory_space<hbm>>
        tpu.wait_dma2 semaphore(%run_scoped3A : memref<!tpu.dma_semaphore, #tpu.memory_space<semaphore_mem>>) src(%dma_wait3A_268 : memref<80x64xf32, #tpu.memory_space<hbm>>) dst(%arg16 : memref<80x64xf32, #tpu.memory_space<vmem>>)
        tpu.yield
      }) : () -> ()
      %scan3A_243 = arith.constant 0 : i32
      %scan3A_244 = arith.constant 0 : i32
      %scan3A_245 = arith.constant 80 : i32
      %scan3A_246 = arith.addi %scan3A_244, %scan3A_245 : i32
      %scan3A_247 = arith.constant 1 : i32
      %scan3A_248 = scf.for %scan3A_258 = %scan3A_244 to %scan3A_246 step %scan3A_247 iter_args(%scan3A_259 = %scan3A_243) -> (i32)  : i32 {
        %mul3A_260 = arith.constant 80 : i32
        %mul3A_261 = arith.muli %while3A_239, %mul3A_260 : i32
        %add3A_262 = arith.addi %mul3A_261, %scan3A_258 : i32
        %get3A = arith.index_cast %scan3A_258 : i32 to index
        %get3A_263 = arith.constant 0 : index
        %get3A_264 = tpu.vector_load %arg15[%get3A, %get3A_263] {strides = array<i32>} : memref<80x64xf32, #tpu.memory_space<vmem>>, vector<16xf32>,
        %broadcast_in_dim3A = vector.broadcast %add3A_262 : i32 to vector<16xi32>
        %gather3A = tpu.vector_load_idx %arg19[%broadcast_in_dim3A] : memref<640xf32, #tpu.memory_space<vmem>>[vector<16xi32>], vector<16xf32>,
        %get3A_265 = arith.index_cast %scan3A_258 : i32 to index
        %get3A_266 = arith.constant 0 : index
        %get3A_267 = tpu.vector_load %arg16[%get3A_265, %get3A_266] {strides = array<i32>} : memref<80x64xf32, #tpu.memory_space<vmem>>, vector<16xf32>,
        %add3A_268 = arith.addf %get3A_267, %get3A_264 : vector<16xf32>
        %swap3A = arith.index_cast %scan3A_258 : i32 to index
        %swap3A_269 = arith.constant 0 : index
        %swap3A_270 = tpu.vector_load %arg16[%swap3A, %swap3A_269] {strides = array<i32>} : memref<80x64xf32, #tpu.memory_space<vmem>>, vector<16xf32>,
        tpu.vector_store %arg16[%swap3A, %swap3A_269], %add3A_268 {strides = array<i32>} : memref<80x64xf32, #tpu.memory_space<vmem>>, vector<16xf32>,
        %mul3A_271 = arith.mulf %gather3A, %get3A_264 : vector<16xf32>
        %swap3A_272 = arith.index_cast %scan3A_258 : i32 to index
        %swap3A_273 = arith.constant 0 : index
        %swap3A_274 = tpu.vector_load %arg17[%swap3A_272, %swap3A_273] {strides = array<i32>} : memref<80x64xf32, #tpu.memory_space<vmem>>, vector<16xf32>,
        tpu.vector_store %arg17[%swap3A_272, %swap3A_273], %mul3A_271 {strides = array<i32>} : memref<80x64xf32, #tpu.memory_space<vmem>>, vector<16xf32>,
        %get3A_275 = arith.index_cast %scan3A_258 : i32 to index
        %get3A_276 = arith.constant 16 : index
        %get3A_277 = tpu.vector_load %arg15[%get3A_275, %get3A_276] {strides = array<i32>} : memref<80x64xf32, #tpu.memory_space<vmem>>, vector<16xf32>,
        %broadcast_in_dim3A_278 = vector.broadcast %add3A_262 : i32 to vector<16xi32>
        %gather3A_279 = tpu.vector_load_idx %arg19[%broadcast_in_dim3A_278] : memref<640xf32, #tpu.memory_space<vmem>>[vector<16xi32>], vector<16xf32>,
        %get3A_280 = arith.index_cast %scan3A_258 : i32 to index
        %get3A_281 = arith.constant 16 : index
        %get3A_282 = tpu.vector_load %arg16[%get3A_280, %get3A_281] {strides = array<i32>} : memref<80x64xf32, #tpu.memory_space<vmem>>, vector<16xf32>,
        %add3A_283 = arith.addf %get3A_282, %get3A_277 : vector<16xf32>
        %swap3A_284 = arith.index_cast %scan3A_258 : i32 to index
        %swap3A_285 = arith.constant 16 : index
        %swap3A_286 = tpu.vector_load %arg16[%swap3A_284, %swap3A_285] {strides = array<i32>} : memref<80x64xf32, #tpu.memory_space<vmem>>, vector<16xf32>,
        tpu.vector_store %arg16[%swap3A_284, %swap3A_285], %add3A_283 {strides = array<i32>} : memref<80x64xf32, #tpu.memory_space<vmem>>, vector<16xf32>,
        %mul3A_287 = arith.mulf %gather3A_279, %get3A_277 : vector<16xf32>
        %swap3A_288 = arith.index_cast %scan3A_258 : i32 to index
        %swap3A_289 = arith.constant 16 : index
        %swap3A_290 = tpu.vector_load %arg17[%swap3A_288, %swap3A_289] {strides = array<i32>} : memref<80x64xf32, #tpu.memory_space<vmem>>, vector<16xf32>,
        tpu.vector_store %arg17[%swap3A_288, %swap3A_289], %mul3A_287 {strides = array<i32>} : memref<80x64xf32, #tpu.memory_space<vmem>>, vector<16xf32>,
        %get3A_291 = arith.index_cast %scan3A_258 : i32 to index
        %get3A_292 = arith.constant 32 : index
        %get3A_293 = tpu.vector_load %arg15[%get3A_291, %get3A_292] {strides = array<i32>} : memref<80x64xf32, #tpu.memory_space<vmem>>, vector<16xf32>,
        %broadcast_in_dim3A_294 = vector.broadcast %add3A_262 : i32 to vector<16xi32>
        %gather3A_295 = tpu.vector_load_idx %arg19[%broadcast_in_dim3A_294] : memref<640xf32, #tpu.memory_space<vmem>>[vector<16xi32>], vector<16xf32>,
        %get3A_296 = arith.index_cast %scan3A_258 : i32 to index
        %get3A_297 = arith.constant 32 : index
        %get3A_298 = tpu.vector_load %arg16[%get3A_296, %get3A_297] {strides = array<i32>} : memref<80x64xf32, #tpu.memory_space<vmem>>, vector<16xf32>,
        %add3A_299 = arith.addf %get3A_298, %get3A_293 : vector<16xf32>
        %swap3A_300 = arith.index_cast %scan3A_258 : i32 to index
        %swap3A_301 = arith.constant 32 : index
        %swap3A_302 = tpu.vector_load %arg16[%swap3A_300, %swap3A_301] {strides = array<i32>} : memref<80x64xf32, #tpu.memory_space<vmem>>, vector<16xf32>,
        tpu.vector_store %arg16[%swap3A_300, %swap3A_301], %add3A_299 {strides = array<i32>} : memref<80x64xf32, #tpu.memory_space<vmem>>, vector<16xf32>,
        %mul3A_303 = arith.mulf %gather3A_295, %get3A_293 : vector<16xf32>
        %swap3A_304 = arith.index_cast %scan3A_258 : i32 to index
        %swap3A_305 = arith.constant 32 : index
        %swap3A_306 = tpu.vector_load %arg17[%swap3A_304, %swap3A_305] {strides = array<i32>} : memref<80x64xf32, #tpu.memory_space<vmem>>, vector<16xf32>,
        tpu.vector_store %arg17[%swap3A_304, %swap3A_305], %mul3A_303 {strides = array<i32>} : memref<80x64xf32, #tpu.memory_space<vmem>>, vector<16xf32>,
        %get3A_307 = arith.index_cast %scan3A_258 : i32 to index
        %get3A_308 = arith.constant 48 : index
        %get3A_309 = tpu.vector_load %arg15[%get3A_307, %get3A_308] {strides = array<i32>} : memref<80x64xf32, #tpu.memory_space<vmem>>, vector<16xf32>,
        %broadcast_in_dim3A_310 = vector.broadcast %add3A_262 : i32 to vector<16xi32>
        %gather3A_311 = tpu.vector_load_idx %arg19[%broadcast_in_dim3A_310] : memref<640xf32, #tpu.memory_space<vmem>>[vector<16xi32>], vector<16xf32>,
        %get3A_312 = arith.index_cast %scan3A_258 : i32 to index
        %get3A_313 = arith.constant 48 : index
        %get3A_314 = tpu.vector_load %arg16[%get3A_312, %get3A_313] {strides = array<i32>} : memref<80x64xf32, #tpu.memory_space<vmem>>, vector<16xf32>,
        %add3A_315 = arith.addf %get3A_314, %get3A_309 : vector<16xf32>
        %swap3A_316 = arith.index_cast %scan3A_258 : i32 to index
        %swap3A_317 = arith.constant 48 : index
        %swap3A_318 = tpu.vector_load %arg16[%swap3A_316, %swap3A_317] {strides = array<i32>} : memref<80x64xf32, #tpu.memory_space<vmem>>, vector<16xf32>,
        tpu.vector_store %arg16[%swap3A_316, %swap3A_317], %add3A_315 {strides = array<i32>} : memref<80x64xf32, #tpu.memory_space<vmem>>, vector<16xf32>,
        %mul3A_319 = arith.mulf %gather3A_311, %get3A_309 : vector<16xf32>
        %swap3A_320 = arith.index_cast %scan3A_258 : i32 to index
        %swap3A_321 = arith.constant 48 : index
        %swap3A_322 = tpu.vector_load %arg17[%swap3A_320, %swap3A_321] {strides = array<i32>} : memref<80x64xf32, #tpu.memory_space<vmem>>, vector<16xf32>,
        tpu.vector_store %arg17[%swap3A_320, %swap3A_321], %mul3A_319 {strides = array<i32>} : memref<80x64xf32, #tpu.memory_space<vmem>>, vector<16xf32>,
        %scan3A_323 = arith.constant 0 : i32
        scf.yield %scan3A_323 : i32
      }
      %scan3A_249 = arith.constant 80 : i32
      "tpu.region"() ({
        %run_scoped3A = tpu.sem_alloc : memref<!tpu.dma_semaphore, #tpu.memory_space<semaphore_mem>>
        %dma_start3A = arith.constant 0 : i32
        %dma_start3A_258 = tpu.memref_slice %arg5[%arg0, %add3A, %dma_start3A] : memref<2x10000x64xf32, #tpu.memory_space<hbm>> -> memref<1x80x64xf32, #tpu.memory_space<hbm>>
        %dma_start3A_259 = tpu.memref_squeeze %dma_start3A_258 : memref<1x80x64xf32, #tpu.memory_space<hbm>> -> memref<80x64xf32, #tpu.memory_space<hbm>>
        %dma_start3A_260 = arith.constant 0 : i32
        %dma_start3A_261 = tpu.memref_slice %arg5[%arg0, %add3A, %dma_start3A_260] : memref<2x10000x64xf32, #tpu.memory_space<hbm>> -> memref<1x80x64xf32, #tpu.memory_space<hbm>>
        %dma_start3A_262 = tpu.memref_squeeze %dma_start3A_261 : memref<1x80x64xf32, #tpu.memory_space<hbm>> -> memref<80x64xf32, #tpu.memory_space<hbm>>
        tpu.enqueue_dma source(%arg16 : memref<80x64xf32, #tpu.memory_space<vmem>>) target(%dma_start3A_262 : memref<80x64xf32, #tpu.memory_space<hbm>>) target_semaphore(%run_scoped3A : memref<!tpu.dma_semaphore, #tpu.memory_space<semaphore_mem>>)
        %dma_wait3A_263 = arith.constant 0 : i32
        %dma_wait3A_264 = tpu.memref_slice %arg5[%arg0, %add3A, %dma_wait3A_263] : memref<2x10000x64xf32, #tpu.memory_space<hbm>> -> memref<1x80x64xf32, #tpu.memory_space<hbm>>
        %dma_wait3A_265 = tpu.memref_squeeze %dma_wait3A_264 : memref<1x80x64xf32, #tpu.memory_space<hbm>> -> memref<80x64xf32, #tpu.memory_space<hbm>>
        %dma_wait3A_266 = arith.constant 0 : i32
        %dma_wait3A_267 = tpu.memref_slice %arg5[%arg0, %add3A, %dma_wait3A_266] : memref<2x10000x64xf32, #tpu.memory_space<hbm>> -> memref<1x80x64xf32, #tpu.memory_space<hbm>>
        %dma_wait3A_268 = tpu.memref_squeeze %dma_wait3A_267 : memref<1x80x64xf32, #tpu.memory_space<hbm>> -> memref<80x64xf32, #tpu.memory_space<hbm>>
        tpu.wait_dma2 semaphore(%run_scoped3A : memref<!tpu.dma_semaphore, #tpu.memory_space<semaphore_mem>>) src(%arg16 : memref<80x64xf32, #tpu.memory_space<vmem>>) dst(%dma_wait3A_268 : memref<80x64xf32, #tpu.memory_space<hbm>>)
        tpu.yield
      }) : () -> ()
      "tpu.region"() ({
        %run_scoped3A = tpu.sem_alloc : memref<!tpu.dma_semaphore, #tpu.memory_space<semaphore_mem>>
        %dma_start3A = arith.constant 0 : i32
        %dma_start3A_258 = tpu.memref_slice %arg6[%add3A, %dma_start3A] : memref<10240x64xf32, #tpu.memory_space<vmem_shared>> -> memref<80x64xf32, #tpu.memory_space<vmem_shared>>
        %dma_start3A_259 = arith.constant 0 : i32
        %dma_start3A_260 = tpu.memref_slice %arg6[%add3A, %dma_start3A_259] : memref<10240x64xf32, #tpu.memory_space<vmem_shared>> -> memref<80x64xf32, #tpu.memory_space<vmem_shared>>
        tpu.enqueue_dma source(%arg17 : memref<80x64xf32, #tpu.memory_space<vmem>>) target(%dma_start3A_260 : memref<80x64xf32, #tpu.memory_space<vmem_shared>>) target_semaphore(%run_scoped3A : memref<!tpu.dma_semaphore, #tpu.memory_space<semaphore_mem>>)
        %dma_wait3A_261 = arith.constant 0 : i32
        %dma_wait3A_262 = tpu.memref_slice %arg6[%add3A, %dma_wait3A_261] : memref<10240x64xf32, #tpu.memory_space<vmem_shared>> -> memref<80x64xf32, #tpu.memory_space<vmem_shared>>
        %dma_wait3A_263 = arith.constant 0 : i32
        %dma_wait3A_264 = tpu.memref_slice %arg6[%add3A, %dma_wait3A_263] : memref<10240x64xf32, #tpu.memory_space<vmem_shared>> -> memref<80x64xf32, #tpu.memory_space<vmem_shared>>
        tpu.wait_dma2 semaphore(%run_scoped3A : memref<!tpu.dma_semaphore, #tpu.memory_space<semaphore_mem>>) src(%arg17 : memref<80x64xf32, #tpu.memory_space<vmem>>) dst(%dma_wait3A_264 : memref<80x64xf32, #tpu.memory_space<vmem_shared>>)
        tpu.yield
      }) : () -> ()
      %scan3A_250 = arith.constant 0 : i32
      %scan3A_251 = arith.constant 0 : i32
      %scan3A_252 = arith.constant 80 : i32
      %scan3A_253 = arith.addi %scan3A_251, %scan3A_252 : i32
      %scan3A_254 = arith.constant 1 : i32
      %scan3A_255 = scf.for %scan3A_258 = %scan3A_251 to %scan3A_253 step %scan3A_254 iter_args(%scan3A_259 = %scan3A_250) -> (i32)  : i32 {
        %broadcast_in_dim3A = arith.constant 0.000000e+00 : f32
        %broadcast_in_dim3A_260 = vector.broadcast %broadcast_in_dim3A : f32 to vector<16xf32>
        %swap3A = arith.index_cast %scan3A_258 : i32 to index
        %swap3A_261 = arith.constant 0 : index
        %swap3A_262 = tpu.vector_load %arg17[%swap3A, %swap3A_261] {strides = array<i32>} : memref<80x64xf32, #tpu.memory_space<vmem>>, vector<16xf32>,
        tpu.vector_store %arg17[%swap3A, %swap3A_261], %broadcast_in_dim3A_260 {strides = array<i32>} : memref<80x64xf32, #tpu.memory_space<vmem>>, vector<16xf32>,
        %broadcast_in_dim3A_263 = arith.constant 0.000000e+00 : f32
        %broadcast_in_dim3A_264 = vector.broadcast %broadcast_in_dim3A_263 : f32 to vector<16xf32>
        %swap3A_265 = arith.index_cast %scan3A_258 : i32 to index
        %swap3A_266 = arith.constant 16 : index
        %swap3A_267 = tpu.vector_load %arg17[%swap3A_265, %swap3A_266] {strides = array<i32>} : memref<80x64xf32, #tpu.memory_space<vmem>>, vector<16xf32>,
        tpu.vector_store %arg17[%swap3A_265, %swap3A_266], %broadcast_in_dim3A_264 {strides = array<i32>} : memref<80x64xf32, #tpu.memory_space<vmem>>, vector<16xf32>,
        %broadcast_in_dim3A_268 = arith.constant 0.000000e+00 : f32
        %broadcast_in_dim3A_269 = vector.broadcast %broadcast_in_dim3A_268 : f32 to vector<16xf32>
        %swap3A_270 = arith.index_cast %scan3A_258 : i32 to index
        %swap3A_271 = arith.constant 32 : index
        %swap3A_272 = tpu.vector_load %arg17[%swap3A_270, %swap3A_271] {strides = array<i32>} : memref<80x64xf32, #tpu.memory_space<vmem>>, vector<16xf32>,
        tpu.vector_store %arg17[%swap3A_270, %swap3A_271], %broadcast_in_dim3A_269 {strides = array<i32>} : memref<80x64xf32, #tpu.memory_space<vmem>>, vector<16xf32>,
        %broadcast_in_dim3A_273 = arith.constant 0.000000e+00 : f32
        %broadcast_in_dim3A_274 = vector.broadcast %broadcast_in_dim3A_273 : f32 to vector<16xf32>
        %swap3A_275 = arith.index_cast %scan3A_258 : i32 to index
        %swap3A_276 = arith.constant 48 : index
        %swap3A_277 = tpu.vector_load %arg17[%swap3A_275, %swap3A_276] {strides = array<i32>} : memref<80x64xf32, #tpu.memory_space<vmem>>, vector<16xf32>,
        tpu.vector_store %arg17[%swap3A_275, %swap3A_276], %broadcast_in_dim3A_274 {strides = array<i32>} : memref<80x64xf32, #tpu.memory_space<vmem>>, vector<16xf32>,
        %scan3A_278 = arith.constant 0 : i32
        scf.yield %scan3A_278 : i32
      }
      %scan3A_256 = arith.constant 80 : i32
      "tpu.region"() ({
        %run_scoped3A = tpu.sem_alloc : memref<!tpu.dma_semaphore, #tpu.memory_space<semaphore_mem>>
        %dma_start3A = arith.constant 0 : i32
        %dma_start3A_258 = tpu.memref_slice %arg7[%add3A, %dma_start3A] : memref<10240x64xf32, #tpu.memory_space<vmem_shared>> -> memref<80x64xf32, #tpu.memory_space<vmem_shared>>
        %dma_start3A_259 = arith.constant 0 : i32
        %dma_start3A_260 = tpu.memref_slice %arg7[%add3A, %dma_start3A_259] : memref<10240x64xf32, #tpu.memory_space<vmem_shared>> -> memref<80x64xf32, #tpu.memory_space<vmem_shared>>
        tpu.enqueue_dma source(%arg17 : memref<80x64xf32, #tpu.memory_space<vmem>>) target(%dma_start3A_260 : memref<80x64xf32, #tpu.memory_space<vmem_shared>>) target_semaphore(%run_scoped3A : memref<!tpu.dma_semaphore, #tpu.memory_space<semaphore_mem>>)
        %dma_wait3A_261 = arith.constant 0 : i32
        %dma_wait3A_262 = tpu.memref_slice %arg7[%add3A, %dma_wait3A_261] : memref<10240x64xf32, #tpu.memory_space<vmem_shared>> -> memref<80x64xf32, #tpu.memory_space<vmem_shared>>
        %dma_wait3A_263 = arith.constant 0 : i32
        %dma_wait3A_264 = tpu.memref_slice %arg7[%add3A, %dma_wait3A_263] : memref<10240x64xf32, #tpu.memory_space<vmem_shared>> -> memref<80x64xf32, #tpu.memory_space<vmem_shared>>
        tpu.wait_dma2 semaphore(%run_scoped3A : memref<!tpu.dma_semaphore, #tpu.memory_space<semaphore_mem>>) src(%arg17 : memref<80x64xf32, #tpu.memory_space<vmem>>) dst(%dma_wait3A_264 : memref<80x64xf32, #tpu.memory_space<vmem_shared>>)
        tpu.yield
      }) : () -> ()
      %while3A_257 = arith.constant 0 : i32
      scf.yield %while3A_257 : i32
    }
    %while3A_188 = arith.constant 1 : i32
    %while3A_189 = scf.for %while3A_239 = %while3A_185 to %while3A_181 step %while3A_188 iter_args(%while3A_240 = %while3A_187) -> (i32)  : i32 {
      %mul3A_241 = arith.constant 80 : i32
      %mul3A_242 = arith.muli %while3A_239, %mul3A_241 : i32
      %add3A = arith.addi %mul3A_0, %mul3A_242 : i32
      "tpu.region"() ({
        %run_scoped3A = tpu.sem_alloc : memref<!tpu.dma_semaphore, #tpu.memory_space<semaphore_mem>>
        %dma_start3A = arith.constant 0 : i32
        %dma_start3A_258 = tpu.memref_slice %arg7[%add3A, %dma_start3A] : memref<10240x64xf32, #tpu.memory_space<vmem_shared>> -> memref<80x64xf32, #tpu.memory_space<vmem_shared>>
        %dma_start3A_259 = arith.constant 0 : i32
        %dma_start3A_260 = tpu.memref_slice %arg7[%add3A, %dma_start3A_259] : memref<10240x64xf32, #tpu.memory_space<vmem_shared>> -> memref<80x64xf32, #tpu.memory_space<vmem_shared>>
        tpu.enqueue_dma source(%dma_start3A_260 : memref<80x64xf32, #tpu.memory_space<vmem_shared>>) target(%arg15 : memref<80x64xf32, #tpu.memory_space<vmem>>) target_semaphore(%run_scoped3A : memref<!tpu.dma_semaphore, #tpu.memory_space<semaphore_mem>>)
        %dma_wait3A_261 = arith.constant 0 : i32
        %dma_wait3A_262 = tpu.memref_slice %arg7[%add3A, %dma_wait3A_261] : memref<10240x64xf32, #tpu.memory_space<vmem_shared>> -> memref<80x64xf32, #tpu.memory_space<vmem_shared>>
        %dma_wait3A_263 = arith.constant 0 : i32
        %dma_wait3A_264 = tpu.memref_slice %arg7[%add3A, %dma_wait3A_263] : memref<10240x64xf32, #tpu.memory_space<vmem_shared>> -> memref<80x64xf32, #tpu.memory_space<vmem_shared>>
        tpu.wait_dma2 semaphore(%run_scoped3A : memref<!tpu.dma_semaphore, #tpu.memory_space<semaphore_mem>>) src(%dma_wait3A_264 : memref<80x64xf32, #tpu.memory_space<vmem_shared>>) dst(%arg15 : memref<80x64xf32, #tpu.memory_space<vmem>>)
        tpu.yield
      }) : () -> ()
      "tpu.region"() ({
        %run_scoped3A = tpu.sem_alloc : memref<!tpu.dma_semaphore, #tpu.memory_space<semaphore_mem>>
        %dma_start3A = arith.constant 0 : i32
        %dma_start3A_258 = tpu.memref_slice %arg5[%arg0, %add3A, %dma_start3A] : memref<2x10000x64xf32, #tpu.memory_space<hbm>> -> memref<1x80x64xf32, #tpu.memory_space<hbm>>
        %dma_start3A_259 = tpu.memref_squeeze %dma_start3A_258 : memref<1x80x64xf32, #tpu.memory_space<hbm>> -> memref<80x64xf32, #tpu.memory_space<hbm>>
        %dma_start3A_260 = arith.constant 0 : i32
        %dma_start3A_261 = tpu.memref_slice %arg5[%arg0, %add3A, %dma_start3A_260] : memref<2x10000x64xf32, #tpu.memory_space<hbm>> -> memref<1x80x64xf32, #tpu.memory_space<hbm>>
        %dma_start3A_262 = tpu.memref_squeeze %dma_start3A_261 : memref<1x80x64xf32, #tpu.memory_space<hbm>> -> memref<80x64xf32, #tpu.memory_space<hbm>>
        tpu.enqueue_dma source(%dma_start3A_262 : memref<80x64xf32, #tpu.memory_space<hbm>>) target(%arg16 : memref<80x64xf32, #tpu.memory_space<vmem>>) target_semaphore(%run_scoped3A : memref<!tpu.dma_semaphore, #tpu.memory_space<semaphore_mem>>)
        %dma_wait3A_263 = arith.constant 0 : i32
        %dma_wait3A_264 = tpu.memref_slice %arg5[%arg0, %add3A, %dma_wait3A_263] : memref<2x10000x64xf32, #tpu.memory_space<hbm>> -> memref<1x80x64xf32, #tpu.memory_space<hbm>>
        %dma_wait3A_265 = tpu.memref_squeeze %dma_wait3A_264 : memref<1x80x64xf32, #tpu.memory_space<hbm>> -> memref<80x64xf32, #tpu.memory_space<hbm>>
        %dma_wait3A_266 = arith.constant 0 : i32
        %dma_wait3A_267 = tpu.memref_slice %arg5[%arg0, %add3A, %dma_wait3A_266] : memref<2x10000x64xf32, #tpu.memory_space<hbm>> -> memref<1x80x64xf32, #tpu.memory_space<hbm>>
        %dma_wait3A_268 = tpu.memref_squeeze %dma_wait3A_267 : memref<1x80x64xf32, #tpu.memory_space<hbm>> -> memref<80x64xf32, #tpu.memory_space<hbm>>
        tpu.wait_dma2 semaphore(%run_scoped3A : memref<!tpu.dma_semaphore, #tpu.memory_space<semaphore_mem>>) src(%dma_wait3A_268 : memref<80x64xf32, #tpu.memory_space<hbm>>) dst(%arg16 : memref<80x64xf32, #tpu.memory_space<vmem>>)
        tpu.yield
      }) : () -> ()
      %scan3A_243 = arith.constant 0 : i32
      %scan3A_244 = arith.constant 0 : i32
      %scan3A_245 = arith.constant 80 : i32
      %scan3A_246 = arith.addi %scan3A_244, %scan3A_245 : i32
      %scan3A_247 = arith.constant 1 : i32
      %scan3A_248 = scf.for %scan3A_258 = %scan3A_244 to %scan3A_246 step %scan3A_247 iter_args(%scan3A_259 = %scan3A_243) -> (i32)  : i32 {
        %mul3A_260 = arith.constant 80 : i32
        %mul3A_261 = arith.muli %while3A_239, %mul3A_260 : i32
        %add3A_262 = arith.addi %mul3A_261, %scan3A_258 : i32
        %get3A = arith.index_cast %scan3A_258 : i32 to index
        %get3A_263 = arith.constant 0 : index
        %get3A_264 = tpu.vector_load %arg15[%get3A, %get3A_263] {strides = array<i32>} : memref<80x64xf32, #tpu.memory_space<vmem>>, vector<16xf32>,
        %broadcast_in_dim3A = vector.broadcast %add3A_262 : i32 to vector<16xi32>
        %gather3A = tpu.vector_load_idx %arg19[%broadcast_in_dim3A] : memref<640xf32, #tpu.memory_space<vmem>>[vector<16xi32>], vector<16xf32>,
        %get3A_265 = arith.index_cast %scan3A_258 : i32 to index
        %get3A_266 = arith.constant 0 : index
        %get3A_267 = tpu.vector_load %arg16[%get3A_265, %get3A_266] {strides = array<i32>} : memref<80x64xf32, #tpu.memory_space<vmem>>, vector<16xf32>,
        %add3A_268 = arith.addf %get3A_267, %get3A_264 : vector<16xf32>
        %swap3A = arith.index_cast %scan3A_258 : i32 to index
        %swap3A_269 = arith.constant 0 : index
        %swap3A_270 = tpu.vector_load %arg16[%swap3A, %swap3A_269] {strides = array<i32>} : memref<80x64xf32, #tpu.memory_space<vmem>>, vector<16xf32>,
        tpu.vector_store %arg16[%swap3A, %swap3A_269], %add3A_268 {strides = array<i32>} : memref<80x64xf32, #tpu.memory_space<vmem>>, vector<16xf32>,
        %mul3A_271 = arith.mulf %gather3A, %get3A_264 : vector<16xf32>
        %swap3A_272 = arith.index_cast %scan3A_258 : i32 to index
        %swap3A_273 = arith.constant 0 : index
        %swap3A_274 = tpu.vector_load %arg17[%swap3A_272, %swap3A_273] {strides = array<i32>} : memref<80x64xf32, #tpu.memory_space<vmem>>, vector<16xf32>,
        tpu.vector_store %arg17[%swap3A_272, %swap3A_273], %mul3A_271 {strides = array<i32>} : memref<80x64xf32, #tpu.memory_space<vmem>>, vector<16xf32>,
        %get3A_275 = arith.index_cast %scan3A_258 : i32 to index
        %get3A_276 = arith.constant 16 : index
        %get3A_277 = tpu.vector_load %arg15[%get3A_275, %get3A_276] {strides = array<i32>} : memref<80x64xf32, #tpu.memory_space<vmem>>, vector<16xf32>,
        %broadcast_in_dim3A_278 = vector.broadcast %add3A_262 : i32 to vector<16xi32>
        %gather3A_279 = tpu.vector_load_idx %arg19[%broadcast_in_dim3A_278] : memref<640xf32, #tpu.memory_space<vmem>>[vector<16xi32>], vector<16xf32>,
        %get3A_280 = arith.index_cast %scan3A_258 : i32 to index
        %get3A_281 = arith.constant 16 : index
        %get3A_282 = tpu.vector_load %arg16[%get3A_280, %get3A_281] {strides = array<i32>} : memref<80x64xf32, #tpu.memory_space<vmem>>, vector<16xf32>,
        %add3A_283 = arith.addf %get3A_282, %get3A_277 : vector<16xf32>
        %swap3A_284 = arith.index_cast %scan3A_258 : i32 to index
        %swap3A_285 = arith.constant 16 : index
        %swap3A_286 = tpu.vector_load %arg16[%swap3A_284, %swap3A_285] {strides = array<i32>} : memref<80x64xf32, #tpu.memory_space<vmem>>, vector<16xf32>,
        tpu.vector_store %arg16[%swap3A_284, %swap3A_285], %add3A_283 {strides = array<i32>} : memref<80x64xf32, #tpu.memory_space<vmem>>, vector<16xf32>,
        %mul3A_287 = arith.mulf %gather3A_279, %get3A_277 : vector<16xf32>
        %swap3A_288 = arith.index_cast %scan3A_258 : i32 to index
        %swap3A_289 = arith.constant 16 : index
        %swap3A_290 = tpu.vector_load %arg17[%swap3A_288, %swap3A_289] {strides = array<i32>} : memref<80x64xf32, #tpu.memory_space<vmem>>, vector<16xf32>,
        tpu.vector_store %arg17[%swap3A_288, %swap3A_289], %mul3A_287 {strides = array<i32>} : memref<80x64xf32, #tpu.memory_space<vmem>>, vector<16xf32>,
        %get3A_291 = arith.index_cast %scan3A_258 : i32 to index
        %get3A_292 = arith.constant 32 : index
        %get3A_293 = tpu.vector_load %arg15[%get3A_291, %get3A_292] {strides = array<i32>} : memref<80x64xf32, #tpu.memory_space<vmem>>, vector<16xf32>,
        %broadcast_in_dim3A_294 = vector.broadcast %add3A_262 : i32 to vector<16xi32>
        %gather3A_295 = tpu.vector_load_idx %arg19[%broadcast_in_dim3A_294] : memref<640xf32, #tpu.memory_space<vmem>>[vector<16xi32>], vector<16xf32>,
        %get3A_296 = arith.index_cast %scan3A_258 : i32 to index
        %get3A_297 = arith.constant 32 : index
        %get3A_298 = tpu.vector_load %arg16[%get3A_296, %get3A_297] {strides = array<i32>} : memref<80x64xf32, #tpu.memory_space<vmem>>, vector<16xf32>,
        %add3A_299 = arith.addf %get3A_298, %get3A_293 : vector<16xf32>
        %swap3A_300 = arith.index_cast %scan3A_258 : i32 to index
        %swap3A_301 = arith.constant 32 : index
        %swap3A_302 = tpu.vector_load %arg16[%swap3A_300, %swap3A_301] {strides = array<i32>} : memref<80x64xf32, #tpu.memory_space<vmem>>, vector<16xf32>,
        tpu.vector_store %arg16[%swap3A_300, %swap3A_301], %add3A_299 {strides = array<i32>} : memref<80x64xf32, #tpu.memory_space<vmem>>, vector<16xf32>,
        %mul3A_303 = arith.mulf %gather3A_295, %get3A_293 : vector<16xf32>
        %swap3A_304 = arith.index_cast %scan3A_258 : i32 to index
        %swap3A_305 = arith.constant 32 : index
        %swap3A_306 = tpu.vector_load %arg17[%swap3A_304, %swap3A_305] {strides = array<i32>} : memref<80x64xf32, #tpu.memory_space<vmem>>, vector<16xf32>,
        tpu.vector_store %arg17[%swap3A_304, %swap3A_305], %mul3A_303 {strides = array<i32>} : memref<80x64xf32, #tpu.memory_space<vmem>>, vector<16xf32>,
        %get3A_307 = arith.index_cast %scan3A_258 : i32 to index
        %get3A_308 = arith.constant 48 : index
        %get3A_309 = tpu.vector_load %arg15[%get3A_307, %get3A_308] {strides = array<i32>} : memref<80x64xf32, #tpu.memory_space<vmem>>, vector<16xf32>,
        %broadcast_in_dim3A_310 = vector.broadcast %add3A_262 : i32 to vector<16xi32>
        %gather3A_311 = tpu.vector_load_idx %arg19[%broadcast_in_dim3A_310] : memref<640xf32, #tpu.memory_space<vmem>>[vector<16xi32>], vector<16xf32>,
        %get3A_312 = arith.index_cast %scan3A_258 : i32 to index
        %get3A_313 = arith.constant 48 : index
        %get3A_314 = tpu.vector_load %arg16[%get3A_312, %get3A_313] {strides = array<i32>} : memref<80x64xf32, #tpu.memory_space<vmem>>, vector<16xf32>,
        %add3A_315 = arith.addf %get3A_314, %get3A_309 : vector<16xf32>
        %swap3A_316 = arith.index_cast %scan3A_258 : i32 to index
        %swap3A_317 = arith.constant 48 : index
        %swap3A_318 = tpu.vector_load %arg16[%swap3A_316, %swap3A_317] {strides = array<i32>} : memref<80x64xf32, #tpu.memory_space<vmem>>, vector<16xf32>,
        tpu.vector_store %arg16[%swap3A_316, %swap3A_317], %add3A_315 {strides = array<i32>} : memref<80x64xf32, #tpu.memory_space<vmem>>, vector<16xf32>,
        %mul3A_319 = arith.mulf %gather3A_311, %get3A_309 : vector<16xf32>
        %swap3A_320 = arith.index_cast %scan3A_258 : i32 to index
        %swap3A_321 = arith.constant 48 : index
        %swap3A_322 = tpu.vector_load %arg17[%swap3A_320, %swap3A_321] {strides = array<i32>} : memref<80x64xf32, #tpu.memory_space<vmem>>, vector<16xf32>,
        tpu.vector_store %arg17[%swap3A_320, %swap3A_321], %mul3A_319 {strides = array<i32>} : memref<80x64xf32, #tpu.memory_space<vmem>>, vector<16xf32>,
        %scan3A_323 = arith.constant 0 : i32
        scf.yield %scan3A_323 : i32
      }
      %scan3A_249 = arith.constant 80 : i32
      "tpu.region"() ({
        %run_scoped3A = tpu.sem_alloc : memref<!tpu.dma_semaphore, #tpu.memory_space<semaphore_mem>>
        %dma_start3A = arith.constant 0 : i32
        %dma_start3A_258 = tpu.memref_slice %arg5[%arg0, %add3A, %dma_start3A] : memref<2x10000x64xf32, #tpu.memory_space<hbm>> -> memref<1x80x64xf32, #tpu.memory_space<hbm>>
        %dma_start3A_259 = tpu.memref_squeeze %dma_start3A_258 : memref<1x80x64xf32, #tpu.memory_space<hbm>> -> memref<80x64xf32, #tpu.memory_space<hbm>>
        %dma_start3A_260 = arith.constant 0 : i32
        %dma_start3A_261 = tpu.memref_slice %arg5[%arg0, %add3A, %dma_start3A_260] : memref<2x10000x64xf32, #tpu.memory_space<hbm>> -> memref<1x80x64xf32, #tpu.memory_space<hbm>>
        %dma_start3A_262 = tpu.memref_squeeze %dma_start3A_261 : memref<1x80x64xf32, #tpu.memory_space<hbm>> -> memref<80x64xf32, #tpu.memory_space<hbm>>
        tpu.enqueue_dma source(%arg16 : memref<80x64xf32, #tpu.memory_space<vmem>>) target(%dma_start3A_262 : memref<80x64xf32, #tpu.memory_space<hbm>>) target_semaphore(%run_scoped3A : memref<!tpu.dma_semaphore, #tpu.memory_space<semaphore_mem>>)
        %dma_wait3A_263 = arith.constant 0 : i32
        %dma_wait3A_264 = tpu.memref_slice %arg5[%arg0, %add3A, %dma_wait3A_263] : memref<2x10000x64xf32, #tpu.memory_space<hbm>> -> memref<1x80x64xf32, #tpu.memory_space<hbm>>
        %dma_wait3A_265 = tpu.memref_squeeze %dma_wait3A_264 : memref<1x80x64xf32, #tpu.memory_space<hbm>> -> memref<80x64xf32, #tpu.memory_space<hbm>>
        %dma_wait3A_266 = arith.constant 0 : i32
        %dma_wait3A_267 = tpu.memref_slice %arg5[%arg0, %add3A, %dma_wait3A_266] : memref<2x10000x64xf32, #tpu.memory_space<hbm>> -> memref<1x80x64xf32, #tpu.memory_space<hbm>>
        %dma_wait3A_268 = tpu.memref_squeeze %dma_wait3A_267 : memref<1x80x64xf32, #tpu.memory_space<hbm>> -> memref<80x64xf32, #tpu.memory_space<hbm>>
        tpu.wait_dma2 semaphore(%run_scoped3A : memref<!tpu.dma_semaphore, #tpu.memory_space<semaphore_mem>>) src(%arg16 : memref<80x64xf32, #tpu.memory_space<vmem>>) dst(%dma_wait3A_268 : memref<80x64xf32, #tpu.memory_space<hbm>>)
        tpu.yield
      }) : () -> ()
      "tpu.region"() ({
        %run_scoped3A = tpu.sem_alloc : memref<!tpu.dma_semaphore, #tpu.memory_space<semaphore_mem>>
        %dma_start3A = arith.constant 0 : i32
        %dma_start3A_258 = tpu.memref_slice %arg6[%add3A, %dma_start3A] : memref<10240x64xf32, #tpu.memory_space<vmem_shared>> -> memref<80x64xf32, #tpu.memory_space<vmem_shared>>
        %dma_start3A_259 = arith.constant 0 : i32
        %dma_start3A_260 = tpu.memref_slice %arg6[%add3A, %dma_start3A_259] : memref<10240x64xf32, #tpu.memory_space<vmem_shared>> -> memref<80x64xf32, #tpu.memory_space<vmem_shared>>
        tpu.enqueue_dma source(%arg17 : memref<80x64xf32, #tpu.memory_space<vmem>>) target(%dma_start3A_260 : memref<80x64xf32, #tpu.memory_space<vmem_shared>>) target_semaphore(%run_scoped3A : memref<!tpu.dma_semaphore, #tpu.memory_space<semaphore_mem>>)
        %dma_wait3A_261 = arith.constant 0 : i32
        %dma_wait3A_262 = tpu.memref_slice %arg6[%add3A, %dma_wait3A_261] : memref<10240x64xf32, #tpu.memory_space<vmem_shared>> -> memref<80x64xf32, #tpu.memory_space<vmem_shared>>
        %dma_wait3A_263 = arith.constant 0 : i32
        %dma_wait3A_264 = tpu.memref_slice %arg6[%add3A, %dma_wait3A_263] : memref<10240x64xf32, #tpu.memory_space<vmem_shared>> -> memref<80x64xf32, #tpu.memory_space<vmem_shared>>
        tpu.wait_dma2 semaphore(%run_scoped3A : memref<!tpu.dma_semaphore, #tpu.memory_space<semaphore_mem>>) src(%arg17 : memref<80x64xf32, #tpu.memory_space<vmem>>) dst(%dma_wait3A_264 : memref<80x64xf32, #tpu.memory_space<vmem_shared>>)
        tpu.yield
      }) : () -> ()
      %scan3A_250 = arith.constant 0 : i32
      %scan3A_251 = arith.constant 0 : i32
      %scan3A_252 = arith.constant 80 : i32
      %scan3A_253 = arith.addi %scan3A_251, %scan3A_252 : i32
      %scan3A_254 = arith.constant 1 : i32
      %scan3A_255 = scf.for %scan3A_258 = %scan3A_251 to %scan3A_253 step %scan3A_254 iter_args(%scan3A_259 = %scan3A_250) -> (i32)  : i32 {
        %broadcast_in_dim3A = arith.constant 0.000000e+00 : f32
        %broadcast_in_dim3A_260 = vector.broadcast %broadcast_in_dim3A : f32 to vector<16xf32>
        %swap3A = arith.index_cast %scan3A_258 : i32 to index
        %swap3A_261 = arith.constant 0 : index
        %swap3A_262 = tpu.vector_load %arg17[%swap3A, %swap3A_261] {strides = array<i32>} : memref<80x64xf32, #tpu.memory_space<vmem>>, vector<16xf32>,
        tpu.vector_store %arg17[%swap3A, %swap3A_261], %broadcast_in_dim3A_260 {strides = array<i32>} : memref<80x64xf32, #tpu.memory_space<vmem>>, vector<16xf32>,
        %broadcast_in_dim3A_263 = arith.constant 0.000000e+00 : f32
        %broadcast_in_dim3A_264 = vector.broadcast %broadcast_in_dim3A_263 : f32 to vector<16xf32>
        %swap3A_265 = arith.index_cast %scan3A_258 : i32 to index
        %swap3A_266 = arith.constant 16 : index
        %swap3A_267 = tpu.vector_load %arg17[%swap3A_265, %swap3A_266] {strides = array<i32>} : memref<80x64xf32, #tpu.memory_space<vmem>>, vector<16xf32>,
        tpu.vector_store %arg17[%swap3A_265, %swap3A_266], %broadcast_in_dim3A_264 {strides = array<i32>} : memref<80x64xf32, #tpu.memory_space<vmem>>, vector<16xf32>,
        %broadcast_in_dim3A_268 = arith.constant 0.000000e+00 : f32
        %broadcast_in_dim3A_269 = vector.broadcast %broadcast_in_dim3A_268 : f32 to vector<16xf32>
        %swap3A_270 = arith.index_cast %scan3A_258 : i32 to index
        %swap3A_271 = arith.constant 32 : index
        %swap3A_272 = tpu.vector_load %arg17[%swap3A_270, %swap3A_271] {strides = array<i32>} : memref<80x64xf32, #tpu.memory_space<vmem>>, vector<16xf32>,
        tpu.vector_store %arg17[%swap3A_270, %swap3A_271], %broadcast_in_dim3A_269 {strides = array<i32>} : memref<80x64xf32, #tpu.memory_space<vmem>>, vector<16xf32>,
        %broadcast_in_dim3A_273 = arith.constant 0.000000e+00 : f32
        %broadcast_in_dim3A_274 = vector.broadcast %broadcast_in_dim3A_273 : f32 to vector<16xf32>
        %swap3A_275 = arith.index_cast %scan3A_258 : i32 to index
        %swap3A_276 = arith.constant 48 : index
        %swap3A_277 = tpu.vector_load %arg17[%swap3A_275, %swap3A_276] {strides = array<i32>} : memref<80x64xf32, #tpu.memory_space<vmem>>, vector<16xf32>,
        tpu.vector_store %arg17[%swap3A_275, %swap3A_276], %broadcast_in_dim3A_274 {strides = array<i32>} : memref<80x64xf32, #tpu.memory_space<vmem>>, vector<16xf32>,
        %scan3A_278 = arith.constant 0 : i32
        scf.yield %scan3A_278 : i32
      }
      %scan3A_256 = arith.constant 80 : i32
      "tpu.region"() ({
        %run_scoped3A = tpu.sem_alloc : memref<!tpu.dma_semaphore, #tpu.memory_space<semaphore_mem>>
        %dma_start3A = arith.constant 0 : i32
        %dma_start3A_258 = tpu.memref_slice %arg7[%add3A, %dma_start3A] : memref<10240x64xf32, #tpu.memory_space<vmem_shared>> -> memref<80x64xf32, #tpu.memory_space<vmem_shared>>
        %dma_start3A_259 = arith.constant 0 : i32
        %dma_start3A_260 = tpu.memref_slice %arg7[%add3A, %dma_start3A_259] : memref<10240x64xf32, #tpu.memory_space<vmem_shared>> -> memref<80x64xf32, #tpu.memory_space<vmem_shared>>
        tpu.enqueue_dma source(%arg17 : memref<80x64xf32, #tpu.memory_space<vmem>>) target(%dma_start3A_260 : memref<80x64xf32, #tpu.memory_space<vmem_shared>>) target_semaphore(%run_scoped3A : memref<!tpu.dma_semaphore, #tpu.memory_space<semaphore_mem>>)
        %dma_wait3A_261 = arith.constant 0 : i32
        %dma_wait3A_262 = tpu.memref_slice %arg7[%add3A, %dma_wait3A_261] : memref<10240x64xf32, #tpu.memory_space<vmem_shared>> -> memref<80x64xf32, #tpu.memory_space<vmem_shared>>
        %dma_wait3A_263 = arith.constant 0 : i32
        %dma_wait3A_264 = tpu.memref_slice %arg7[%add3A, %dma_wait3A_263] : memref<10240x64xf32, #tpu.memory_space<vmem_shared>> -> memref<80x64xf32, #tpu.memory_space<vmem_shared>>
        tpu.wait_dma2 semaphore(%run_scoped3A : memref<!tpu.dma_semaphore, #tpu.memory_space<semaphore_mem>>) src(%arg17 : memref<80x64xf32, #tpu.memory_space<vmem>>) dst(%dma_wait3A_264 : memref<80x64xf32, #tpu.memory_space<vmem_shared>>)
        tpu.yield
      }) : () -> ()
      %while3A_257 = arith.constant 0 : i32
      scf.yield %while3A_257 : i32
    }
    %barrier3A_190 = arith.constant 0 : index
    tpu.barrier barrier_id(%barrier3A_190)
    %scan3A_191 = arith.constant 0 : i32
    %scan3A_192 = arith.constant 0 : i32
    %scan3A_193 = arith.constant 10 : i32
    %scan3A_194 = arith.addi %scan3A_192, %scan3A_193 : i32
    %scan3A_195 = arith.constant 1 : i32
    %scan3A_196 = scf.for %scan3A_239 = %scan3A_192 to %scan3A_194 step %scan3A_195 iter_args(%scan3A_240 = %scan3A_191) -> (i32)  : i32 {
      %mul3A_241 = arith.constant 32 : i32
      %mul3A_242 = arith.muli %scan3A_239, %mul3A_241 : i32
      "tpu.region"() ({
        %run_scoped3A = tpu.sem_alloc : memref<!tpu.dma_semaphore, #tpu.memory_space<semaphore_mem>>
        %dma_start3A = arith.constant 0 : i32
        %dma_start3A_253 = tpu.memref_slice %arg2[%arg1, %mul3A_242, %dma_start3A] : memref<16x320x64xi32, #tpu.memory_space<hbm>> -> memref<1x32x64xi32, #tpu.memory_space<hbm>>
        %dma_start3A_254 = tpu.memref_squeeze %dma_start3A_253 : memref<1x32x64xi32, #tpu.memory_space<hbm>> -> memref<32x64xi32, #tpu.memory_space<hbm>>
        %dma_start3A_255 = arith.constant 0 : i32
        %dma_start3A_256 = tpu.memref_slice %arg2[%arg1, %mul3A_242, %dma_start3A_255] : memref<16x320x64xi32, #tpu.memory_space<hbm>> -> memref<1x32x64xi32, #tpu.memory_space<hbm>>
        %dma_start3A_257 = tpu.memref_squeeze %dma_start3A_256 : memref<1x32x64xi32, #tpu.memory_space<hbm>> -> memref<32x64xi32, #tpu.memory_space<hbm>>
        tpu.enqueue_dma source(%dma_start3A_257 : memref<32x64xi32, #tpu.memory_space<hbm>>) target(%arg9 : memref<32x64xi32, #tpu.memory_space<vmem>>) target_semaphore(%run_scoped3A : memref<!tpu.dma_semaphore, #tpu.memory_space<semaphore_mem>>)
        %dma_wait3A_258 = arith.constant 0 : i32
        %dma_wait3A_259 = tpu.memref_slice %arg2[%arg1, %mul3A_242, %dma_wait3A_258] : memref<16x320x64xi32, #tpu.memory_space<hbm>> -> memref<1x32x64xi32, #tpu.memory_space<hbm>>
        %dma_wait3A_260 = tpu.memref_squeeze %dma_wait3A_259 : memref<1x32x64xi32, #tpu.memory_space<hbm>> -> memref<32x64xi32, #tpu.memory_space<hbm>>
        %dma_wait3A_261 = arith.constant 0 : i32
        %dma_wait3A_262 = tpu.memref_slice %arg2[%arg1, %mul3A_242, %dma_wait3A_261] : memref<16x320x64xi32, #tpu.memory_space<hbm>> -> memref<1x32x64xi32, #tpu.memory_space<hbm>>
        %dma_wait3A_263 = tpu.memref_squeeze %dma_wait3A_262 : memref<1x32x64xi32, #tpu.memory_space<hbm>> -> memref<32x64xi32, #tpu.memory_space<hbm>>
        tpu.wait_dma2 semaphore(%run_scoped3A : memref<!tpu.dma_semaphore, #tpu.memory_space<semaphore_mem>>) src(%dma_wait3A_263 : memref<32x64xi32, #tpu.memory_space<hbm>>) dst(%arg9 : memref<32x64xi32, #tpu.memory_space<vmem>>)
        tpu.yield
      }) : () -> ()
      %mul3A_243 = arith.constant 32 : i32
      %mul3A_244 = arith.muli %scan3A_239, %mul3A_243 : i32
      "tpu.region"() ({
        %run_scoped3A = tpu.sem_alloc : memref<!tpu.dma_semaphore, #tpu.memory_space<semaphore_mem>>
        %dma_start3A = arith.constant 0 : i32
        %dma_start3A_253 = tpu.memref_slice %arg3[%arg1, %mul3A_244, %dma_start3A] : memref<16x320x64xi32, #tpu.memory_space<hbm>> -> memref<1x32x64xi32, #tpu.memory_space<hbm>>
        %dma_start3A_254 = tpu.memref_squeeze %dma_start3A_253 : memref<1x32x64xi32, #tpu.memory_space<hbm>> -> memref<32x64xi32, #tpu.memory_space<hbm>>
        %dma_start3A_255 = arith.constant 0 : i32
        %dma_start3A_256 = tpu.memref_slice %arg3[%arg1, %mul3A_244, %dma_start3A_255] : memref<16x320x64xi32, #tpu.memory_space<hbm>> -> memref<1x32x64xi32, #tpu.memory_space<hbm>>
        %dma_start3A_257 = tpu.memref_squeeze %dma_start3A_256 : memref<1x32x64xi32, #tpu.memory_space<hbm>> -> memref<32x64xi32, #tpu.memory_space<hbm>>
        tpu.enqueue_dma source(%dma_start3A_257 : memref<32x64xi32, #tpu.memory_space<hbm>>) target(%arg10 : memref<32x64xi32, #tpu.memory_space<vmem>>) target_semaphore(%run_scoped3A : memref<!tpu.dma_semaphore, #tpu.memory_space<semaphore_mem>>)
        %dma_wait3A_258 = arith.constant 0 : i32
        %dma_wait3A_259 = tpu.memref_slice %arg3[%arg1, %mul3A_244, %dma_wait3A_258] : memref<16x320x64xi32, #tpu.memory_space<hbm>> -> memref<1x32x64xi32, #tpu.memory_space<hbm>>
        %dma_wait3A_260 = tpu.memref_squeeze %dma_wait3A_259 : memref<1x32x64xi32, #tpu.memory_space<hbm>> -> memref<32x64xi32, #tpu.memory_space<hbm>>
        %dma_wait3A_261 = arith.constant 0 : i32
        %dma_wait3A_262 = tpu.memref_slice %arg3[%arg1, %mul3A_244, %dma_wait3A_261] : memref<16x320x64xi32, #tpu.memory_space<hbm>> -> memref<1x32x64xi32, #tpu.memory_space<hbm>>
        %dma_wait3A_263 = tpu.memref_squeeze %dma_wait3A_262 : memref<1x32x64xi32, #tpu.memory_space<hbm>> -> memref<32x64xi32, #tpu.memory_space<hbm>>
        tpu.wait_dma2 semaphore(%run_scoped3A : memref<!tpu.dma_semaphore, #tpu.memory_space<semaphore_mem>>) src(%dma_wait3A_263 : memref<32x64xi32, #tpu.memory_space<hbm>>) dst(%arg10 : memref<32x64xi32, #tpu.memory_space<vmem>>)
        tpu.yield
      }) : () -> ()
      %scan3A_245 = arith.constant 0 : i32
      %scan3A_246 = arith.constant 0 : i32
      %scan3A_247 = arith.constant 8 : i32
      %scan3A_248 = arith.addi %scan3A_246, %scan3A_247 : i32
      %scan3A_249 = arith.constant 1 : i32
      %scan3A_250 = scf.for %scan3A_253 = %scan3A_246 to %scan3A_248 step %scan3A_249 iter_args(%scan3A_254 = %scan3A_245) -> (i32)  : i32 {
        %mul3A_255 = arith.constant 8 : i32
        %mul3A_256 = arith.muli %scan3A_239, %mul3A_255 : i32
        %add3A = arith.addi %mul3A_256, %scan3A_253 : i32
        %gt3A = arith.constant 0 : i32
        %gt3A_257 = arith.cmpi sgt, %add3A, %gt3A : i32
        %convert_element_type3A = arith.extui %gt3A_257 : i1 to i32
        %cond3A = arith.constant 0 : i32
        %cond3A_258 = arith.cmpi ne, %convert_element_type3A, %cond3A : i32
        scf.if %cond3A_258 {
          %dma_wait3A_363 = arith.constant 0 : i32
          %dma_wait3A_364 = arith.constant 0 : i32
          %dma_wait3A_365 = tpu.memref_slice %arg10[%dma_wait3A_363, %dma_wait3A_364] : memref<32x64xi32, #tpu.memory_space<vmem>> -> memref<1x64xi32, #tpu.memory_space<vmem>>
          %dma_wait3A_366 = tpu.memref_squeeze %dma_wait3A_365 : memref<1x64xi32, #tpu.memory_space<vmem>> -> memref<64xi32, #tpu.memory_space<vmem>>
          %dma_wait3A_367 = arith.constant 0 : i32
          %dma_wait3A_368 = arith.constant 0 : i32
          %dma_wait3A_369 = tpu.memref_slice %arg7[%dma_wait3A_367, %dma_wait3A_368] : memref<10240x64xf32, #tpu.memory_space<vmem_shared>> -> memref<10240x64xf32, #tpu.memory_space<vmem_shared>>
          tpu.wait_indirect_dma semaphore(%arg25 : memref<!tpu.dma_semaphore, #tpu.memory_space<semaphore_mem>>) src(%arg11 : memref<64x64xf32, #tpu.memory_space<vmem>>) dst(%dma_wait3A_369 : memref<10240x64xf32, #tpu.memory_space<vmem_shared>>)
          %dma_wait3A_370 = arith.constant 1 : i32
          %dma_wait3A_371 = arith.constant 0 : i32
          %dma_wait3A_372 = tpu.memref_slice %arg10[%dma_wait3A_370, %dma_wait3A_371] : memref<32x64xi32, #tpu.memory_space<vmem>> -> memref<1x64xi32, #tpu.memory_space<vmem>>
          %dma_wait3A_373 = tpu.memref_squeeze %dma_wait3A_372 : memref<1x64xi32, #tpu.memory_space<vmem>> -> memref<64xi32, #tpu.memory_space<vmem>>
          %dma_wait3A_374 = arith.constant 0 : i32
          %dma_wait3A_375 = arith.constant 0 : i32
          %dma_wait3A_376 = tpu.memref_slice %arg7[%dma_wait3A_374, %dma_wait3A_375] : memref<10240x64xf32, #tpu.memory_space<vmem_shared>> -> memref<10240x64xf32, #tpu.memory_space<vmem_shared>>
          tpu.wait_indirect_dma semaphore(%arg26 : memref<!tpu.dma_semaphore, #tpu.memory_space<semaphore_mem>>) src(%arg12 : memref<64x64xf32, #tpu.memory_space<vmem>>) dst(%dma_wait3A_376 : memref<10240x64xf32, #tpu.memory_space<vmem_shared>>)
          %dma_wait3A_377 = arith.constant 2 : i32
          %dma_wait3A_378 = arith.constant 0 : i32
          %dma_wait3A_379 = tpu.memref_slice %arg10[%dma_wait3A_377, %dma_wait3A_378] : memref<32x64xi32, #tpu.memory_space<vmem>> -> memref<1x64xi32, #tpu.memory_space<vmem>>
          %dma_wait3A_380 = tpu.memref_squeeze %dma_wait3A_379 : memref<1x64xi32, #tpu.memory_space<vmem>> -> memref<64xi32, #tpu.memory_space<vmem>>
          %dma_wait3A_381 = arith.constant 0 : i32
          %dma_wait3A_382 = arith.constant 0 : i32
          %dma_wait3A_383 = tpu.memref_slice %arg7[%dma_wait3A_381, %dma_wait3A_382] : memref<10240x64xf32, #tpu.memory_space<vmem_shared>> -> memref<10240x64xf32, #tpu.memory_space<vmem_shared>>
          tpu.wait_indirect_dma semaphore(%arg27 : memref<!tpu.dma_semaphore, #tpu.memory_space<semaphore_mem>>) src(%arg13 : memref<64x64xf32, #tpu.memory_space<vmem>>) dst(%dma_wait3A_383 : memref<10240x64xf32, #tpu.memory_space<vmem_shared>>)
          %dma_wait3A_384 = arith.constant 3 : i32
          %dma_wait3A_385 = arith.constant 0 : i32
          %dma_wait3A_386 = tpu.memref_slice %arg10[%dma_wait3A_384, %dma_wait3A_385] : memref<32x64xi32, #tpu.memory_space<vmem>> -> memref<1x64xi32, #tpu.memory_space<vmem>>
          %dma_wait3A_387 = tpu.memref_squeeze %dma_wait3A_386 : memref<1x64xi32, #tpu.memory_space<vmem>> -> memref<64xi32, #tpu.memory_space<vmem>>
          %dma_wait3A_388 = arith.constant 0 : i32
          %dma_wait3A_389 = arith.constant 0 : i32
          %dma_wait3A_390 = tpu.memref_slice %arg7[%dma_wait3A_388, %dma_wait3A_389] : memref<10240x64xf32, #tpu.memory_space<vmem_shared>> -> memref<10240x64xf32, #tpu.memory_space<vmem_shared>>
          tpu.wait_indirect_dma semaphore(%arg28 : memref<!tpu.dma_semaphore, #tpu.memory_space<semaphore_mem>>) src(%arg14 : memref<64x64xf32, #tpu.memory_space<vmem>>) dst(%dma_wait3A_390 : memref<10240x64xf32, #tpu.memory_space<vmem_shared>>)
        } else {
        }
        %mul3A_259 = arith.constant 4 : i32
        %mul3A_260 = arith.muli %scan3A_253, %mul3A_259 : i32
        %add3A_261 = arith.constant 0 : i32
        %add3A_262 = arith.addi %mul3A_260, %add3A_261 : i32
        %dma_start3A = arith.constant 0 : i32
        %dma_start3A_263 = tpu.memref_slice %arg9[%add3A_262, %dma_start3A] : memref<32x64xi32, #tpu.memory_space<vmem>> -> memref<1x64xi32, #tpu.memory_space<vmem>>
        %dma_start3A_264 = tpu.memref_squeeze %dma_start3A_263 : memref<1x64xi32, #tpu.memory_space<vmem>> -> memref<64xi32, #tpu.memory_space<vmem>>
        %dma_start3A_265 = arith.constant 0 : i32
        %dma_start3A_266 = arith.constant 0 : i32
        %dma_start3A_267 = tpu.memref_slice %arg6[%dma_start3A_265, %dma_start3A_266] : memref<10240x64xf32, #tpu.memory_space<vmem_shared>> -> memref<10240x64xf32, #tpu.memory_space<vmem_shared>>
        tpu.enqueue_indirect_dma source(%dma_start3A_267 : memref<10240x64xf32, #tpu.memory_space<vmem_shared>>) target(%arg11 : memref<64x64xf32, #tpu.memory_space<vmem>>) offsets(%dma_start3A_264 : memref<64xi32, #tpu.memory_space<vmem>>) semaphore(%arg21 : memref<!tpu.dma_semaphore, #tpu.memory_space<semaphore_mem>>)
        %mul3A_268 = arith.constant 4 : i32
        %mul3A_269 = arith.muli %scan3A_253, %mul3A_268 : i32
        %add3A_270 = arith.constant 1 : i32
        %add3A_271 = arith.addi %mul3A_269, %add3A_270 : i32
        %dma_start3A_272 = arith.constant 0 : i32
        %dma_start3A_273 = tpu.memref_slice %arg9[%add3A_271, %dma_start3A_272] : memref<32x64xi32, #tpu.memory_space<vmem>> -> memref<1x64xi32, #tpu.memory_space<vmem>>
        %dma_start3A_274 = tpu.memref_squeeze %dma_start3A_273 : memref<1x64xi32, #tpu.memory_space<vmem>> -> memref<64xi32, #tpu.memory_space<vmem>>
        %dma_start3A_275 = arith.constant 0 : i32
        %dma_start3A_276 = arith.constant 0 : i32
        %dma_start3A_277 = tpu.memref_slice %arg6[%dma_start3A_275, %dma_start3A_276] : memref<10240x64xf32, #tpu.memory_space<vmem_shared>> -> memref<10240x64xf32, #tpu.memory_space<vmem_shared>>
        tpu.enqueue_indirect_dma source(%dma_start3A_277 : memref<10240x64xf32, #tpu.memory_space<vmem_shared>>) target(%arg12 : memref<64x64xf32, #tpu.memory_space<vmem>>) offsets(%dma_start3A_274 : memref<64xi32, #tpu.memory_space<vmem>>) semaphore(%arg22 : memref<!tpu.dma_semaphore, #tpu.memory_space<semaphore_mem>>)
        %mul3A_278 = arith.constant 4 : i32
        %mul3A_279 = arith.muli %scan3A_253, %mul3A_278 : i32
        %add3A_280 = arith.constant 2 : i32
        %add3A_281 = arith.addi %mul3A_279, %add3A_280 : i32
        %dma_start3A_282 = arith.constant 0 : i32
        %dma_start3A_283 = tpu.memref_slice %arg9[%add3A_281, %dma_start3A_282] : memref<32x64xi32, #tpu.memory_space<vmem>> -> memref<1x64xi32, #tpu.memory_space<vmem>>
        %dma_start3A_284 = tpu.memref_squeeze %dma_start3A_283 : memref<1x64xi32, #tpu.memory_space<vmem>> -> memref<64xi32, #tpu.memory_space<vmem>>
        %dma_start3A_285 = arith.constant 0 : i32
        %dma_start3A_286 = arith.constant 0 : i32
        %dma_start3A_287 = tpu.memref_slice %arg6[%dma_start3A_285, %dma_start3A_286] : memref<10240x64xf32, #tpu.memory_space<vmem_shared>> -> memref<10240x64xf32, #tpu.memory_space<vmem_shared>>
        tpu.enqueue_indirect_dma source(%dma_start3A_287 : memref<10240x64xf32, #tpu.memory_space<vmem_shared>>) target(%arg13 : memref<64x64xf32, #tpu.memory_space<vmem>>) offsets(%dma_start3A_284 : memref<64xi32, #tpu.memory_space<vmem>>) semaphore(%arg23 : memref<!tpu.dma_semaphore, #tpu.memory_space<semaphore_mem>>)
        %mul3A_288 = arith.constant 4 : i32
        %mul3A_289 = arith.muli %scan3A_253, %mul3A_288 : i32
        %add3A_290 = arith.constant 3 : i32
        %add3A_291 = arith.addi %mul3A_289, %add3A_290 : i32
        %dma_start3A_292 = arith.constant 0 : i32
        %dma_start3A_293 = tpu.memref_slice %arg9[%add3A_291, %dma_start3A_292] : memref<32x64xi32, #tpu.memory_space<vmem>> -> memref<1x64xi32, #tpu.memory_space<vmem>>
        %dma_start3A_294 = tpu.memref_squeeze %dma_start3A_293 : memref<1x64xi32, #tpu.memory_space<vmem>> -> memref<64xi32, #tpu.memory_space<vmem>>
        %dma_start3A_295 = arith.constant 0 : i32
        %dma_start3A_296 = arith.constant 0 : i32
        %dma_start3A_297 = tpu.memref_slice %arg6[%dma_start3A_295, %dma_start3A_296] : memref<10240x64xf32, #tpu.memory_space<vmem_shared>> -> memref<10240x64xf32, #tpu.memory_space<vmem_shared>>
        tpu.enqueue_indirect_dma source(%dma_start3A_297 : memref<10240x64xf32, #tpu.memory_space<vmem_shared>>) target(%arg14 : memref<64x64xf32, #tpu.memory_space<vmem>>) offsets(%dma_start3A_294 : memref<64xi32, #tpu.memory_space<vmem>>) semaphore(%arg24 : memref<!tpu.dma_semaphore, #tpu.memory_space<semaphore_mem>>)
        %dma_wait3A_298 = arith.constant 0 : i32
        %dma_wait3A_299 = tpu.memref_slice %arg9[%add3A_262, %dma_wait3A_298] : memref<32x64xi32, #tpu.memory_space<vmem>> -> memref<1x64xi32, #tpu.memory_space<vmem>>
        %dma_wait3A_300 = tpu.memref_squeeze %dma_wait3A_299 : memref<1x64xi32, #tpu.memory_space<vmem>> -> memref<64xi32, #tpu.memory_space<vmem>>
        %dma_wait3A_301 = arith.constant 0 : i32
        %dma_wait3A_302 = arith.constant 0 : i32
        %dma_wait3A_303 = tpu.memref_slice %arg6[%dma_wait3A_301, %dma_wait3A_302] : memref<10240x64xf32, #tpu.memory_space<vmem_shared>> -> memref<10240x64xf32, #tpu.memory_space<vmem_shared>>
        tpu.wait_indirect_dma semaphore(%arg21 : memref<!tpu.dma_semaphore, #tpu.memory_space<semaphore_mem>>) src(%dma_wait3A_303 : memref<10240x64xf32, #tpu.memory_space<vmem_shared>>) dst(%arg11 : memref<64x64xf32, #tpu.memory_space<vmem>>)
        %mul3A_304 = arith.constant 4 : i32
        %mul3A_305 = arith.muli %scan3A_253, %mul3A_304 : i32
        %add3A_306 = arith.constant 0 : i32
        %add3A_307 = arith.addi %mul3A_305, %add3A_306 : i32
        %dma_start3A_308 = arith.constant 0 : i32
        %dma_start3A_309 = tpu.memref_slice %arg10[%add3A_307, %dma_start3A_308] : memref<32x64xi32, #tpu.memory_space<vmem>> -> memref<1x64xi32, #tpu.memory_space<vmem>>
        %dma_start3A_310 = tpu.memref_squeeze %dma_start3A_309 : memref<1x64xi32, #tpu.memory_space<vmem>> -> memref<64xi32, #tpu.memory_space<vmem>>
        %dma_start3A_311 = arith.constant 0 : i32
        %dma_start3A_312 = arith.constant 0 : i32
        %dma_start3A_313 = tpu.memref_slice %arg7[%dma_start3A_311, %dma_start3A_312] : memref<10240x64xf32, #tpu.memory_space<vmem_shared>> -> memref<10240x64xf32, #tpu.memory_space<vmem_shared>>
        tpu.enqueue_indirect_dma source(%arg11 : memref<64x64xf32, #tpu.memory_space<vmem>>) target(%dma_start3A_313 : memref<10240x64xf32, #tpu.memory_space<vmem_shared>>) offsets(%dma_start3A_310 : memref<64xi32, #tpu.memory_space<vmem>>) semaphore(%arg25 : memref<!tpu.dma_semaphore, #tpu.memory_space<semaphore_mem>>) {add = true}
        %dma_wait3A_314 = arith.constant 0 : i32
        %dma_wait3A_315 = tpu.memref_slice %arg9[%add3A_271, %dma_wait3A_314] : memref<32x64xi32, #tpu.memory_space<vmem>> -> memref<1x64xi32, #tpu.memory_space<vmem>>
        %dma_wait3A_316 = tpu.memref_squeeze %dma_wait3A_315 : memref<1x64xi32, #tpu.memory_space<vmem>> -> memref<64xi32, #tpu.memory_space<vmem>>
        %dma_wait3A_317 = arith.constant 0 : i32
        %dma_wait3A_318 = arith.constant 0 : i32
        %dma_wait3A_319 = tpu.memref_slice %arg6[%dma_wait3A_317, %dma_wait3A_318] : memref<10240x64xf32, #tpu.memory_space<vmem_shared>> -> memref<10240x64xf32, #tpu.memory_space<vmem_shared>>
        tpu.wait_indirect_dma semaphore(%arg22 : memref<!tpu.dma_semaphore, #tpu.memory_space<semaphore_mem>>) src(%dma_wait3A_319 : memref<10240x64xf32, #tpu.memory_space<vmem_shared>>) dst(%arg12 : memref<64x64xf32, #tpu.memory_space<vmem>>)
        %mul3A_320 = arith.constant 4 : i32
        %mul3A_321 = arith.muli %scan3A_253, %mul3A_320 : i32
        %add3A_322 = arith.constant 1 : i32
        %add3A_323 = arith.addi %mul3A_321, %add3A_322 : i32
        %dma_start3A_324 = arith.constant 0 : i32
        %dma_start3A_325 = tpu.memref_slice %arg10[%add3A_323, %dma_start3A_324] : memref<32x64xi32, #tpu.memory_space<vmem>> -> memref<1x64xi32, #tpu.memory_space<vmem>>
        %dma_start3A_326 = tpu.memref_squeeze %dma_start3A_325 : memref<1x64xi32, #tpu.memory_space<vmem>> -> memref<64xi32, #tpu.memory_space<vmem>>
        %dma_start3A_327 = arith.constant 0 : i32
        %dma_start3A_328 = arith.constant 0 : i32
        %dma_start3A_329 = tpu.memref_slice %arg7[%dma_start3A_327, %dma_start3A_328] : memref<10240x64xf32, #tpu.memory_space<vmem_shared>> -> memref<10240x64xf32, #tpu.memory_space<vmem_shared>>
        tpu.enqueue_indirect_dma source(%arg12 : memref<64x64xf32, #tpu.memory_space<vmem>>) target(%dma_start3A_329 : memref<10240x64xf32, #tpu.memory_space<vmem_shared>>) offsets(%dma_start3A_326 : memref<64xi32, #tpu.memory_space<vmem>>) semaphore(%arg26 : memref<!tpu.dma_semaphore, #tpu.memory_space<semaphore_mem>>) {add = true}
        %dma_wait3A_330 = arith.constant 0 : i32
        %dma_wait3A_331 = tpu.memref_slice %arg9[%add3A_281, %dma_wait3A_330] : memref<32x64xi32, #tpu.memory_space<vmem>> -> memref<1x64xi32, #tpu.memory_space<vmem>>
        %dma_wait3A_332 = tpu.memref_squeeze %dma_wait3A_331 : memref<1x64xi32, #tpu.memory_space<vmem>> -> memref<64xi32, #tpu.memory_space<vmem>>
        %dma_wait3A_333 = arith.constant 0 : i32
        %dma_wait3A_334 = arith.constant 0 : i32
        %dma_wait3A_335 = tpu.memref_slice %arg6[%dma_wait3A_333, %dma_wait3A_334] : memref<10240x64xf32, #tpu.memory_space<vmem_shared>> -> memref<10240x64xf32, #tpu.memory_space<vmem_shared>>
        tpu.wait_indirect_dma semaphore(%arg23 : memref<!tpu.dma_semaphore, #tpu.memory_space<semaphore_mem>>) src(%dma_wait3A_335 : memref<10240x64xf32, #tpu.memory_space<vmem_shared>>) dst(%arg13 : memref<64x64xf32, #tpu.memory_space<vmem>>)
        %mul3A_336 = arith.constant 4 : i32
        %mul3A_337 = arith.muli %scan3A_253, %mul3A_336 : i32
        %add3A_338 = arith.constant 2 : i32
        %add3A_339 = arith.addi %mul3A_337, %add3A_338 : i32
        %dma_start3A_340 = arith.constant 0 : i32
        %dma_start3A_341 = tpu.memref_slice %arg10[%add3A_339, %dma_start3A_340] : memref<32x64xi32, #tpu.memory_space<vmem>> -> memref<1x64xi32, #tpu.memory_space<vmem>>
        %dma_start3A_342 = tpu.memref_squeeze %dma_start3A_341 : memref<1x64xi32, #tpu.memory_space<vmem>> -> memref<64xi32, #tpu.memory_space<vmem>>
        %dma_start3A_343 = arith.constant 0 : i32
        %dma_start3A_344 = arith.constant 0 : i32
        %dma_start3A_345 = tpu.memref_slice %arg7[%dma_start3A_343, %dma_start3A_344] : memref<10240x64xf32, #tpu.memory_space<vmem_shared>> -> memref<10240x64xf32, #tpu.memory_space<vmem_shared>>
        tpu.enqueue_indirect_dma source(%arg13 : memref<64x64xf32, #tpu.memory_space<vmem>>) target(%dma_start3A_345 : memref<10240x64xf32, #tpu.memory_space<vmem_shared>>) offsets(%dma_start3A_342 : memref<64xi32, #tpu.memory_space<vmem>>) semaphore(%arg27 : memref<!tpu.dma_semaphore, #tpu.memory_space<semaphore_mem>>) {add = true}
        %dma_wait3A_346 = arith.constant 0 : i32
        %dma_wait3A_347 = tpu.memref_slice %arg9[%add3A_291, %dma_wait3A_346] : memref<32x64xi32, #tpu.memory_space<vmem>> -> memref<1x64xi32, #tpu.memory_space<vmem>>
        %dma_wait3A_348 = tpu.memref_squeeze %dma_wait3A_347 : memref<1x64xi32, #tpu.memory_space<vmem>> -> memref<64xi32, #tpu.memory_space<vmem>>
        %dma_wait3A_349 = arith.constant 0 : i32
        %dma_wait3A_350 = arith.constant 0 : i32
        %dma_wait3A_351 = tpu.memref_slice %arg6[%dma_wait3A_349, %dma_wait3A_350] : memref<10240x64xf32, #tpu.memory_space<vmem_shared>> -> memref<10240x64xf32, #tpu.memory_space<vmem_shared>>
        tpu.wait_indirect_dma semaphore(%arg24 : memref<!tpu.dma_semaphore, #tpu.memory_space<semaphore_mem>>) src(%dma_wait3A_351 : memref<10240x64xf32, #tpu.memory_space<vmem_shared>>) dst(%arg14 : memref<64x64xf32, #tpu.memory_space<vmem>>)
        %mul3A_352 = arith.constant 4 : i32
        %mul3A_353 = arith.muli %scan3A_253, %mul3A_352 : i32
        %add3A_354 = arith.constant 3 : i32
        %add3A_355 = arith.addi %mul3A_353, %add3A_354 : i32
        %dma_start3A_356 = arith.constant 0 : i32
        %dma_start3A_357 = tpu.memref_slice %arg10[%add3A_355, %dma_start3A_356] : memref<32x64xi32, #tpu.memory_space<vmem>> -> memref<1x64xi32, #tpu.memory_space<vmem>>
        %dma_start3A_358 = tpu.memref_squeeze %dma_start3A_357 : memref<1x64xi32, #tpu.memory_space<vmem>> -> memref<64xi32, #tpu.memory_space<vmem>>
        %dma_start3A_359 = arith.constant 0 : i32
        %dma_start3A_360 = arith.constant 0 : i32
        %dma_start3A_361 = tpu.memref_slice %arg7[%dma_start3A_359, %dma_start3A_360] : memref<10240x64xf32, #tpu.memory_space<vmem_shared>> -> memref<10240x64xf32, #tpu.memory_space<vmem_shared>>
        tpu.enqueue_indirect_dma source(%arg14 : memref<64x64xf32, #tpu.memory_space<vmem>>) target(%dma_start3A_361 : memref<10240x64xf32, #tpu.memory_space<vmem_shared>>) offsets(%dma_start3A_358 : memref<64xi32, #tpu.memory_space<vmem>>) semaphore(%arg28 : memref<!tpu.dma_semaphore, #tpu.memory_space<semaphore_mem>>) {add = true}
        %scan3A_362 = arith.constant 0 : i32
        scf.yield %scan3A_362 : i32
      }
      %scan3A_251 = arith.constant 8 : i32
      %scan3A_252 = arith.constant 0 : i32
      scf.yield %scan3A_252 : i32
    }
    %scan3A_197 = arith.constant 10 : i32
    %dma_wait3A_198 = arith.constant 0 : i32
    %dma_wait3A_199 = arith.constant 0 : i32
    %dma_wait3A_200 = tpu.memref_slice %arg10[%dma_wait3A_198, %dma_wait3A_199] : memref<32x64xi32, #tpu.memory_space<vmem>> -> memref<1x64xi32, #tpu.memory_space<vmem>>
    %dma_wait3A_201 = tpu.memref_squeeze %dma_wait3A_200 : memref<1x64xi32, #tpu.memory_space<vmem>> -> memref<64xi32, #tpu.memory_space<vmem>>
    %dma_wait3A_202 = arith.constant 0 : i32
    %dma_wait3A_203 = arith.constant 0 : i32
    %dma_wait3A_204 = tpu.memref_slice %arg7[%dma_wait3A_202, %dma_wait3A_203] : memref<10240x64xf32, #tpu.memory_space<vmem_shared>> -> memref<10240x64xf32, #tpu.memory_space<vmem_shared>>
    tpu.wait_indirect_dma semaphore(%arg25 : memref<!tpu.dma_semaphore, #tpu.memory_space<semaphore_mem>>) src(%arg11 : memref<64x64xf32, #tpu.memory_space<vmem>>) dst(%dma_wait3A_204 : memref<10240x64xf32, #tpu.memory_space<vmem_shared>>)
    %dma_wait3A_205 = arith.constant 1 : i32
    %dma_wait3A_206 = arith.constant 0 : i32
    %dma_wait3A_207 = tpu.memref_slice %arg10[%dma_wait3A_205, %dma_wait3A_206] : memref<32x64xi32, #tpu.memory_space<vmem>> -> memref<1x64xi32, #tpu.memory_space<vmem>>
    %dma_wait3A_208 = tpu.memref_squeeze %dma_wait3A_207 : memref<1x64xi32, #tpu.memory_space<vmem>> -> memref<64xi32, #tpu.memory_space<vmem>>
    %dma_wait3A_209 = arith.constant 0 : i32
    %dma_wait3A_210 = arith.constant 0 : i32
    %dma_wait3A_211 = tpu.memref_slice %arg7[%dma_wait3A_209, %dma_wait3A_210] : memref<10240x64xf32, #tpu.memory_space<vmem_shared>> -> memref<10240x64xf32, #tpu.memory_space<vmem_shared>>
    tpu.wait_indirect_dma semaphore(%arg26 : memref<!tpu.dma_semaphore, #tpu.memory_space<semaphore_mem>>) src(%arg12 : memref<64x64xf32, #tpu.memory_space<vmem>>) dst(%dma_wait3A_211 : memref<10240x64xf32, #tpu.memory_space<vmem_shared>>)
    %dma_wait3A_212 = arith.constant 2 : i32
    %dma_wait3A_213 = arith.constant 0 : i32
    %dma_wait3A_214 = tpu.memref_slice %arg10[%dma_wait3A_212, %dma_wait3A_213] : memref<32x64xi32, #tpu.memory_space<vmem>> -> memref<1x64xi32, #tpu.memory_space<vmem>>
    %dma_wait3A_215 = tpu.memref_squeeze %dma_wait3A_214 : memref<1x64xi32, #tpu.memory_space<vmem>> -> memref<64xi32, #tpu.memory_space<vmem>>
    %dma_wait3A_216 = arith.constant 0 : i32
    %dma_wait3A_217 = arith.constant 0 : i32
    %dma_wait3A_218 = tpu.memref_slice %arg7[%dma_wait3A_216, %dma_wait3A_217] : memref<10240x64xf32, #tpu.memory_space<vmem_shared>> -> memref<10240x64xf32, #tpu.memory_space<vmem_shared>>
    tpu.wait_indirect_dma semaphore(%arg27 : memref<!tpu.dma_semaphore, #tpu.memory_space<semaphore_mem>>) src(%arg13 : memref<64x64xf32, #tpu.memory_space<vmem>>) dst(%dma_wait3A_218 : memref<10240x64xf32, #tpu.memory_space<vmem_shared>>)
    %dma_wait3A_219 = arith.constant 3 : i32
    %dma_wait3A_220 = arith.constant 0 : i32
    %dma_wait3A_221 = tpu.memref_slice %arg10[%dma_wait3A_219, %dma_wait3A_220] : memref<32x64xi32, #tpu.memory_space<vmem>> -> memref<1x64xi32, #tpu.memory_space<vmem>>
    %dma_wait3A_222 = tpu.memref_squeeze %dma_wait3A_221 : memref<1x64xi32, #tpu.memory_space<vmem>> -> memref<64xi32, #tpu.memory_space<vmem>>
    %dma_wait3A_223 = arith.constant 0 : i32
    %dma_wait3A_224 = arith.constant 0 : i32
    %dma_wait3A_225 = tpu.memref_slice %arg7[%dma_wait3A_223, %dma_wait3A_224] : memref<10240x64xf32, #tpu.memory_space<vmem_shared>> -> memref<10240x64xf32, #tpu.memory_space<vmem_shared>>
    tpu.wait_indirect_dma semaphore(%arg28 : memref<!tpu.dma_semaphore, #tpu.memory_space<semaphore_mem>>) src(%arg14 : memref<64x64xf32, #tpu.memory_space<vmem>>) dst(%dma_wait3A_225 : memref<10240x64xf32, #tpu.memory_space<vmem_shared>>)
    %barrier3A_226 = arith.constant 0 : index
    tpu.barrier barrier_id(%barrier3A_226)
    %while3A_227 = arith.constant 0 : i32
    %while3A_228 = arith.constant 0 : i32
    %while3A_229 = arith.subi %select_n3A, %while3A_227 : i32
    %while3A_230 = arith.addi %while3A_227, %while3A_229 : i32
    %while3A_231 = arith.constant 1 : i32
    %while3A_232 = arith.divsi %while3A_229, %while3A_231 : i32
    %while3A_233 = arith.muli %while3A_232, %while3A_231 : i32
    %while3A_234 = arith.addi %while3A_227, %while3A_233 : i32
    %while3A_235 = arith.constant 1 : i32
    %while3A_236 = scf.for %while3A_239 = %while3A_227 to %while3A_234 step %while3A_235 iter_args(%while3A_240 = %while3A_228) -> (i32)  : i32 {
      %mul3A_241 = arith.constant 80 : i32
      %mul3A_242 = arith.muli %while3A_239, %mul3A_241 : i32
      %add3A = arith.addi %mul3A_0, %mul3A_242 : i32
      "tpu.region"() ({
        %run_scoped3A = tpu.sem_alloc : memref<!tpu.dma_semaphore, #tpu.memory_space<semaphore_mem>>
        %dma_start3A = arith.constant 0 : i32
        %dma_start3A_251 = tpu.memref_slice %arg7[%add3A, %dma_start3A] : memref<10240x64xf32, #tpu.memory_space<vmem_shared>> -> memref<80x64xf32, #tpu.memory_space<vmem_shared>>
        %dma_start3A_252 = arith.constant 0 : i32
        %dma_start3A_253 = tpu.memref_slice %arg7[%add3A, %dma_start3A_252] : memref<10240x64xf32, #tpu.memory_space<vmem_shared>> -> memref<80x64xf32, #tpu.memory_space<vmem_shared>>
        tpu.enqueue_dma source(%dma_start3A_253 : memref<80x64xf32, #tpu.memory_space<vmem_shared>>) target(%arg15 : memref<80x64xf32, #tpu.memory_space<vmem>>) target_semaphore(%run_scoped3A : memref<!tpu.dma_semaphore, #tpu.memory_space<semaphore_mem>>)
        %dma_wait3A_254 = arith.constant 0 : i32
        %dma_wait3A_255 = tpu.memref_slice %arg7[%add3A, %dma_wait3A_254] : memref<10240x64xf32, #tpu.memory_space<vmem_shared>> -> memref<80x64xf32, #tpu.memory_space<vmem_shared>>
        %dma_wait3A_256 = arith.constant 0 : i32
        %dma_wait3A_257 = tpu.memref_slice %arg7[%add3A, %dma_wait3A_256] : memref<10240x64xf32, #tpu.memory_space<vmem_shared>> -> memref<80x64xf32, #tpu.memory_space<vmem_shared>>
        tpu.wait_dma2 semaphore(%run_scoped3A : memref<!tpu.dma_semaphore, #tpu.memory_space<semaphore_mem>>) src(%dma_wait3A_257 : memref<80x64xf32, #tpu.memory_space<vmem_shared>>) dst(%arg15 : memref<80x64xf32, #tpu.memory_space<vmem>>)
        tpu.yield
      }) : () -> ()
      "tpu.region"() ({
        %run_scoped3A = tpu.sem_alloc : memref<!tpu.dma_semaphore, #tpu.memory_space<semaphore_mem>>
        %dma_start3A = arith.constant 0 : i32
        %dma_start3A_251 = tpu.memref_slice %arg5[%arg0, %add3A, %dma_start3A] : memref<2x10000x64xf32, #tpu.memory_space<hbm>> -> memref<1x80x64xf32, #tpu.memory_space<hbm>>
        %dma_start3A_252 = tpu.memref_squeeze %dma_start3A_251 : memref<1x80x64xf32, #tpu.memory_space<hbm>> -> memref<80x64xf32, #tpu.memory_space<hbm>>
        %dma_start3A_253 = arith.constant 0 : i32
        %dma_start3A_254 = tpu.memref_slice %arg5[%arg0, %add3A, %dma_start3A_253] : memref<2x10000x64xf32, #tpu.memory_space<hbm>> -> memref<1x80x64xf32, #tpu.memory_space<hbm>>
        %dma_start3A_255 = tpu.memref_squeeze %dma_start3A_254 : memref<1x80x64xf32, #tpu.memory_space<hbm>> -> memref<80x64xf32, #tpu.memory_space<hbm>>
        tpu.enqueue_dma source(%dma_start3A_255 : memref<80x64xf32, #tpu.memory_space<hbm>>) target(%arg16 : memref<80x64xf32, #tpu.memory_space<vmem>>) target_semaphore(%run_scoped3A : memref<!tpu.dma_semaphore, #tpu.memory_space<semaphore_mem>>)
        %dma_wait3A_256 = arith.constant 0 : i32
        %dma_wait3A_257 = tpu.memref_slice %arg5[%arg0, %add3A, %dma_wait3A_256] : memref<2x10000x64xf32, #tpu.memory_space<hbm>> -> memref<1x80x64xf32, #tpu.memory_space<hbm>>
        %dma_wait3A_258 = tpu.memref_squeeze %dma_wait3A_257 : memref<1x80x64xf32, #tpu.memory_space<hbm>> -> memref<80x64xf32, #tpu.memory_space<hbm>>
        %dma_wait3A_259 = arith.constant 0 : i32
        %dma_wait3A_260 = tpu.memref_slice %arg5[%arg0, %add3A, %dma_wait3A_259] : memref<2x10000x64xf32, #tpu.memory_space<hbm>> -> memref<1x80x64xf32, #tpu.memory_space<hbm>>
        %dma_wait3A_261 = tpu.memref_squeeze %dma_wait3A_260 : memref<1x80x64xf32, #tpu.memory_space<hbm>> -> memref<80x64xf32, #tpu.memory_space<hbm>>
        tpu.wait_dma2 semaphore(%run_scoped3A : memref<!tpu.dma_semaphore, #tpu.memory_space<semaphore_mem>>) src(%dma_wait3A_261 : memref<80x64xf32, #tpu.memory_space<hbm>>) dst(%arg16 : memref<80x64xf32, #tpu.memory_space<vmem>>)
        tpu.yield
      }) : () -> ()
      "tpu.region"() ({
        %run_scoped3A = tpu.sem_alloc : memref<!tpu.dma_semaphore, #tpu.memory_space<semaphore_mem>>
        %dma_start3A = arith.constant 0 : i32
        %dma_start3A_251 = arith.constant 0 : i32
        %dma_start3A_252 = tpu.memref_slice %arg11[%dma_start3A, %dma_start3A_251] : memref<64x64xf32, #tpu.memory_space<vmem>> -> memref<80x64xf32, #tpu.memory_space<vmem>>
        %dma_start3A_253 = arith.constant 0 : i32
        %dma_start3A_254 = tpu.memref_slice %arg4[%arg0, %add3A, %dma_start3A_253] : memref<2x10000x64xf32, #tpu.memory_space<hbm>> -> memref<1x80x64xf32, #tpu.memory_space<hbm>>
        %dma_start3A_255 = tpu.memref_squeeze %dma_start3A_254 : memref<1x80x64xf32, #tpu.memory_space<hbm>> -> memref<80x64xf32, #tpu.memory_space<hbm>>
        %dma_start3A_256 = arith.constant 0 : i32
        %dma_start3A_257 = arith.constant 0 : i32
        %dma_start3A_258 = tpu.memref_slice %arg11[%dma_start3A_256, %dma_start3A_257] : memref<64x64xf32, #tpu.memory_space<vmem>> -> memref<80x64xf32, #tpu.memory_space<vmem>>
        %dma_start3A_259 = arith.constant 0 : i32
        %dma_start3A_260 = tpu.memref_slice %arg4[%arg0, %add3A, %dma_start3A_259] : memref<2x10000x64xf32, #tpu.memory_space<hbm>> -> memref<1x80x64xf32, #tpu.memory_space<hbm>>
        %dma_start3A_261 = tpu.memref_squeeze %dma_start3A_260 : memref<1x80x64xf32, #tpu.memory_space<hbm>> -> memref<80x64xf32, #tpu.memory_space<hbm>>
        tpu.enqueue_dma source(%dma_start3A_261 : memref<80x64xf32, #tpu.memory_space<hbm>>) target(%dma_start3A_258 : memref<80x64xf32, #tpu.memory_space<vmem>>) target_semaphore(%run_scoped3A : memref<!tpu.dma_semaphore, #tpu.memory_space<semaphore_mem>>)
        %dma_wait3A_262 = arith.constant 0 : i32
        %dma_wait3A_263 = arith.constant 0 : i32
        %dma_wait3A_264 = tpu.memref_slice %arg11[%dma_wait3A_262, %dma_wait3A_263] : memref<64x64xf32, #tpu.memory_space<vmem>> -> memref<80x64xf32, #tpu.memory_space<vmem>>
        %dma_wait3A_265 = arith.constant 0 : i32
        %dma_wait3A_266 = tpu.memref_slice %arg4[%arg0, %add3A, %dma_wait3A_265] : memref<2x10000x64xf32, #tpu.memory_space<hbm>> -> memref<1x80x64xf32, #tpu.memory_space<hbm>>
        %dma_wait3A_267 = tpu.memref_squeeze %dma_wait3A_266 : memref<1x80x64xf32, #tpu.memory_space<hbm>> -> memref<80x64xf32, #tpu.memory_space<hbm>>
        %dma_wait3A_268 = arith.constant 0 : i32
        %dma_wait3A_269 = arith.constant 0 : i32
        %dma_wait3A_270 = tpu.memref_slice %arg11[%dma_wait3A_268, %dma_wait3A_269] : memref<64x64xf32, #tpu.memory_space<vmem>> -> memref<80x64xf32, #tpu.memory_space<vmem>>
        %dma_wait3A_271 = arith.constant 0 : i32
        %dma_wait3A_272 = tpu.memref_slice %arg4[%arg0, %add3A, %dma_wait3A_271] : memref<2x10000x64xf32, #tpu.memory_space<hbm>> -> memref<1x80x64xf32, #tpu.memory_space<hbm>>
        %dma_wait3A_273 = tpu.memref_squeeze %dma_wait3A_272 : memref<1x80x64xf32, #tpu.memory_space<hbm>> -> memref<80x64xf32, #tpu.memory_space<hbm>>
        tpu.wait_dma2 semaphore(%run_scoped3A : memref<!tpu.dma_semaphore, #tpu.memory_space<semaphore_mem>>) src(%dma_wait3A_273 : memref<80x64xf32, #tpu.memory_space<hbm>>) dst(%dma_wait3A_270 : memref<80x64xf32, #tpu.memory_space<vmem>>)
        tpu.yield
      }) : () -> ()
      %scan3A_243 = arith.constant 0 : i32
      %scan3A_244 = arith.constant 0 : i32
      %scan3A_245 = arith.constant 80 : i32
      %scan3A_246 = arith.addi %scan3A_244, %scan3A_245 : i32
      %scan3A_247 = arith.constant 1 : i32
      %scan3A_248 = scf.for %scan3A_251 = %scan3A_244 to %scan3A_246 step %scan3A_247 iter_args(%scan3A_252 = %scan3A_243) -> (i32)  : i32 {
        %mul3A_253 = arith.constant 80 : i32
        %mul3A_254 = arith.muli %while3A_239, %mul3A_253 : i32
        %add3A_255 = arith.addi %mul3A_254, %scan3A_251 : i32
        %get3A = arith.index_cast %scan3A_251 : i32 to index
        %get3A_256 = arith.constant 0 : index
        %get3A_257 = tpu.vector_load %arg15[%get3A, %get3A_256] {strides = array<i32>} : memref<80x64xf32, #tpu.memory_space<vmem>>, vector<16xf32>,
        %broadcast_in_dim3A = vector.broadcast %add3A_255 : i32 to vector<16xi32>
        %gather3A = tpu.vector_load_idx %arg18[%broadcast_in_dim3A] : memref<640xf32, #tpu.memory_space<vmem>>[vector<16xi32>], vector<16xf32>,
        %get3A_258 = arith.index_cast %scan3A_251 : i32 to index
        %get3A_259 = arith.constant 0 : index
        %get3A_260 = tpu.vector_load %arg16[%get3A_258, %get3A_259] {strides = array<i32>} : memref<80x64xf32, #tpu.memory_space<vmem>>, vector<16xf32>,
        %add3A_261 = arith.addf %get3A_260, %get3A_257 : vector<16xf32>
        %get3A_262 = arith.index_cast %scan3A_251 : i32 to index
        %get3A_263 = arith.constant 0 : index
        %get3A_264 = tpu.vector_load %arg11[%get3A_262, %get3A_263] {strides = array<i32>} : memref<64x64xf32, #tpu.memory_space<vmem>>, vector<16xf32>,
        %mul3A_265 = arith.constant 2.500000e-01 : f32
        %mul3A_266 = vector.broadcast %mul3A_265 : f32 to vector<16xf32>
        %mul3A_267 = arith.mulf %mul3A_266, %get3A_264 : vector<16xf32>
        %mul3A_268 = arith.constant 2.500000e-01 : f32
        %mul3A_269 = vector.broadcast %mul3A_268 : f32 to vector<16xf32>
        %mul3A_270 = arith.mulf %mul3A_269, %gather3A : vector<16xf32>
        %mul3A_271 = arith.mulf %mul3A_270, %add3A_261 : vector<16xf32>
        %add3A_272 = arith.addf %mul3A_267, %mul3A_271 : vector<16xf32>
        %swap3A = arith.index_cast %scan3A_251 : i32 to index
        %swap3A_273 = arith.constant 0 : index
        %swap3A_274 = tpu.vector_load %arg17[%swap3A, %swap3A_273] {strides = array<i32>} : memref<80x64xf32, #tpu.memory_space<vmem>>, vector<16xf32>,
        tpu.vector_store %arg17[%swap3A, %swap3A_273], %add3A_272 {strides = array<i32>} : memref<80x64xf32, #tpu.memory_space<vmem>>, vector<16xf32>,
        %get3A_275 = arith.index_cast %scan3A_251 : i32 to index
        %get3A_276 = arith.constant 16 : index
        %get3A_277 = tpu.vector_load %arg15[%get3A_275, %get3A_276] {strides = array<i32>} : memref<80x64xf32, #tpu.memory_space<vmem>>, vector<16xf32>,
        %broadcast_in_dim3A_278 = vector.broadcast %add3A_255 : i32 to vector<16xi32>
        %gather3A_279 = tpu.vector_load_idx %arg18[%broadcast_in_dim3A_278] : memref<640xf32, #tpu.memory_space<vmem>>[vector<16xi32>], vector<16xf32>,
        %get3A_280 = arith.index_cast %scan3A_251 : i32 to index
        %get3A_281 = arith.constant 16 : index
        %get3A_282 = tpu.vector_load %arg16[%get3A_280, %get3A_281] {strides = array<i32>} : memref<80x64xf32, #tpu.memory_space<vmem>>, vector<16xf32>,
        %add3A_283 = arith.addf %get3A_282, %get3A_277 : vector<16xf32>
        %get3A_284 = arith.index_cast %scan3A_251 : i32 to index
        %get3A_285 = arith.constant 16 : index
        %get3A_286 = tpu.vector_load %arg11[%get3A_284, %get3A_285] {strides = array<i32>} : memref<64x64xf32, #tpu.memory_space<vmem>>, vector<16xf32>,
        %mul3A_287 = arith.constant 2.500000e-01 : f32
        %mul3A_288 = vector.broadcast %mul3A_287 : f32 to vector<16xf32>
        %mul3A_289 = arith.mulf %mul3A_288, %get3A_286 : vector<16xf32>
        %mul3A_290 = arith.constant 2.500000e-01 : f32
        %mul3A_291 = vector.broadcast %mul3A_290 : f32 to vector<16xf32>
        %mul3A_292 = arith.mulf %mul3A_291, %gather3A_279 : vector<16xf32>
        %mul3A_293 = arith.mulf %mul3A_292, %add3A_283 : vector<16xf32>
        %add3A_294 = arith.addf %mul3A_289, %mul3A_293 : vector<16xf32>
        %swap3A_295 = arith.index_cast %scan3A_251 : i32 to index
        %swap3A_296 = arith.constant 16 : index
        %swap3A_297 = tpu.vector_load %arg17[%swap3A_295, %swap3A_296] {strides = array<i32>} : memref<80x64xf32, #tpu.memory_space<vmem>>, vector<16xf32>,
        tpu.vector_store %arg17[%swap3A_295, %swap3A_296], %add3A_294 {strides = array<i32>} : memref<80x64xf32, #tpu.memory_space<vmem>>, vector<16xf32>,
        %get3A_298 = arith.index_cast %scan3A_251 : i32 to index
        %get3A_299 = arith.constant 32 : index
        %get3A_300 = tpu.vector_load %arg15[%get3A_298, %get3A_299] {strides = array<i32>} : memref<80x64xf32, #tpu.memory_space<vmem>>, vector<16xf32>,
        %broadcast_in_dim3A_301 = vector.broadcast %add3A_255 : i32 to vector<16xi32>
        %gather3A_302 = tpu.vector_load_idx %arg18[%broadcast_in_dim3A_301] : memref<640xf32, #tpu.memory_space<vmem>>[vector<16xi32>], vector<16xf32>,
        %get3A_303 = arith.index_cast %scan3A_251 : i32 to index
        %get3A_304 = arith.constant 32 : index
        %get3A_305 = tpu.vector_load %arg16[%get3A_303, %get3A_304] {strides = array<i32>} : memref<80x64xf32, #tpu.memory_space<vmem>>, vector<16xf32>,
        %add3A_306 = arith.addf %get3A_305, %get3A_300 : vector<16xf32>
        %get3A_307 = arith.index_cast %scan3A_251 : i32 to index
        %get3A_308 = arith.constant 32 : index
        %get3A_309 = tpu.vector_load %arg11[%get3A_307, %get3A_308] {strides = array<i32>} : memref<64x64xf32, #tpu.memory_space<vmem>>, vector<16xf32>,
        %mul3A_310 = arith.constant 2.500000e-01 : f32
        %mul3A_311 = vector.broadcast %mul3A_310 : f32 to vector<16xf32>
        %mul3A_312 = arith.mulf %mul3A_311, %get3A_309 : vector<16xf32>
        %mul3A_313 = arith.constant 2.500000e-01 : f32
        %mul3A_314 = vector.broadcast %mul3A_313 : f32 to vector<16xf32>
        %mul3A_315 = arith.mulf %mul3A_314, %gather3A_302 : vector<16xf32>
        %mul3A_316 = arith.mulf %mul3A_315, %add3A_306 : vector<16xf32>
        %add3A_317 = arith.addf %mul3A_312, %mul3A_316 : vector<16xf32>
        %swap3A_318 = arith.index_cast %scan3A_251 : i32 to index
        %swap3A_319 = arith.constant 32 : index
        %swap3A_320 = tpu.vector_load %arg17[%swap3A_318, %swap3A_319] {strides = array<i32>} : memref<80x64xf32, #tpu.memory_space<vmem>>, vector<16xf32>,
        tpu.vector_store %arg17[%swap3A_318, %swap3A_319], %add3A_317 {strides = array<i32>} : memref<80x64xf32, #tpu.memory_space<vmem>>, vector<16xf32>,
        %get3A_321 = arith.index_cast %scan3A_251 : i32 to index
        %get3A_322 = arith.constant 48 : index
        %get3A_323 = tpu.vector_load %arg15[%get3A_321, %get3A_322] {strides = array<i32>} : memref<80x64xf32, #tpu.memory_space<vmem>>, vector<16xf32>,
        %broadcast_in_dim3A_324 = vector.broadcast %add3A_255 : i32 to vector<16xi32>
        %gather3A_325 = tpu.vector_load_idx %arg18[%broadcast_in_dim3A_324] : memref<640xf32, #tpu.memory_space<vmem>>[vector<16xi32>], vector<16xf32>,
        %get3A_326 = arith.index_cast %scan3A_251 : i32 to index
        %get3A_327 = arith.constant 48 : index
        %get3A_328 = tpu.vector_load %arg16[%get3A_326, %get3A_327] {strides = array<i32>} : memref<80x64xf32, #tpu.memory_space<vmem>>, vector<16xf32>,
        %add3A_329 = arith.addf %get3A_328, %get3A_323 : vector<16xf32>
        %get3A_330 = arith.index_cast %scan3A_251 : i32 to index
        %get3A_331 = arith.constant 48 : index
        %get3A_332 = tpu.vector_load %arg11[%get3A_330, %get3A_331] {strides = array<i32>} : memref<64x64xf32, #tpu.memory_space<vmem>>, vector<16xf32>,
        %mul3A_333 = arith.constant 2.500000e-01 : f32
        %mul3A_334 = vector.broadcast %mul3A_333 : f32 to vector<16xf32>
        %mul3A_335 = arith.mulf %mul3A_334, %get3A_332 : vector<16xf32>
        %mul3A_336 = arith.constant 2.500000e-01 : f32
        %mul3A_337 = vector.broadcast %mul3A_336 : f32 to vector<16xf32>
        %mul3A_338 = arith.mulf %mul3A_337, %gather3A_325 : vector<16xf32>
        %mul3A_339 = arith.mulf %mul3A_338, %add3A_329 : vector<16xf32>
        %add3A_340 = arith.addf %mul3A_335, %mul3A_339 : vector<16xf32>
        %swap3A_341 = arith.index_cast %scan3A_251 : i32 to index
        %swap3A_342 = arith.constant 48 : index
        %swap3A_343 = tpu.vector_load %arg17[%swap3A_341, %swap3A_342] {strides = array<i32>} : memref<80x64xf32, #tpu.memory_space<vmem>>, vector<16xf32>,
        tpu.vector_store %arg17[%swap3A_341, %swap3A_342], %add3A_340 {strides = array<i32>} : memref<80x64xf32, #tpu.memory_space<vmem>>, vector<16xf32>,
        %scan3A_344 = arith.constant 0 : i32
        scf.yield %scan3A_344 : i32
      }
      %scan3A_249 = arith.constant 80 : i32
      "tpu.region"() ({
        %run_scoped3A = tpu.sem_alloc : memref<!tpu.dma_semaphore, #tpu.memory_space<semaphore_mem>>
        %dma_start3A = arith.constant 0 : i32
        %dma_start3A_251 = tpu.memref_slice %arg5[%arg0, %add3A, %dma_start3A] : memref<2x10000x64xf32, #tpu.memory_space<hbm>> -> memref<1x80x64xf32, #tpu.memory_space<hbm>>
        %dma_start3A_252 = tpu.memref_squeeze %dma_start3A_251 : memref<1x80x64xf32, #tpu.memory_space<hbm>> -> memref<80x64xf32, #tpu.memory_space<hbm>>
        %dma_start3A_253 = arith.constant 0 : i32
        %dma_start3A_254 = tpu.memref_slice %arg5[%arg0, %add3A, %dma_start3A_253] : memref<2x10000x64xf32, #tpu.memory_space<hbm>> -> memref<1x80x64xf32, #tpu.memory_space<hbm>>
        %dma_start3A_255 = tpu.memref_squeeze %dma_start3A_254 : memref<1x80x64xf32, #tpu.memory_space<hbm>> -> memref<80x64xf32, #tpu.memory_space<hbm>>
        tpu.enqueue_dma source(%arg17 : memref<80x64xf32, #tpu.memory_space<vmem>>) target(%dma_start3A_255 : memref<80x64xf32, #tpu.memory_space<hbm>>) target_semaphore(%run_scoped3A : memref<!tpu.dma_semaphore, #tpu.memory_space<semaphore_mem>>)
        %dma_wait3A_256 = arith.constant 0 : i32
        %dma_wait3A_257 = tpu.memref_slice %arg5[%arg0, %add3A, %dma_wait3A_256] : memref<2x10000x64xf32, #tpu.memory_space<hbm>> -> memref<1x80x64xf32, #tpu.memory_space<hbm>>
        %dma_wait3A_258 = tpu.memref_squeeze %dma_wait3A_257 : memref<1x80x64xf32, #tpu.memory_space<hbm>> -> memref<80x64xf32, #tpu.memory_space<hbm>>
        %dma_wait3A_259 = arith.constant 0 : i32
        %dma_wait3A_260 = tpu.memref_slice %arg5[%arg0, %add3A, %dma_wait3A_259] : memref<2x10000x64xf32, #tpu.memory_space<hbm>> -> memref<1x80x64xf32, #tpu.memory_space<hbm>>
        %dma_wait3A_261 = tpu.memref_squeeze %dma_wait3A_260 : memref<1x80x64xf32, #tpu.memory_space<hbm>> -> memref<80x64xf32, #tpu.memory_space<hbm>>
        tpu.wait_dma2 semaphore(%run_scoped3A : memref<!tpu.dma_semaphore, #tpu.memory_space<semaphore_mem>>) src(%arg17 : memref<80x64xf32, #tpu.memory_space<vmem>>) dst(%dma_wait3A_261 : memref<80x64xf32, #tpu.memory_space<hbm>>)
        tpu.yield
      }) : () -> ()
      %while3A_250 = arith.constant 0 : i32
      scf.yield %while3A_250 : i32
    }
    %while3A_237 = arith.constant 1 : i32
    %while3A_238 = scf.for %while3A_239 = %while3A_234 to %while3A_230 step %while3A_237 iter_args(%while3A_240 = %while3A_236) -> (i32)  : i32 {
      %mul3A_241 = arith.constant 80 : i32
      %mul3A_242 = arith.muli %while3A_239, %mul3A_241 : i32
      %add3A = arith.addi %mul3A_0, %mul3A_242 : i32
      "tpu.region"() ({
        %run_scoped3A = tpu.sem_alloc : memref<!tpu.dma_semaphore, #tpu.memory_space<semaphore_mem>>
        %dma_start3A = arith.constant 0 : i32
        %dma_start3A_251 = tpu.memref_slice %arg7[%add3A, %dma_start3A] : memref<10240x64xf32, #tpu.memory_space<vmem_shared>> -> memref<80x64xf32, #tpu.memory_space<vmem_shared>>
        %dma_start3A_252 = arith.constant 0 : i32
        %dma_start3A_253 = tpu.memref_slice %arg7[%add3A, %dma_start3A_252] : memref<10240x64xf32, #tpu.memory_space<vmem_shared>> -> memref<80x64xf32, #tpu.memory_space<vmem_shared>>
        tpu.enqueue_dma source(%dma_start3A_253 : memref<80x64xf32, #tpu.memory_space<vmem_shared>>) target(%arg15 : memref<80x64xf32, #tpu.memory_space<vmem>>) target_semaphore(%run_scoped3A : memref<!tpu.dma_semaphore, #tpu.memory_space<semaphore_mem>>)
        %dma_wait3A_254 = arith.constant 0 : i32
        %dma_wait3A_255 = tpu.memref_slice %arg7[%add3A, %dma_wait3A_254] : memref<10240x64xf32, #tpu.memory_space<vmem_shared>> -> memref<80x64xf32, #tpu.memory_space<vmem_shared>>
        %dma_wait3A_256 = arith.constant 0 : i32
        %dma_wait3A_257 = tpu.memref_slice %arg7[%add3A, %dma_wait3A_256] : memref<10240x64xf32, #tpu.memory_space<vmem_shared>> -> memref<80x64xf32, #tpu.memory_space<vmem_shared>>
        tpu.wait_dma2 semaphore(%run_scoped3A : memref<!tpu.dma_semaphore, #tpu.memory_space<semaphore_mem>>) src(%dma_wait3A_257 : memref<80x64xf32, #tpu.memory_space<vmem_shared>>) dst(%arg15 : memref<80x64xf32, #tpu.memory_space<vmem>>)
        tpu.yield
      }) : () -> ()
      "tpu.region"() ({
        %run_scoped3A = tpu.sem_alloc : memref<!tpu.dma_semaphore, #tpu.memory_space<semaphore_mem>>
        %dma_start3A = arith.constant 0 : i32
        %dma_start3A_251 = tpu.memref_slice %arg5[%arg0, %add3A, %dma_start3A] : memref<2x10000x64xf32, #tpu.memory_space<hbm>> -> memref<1x80x64xf32, #tpu.memory_space<hbm>>
        %dma_start3A_252 = tpu.memref_squeeze %dma_start3A_251 : memref<1x80x64xf32, #tpu.memory_space<hbm>> -> memref<80x64xf32, #tpu.memory_space<hbm>>
        %dma_start3A_253 = arith.constant 0 : i32
        %dma_start3A_254 = tpu.memref_slice %arg5[%arg0, %add3A, %dma_start3A_253] : memref<2x10000x64xf32, #tpu.memory_space<hbm>> -> memref<1x80x64xf32, #tpu.memory_space<hbm>>
        %dma_start3A_255 = tpu.memref_squeeze %dma_start3A_254 : memref<1x80x64xf32, #tpu.memory_space<hbm>> -> memref<80x64xf32, #tpu.memory_space<hbm>>
        tpu.enqueue_dma source(%dma_start3A_255 : memref<80x64xf32, #tpu.memory_space<hbm>>) target(%arg16 : memref<80x64xf32, #tpu.memory_space<vmem>>) target_semaphore(%run_scoped3A : memref<!tpu.dma_semaphore, #tpu.memory_space<semaphore_mem>>)
        %dma_wait3A_256 = arith.constant 0 : i32
        %dma_wait3A_257 = tpu.memref_slice %arg5[%arg0, %add3A, %dma_wait3A_256] : memref<2x10000x64xf32, #tpu.memory_space<hbm>> -> memref<1x80x64xf32, #tpu.memory_space<hbm>>
        %dma_wait3A_258 = tpu.memref_squeeze %dma_wait3A_257 : memref<1x80x64xf32, #tpu.memory_space<hbm>> -> memref<80x64xf32, #tpu.memory_space<hbm>>
        %dma_wait3A_259 = arith.constant 0 : i32
        %dma_wait3A_260 = tpu.memref_slice %arg5[%arg0, %add3A, %dma_wait3A_259] : memref<2x10000x64xf32, #tpu.memory_space<hbm>> -> memref<1x80x64xf32, #tpu.memory_space<hbm>>
        %dma_wait3A_261 = tpu.memref_squeeze %dma_wait3A_260 : memref<1x80x64xf32, #tpu.memory_space<hbm>> -> memref<80x64xf32, #tpu.memory_space<hbm>>
        tpu.wait_dma2 semaphore(%run_scoped3A : memref<!tpu.dma_semaphore, #tpu.memory_space<semaphore_mem>>) src(%dma_wait3A_261 : memref<80x64xf32, #tpu.memory_space<hbm>>) dst(%arg16 : memref<80x64xf32, #tpu.memory_space<vmem>>)
        tpu.yield
      }) : () -> ()
      "tpu.region"() ({
        %run_scoped3A = tpu.sem_alloc : memref<!tpu.dma_semaphore, #tpu.memory_space<semaphore_mem>>
        %dma_start3A = arith.constant 0 : i32
        %dma_start3A_251 = arith.constant 0 : i32
        %dma_start3A_252 = tpu.memref_slice %arg11[%dma_start3A, %dma_start3A_251] : memref<64x64xf32, #tpu.memory_space<vmem>> -> memref<80x64xf32, #tpu.memory_space<vmem>>
        %dma_start3A_253 = arith.constant 0 : i32
        %dma_start3A_254 = tpu.memref_slice %arg4[%arg0, %add3A, %dma_start3A_253] : memref<2x10000x64xf32, #tpu.memory_space<hbm>> -> memref<1x80x64xf32, #tpu.memory_space<hbm>>
        %dma_start3A_255 = tpu.memref_squeeze %dma_start3A_254 : memref<1x80x64xf32, #tpu.memory_space<hbm>> -> memref<80x64xf32, #tpu.memory_space<hbm>>
        %dma_start3A_256 = arith.constant 0 : i32
        %dma_start3A_257 = arith.constant 0 : i32
        %dma_start3A_258 = tpu.memref_slice %arg11[%dma_start3A_256, %dma_start3A_257] : memref<64x64xf32, #tpu.memory_space<vmem>> -> memref<80x64xf32, #tpu.memory_space<vmem>>
        %dma_start3A_259 = arith.constant 0 : i32
        %dma_start3A_260 = tpu.memref_slice %arg4[%arg0, %add3A, %dma_start3A_259] : memref<2x10000x64xf32, #tpu.memory_space<hbm>> -> memref<1x80x64xf32, #tpu.memory_space<hbm>>
        %dma_start3A_261 = tpu.memref_squeeze %dma_start3A_260 : memref<1x80x64xf32, #tpu.memory_space<hbm>> -> memref<80x64xf32, #tpu.memory_space<hbm>>
        tpu.enqueue_dma source(%dma_start3A_261 : memref<80x64xf32, #tpu.memory_space<hbm>>) target(%dma_start3A_258 : memref<80x64xf32, #tpu.memory_space<vmem>>) target_semaphore(%run_scoped3A : memref<!tpu.dma_semaphore, #tpu.memory_space<semaphore_mem>>)
        %dma_wait3A_262 = arith.constant 0 : i32
        %dma_wait3A_263 = arith.constant 0 : i32
        %dma_wait3A_264 = tpu.memref_slice %arg11[%dma_wait3A_262, %dma_wait3A_263] : memref<64x64xf32, #tpu.memory_space<vmem>> -> memref<80x64xf32, #tpu.memory_space<vmem>>
        %dma_wait3A_265 = arith.constant 0 : i32
        %dma_wait3A_266 = tpu.memref_slice %arg4[%arg0, %add3A, %dma_wait3A_265] : memref<2x10000x64xf32, #tpu.memory_space<hbm>> -> memref<1x80x64xf32, #tpu.memory_space<hbm>>
        %dma_wait3A_267 = tpu.memref_squeeze %dma_wait3A_266 : memref<1x80x64xf32, #tpu.memory_space<hbm>> -> memref<80x64xf32, #tpu.memory_space<hbm>>
        %dma_wait3A_268 = arith.constant 0 : i32
        %dma_wait3A_269 = arith.constant 0 : i32
        %dma_wait3A_270 = tpu.memref_slice %arg11[%dma_wait3A_268, %dma_wait3A_269] : memref<64x64xf32, #tpu.memory_space<vmem>> -> memref<80x64xf32, #tpu.memory_space<vmem>>
        %dma_wait3A_271 = arith.constant 0 : i32
        %dma_wait3A_272 = tpu.memref_slice %arg4[%arg0, %add3A, %dma_wait3A_271] : memref<2x10000x64xf32, #tpu.memory_space<hbm>> -> memref<1x80x64xf32, #tpu.memory_space<hbm>>
        %dma_wait3A_273 = tpu.memref_squeeze %dma_wait3A_272 : memref<1x80x64xf32, #tpu.memory_space<hbm>> -> memref<80x64xf32, #tpu.memory_space<hbm>>
        tpu.wait_dma2 semaphore(%run_scoped3A : memref<!tpu.dma_semaphore, #tpu.memory_space<semaphore_mem>>) src(%dma_wait3A_273 : memref<80x64xf32, #tpu.memory_space<hbm>>) dst(%dma_wait3A_270 : memref<80x64xf32, #tpu.memory_space<vmem>>)
        tpu.yield
      }) : () -> ()
      %scan3A_243 = arith.constant 0 : i32
      %scan3A_244 = arith.constant 0 : i32
      %scan3A_245 = arith.constant 80 : i32
      %scan3A_246 = arith.addi %scan3A_244, %scan3A_245 : i32
      %scan3A_247 = arith.constant 1 : i32
      %scan3A_248 = scf.for %scan3A_251 = %scan3A_244 to %scan3A_246 step %scan3A_247 iter_args(%scan3A_252 = %scan3A_243) -> (i32)  : i32 {
        %mul3A_253 = arith.constant 80 : i32
        %mul3A_254 = arith.muli %while3A_239, %mul3A_253 : i32
        %add3A_255 = arith.addi %mul3A_254, %scan3A_251 : i32
        %get3A = arith.index_cast %scan3A_251 : i32 to index
        %get3A_256 = arith.constant 0 : index
        %get3A_257 = tpu.vector_load %arg15[%get3A, %get3A_256] {strides = array<i32>} : memref<80x64xf32, #tpu.memory_space<vmem>>, vector<16xf32>,
        %broadcast_in_dim3A = vector.broadcast %add3A_255 : i32 to vector<16xi32>
        %gather3A = tpu.vector_load_idx %arg18[%broadcast_in_dim3A] : memref<640xf32, #tpu.memory_space<vmem>>[vector<16xi32>], vector<16xf32>,
        %get3A_258 = arith.index_cast %scan3A_251 : i32 to index
        %get3A_259 = arith.constant 0 : index
        %get3A_260 = tpu.vector_load %arg16[%get3A_258, %get3A_259] {strides = array<i32>} : memref<80x64xf32, #tpu.memory_space<vmem>>, vector<16xf32>,
        %add3A_261 = arith.addf %get3A_260, %get3A_257 : vector<16xf32>
        %get3A_262 = arith.index_cast %scan3A_251 : i32 to index
        %get3A_263 = arith.constant 0 : index
        %get3A_264 = tpu.vector_load %arg11[%get3A_262, %get3A_263] {strides = array<i32>} : memref<64x64xf32, #tpu.memory_space<vmem>>, vector<16xf32>,
        %mul3A_265 = arith.constant 2.500000e-01 : f32
        %mul3A_266 = vector.broadcast %mul3A_265 : f32 to vector<16xf32>
        %mul3A_267 = arith.mulf %mul3A_266, %get3A_264 : vector<16xf32>
        %mul3A_268 = arith.constant 2.500000e-01 : f32
        %mul3A_269 = vector.broadcast %mul3A_268 : f32 to vector<16xf32>
        %mul3A_270 = arith.mulf %mul3A_269, %gather3A : vector<16xf32>
        %mul3A_271 = arith.mulf %mul3A_270, %add3A_261 : vector<16xf32>
        %add3A_272 = arith.addf %mul3A_267, %mul3A_271 : vector<16xf32>
        %swap3A = arith.index_cast %scan3A_251 : i32 to index
        %swap3A_273 = arith.constant 0 : index
        %swap3A_274 = tpu.vector_load %arg17[%swap3A, %swap3A_273] {strides = array<i32>} : memref<80x64xf32, #tpu.memory_space<vmem>>, vector<16xf32>,
        tpu.vector_store %arg17[%swap3A, %swap3A_273], %add3A_272 {strides = array<i32>} : memref<80x64xf32, #tpu.memory_space<vmem>>, vector<16xf32>,
        %get3A_275 = arith.index_cast %scan3A_251 : i32 to index
        %get3A_276 = arith.constant 16 : index
        %get3A_277 = tpu.vector_load %arg15[%get3A_275, %get3A_276] {strides = array<i32>} : memref<80x64xf32, #tpu.memory_space<vmem>>, vector<16xf32>,
        %broadcast_in_dim3A_278 = vector.broadcast %add3A_255 : i32 to vector<16xi32>
        %gather3A_279 = tpu.vector_load_idx %arg18[%broadcast_in_dim3A_278] : memref<640xf32, #tpu.memory_space<vmem>>[vector<16xi32>], vector<16xf32>,
        %get3A_280 = arith.index_cast %scan3A_251 : i32 to index
        %get3A_281 = arith.constant 16 : index
        %get3A_282 = tpu.vector_load %arg16[%get3A_280, %get3A_281] {strides = array<i32>} : memref<80x64xf32, #tpu.memory_space<vmem>>, vector<16xf32>,
        %add3A_283 = arith.addf %get3A_282, %get3A_277 : vector<16xf32>
        %get3A_284 = arith.index_cast %scan3A_251 : i32 to index
        %get3A_285 = arith.constant 16 : index
        %get3A_286 = tpu.vector_load %arg11[%get3A_284, %get3A_285] {strides = array<i32>} : memref<64x64xf32, #tpu.memory_space<vmem>>, vector<16xf32>,
        %mul3A_287 = arith.constant 2.500000e-01 : f32
        %mul3A_288 = vector.broadcast %mul3A_287 : f32 to vector<16xf32>
        %mul3A_289 = arith.mulf %mul3A_288, %get3A_286 : vector<16xf32>
        %mul3A_290 = arith.constant 2.500000e-01 : f32
        %mul3A_291 = vector.broadcast %mul3A_290 : f32 to vector<16xf32>
        %mul3A_292 = arith.mulf %mul3A_291, %gather3A_279 : vector<16xf32>
        %mul3A_293 = arith.mulf %mul3A_292, %add3A_283 : vector<16xf32>
        %add3A_294 = arith.addf %mul3A_289, %mul3A_293 : vector<16xf32>
        %swap3A_295 = arith.index_cast %scan3A_251 : i32 to index
        %swap3A_296 = arith.constant 16 : index
        %swap3A_297 = tpu.vector_load %arg17[%swap3A_295, %swap3A_296] {strides = array<i32>} : memref<80x64xf32, #tpu.memory_space<vmem>>, vector<16xf32>,
        tpu.vector_store %arg17[%swap3A_295, %swap3A_296], %add3A_294 {strides = array<i32>} : memref<80x64xf32, #tpu.memory_space<vmem>>, vector<16xf32>,
        %get3A_298 = arith.index_cast %scan3A_251 : i32 to index
        %get3A_299 = arith.constant 32 : index
        %get3A_300 = tpu.vector_load %arg15[%get3A_298, %get3A_299] {strides = array<i32>} : memref<80x64xf32, #tpu.memory_space<vmem>>, vector<16xf32>,
        %broadcast_in_dim3A_301 = vector.broadcast %add3A_255 : i32 to vector<16xi32>
        %gather3A_302 = tpu.vector_load_idx %arg18[%broadcast_in_dim3A_301] : memref<640xf32, #tpu.memory_space<vmem>>[vector<16xi32>], vector<16xf32>,
        %get3A_303 = arith.index_cast %scan3A_251 : i32 to index
        %get3A_304 = arith.constant 32 : index
        %get3A_305 = tpu.vector_load %arg16[%get3A_303, %get3A_304] {strides = array<i32>} : memref<80x64xf32, #tpu.memory_space<vmem>>, vector<16xf32>,
        %add3A_306 = arith.addf %get3A_305, %get3A_300 : vector<16xf32>
        %get3A_307 = arith.index_cast %scan3A_251 : i32 to index
        %get3A_308 = arith.constant 32 : index
        %get3A_309 = tpu.vector_load %arg11[%get3A_307, %get3A_308] {strides = array<i32>} : memref<64x64xf32, #tpu.memory_space<vmem>>, vector<16xf32>,
        %mul3A_310 = arith.constant 2.500000e-01 : f32
        %mul3A_311 = vector.broadcast %mul3A_310 : f32 to vector<16xf32>
        %mul3A_312 = arith.mulf %mul3A_311, %get3A_309 : vector<16xf32>
        %mul3A_313 = arith.constant 2.500000e-01 : f32
        %mul3A_314 = vector.broadcast %mul3A_313 : f32 to vector<16xf32>
        %mul3A_315 = arith.mulf %mul3A_314, %gather3A_302 : vector<16xf32>
        %mul3A_316 = arith.mulf %mul3A_315, %add3A_306 : vector<16xf32>
        %add3A_317 = arith.addf %mul3A_312, %mul3A_316 : vector<16xf32>
        %swap3A_318 = arith.index_cast %scan3A_251 : i32 to index
        %swap3A_319 = arith.constant 32 : index
        %swap3A_320 = tpu.vector_load %arg17[%swap3A_318, %swap3A_319] {strides = array<i32>} : memref<80x64xf32, #tpu.memory_space<vmem>>, vector<16xf32>,
        tpu.vector_store %arg17[%swap3A_318, %swap3A_319], %add3A_317 {strides = array<i32>} : memref<80x64xf32, #tpu.memory_space<vmem>>, vector<16xf32>,
        %get3A_321 = arith.index_cast %scan3A_251 : i32 to index
        %get3A_322 = arith.constant 48 : index
        %get3A_323 = tpu.vector_load %arg15[%get3A_321, %get3A_322] {strides = array<i32>} : memref<80x64xf32, #tpu.memory_space<vmem>>, vector<16xf32>,
        %broadcast_in_dim3A_324 = vector.broadcast %add3A_255 : i32 to vector<16xi32>
        %gather3A_325 = tpu.vector_load_idx %arg18[%broadcast_in_dim3A_324] : memref<640xf32, #tpu.memory_space<vmem>>[vector<16xi32>], vector<16xf32>,
        %get3A_326 = arith.index_cast %scan3A_251 : i32 to index
        %get3A_327 = arith.constant 48 : index
        %get3A_328 = tpu.vector_load %arg16[%get3A_326, %get3A_327] {strides = array<i32>} : memref<80x64xf32, #tpu.memory_space<vmem>>, vector<16xf32>,
        %add3A_329 = arith.addf %get3A_328, %get3A_323 : vector<16xf32>
        %get3A_330 = arith.index_cast %scan3A_251 : i32 to index
        %get3A_331 = arith.constant 48 : index
        %get3A_332 = tpu.vector_load %arg11[%get3A_330, %get3A_331] {strides = array<i32>} : memref<64x64xf32, #tpu.memory_space<vmem>>, vector<16xf32>,
        %mul3A_333 = arith.constant 2.500000e-01 : f32
        %mul3A_334 = vector.broadcast %mul3A_333 : f32 to vector<16xf32>
        %mul3A_335 = arith.mulf %mul3A_334, %get3A_332 : vector<16xf32>
        %mul3A_336 = arith.constant 2.500000e-01 : f32
        %mul3A_337 = vector.broadcast %mul3A_336 : f32 to vector<16xf32>
        %mul3A_338 = arith.mulf %mul3A_337, %gather3A_325 : vector<16xf32>
        %mul3A_339 = arith.mulf %mul3A_338, %add3A_329 : vector<16xf32>
        %add3A_340 = arith.addf %mul3A_335, %mul3A_339 : vector<16xf32>
        %swap3A_341 = arith.index_cast %scan3A_251 : i32 to index
        %swap3A_342 = arith.constant 48 : index
        %swap3A_343 = tpu.vector_load %arg17[%swap3A_341, %swap3A_342] {strides = array<i32>} : memref<80x64xf32, #tpu.memory_space<vmem>>, vector<16xf32>,
        tpu.vector_store %arg17[%swap3A_341, %swap3A_342], %add3A_340 {strides = array<i32>} : memref<80x64xf32, #tpu.memory_space<vmem>>, vector<16xf32>,
        %scan3A_344 = arith.constant 0 : i32
        scf.yield %scan3A_344 : i32
      }
      %scan3A_249 = arith.constant 80 : i32
      "tpu.region"() ({
        %run_scoped3A = tpu.sem_alloc : memref<!tpu.dma_semaphore, #tpu.memory_space<semaphore_mem>>
        %dma_start3A = arith.constant 0 : i32
        %dma_start3A_251 = tpu.memref_slice %arg5[%arg0, %add3A, %dma_start3A] : memref<2x10000x64xf32, #tpu.memory_space<hbm>> -> memref<1x80x64xf32, #tpu.memory_space<hbm>>
        %dma_start3A_252 = tpu.memref_squeeze %dma_start3A_251 : memref<1x80x64xf32, #tpu.memory_space<hbm>> -> memref<80x64xf32, #tpu.memory_space<hbm>>
        %dma_start3A_253 = arith.constant 0 : i32
        %dma_start3A_254 = tpu.memref_slice %arg5[%arg0, %add3A, %dma_start3A_253] : memref<2x10000x64xf32, #tpu.memory_space<hbm>> -> memref<1x80x64xf32, #tpu.memory_space<hbm>>
        %dma_start3A_255 = tpu.memref_squeeze %dma_start3A_254 : memref<1x80x64xf32, #tpu.memory_space<hbm>> -> memref<80x64xf32, #tpu.memory_space<hbm>>
        tpu.enqueue_dma source(%arg17 : memref<80x64xf32, #tpu.memory_space<vmem>>) target(%dma_start3A_255 : memref<80x64xf32, #tpu.memory_space<hbm>>) target_semaphore(%run_scoped3A : memref<!tpu.dma_semaphore, #tpu.memory_space<semaphore_mem>>)
        %dma_wait3A_256 = arith.constant 0 : i32
        %dma_wait3A_257 = tpu.memref_slice %arg5[%arg0, %add3A, %dma_wait3A_256] : memref<2x10000x64xf32, #tpu.memory_space<hbm>> -> memref<1x80x64xf32, #tpu.memory_space<hbm>>
        %dma_wait3A_258 = tpu.memref_squeeze %dma_wait3A_257 : memref<1x80x64xf32, #tpu.memory_space<hbm>> -> memref<80x64xf32, #tpu.memory_space<hbm>>
        %dma_wait3A_259 = arith.constant 0 : i32
        %dma_wait3A_260 = tpu.memref_slice %arg5[%arg0, %add3A, %dma_wait3A_259] : memref<2x10000x64xf32, #tpu.memory_space<hbm>> -> memref<1x80x64xf32, #tpu.memory_space<hbm>>
        %dma_wait3A_261 = tpu.memref_squeeze %dma_wait3A_260 : memref<1x80x64xf32, #tpu.memory_space<hbm>> -> memref<80x64xf32, #tpu.memory_space<hbm>>
        tpu.wait_dma2 semaphore(%run_scoped3A : memref<!tpu.dma_semaphore, #tpu.memory_space<semaphore_mem>>) src(%arg17 : memref<80x64xf32, #tpu.memory_space<vmem>>) dst(%dma_wait3A_261 : memref<80x64xf32, #tpu.memory_space<hbm>>)
        tpu.yield
      }) : () -> ()
      %while3A_250 = arith.constant 0 : i32
      scf.yield %while3A_250 : i32
    }
    return
  }
}

</mosaic_0001>

<sc_bundles>
// kernel: kernel.3.cloned.1.call-start
scs
__scs_entry_jumppad:
0x0: {  	(pc) =	sbr.rel $0x88, $3  }
0x1: {  	(tag) =	ssettag $0x0;
	lr =	simm.s32 $0x1  }
0x2: {  	[smem:$0x3F9F] =	sst lr;
	_ =	strace $0xD0000000  }
0x3: {  	_ = 	snop  }
0x4: {  	_ = 	snop  }
0x5: {  	_ = 	snop  }
0x6: {  	_ = 	snop  }
0x7: {  	_ = 	snop  }
__scs_overlays_trampoline_lowered:
0x8: {  	[smem:$0x3FAE] =	sst s0  }
0x9: {  	[smem:$0x3FAF] =	sst s1  }
0xa: {  	[smem:$0x3FB0] =	sst s2  }
0xb: {  	[smem:$0x3FB1] =	sst s3  }
0xc: {  	[smem:$0x3FB2] =	sst s4  }
0xd: {  	[smem:$0x3FB3] =	sst s5  }
0xe: {  	[smem:$0x3FB4] =	sst s6  }
0xf: {  	[smem:$0x3FB5] =	sst s7  }
0x10: {  	[smem:$0x3FB6] =	sst s8  }
0x11: {  	[smem:$0x3FB7] =	sst s9;
	s0 =	simm.s32 @!p0 $0x0  }
0x12: {  	s1 =	sld [smem:$0x3F9D];
	s0 =	simm.s32 @p0 $0x1  }
0x13: {  	[smem:$0x3FB8] =	sst s0;
	s0 =	simm.s32 @!p1 $0x0  }
0x14: {  	s2 =	sld [smem:$0x3F9C];
	s0 =	simm.s32 @p1 $0x1  }
0x15: {  	[smem:$0x3FB9] =	sst s0;
	s0 =	simm.s32 @!p2 $0x0  }
0x16: {  	s3 =	sld [smem:$0x3FDB];
	s0 =	simm.s32 @p2 $0x1  }
0x17: {  	s4 =	simm.s32 $0x1BF5;
	[smem:$0x3FBB] =	sst s0  }
0x18: {  	s0 =	sld [smem:$0x3F9E];
	_ =	swait.ge [sflag:s4], $0x0  }
0x19: {  	s7 =	sld [smem:$0x3F9F]  }
0x1a: {  	s8 =	sadd.s32 $0xFFFFE003, lr  }
0x1b: {  	s9 =	sadd.s32 $0xFFFFFEF7, lr;
	s5 =	simm.s32 $0xFFFFFFFF;
	p2 =	slt.u32 s8, $0xFFFFF086  }
0x1c: {  	p1 =	slt.u32 s9, $0xF7A;
	s5 =	simm.s32 @!p2 $0x0  }
0x1d: {  	s5 =	simm.s32 @p1 $0x1;
	p0 =	seq.s32 s7, s2  }
0x1e: {  	s7 =	smul.u32 @!p0 $0xF7A, s2;
	p2 =	seq.s32 @!p0 s5, $0x0  }
0x1f: {  	s9 =	smul.u32 $0xF7A, s1;
	s8 =	simm.s32 @!p0 $0x1BF5;
	p2 =	por !p2, p0  }
0x20: {  	[sflag:s8] =	ssyncset.s32 @!p0 $0xFFFFF086;
	s6 =	sadd.s32 @!p0 s3, s7;
	s7 =	simm.s32 @!p0 $0x108  }
0x21: {  	s3 =	sadd.s32 s3, s9;
	s6 =	sadd.s32 @!p0 $0x88, s6;
	s7 =	simm.s32 @p2 $0x1082  }
0x22: {  	[simem:s7], [sflag:s8] =	dma.local @!p0 [hbm:s6], $0xF7A  }
0x23: {  	s9 =	sor.u32 $0xD0000000, s2;
	s6 =	simm.s32 $0x108;
	_ =	swait.ge @!p0 [sflag:s8], $0x0  }
0x24: {  	s3 =	sadd.s32 $0x88, s3;
	s6 =	simm.s32 @!p1 $0x1082;
	[sflag:s4] =	ssyncset.s32 $0xFFFFF086  }
0x25: {  	[simem:s6], [sflag:s4] =	dma.local [hbm:s3], $0xF7A  }
0x26: {  	[smem:$0x3F9F] =	sst s1;
	(tag) =	ssettag s2;
	_ =	strace s9  }
0x27: {  	s1 =	sld [smem:$0x3FAF]  }
0x28: {  	s2 =	sld [smem:$0x3FB0]  }
0x29: {  	s4 =	sld [smem:$0x3FB2]  }
0x2a: {  	p0 =	seq.s32 s5, $0x0;
	s5 =	sld [smem:$0x3FB3]  }
0x2b: {  	s6 =	sld [smem:$0x3FB4]  }
0x2c: {  	s7 =	sld [smem:$0x3FB5]  }
0x2d: {  	s3 =	simm.s32 $0x108;
	s8 =	sld [smem:$0x3FB6]  }
0x2e: {  	s3 =	simm.s32 @!p0 $0x1082;
	s9 =	sld [smem:$0x3FB7]  }
0x2f: {  	lr =	sadd.s32 s0, s3;
	s0 =	sld [smem:$0x3FAE]  }
0x30: {  	s3 =	sld [smem:$0x3FB1]  }
0x31: {  	[smem:$0x3FBA] =	sst s10  }
0x32: {  	s10 =	sld [smem:$0x3FB8];
	_ =	sdelay $0x3  }
0x33: {  	p0 =	seq.s32 s10, $0x1;
	s10 =	sld [smem:$0x3FBA];
	_ =	sdelay $0x3  }
0x34: {  	[smem:$0x3FBA] =	sst s10  }
0x35: {  	s10 =	sld [smem:$0x3FB9];
	_ =	sdelay $0x3  }
0x36: {  	p1 =	seq.s32 s10, $0x1;
	s10 =	sld [smem:$0x3FBA];
	_ =	sdelay $0x3  }
0x37: {  	[smem:$0x3FBA] =	sst s10  }
0x38: {  	s10 =	sld [smem:$0x3FBB]  }
0x39: {  	_ = 	snop;
	(pc) =	sbr.ind lr, $3  }
0x3a: {  	_ = 	snop  }
0x3b: {  	_ = 	snop  }
0x3c: {  	p2 =	seq.s32 s10, $0x1;
	s10 =	sld [smem:$0x3FBA]  }
0x3d: {  	_ =	shalt  }
0x3e: {  	_ =	shalt  }
0x3f: {  	_ =	shalt  }
0x40: {  	_ =	shalt  }
0x41: {  	_ =	shalt  }
0x42: {  	_ =	shalt  }
0x43: {  	_ =	shalt  }
0x44: {  	_ =	shalt  }
0x45: {  	_ =	shalt  }
0x46: {  	_ =	shalt  }
0x47: {  	_ =	shalt  }
0x48: {  	_ =	shalt  }
0x49: {  	_ =	shalt  }
0x4a: {  	_ =	shalt  }
0x4b: {  	_ =	shalt  }
0x4c: {  	_ =	shalt  }
0x4d: {  	_ =	shalt  }
0x4e: {  	_ =	shalt  }
0x4f: {  	_ =	shalt  }
0x50: {  	_ =	shalt  }
0x51: {  	_ =	shalt  }
0x52: {  	_ =	shalt  }
0x53: {  	_ =	shalt  }
0x54: {  	_ =	shalt  }
0x55: {  	_ =	shalt  }
0x56: {  	_ =	shalt  }
0x57: {  	_ =	shalt  }
0x58: {  	_ =	shalt  }
0x59: {  	_ =	shalt  }
0x5a: {  	_ =	shalt  }
0x5b: {  	_ =	shalt  }
0x5c: {  	_ =	shalt  }
0x5d: {  	_ =	shalt  }
0x5e: {  	_ =	shalt  }
0x5f: {  	_ =	shalt  }
0x60: {  	_ =	shalt  }
0x61: {  	_ =	shalt  }
0x62: {  	_ =	shalt  }
0x63: {  	_ =	shalt  }
0x64: {  	_ =	shalt  }
0x65: {  	_ =	shalt  }
0x66: {  	_ =	shalt  }
0x67: {  	_ =	shalt  }
0x68: {  	_ =	shalt  }
0x69: {  	_ =	shalt  }
0x6a: {  	_ =	shalt  }
0x6b: {  	_ =	shalt  }
0x6c: {  	_ =	shalt  }
0x6d: {  	_ =	shalt  }
0x6e: {  	_ =	shalt  }
0x6f: {  	_ =	shalt  }
0x70: {  	_ =	shalt  }
0x71: {  	_ =	shalt  }
0x72: {  	_ =	shalt  }
0x73: {  	_ =	shalt  }
0x74: {  	_ =	shalt  }
0x75: {  	_ =	shalt  }
0x76: {  	_ =	shalt  }
0x77: {  	_ =	shalt  }
0x78: {  	_ =	shalt  }
0x79: {  	_ =	shalt  }
0x7a: {  	_ =	shalt  }
0x7b: {  	_ =	shalt  }
0x7c: {  	_ =	shalt  }
0x7d: {  	_ =	shalt  }
0x7e: {  	_ =	shalt  }
0x7f: {  	_ =	shalt  }
0x80: {  	_ =	shalt  }
0x81: {  	_ =	shalt  }
0x82: {  	_ =	shalt  }
0x83: {  	_ =	shalt  }
0x84: {  	_ =	shalt  }
0x85: {  	_ =	shalt  }
0x86: {  	_ =	shalt  }
0x87: {  	_ =	shalt  }
.Lfunc_end0:
.L_simem_size_0:
called_computation_lowered:
.L_overlay_start_0:
0x88: {  	s2 =	sld [smem:$0x3FD9]  }
0x89: {  	s3 =	sld [smem:$0x3FFE];
	_ =	sdelay $0x1  }
0x8a: {  	s1 =	srdreg.scid  }
0x8b: {  	s0 =	sand.u32 $0x1, s1  }
0x8c: {  	s14 =	sshll.u32 s0, $0xA;
	s2 =	sadd.s32 s3, s2  }
0x8d: {  	s2 =	sadd.s32 s2, s14  }
0x8e: {  	[smem:$0x3FC6] =	sst s2  }
0x8f: {  	_ = 	snop  }
0x90: {  	s2 =	sld [smem:$0x3FD0];
	_ =	sdelay $0x2  }
0x91: {  	s15 =	simm.s32 $0xA;
	s4 =	simm.s32 $0x10  }
0x92: {  	[smem:s4], [sflag:s15] =	dma.local [hbm:s2], $0x1  }
0x93: {  	_ =	swait.eq [sflag:s15], $0x1  }
0x94: {  	[sflag:s15] =	ssyncset.done $0x0  }
0x95: {  	s16 =	sld [smem:$0x10];
	[sflag:s15] =	ssyncadd.s32 $0xFFFFFFFF  }
0x96: {  	s17 =	sld [smem:$0x11];
	(tm) =	ssettm $0x1  }
0x97: {  	s18 =	sld [smem:$0x3FFB];
	_ =	sdelay $0x3  }
0x98: {  	_ =	strace s18  }
0x99: {  	s4 =	sld [smem:$0x3FFC];
	_ =	sdelay $0x3  }
0x9a: {  	_ =	strace s4  }
0x9b: {  	s4 =	sld [smem:$0x3FFD];
	_ =	sdelay $0x3  }
0x9c: {  	_ =	strace s4  }
0x9d: {  	_ =	strace $0x8FFFFFFF  }
0x9e: {  	s19 =	sld [smem:$0x3FDB];
	_ =	sdelay $0x1  }
0x9f: {  	s5 =	simm.s32 $_scs_section_size  }
0xa0: {  	s6 =	simm.s32 $_size__tile_overlayer_lowered;
	s7 =	simm.s32 $_tile_overlayer_lowered  }
0xa1: {  	s22 =	simm.s32 $0x1BFF;
	s21 =	sshll.u32 s7, $0x1;
	s4 =	sadd.s32 s5, s19  }
0xa2: {  	s8 =	simm.s32 $0x0;
	s20 =	sshll.u32 s6, $0x1;
	s6 =	sadd.s32 s21, s4  }
0xa3: {  	[timem:s8], [sflag:s22] =	dma.local [hbm:s6], s20  }
0xa4: {  	_ =	swait.ge [sflag:s22], s20  }
0xa5: {  	s5 =	ssub.s32 $0x0, s20;
	[sflag:s22] =	ssyncset.done $0x0  }
0xa6: {  	[sflag:s22] =	ssyncadd.s32 s5;
	_ =	sdelay $0x1  }
0xa7: {  	s23 =	simm.s32 $0x1B8B  }
0xa8: {  	_ =	swait.ge [sflag:s23], $0x1  }
0xa9: {  	[sflag:s23] =	ssyncset.done $0x0  }
0xaa: {  	s25 =	simm.s32 $0x1B8E;
	s24 =	sld [smem:$0x3FFE];
	[sflag:s23] =	ssyncadd.s32 $0xFFFFFFFF  }
0xab: {  	s26 =	simm.s32 $execute0_lowered;
	[smem:$0x3FD2] =	sst s25  }
0xac: {  	s6 =	sshll.u32 s26, $0x1;
	_ =	strace $0x80000046;
	[dreg:$0x1] =	wrdreg $0xFFFFFFFF  }
0xad: {  	s28 =	simm.s32 $_size_execute0_lowered;
	s4 =	sadd.s32 s4, s6;
	[dreg:$0x0] =	wrdreg $0x0  }
0xae: {  	s6 =	sshll.u32 s28, $0x1;
	[dreg:$0x2] =	wrdreg s4  }
0xaf: {  	[dreg:$0x3] =	wrdreg s6  }
0xb0: {  	[dreg:$0x4] =	wrdreg $0xC0  }
0xb1: {  	_ =	task [dreg:s8], $0x5FFFF  }
0xb2: {  	[dreg:$0x1] =	wrdreg $0xFFFFFFFF  }
0xb3: {  	[dreg:$0x0] =	wrdreg $0x60  }
0xb4: {  	[dreg:$0x2] =	wrdreg s24  }
0xb5: {  	[dreg:$0x3] =	wrdreg s17  }
0xb6: {  	[dreg:$0x4] =	wrdreg s16  }
0xb7: {  	[dreg:$0x5] =	wrdreg $0x140000  }
0xb8: {  	[dreg:$0x6] =	wrdreg $0xA0000  }
0xb9: {  	[dreg:$0x7] =	wrdreg $0x0  }
0xba: {  	[dreg:$0x8] =	wrdreg $0x9  }
0xbb: {  	_ =	task.clear_ibuf [dreg:s8], $0x9FFFF;
	_ =	strace $0x90000046  }
0xbc: {  	s29 =	simm.s32 $0x9;
	_ =	strace $0x80000048  }
0xbd: {  	_ =	swait.ge [sflag:s29], $0x1  }
0xbe: {  	[sflag:s29] =	ssyncadd.s32 $0xFFFFFFFF  }
0xbf: {  	_ =	strace $0x90000048  }
0xc0: {  	_ =	sfence  }
0xc1: {  	s30 =	sld [smem:$0x0];
	_ =	sdelay $0x2  }
0xc2: {  	s31 =	sshll.u32 s1, $0xD;
	s1 =	sshrl.u32 s1, $0x2  }
0xc3: {  	s3 =	sand.u32 $0x4000, s31;
	s1 =	sadd.s32 s1, s30  }
0xc4: {  	s0 =	sor.u32 s3, s0;
	s1 =	sshll.u32 s1, $0x11  }
0xc5: {  	s0 =	sor.u32 s1, s0  }
0xc6: {  	s0 =	sadd.s32 $0x8F2B, s0  }
0xc7: {  	[sflag:s0] =	ssyncadd.remote.s32 $0x1  }
0xc8: {  	_ =	sfence.sel $0xFFFF  }
0xc9: {  	[dreg:$0x0] =	wrdreg $0xFFFFFFFF;
	(pc) =	sbr.abs _section_cstart, $3  }
0xca: {  	[dreg:$0x1] =	wrdreg $0xFFFFFFFF  }
0xcb: {  	_ =	task.clear_ibuf [dreg:s8], $0x2FFFF;
	_ =	strace $0x9FFFFFFF  }
0xcc: {  	(tm) =	ssettm $0x7FFFFFFF  }
0xcd: {  	_ =	shalt  }
tec
execute0_lowered:
.L_overlay_start_1:
0x0: {  	(tag) =	ssettag $0x1  }
0x1: {  	s8 =	rddreg [dreg:$0x0]  }
0x2: {  	s5 =	rddreg [dreg:$0x3]  }
0x3: {  	s6 =	rddreg [dreg:$0x4]  }
0x4: {  	s7 =	rddreg [dreg:$0x5];
	s12 =	simm.s32 $0x0  }
0x5: {  	[smem:$0x7FF] =	sst s12;
	s3 =	sadd.s32 $0xA000, s8  }
0x6: {  	s18 =	simm.s32 $0x14AC0;
	_ =	strace $0x80000047;
	[dreg:$0x12] =	wrdreg s3  }
0x7: {  	s20 =	simm.s32 $0x14B00;
	[dreg:$0x8] =	wrdreg s18  }
0x8: {  	s9 =	stileid.u32;
	s22 =	simm.s32 $0x14B40;
	[dreg:$0x9] =	wrdreg s20  }
0x9: {  	s0 =	srdreg.scid;
	s24 =	simm.s32 $0x14B80;
	[dreg:$0xa] =	wrdreg s22  }
0xa: {  	s26 =	simm.s32 $0x14BC0;
	s10 =	smul.u32 $0x280, s9;
	[dreg:$0xb] =	wrdreg s24  }
0xb: {  	s11 =	simm.s32 $0x14C40;
	s15 =	smul.u32 $0x5000, s9;
	[dreg:$0xc] =	wrdreg s26  }
0xc: {  	s0 =	sand.u32 $0x1, s0;
	s4 =	smul.u32 $0xA00, s9;
	[dreg:$0xe] =	wrdreg s11  }
0xd: {  	s2 =	ssub.s32 $0x2, s0;
	s0 =	smul.u32 $0x9C400, s0;
	[dreg:$0x14] =	wrdreg s15  }
0xe: {  	[dreg:$0x11] =	wrdreg s10  }
0xf: {  	s16 =	sadd.s32 s4, s8;
	[dreg:$0x16] =	wrdreg s0  }
0x10: {  	s4 =	simm.s32 $0x14C00;
	[dreg:$0x7] =	wrdreg s16  }
0x11: {  	s1 =	ssub.s32 $0x2710, s10;
	s10 =	sadd.s32 s10, s5;
	[dreg:$0xd] =	wrdreg s4  }
0x12: {  	s19 =	sadd.s32 $0x40, s10;
	[dreg:$0x15] =	wrdreg s10  }
0x13: {  	s21 =	sadd.s32 $0x80, s10;
	[dreg:$0x18] =	wrdreg s19  }
0x14: {  	s23 =	sadd.s32 $0xC0, s10;
	[dreg:$0x19] =	wrdreg s21  }
0x15: {  	s25 =	sadd.s32 $0x100, s10;
	[dreg:$0x1a] =	wrdreg s23  }
0x16: {  	s8 =	sadd.s32 $0x180, s10;
	[dreg:$0x1b] =	wrdreg s25  }
0x17: {  	s14 =	sshrl.u32 s2, $0x1;
	s15 =	sadd.s32 $0x1C0, s10;
	[dreg:$0x1d] =	wrdreg s8  }
0x18: {  	s2 =	ssub.s32 s2, s14;
	s14 =	simm.s32 $0x14C80;
	[dreg:$0x1e] =	wrdreg s15  }
0x19: {  	s16 =	simm.s32 $0x14CC0;
	[dreg:$0xf] =	wrdreg s14  }
0x1a: {  	s28 =	simm.s32 $0x1;
	s18 =	sadd.s32 $0x240, s10;
	[dreg:$0x10] =	wrdreg s16  }
0x1b: {  	s13 =	smul.u32 $0x28000, s9;
	s17 =	smax.u32 s2, $0x1;
	[smem:$0x7F3] =	sst s18  }
0x1c: {  	s1 =	smin.u32 s1, $0x280;
	s2 =	sadd.s32 $0x140, s10;
	[dreg:$0x17] =	wrdreg s17  }
0x1d: {  	s1 =	smul.u32 $0x334, s1;
	s25 =	sadd.s32 $0x96000, s7;
	[dreg:$0x1c] =	wrdreg s2  }
0x1e: {  	s29 =	simm.s32 $0x2;
	s17 =	sadd.s32 $0x200, s10;
	[smem:$0x7FC] =	sst s25  }
0x1f: {  	s3 =	sshrl.u32 s1, $0x10;
	[dreg:$0x1f] =	wrdreg s17;
	s1 =	sshrl.u32 s13, $0x2  }
0x20: {  	s30 =	simm.s32 $0x3;
	s19 =	sadd.s32 s1, s6;
	[dreg:$0x13] =	wrdreg s3  }
0x21: {  	s31 =	simm.s32 $0x4;
	s1 =	sadd.s32 $0x1400, s19;
	[smem:$0x7FA] =	sst s19  }
0x22: {  	p0 =	sne.s32 s9, $0xF;
	s20 =	sadd.s32 $0x2800, s19;
	[smem:$0x7F4] =	sst s1  }
0x23: {  	s9 =	simm.s32 $0x1CE80;
	s21 =	sadd.s32 $0x3C00, s19;
	[smem:$0x7F5] =	sst s20  }
0x24: {  	s11 =	simm.s32 $0x9;
	s22 =	sadd.s32 $0x5000, s19;
	[smem:$0x7F6] =	sst s21  }
0x25: {  	s4 =	simm.s32 $0x1BA80;
	s23 =	sadd.s32 $0x6400, s19;
	[smem:$0x7F7] =	sst s22  }
0x26: {  	s8 =	simm.s32 $0x14A80;
	s24 =	sadd.s32 $0x7800, s19;
	[smem:$0x7F8] =	sst s23  }
0x27: {  	s26 =	smul.u32 $0x5000, s3;
	s0 =	sadd.s32 $0x8C00, s19;
	[smem:$0x7F9] =	sst s24  }
0x28: {  	s14 =	simm.s32 $0x14D40;
	s13 =	simm.s32 $0x14D00;
	[smem:$0x7FB] =	sst s0  }
0x29: {  	s3 =	simm.s32 $0x1D100;
	[smem:$0x7FD] =	sst s26;
	s20 =	simm.s32 $0x40  }
0x2a: {  	s21 =	simm.s32 $0x1D380;
	s22 =	simm.s32 $0x15280;
	s23 =	simm.s32 $0x16280  }
0x2b: {  	v0 =	vimm.f32 $1.000000000e+00;
	v1 =	vimm.f32 $0.0e+00;
	s24 =	simm.s32 $0x17280;
	s26 =	simm.s32 $0x18280;
	s1 =	simm.s32 $0x0  }
.LBB2_1:
0x2c: {  	[tilespmem:$0x1D380] =	vst v0  }
0x2d: {  	[tilespmem:$0x1D390] =	vst v0  }
0x2e: {  	[tilespmem:$0x1D3A0] =	vst v0  }
0x2f: {  	[smem:$0x7F2] =	sst s1;
	[tilespmem:$0x1D3B0] =	vst v0;
	s1 =	simm.s32 $0x100;
	s0 =	simm.s32 $0x0  }
.LBB2_2:
0x30: {  	p1 =	sne.s32 s1, $0x4F00;
	[tilespmem:s0+$0x1BAB0] =	vst v1;
	s2 =	smov.u32 s1;
	s1 =	sadd.s32 $0x100, s1  }
.Ltmp0:
0x31: {  	[tilespmem:s0+$0x1BAA0] =	vst v1;
	(pc) =	sbr.rel @p1 .LBB2_2-.Ltmp0, $3  }
0x32: {  	[tilespmem:s0+$0x1BA80] =	vst v1  }
0x33: {  	[tilespmem:s0+$0x1BA90] =	vst v1;
	_ =	sdelay $0x1  }
0x34: {  	s0 =	sshra.s32 s2, $0x2  }
0x35: {  	[tilespmem:s0+$0x1BAB0] =	vst v1  }
0x36: {  	[tilespmem:s0+$0x1BAA0] =	vst v1  }
0x37: {  	[tilespmem:s0+$0x1BA80] =	vst v1  }
0x38: {  	[tilespmem:s0+$0x1BA90] =	vst v1  }
0x39: {  	[spmem:s10] =	stream.linear.scatter [tilespmem:s4], [sflag:$0x9], $0x40, $0x38;
	[tilespmem:$0x1D3C0] =	vst v63  }
0x3a: {  	_ =	swait.ge [sflag:s11], $0x40  }
0x3b: {  	[sflag:s11] =	ssyncset.done $0x0  }
0x3c: {  	s2 =	rddreg [dreg:$0x18];
	[sflag:s11] =	ssyncadd.s32 $0xFFFFFFC0  }
0x3d: {  	[spmem:s2] =	stream.linear.scatter [tilespmem:s4], [sflag:$0x9], $0x40, $0x38;
	[tilespmem:$0x1D3C0] =	vst v63  }
0x3e: {  	_ =	swait.ge [sflag:s11], $0x40  }
0x3f: {  	[sflag:s11] =	ssyncset.done $0x0  }
0x40: {  	s10 =	rddreg [dreg:$0x19];
	[sflag:s11] =	ssyncadd.s32 $0xFFFFFFC0  }
0x41: {  	[spmem:s10] =	stream.linear.scatter [tilespmem:s4], [sflag:$0x9], $0x40, $0x38;
	[tilespmem:$0x1D3C0] =	vst v63  }
0x42: {  	_ =	swait.ge [sflag:s11], $0x40  }
0x43: {  	[sflag:s11] =	ssyncset.done $0x0  }
0x44: {  	s15 =	rddreg [dreg:$0x1a];
	[sflag:s11] =	ssyncadd.s32 $0xFFFFFFC0  }
0x45: {  	[spmem:s15] =	stream.linear.scatter [tilespmem:s4], [sflag:$0x9], $0x40, $0x38;
	[tilespmem:$0x1D3C0] =	vst v63  }
0x46: {  	_ =	swait.ge [sflag:s11], $0x40  }
0x47: {  	[sflag:s11] =	ssyncset.done $0x0  }
0x48: {  	s16 =	rddreg [dreg:$0x1b];
	[sflag:s11] =	ssyncadd.s32 $0xFFFFFFC0  }
0x49: {  	[spmem:s16] =	stream.linear.scatter [tilespmem:s4], [sflag:$0x9], $0x40, $0x38;
	[tilespmem:$0x1D3C0] =	vst v63  }
0x4a: {  	_ =	swait.ge [sflag:s11], $0x40  }
0x4b: {  	[sflag:s11] =	ssyncset.done $0x0  }
0x4c: {  	s17 =	rddreg [dreg:$0x1c];
	[sflag:s11] =	ssyncadd.s32 $0xFFFFFFC0  }
0x4d: {  	[spmem:s17] =	stream.linear.scatter [tilespmem:s4], [sflag:$0x9], $0x40, $0x38;
	[tilespmem:$0x1D3C0] =	vst v63  }
0x4e: {  	_ =	swait.ge [sflag:s11], $0x40  }
0x4f: {  	[sflag:s11] =	ssyncset.done $0x0  }
0x50: {  	s18 =	rddreg [dreg:$0x1d];
	[sflag:s11] =	ssyncadd.s32 $0xFFFFFFC0  }
0x51: {  	[spmem:s18] =	stream.linear.scatter [tilespmem:s4], [sflag:$0x9], $0x40, $0x38;
	[tilespmem:$0x1D3C0] =	vst v63  }
0x52: {  	_ =	swait.ge [sflag:s11], $0x40  }
0x53: {  	[sflag:s11] =	ssyncset.done $0x0  }
0x54: {  	s19 =	rddreg [dreg:$0x1e];
	[sflag:s11] =	ssyncadd.s32 $0xFFFFFFC0  }
0x55: {  	[spmem:s19] =	stream.linear.scatter [tilespmem:s4], [sflag:$0x9], $0x40, $0x38;
	[tilespmem:$0x1D3C0] =	vst v63  }
0x56: {  	_ =	swait.ge [sflag:s11], $0x40  }
0x57: {  	[sflag:s11] =	ssyncset.done $0x0  }
0x58: {  	s25 =	rddreg [dreg:$0x1f];
	[sflag:s11] =	ssyncadd.s32 $0xFFFFFFC0  }
0x59: {  	[spmem:s25] =	stream.linear.scatter [tilespmem:s4], [sflag:$0x9], $0x40, $0x38;
	[tilespmem:$0x1D3C0] =	vst v63  }
0x5a: {  	_ =	swait.ge [sflag:s11], $0x40  }
0x5b: {  	s1 =	sld [smem:$0x7F3]  }
0x5c: {  	[sflag:s11] =	ssyncset.done $0x0  }
0x5d: {  	[sflag:s11] =	ssyncadd.s32 $0xFFFFFFC0  }
0x5e: {  	[spmem:s1] =	stream.linear.scatter [tilespmem:s4], [sflag:$0x9], $0x40, $0x38;
	[tilespmem:$0x1D3C0] =	vst v63  }
0x5f: {  	_ =	swait.ge [sflag:s11], $0x40  }
0x60: {  	s2 =	sld [smem:$0x7FA]  }
0x61: {  	[sflag:s11] =	ssyncset.done $0x0  }
0x62: {  	[sflag:s11] =	ssyncadd.s32 $0xFFFFFFC0  }
0x63: {  	[spmem:s2] =	stream.linear.scatter [tilespmem:s4], [sflag:$0x9], $0x1400, $0x38;
	[tilespmem:$0x1D3C0] =	vst v63  }
0x64: {  	_ =	swait.ge [sflag:s11], $0x1400  }
0x65: {  	s10 =	sld [smem:$0x7F4]  }
0x66: {  	[sflag:s11] =	ssyncset.done $0x0  }
0x67: {  	[sflag:s11] =	ssyncadd.s32 $0xFFFFEC00  }
0x68: {  	[spmem:s10] =	stream.linear.scatter [tilespmem:s4], [sflag:$0x9], $0x1400, $0x38;
	[tilespmem:$0x1D3C0] =	vst v63  }
0x69: {  	_ =	swait.ge [sflag:s11], $0x1400  }
0x6a: {  	s15 =	sld [smem:$0x7F5]  }
0x6b: {  	[sflag:s11] =	ssyncset.done $0x0  }
0x6c: {  	[sflag:s11] =	ssyncadd.s32 $0xFFFFEC00  }
0x6d: {  	[spmem:s15] =	stream.linear.scatter [tilespmem:s4], [sflag:$0x9], $0x1400, $0x38;
	[tilespmem:$0x1D3C0] =	vst v63  }
0x6e: {  	_ =	swait.ge [sflag:s11], $0x1400  }
0x6f: {  	s16 =	sld [smem:$0x7F6]  }
0x70: {  	[sflag:s11] =	ssyncset.done $0x0  }
0x71: {  	[sflag:s11] =	ssyncadd.s32 $0xFFFFEC00  }
0x72: {  	[spmem:s16] =	stream.linear.scatter [tilespmem:s4], [sflag:$0x9], $0x1400, $0x38;
	[tilespmem:$0x1D3C0] =	vst v63  }
0x73: {  	_ =	swait.ge [sflag:s11], $0x1400  }
0x74: {  	s17 =	sld [smem:$0x7F7]  }
0x75: {  	[sflag:s11] =	ssyncset.done $0x0  }
0x76: {  	[sflag:s11] =	ssyncadd.s32 $0xFFFFEC00  }
0x77: {  	[spmem:s17] =	stream.linear.scatter [tilespmem:s4], [sflag:$0x9], $0x1400, $0x38;
	[tilespmem:$0x1D3C0] =	vst v63  }
0x78: {  	_ =	swait.ge [sflag:s11], $0x1400  }
0x79: {  	s18 =	sld [smem:$0x7F8]  }
0x7a: {  	[sflag:s11] =	ssyncset.done $0x0  }
0x7b: {  	[sflag:s11] =	ssyncadd.s32 $0xFFFFEC00  }
0x7c: {  	[spmem:s18] =	stream.linear.scatter [tilespmem:s4], [sflag:$0x9], $0x1400, $0x38;
	[tilespmem:$0x1D3C0] =	vst v63  }
0x7d: {  	_ =	swait.ge [sflag:s11], $0x1400  }
0x7e: {  	s19 =	sld [smem:$0x7F9]  }
0x7f: {  	[sflag:s11] =	ssyncset.done $0x0  }
0x80: {  	[sflag:s11] =	ssyncadd.s32 $0xFFFFEC00  }
0x81: {  	[spmem:s19] =	stream.linear.scatter [tilespmem:s4], [sflag:$0x9], $0x1400, $0x38;
	[tilespmem:$0x1D3C0] =	vst v63  }
0x82: {  	_ =	swait.ge [sflag:s11], $0x1400  }
0x83: {  	s25 =	sld [smem:$0x7FB]  }
0x84: {  	[sflag:s11] =	ssyncset.done $0x0  }
.Ltmp1:
0x85: {  	[sflag:s11] =	ssyncadd.s32 $0xFFFFEC00;
	(pc) =	sbr.rel @p0 .LBB2_7-.Ltmp1, $4  }
0x86: {  	[spmem:s25] =	stream.linear.scatter [tilespmem:s4], [sflag:$0x9], $0x1400, $0x38;
	[tilespmem:$0x1D3C0] =	vst v63  }
0x87: {  	_ =	swait.ge [sflag:s11], $0x1400  }
0x88: {  	[sflag:s11] =	ssyncset.done $0x0  }
0x89: {  	[sflag:s11] =	ssyncadd.s32 $0xFFFFEC00  }
0x8a: {  	s1 =	sld [smem:$0x7FD];
	_ =	sdelay $0x2  }
0x8b: {  	s2 =	sld [smem:$0x7FC];
	p1 =	sne.s32 s1, $0x23000  }
.Ltmp2:
0x8c: {  	_ = 	snop;
	(pc) =	sbr.rel @!p1 .LBB2_6-.Ltmp2, $4  }
0x8d: {  	s0 =	sshra.s32 s1, $0x2  }
0x8e: {  	s0 =	sadd.s32 s0, s2  }
0x8f: {  	[spmem:s0] =	stream.linear.scatter [tilespmem:s4], [sflag:$0x9], $0x1400, $0x38;
	[tilespmem:$0x1D3C0] =	vst v63  }
0x90: {  	s0 =	sadd.s32 $0x5000, s1;
	_ =	swait.ge [sflag:s11], $0x1400  }
.LBB2_5:
0x91: {  	s1 =	sshra.s32 s0, $0x2;
	[sflag:s11] =	ssyncset.done $0x0;
	p1 =	sne.s32 s0, $0x23000  }
.Ltmp3:
0x92: {  	s1 =	sadd.s32 s1, s2;
	[sflag:s11] =	ssyncadd.s32 $0xFFFFEC00;
	(pc) =	sbr.rel @p1 .LBB2_5-.Ltmp3, $3  }
0x93: {  	[spmem:s1] =	stream.linear.scatter [tilespmem:s4], [sflag:$0x9], $0x1400, $0x38;
	[tilespmem:$0x1D3C0] =	vst v63  }
0x94: {  	s0 =	sadd.s32 $0x5000, s0;
	_ =	sdelay $0x1  }
0x95: {  	_ =	swait.ge [sflag:s11], $0x1400  }
.LBB2_6:
0x96: {  	[sflag:s11] =	ssyncset.done $0x0  }
0x97: {  	[sflag:s11] =	ssyncadd.s32 $0xFFFFEC00  }
.LBB2_7:
0x98: {  	[bflag:$0x0] =	sbarrier.arrive $0xFFFF  }
0x99: {  	s0 =	rddreg [dreg:$0x7]  }
0x9a: {  	s0 =	sadd.s32 $0x0, s0  }
0x9b: {  	[tilespmem:s8], [sflag:$0x9] =	stream.linear.gather [hbm4b:s0+s12], $0x800, $0x38;
	[tilespmem:$0x1D3C0] =	vst v63  }
0x9c: {  	_ =	swait.ge [sflag:s11], $0x800  }
0x9d: {  	[sflag:s11] =	ssyncset.done $0x0  }
0x9e: {  	[sflag:s11] =	ssyncadd.s32 $0xFFFFF800  }
0x9f: {  	[spmem:s5] =	stream.indirect.scatter.add.f32 [tilespmem:s21], [sflag:$0x5], $0x1, s8, s20, $0xb8;
	[tilespmem:$0x1D3C0] =	vst v63  }
0xa0: {  	s16 =	rddreg [dreg:$0x8]  }
0xa1: {  	[spmem:s5] =	stream.indirect.scatter.add.f32 [tilespmem:s21], [sflag:$0x5], $0x1, s16, s20, $0xb8;
	[tilespmem:$0x1D3C0] =	vst v63  }
0xa2: {  	s1 =	rddreg [dreg:$0x9]  }
0xa3: {  	[spmem:s5] =	stream.indirect.scatter.add.f32 [tilespmem:s21], [sflag:$0x5], $0x1, s1, s20, $0xb8;
	[tilespmem:$0x1D3C0] =	vst v63  }
0xa4: {  	s17 =	rddreg [dreg:$0xa]  }
0xa5: {  	[spmem:s5] =	stream.indirect.scatter.add.f32 [tilespmem:s21], [sflag:$0x5], $0x1, s17, s20, $0xb8;
	[tilespmem:$0x1D3C0] =	vst v63  }
0xa6: {  	s18 =	rddreg [dreg:$0xb]  }
0xa7: {  	[spmem:s5] =	stream.indirect.scatter.add.f32 [tilespmem:s21], [sflag:$0x5], $0x1, s18, s20, $0xb8;
	[tilespmem:$0x1D3C0] =	vst v63  }
0xa8: {  	s19 =	rddreg [dreg:$0xc]  }
0xa9: {  	[spmem:s5] =	stream.indirect.scatter.add.f32 [tilespmem:s21], [sflag:$0x5], $0x1, s19, s20, $0xb8;
	[tilespmem:$0x1D3C0] =	vst v63  }
0xaa: {  	s25 =	rddreg [dreg:$0xd]  }
0xab: {  	[spmem:s5] =	stream.indirect.scatter.add.f32 [tilespmem:s21], [sflag:$0x5], $0x1, s25, s20, $0xb8;
	[tilespmem:$0x1D3C0] =	vst v63  }
0xac: {  	s2 =	rddreg [dreg:$0xe]  }
0xad: {  	[spmem:s5] =	stream.indirect.scatter.add.f32 [tilespmem:s21], [sflag:$0x5], $0x1, s2, s20, $0xb8;
	[tilespmem:$0x1D3C0] =	vst v63  }
0xae: {  	s4 =	rddreg [dreg:$0xf]  }
0xaf: {  	[spmem:s5] =	stream.indirect.scatter.add.f32 [tilespmem:s21], [sflag:$0x5], $0x1, s4, s20, $0xb8;
	[tilespmem:$0x1D3C0] =	vst v63  }
0xb0: {  	s8 =	rddreg [dreg:$0x10]  }
0xb1: {  	[spmem:s5] =	stream.indirect.scatter.add.f32 [tilespmem:s21], [sflag:$0x5], $0x1, s8, s20, $0xb8;
	[tilespmem:$0x1D3C0] =	vst v63  }
0xb2: {  	_ = 	snop  }
0xb3: {  	[spmem:s5] =	stream.indirect.scatter.add.f32 [tilespmem:s21], [sflag:$0x5], $0x1, s13, s20, $0xb8;
	[tilespmem:$0x1D3C0] =	vst v63  }
0xb4: {  	_ = 	snop  }
0xb5: {  	[spmem:s5] =	stream.indirect.scatter.add.f32 [tilespmem:s21], [sflag:$0x5], $0x1, s14, s20, $0xb8;
	[tilespmem:$0x1D3C0] =	vst v63  }
0xb6: {  	s10 =	simm.s32 $0x14D80  }
0xb7: {  	[spmem:s5] =	stream.indirect.scatter.add.f32 [tilespmem:s21], [sflag:$0x5], $0x1, s10, s20, $0xb8;
	[tilespmem:$0x1D3C0] =	vst v63  }
0xb8: {  	s11 =	simm.s32 $0x14DC0  }
0xb9: {  	[spmem:s5] =	stream.indirect.scatter.add.f32 [tilespmem:s21], [sflag:$0x5], $0x1, s11, s20, $0xb8;
	[tilespmem:$0x1D3C0] =	vst v63  }
0xba: {  	s12 =	simm.s32 $0x14E00  }
0xbb: {  	[spmem:s5] =	stream.indirect.scatter.add.f32 [tilespmem:s21], [sflag:$0x5], $0x1, s12, s20, $0xb8;
	[tilespmem:$0x1D3C0] =	vst v63  }
0xbc: {  	s13 =	simm.s32 $0x14E40  }
0xbd: {  	[spmem:s5] =	stream.indirect.scatter.add.f32 [tilespmem:s21], [sflag:$0x5], $0x1, s13, s20, $0xb8;
	[tilespmem:$0x1D3C0] =	vst v63  }
0xbe: {  	s14 =	simm.s32 $0x14E80  }
0xbf: {  	[spmem:s5] =	stream.indirect.scatter.add.f32 [tilespmem:s21], [sflag:$0x5], $0x1, s14, s20, $0xb8;
	[tilespmem:$0x1D3C0] =	vst v63  }
0xc0: {  	s16 =	simm.s32 $0x14EC0  }
0xc1: {  	[spmem:s5] =	stream.indirect.scatter.add.f32 [tilespmem:s21], [sflag:$0x5], $0x1, s16, s20, $0xb8;
	[tilespmem:$0x1D3C0] =	vst v63  }
0xc2: {  	s17 =	simm.s32 $0x14F00  }
0xc3: {  	[spmem:s5] =	stream.indirect.scatter.add.f32 [tilespmem:s21], [sflag:$0x5], $0x1, s17, s20, $0xb8;
	[tilespmem:$0x1D3C0] =	vst v63  }
0xc4: {  	s18 =	simm.s32 $0x14F40  }
0xc5: {  	[spmem:s5] =	stream.indirect.scatter.add.f32 [tilespmem:s21], [sflag:$0x5], $0x1, s18, s20, $0xb8;
	[tilespmem:$0x1D3C0] =	vst v63  }
0xc6: {  	s19 =	simm.s32 $0x14F80  }
0xc7: {  	[spmem:s5] =	stream.indirect.scatter.add.f32 [tilespmem:s21], [sflag:$0x5], $0x1, s19, s20, $0xb8;
	[tilespmem:$0x1D3C0] =	vst v63  }
0xc8: {  	s25 =	simm.s32 $0x14FC0  }
0xc9: {  	[spmem:s5] =	stream.indirect.scatter.add.f32 [tilespmem:s21], [sflag:$0x5], $0x1, s25, s20, $0xb8;
	[tilespmem:$0x1D3C0] =	vst v63  }
0xca: {  	s1 =	simm.s32 $0x15000  }
0xcb: {  	[spmem:s5] =	stream.indirect.scatter.add.f32 [tilespmem:s21], [sflag:$0x5], $0x1, s1, s20, $0xb8;
	[tilespmem:$0x1D3C0] =	vst v63  }
0xcc: {  	s2 =	simm.s32 $0x15040  }
0xcd: {  	[spmem:s5] =	stream.indirect.scatter.add.f32 [tilespmem:s21], [sflag:$0x5], $0x1, s2, s20, $0xb8;
	[tilespmem:$0x1D3C0] =	vst v63  }
0xce: {  	s15 =	simm.s32 $0x14A80;
	s0 =	rddreg [dreg:$0x7];
	s4 =	simm.s32 $0x15080  }
0xcf: {  	[spmem:s5] =	stream.indirect.scatter.add.f32 [tilespmem:s21], [sflag:$0x5], $0x1, s4, s20, $0xb8;
	[tilespmem:$0x1D3C0] =	vst v63  }
0xd0: {  	s8 =	simm.s32 $0x0;
	s10 =	simm.s32 $0x14D00;
	s14 =	simm.s32 $0x150C0  }
0xd1: {  	[spmem:s5] =	stream.indirect.scatter.add.f32 [tilespmem:s21], [sflag:$0x5], $0x1, s14, s20, $0xb8;
	[tilespmem:$0x1D3C0] =	vst v63  }
0xd2: {  	s11 =	simm.s32 $0x14D40;
	s12 =	simm.s32 $0x9;
	s16 =	simm.s32 $0x15100  }
0xd3: {  	[spmem:s5] =	stream.indirect.scatter.add.f32 [tilespmem:s21], [sflag:$0x5], $0x1, s16, s20, $0xb8;
	[tilespmem:$0x1D3C0] =	vst v63  }
0xd4: {  	s13 =	simm.s32 $0x15240;
	s17 =	simm.s32 $0x15040;
	s1 =	simm.s32 $0x15140  }
0xd5: {  	[spmem:s5] =	stream.indirect.scatter.add.f32 [tilespmem:s21], [sflag:$0x5], $0x1, s1, s20, $0xb8;
	[tilespmem:$0x1D3C0] =	vst v63  }
0xd6: {  	s18 =	simm.s32 $0x15080;
	s19 =	simm.s32 $0x150C0;
	s2 =	simm.s32 $0x15180  }
0xd7: {  	[spmem:s5] =	stream.indirect.scatter.add.f32 [tilespmem:s21], [sflag:$0x5], $0x1, s2, s20, $0xb8;
	[tilespmem:$0x1D3C0] =	vst v63  }
0xd8: {  	s25 =	simm.s32 $0x15100;
	s4 =	simm.s32 $0x151C0;
	s14 =	simm.s32 $0x15200  }
0xd9: {  	[spmem:s5] =	stream.indirect.scatter.add.f32 [tilespmem:s21], [sflag:$0x5], $0x1, s4, s20, $0xb8;
	[tilespmem:$0x1D3C0] =	vst v63  }
0xda: {  	s16 =	simm.s32 $0x15180;
	s1 =	simm.s32 $0x200;
	s2 =	simm.s32 $0x100  }
0xdb: {  	[spmem:s5] =	stream.indirect.scatter.add.f32 [tilespmem:s21], [sflag:$0x5], $0x1, s14, s20, $0xb8;
	[tilespmem:$0x1D3C0] =	vst v63  }
.LBB2_8:
0xdc: {  	[spmem:s5] =	stream.indirect.scatter.add.f32 [tilespmem:s21], [sflag:$0x5], $0x1, s13, s20, $0xb8;
	[tilespmem:$0x1D3C0] =	vst v63  }
0xdd: {  	s0 =	sadd.s32 s2, s0  }
0xde: {  	[tilespmem:s15], [sflag:$0x9] =	stream.linear.gather [hbm4b:s0+s8], $0x800, $0x38;
	[tilespmem:$0x1D3C0] =	vst v63  }
0xdf: {  	_ =	swait.ge [sflag:s12], $0x800  }
0xe0: {  	[sflag:s12] =	ssyncset.done $0x0  }
0xe1: {  	[sflag:s12] =	ssyncadd.s32 $0xFFFFF800  }
0xe2: {  	[spmem:s5] =	stream.indirect.scatter.add.f32 [tilespmem:s21], [sflag:$0x5], $0x1, s15, s20, $0xb8;
	[tilespmem:$0x1D3C0] =	vst v63  }
0xe3: {  	s4 =	smov.u32 s1;
	s14 =	rddreg [dreg:$0x8]  }
0xe4: {  	[spmem:s5] =	stream.indirect.scatter.add.f32 [tilespmem:s21], [sflag:$0x5], $0x1, s14, s20, $0xb8;
	[tilespmem:$0x1D3C0] =	vst v63  }
0xe5: {  	s2 =	smov.u32 s4;
	s4 =	rddreg [dreg:$0x9]  }
0xe6: {  	[spmem:s5] =	stream.indirect.scatter.add.f32 [tilespmem:s21], [sflag:$0x5], $0x1, s4, s20, $0xb8;
	[tilespmem:$0x1D3C0] =	vst v63  }
0xe7: {  	s14 =	rddreg [dreg:$0xa]  }
0xe8: {  	[spmem:s5] =	stream.indirect.scatter.add.f32 [tilespmem:s21], [sflag:$0x5], $0x1, s14, s20, $0xb8;
	[tilespmem:$0x1D3C0] =	vst v63  }
0xe9: {  	s4 =	rddreg [dreg:$0xb]  }
0xea: {  	[spmem:s5] =	stream.indirect.scatter.add.f32 [tilespmem:s21], [sflag:$0x5], $0x1, s4, s20, $0xb8;
	[tilespmem:$0x1D3C0] =	vst v63  }
0xeb: {  	s14 =	rddreg [dreg:$0xc]  }
0xec: {  	[spmem:s5] =	stream.indirect.scatter.add.f32 [tilespmem:s21], [sflag:$0x5], $0x1, s14, s20, $0xb8;
	[tilespmem:$0x1D3C0] =	vst v63  }
0xed: {  	s4 =	rddreg [dreg:$0xd]  }
0xee: {  	[spmem:s5] =	stream.indirect.scatter.add.f32 [tilespmem:s21], [sflag:$0x5], $0x1, s4, s20, $0xb8;
	[tilespmem:$0x1D3C0] =	vst v63  }
0xef: {  	s14 =	rddreg [dreg:$0xe]  }
0xf0: {  	[spmem:s5] =	stream.indirect.scatter.add.f32 [tilespmem:s21], [sflag:$0x5], $0x1, s14, s20, $0xb8;
	[tilespmem:$0x1D3C0] =	vst v63  }
0xf1: {  	s4 =	rddreg [dreg:$0xf]  }
0xf2: {  	[spmem:s5] =	stream.indirect.scatter.add.f32 [tilespmem:s21], [sflag:$0x5], $0x1, s4, s20, $0xb8;
	[tilespmem:$0x1D3C0] =	vst v63  }
0xf3: {  	s14 =	rddreg [dreg:$0x10]  }
0xf4: {  	[spmem:s5] =	stream.indirect.scatter.add.f32 [tilespmem:s21], [sflag:$0x5], $0x1, s14, s20, $0xb8;
	[tilespmem:$0x1D3C0] =	vst v63  }
0xf5: {  	_ = 	snop  }
0xf6: {  	[spmem:s5] =	stream.indirect.scatter.add.f32 [tilespmem:s21], [sflag:$0x5], $0x1, s10, s20, $0xb8;
	[tilespmem:$0x1D3C0] =	vst v63  }
0xf7: {  	_ = 	snop  }
0xf8: {  	[spmem:s5] =	stream.indirect.scatter.add.f32 [tilespmem:s21], [sflag:$0x5], $0x1, s11, s20, $0xb8;
	[tilespmem:$0x1D3C0] =	vst v63  }
0xf9: {  	s4 =	simm.s32 $0x14D80  }
0xfa: {  	[spmem:s5] =	stream.indirect.scatter.add.f32 [tilespmem:s21], [sflag:$0x5], $0x1, s4, s20, $0xb8;
	[tilespmem:$0x1D3C0] =	vst v63  }
0xfb: {  	s14 =	simm.s32 $0x14DC0  }
0xfc: {  	[spmem:s5] =	stream.indirect.scatter.add.f32 [tilespmem:s21], [sflag:$0x5], $0x1, s14, s20, $0xb8;
	[tilespmem:$0x1D3C0] =	vst v63  }
0xfd: {  	s14 =	simm.s32 $0x14E00  }
0xfe: {  	[spmem:s5] =	stream.indirect.scatter.add.f32 [tilespmem:s21], [sflag:$0x5], $0x1, s14, s20, $0xb8;
	[tilespmem:$0x1D3C0] =	vst v63  }
0xff: {  	s14 =	simm.s32 $0x14E40  }
0x100: {  	[spmem:s5] =	stream.indirect.scatter.add.f32 [tilespmem:s21], [sflag:$0x5], $0x1, s14, s20, $0xb8;
	[tilespmem:$0x1D3C0] =	vst v63  }
0x101: {  	s14 =	simm.s32 $0x14E80  }
0x102: {  	[spmem:s5] =	stream.indirect.scatter.add.f32 [tilespmem:s21], [sflag:$0x5], $0x1, s14, s20, $0xb8;
	[tilespmem:$0x1D3C0] =	vst v63  }
0x103: {  	s14 =	simm.s32 $0x14EC0  }
0x104: {  	[spmem:s5] =	stream.indirect.scatter.add.f32 [tilespmem:s21], [sflag:$0x5], $0x1, s14, s20, $0xb8;
	[tilespmem:$0x1D3C0] =	vst v63  }
0x105: {  	s14 =	simm.s32 $0x14F00  }
0x106: {  	[spmem:s5] =	stream.indirect.scatter.add.f32 [tilespmem:s21], [sflag:$0x5], $0x1, s14, s20, $0xb8;
	[tilespmem:$0x1D3C0] =	vst v63  }
0x107: {  	s14 =	simm.s32 $0x14F40  }
0x108: {  	[spmem:s5] =	stream.indirect.scatter.add.f32 [tilespmem:s21], [sflag:$0x5], $0x1, s14, s20, $0xb8;
	[tilespmem:$0x1D3C0] =	vst v63  }
0x109: {  	s14 =	simm.s32 $0x14F80  }
0x10a: {  	[spmem:s5] =	stream.indirect.scatter.add.f32 [tilespmem:s21], [sflag:$0x5], $0x1, s14, s20, $0xb8;
	[tilespmem:$0x1D3C0] =	vst v63  }
0x10b: {  	s14 =	simm.s32 $0x14FC0  }
0x10c: {  	[spmem:s5] =	stream.indirect.scatter.add.f32 [tilespmem:s21], [sflag:$0x5], $0x1, s14, s20, $0xb8;
	[tilespmem:$0x1D3C0] =	vst v63  }
0x10d: {  	s14 =	simm.s32 $0x15000  }
0x10e: {  	[spmem:s5] =	stream.indirect.scatter.add.f32 [tilespmem:s21], [sflag:$0x5], $0x1, s14, s20, $0xb8;
	[tilespmem:$0x1D3C0] =	vst v63  }
0x10f: {  	_ = 	snop  }
0x110: {  	[spmem:s5] =	stream.indirect.scatter.add.f32 [tilespmem:s21], [sflag:$0x5], $0x1, s17, s20, $0xb8;
	[tilespmem:$0x1D3C0] =	vst v63  }
0x111: {  	_ = 	snop  }
0x112: {  	[spmem:s5] =	stream.indirect.scatter.add.f32 [tilespmem:s21], [sflag:$0x5], $0x1, s18, s20, $0xb8;
	[tilespmem:$0x1D3C0] =	vst v63  }
0x113: {  	_ = 	snop  }
0x114: {  	[spmem:s5] =	stream.indirect.scatter.add.f32 [tilespmem:s21], [sflag:$0x5], $0x1, s19, s20, $0xb8;
	[tilespmem:$0x1D3C0] =	vst v63  }
0x115: {  	_ = 	snop  }
0x116: {  	[spmem:s5] =	stream.indirect.scatter.add.f32 [tilespmem:s21], [sflag:$0x5], $0x1, s25, s20, $0xb8;
	[tilespmem:$0x1D3C0] =	vst v63  }
0x117: {  	s14 =	simm.s32 $0x15140  }
0x118: {  	[spmem:s5] =	stream.indirect.scatter.add.f32 [tilespmem:s21], [sflag:$0x5], $0x1, s14, s20, $0xb8;
	[tilespmem:$0x1D3C0] =	vst v63  }
0x119: {  	p1 =	sne.s32 s1, $0x900  }
0x11a: {  	[spmem:s5] =	stream.indirect.scatter.add.f32 [tilespmem:s21], [sflag:$0x5], $0x1, s16, s20, $0xb8;
	[tilespmem:$0x1D3C0] =	vst v63  }
.Ltmp4:
0x11b: {  	_ = 	snop;
	(pc) =	sbr.rel @p1 .LBB2_8-.Ltmp4, $4  }
0x11c: {  	s14 =	simm.s32 $0x151C0  }
0x11d: {  	[spmem:s5] =	stream.indirect.scatter.add.f32 [tilespmem:s21], [sflag:$0x5], $0x1, s14, s20, $0xb8;
	[tilespmem:$0x1D3C0] =	vst v63  }
0x11e: {  	s1 =	sadd.s32 $0x100, s1;
	s0 =	rddreg [dreg:$0x7];
	s14 =	simm.s32 $0x15200  }
0x11f: {  	[spmem:s5] =	stream.indirect.scatter.add.f32 [tilespmem:s21], [sflag:$0x5], $0x1, s14, s20, $0xb8;
	[tilespmem:$0x1D3C0] =	vst v63  }
0x120: {  	s13 =	simm.s32 $0x15240  }
0x121: {  	[spmem:s5] =	stream.indirect.scatter.add.f32 [tilespmem:s21], [sflag:$0x5], $0x1, s13, s20, $0xb8;
	[tilespmem:$0x1D3C0] =	vst v63  }
0x122: {  	s0 =	sadd.s32 s2, s0  }
0x123: {  	[tilespmem:s15], [sflag:$0x9] =	stream.linear.gather [hbm4b:s0+s8], $0x800, $0x38;
	[tilespmem:$0x1D3C0] =	vst v63  }
0x124: {  	_ =	swait.ge [sflag:s12], $0x800  }
0x125: {  	[sflag:s12] =	ssyncset.done $0x0  }
0x126: {  	[sflag:s12] =	ssyncadd.s32 $0xFFFFF800  }
0x127: {  	[spmem:s5] =	stream.indirect.scatter.add.f32 [tilespmem:s21], [sflag:$0x5], $0x1, s15, s20, $0xb8;
	[tilespmem:$0x1D3C0] =	vst v63  }
0x128: {  	s8 =	rddreg [dreg:$0x8]  }
0x129: {  	[spmem:s5] =	stream.indirect.scatter.add.f32 [tilespmem:s21], [sflag:$0x5], $0x1, s8, s20, $0xb8;
	[tilespmem:$0x1D3C0] =	vst v63  }
0x12a: {  	s1 =	rddreg [dreg:$0x9]  }
0x12b: {  	[spmem:s5] =	stream.indirect.scatter.add.f32 [tilespmem:s21], [sflag:$0x5], $0x1, s1, s20, $0xb8;
	[tilespmem:$0x1D3C0] =	vst v63  }
0x12c: {  	s12 =	rddreg [dreg:$0xa]  }
0x12d: {  	[spmem:s5] =	stream.indirect.scatter.add.f32 [tilespmem:s21], [sflag:$0x5], $0x1, s12, s20, $0xb8;
	[tilespmem:$0x1D3C0] =	vst v63  }
0x12e: {  	s14 =	rddreg [dreg:$0xb]  }
0x12f: {  	[spmem:s5] =	stream.indirect.scatter.add.f32 [tilespmem:s21], [sflag:$0x5], $0x1, s14, s20, $0xb8;
	[tilespmem:$0x1D3C0] =	vst v63  }
0x130: {  	s15 =	rddreg [dreg:$0xc]  }
0x131: {  	[spmem:s5] =	stream.indirect.scatter.add.f32 [tilespmem:s21], [sflag:$0x5], $0x1, s15, s20, $0xb8;
	[tilespmem:$0x1D3C0] =	vst v63  }
0x132: {  	s2 =	rddreg [dreg:$0xd]  }
0x133: {  	[spmem:s5] =	stream.indirect.scatter.add.f32 [tilespmem:s21], [sflag:$0x5], $0x1, s2, s20, $0xb8;
	[tilespmem:$0x1D3C0] =	vst v63  }
0x134: {  	s8 =	rddreg [dreg:$0xe]  }
0x135: {  	[spmem:s5] =	stream.indirect.scatter.add.f32 [tilespmem:s21], [sflag:$0x5], $0x1, s8, s20, $0xb8;
	[tilespmem:$0x1D3C0] =	vst v63  }
0x136: {  	s12 =	rddreg [dreg:$0xf]  }
0x137: {  	[spmem:s5] =	stream.indirect.scatter.add.f32 [tilespmem:s21], [sflag:$0x5], $0x1, s12, s20, $0xb8;
	[tilespmem:$0x1D3C0] =	vst v63  }
0x138: {  	s14 =	rddreg [dreg:$0x10]  }
0x139: {  	[spmem:s5] =	stream.indirect.scatter.add.f32 [tilespmem:s21], [sflag:$0x5], $0x1, s14, s20, $0xb8;
	[tilespmem:$0x1D3C0] =	vst v63  }
0x13a: {  	_ = 	snop  }
0x13b: {  	[spmem:s5] =	stream.indirect.scatter.add.f32 [tilespmem:s21], [sflag:$0x5], $0x1, s10, s20, $0xb8;
	[tilespmem:$0x1D3C0] =	vst v63  }
0x13c: {  	_ = 	snop  }
0x13d: {  	[spmem:s5] =	stream.indirect.scatter.add.f32 [tilespmem:s21], [sflag:$0x5], $0x1, s11, s20, $0xb8;
	[tilespmem:$0x1D3C0] =	vst v63  }
0x13e: {  	_ = 	snop  }
0x13f: {  	[spmem:s5] =	stream.indirect.scatter.add.f32 [tilespmem:s21], [sflag:$0x5], $0x1, s4, s20, $0xb8;
	[tilespmem:$0x1D3C0] =	vst v63  }
0x140: {  	s15 =	simm.s32 $0x14DC0  }
0x141: {  	[spmem:s5] =	stream.indirect.scatter.add.f32 [tilespmem:s21], [sflag:$0x5], $0x1, s15, s20, $0xb8;
	[tilespmem:$0x1D3C0] =	vst v63  }
0x142: {  	s1 =	simm.s32 $0x14E00  }
0x143: {  	[spmem:s5] =	stream.indirect.scatter.add.f32 [tilespmem:s21], [sflag:$0x5], $0x1, s1, s20, $0xb8;
	[tilespmem:$0x1D3C0] =	vst v63  }
0x144: {  	s2 =	simm.s32 $0x14E40  }
0x145: {  	[spmem:s5] =	stream.indirect.scatter.add.f32 [tilespmem:s21], [sflag:$0x5], $0x1, s2, s20, $0xb8;
	[tilespmem:$0x1D3C0] =	vst v63  }
0x146: {  	s4 =	simm.s32 $0x14E80  }
0x147: {  	[spmem:s5] =	stream.indirect.scatter.add.f32 [tilespmem:s21], [sflag:$0x5], $0x1, s4, s20, $0xb8;
	[tilespmem:$0x1D3C0] =	vst v63  }
0x148: {  	s8 =	simm.s32 $0x14EC0  }
0x149: {  	[spmem:s5] =	stream.indirect.scatter.add.f32 [tilespmem:s21], [sflag:$0x5], $0x1, s8, s20, $0xb8;
	[tilespmem:$0x1D3C0] =	vst v63  }
0x14a: {  	s10 =	simm.s32 $0x14F00  }
0x14b: {  	[spmem:s5] =	stream.indirect.scatter.add.f32 [tilespmem:s21], [sflag:$0x5], $0x1, s10, s20, $0xb8;
	[tilespmem:$0x1D3C0] =	vst v63  }
0x14c: {  	s11 =	simm.s32 $0x14F40  }
0x14d: {  	[spmem:s5] =	stream.indirect.scatter.add.f32 [tilespmem:s21], [sflag:$0x5], $0x1, s11, s20, $0xb8;
	[tilespmem:$0x1D3C0] =	vst v63  }
0x14e: {  	s12 =	simm.s32 $0x14F80  }
0x14f: {  	[spmem:s5] =	stream.indirect.scatter.add.f32 [tilespmem:s21], [sflag:$0x5], $0x1, s12, s20, $0xb8;
	[tilespmem:$0x1D3C0] =	vst v63  }
0x150: {  	s14 =	simm.s32 $0x14FC0  }
0x151: {  	[spmem:s5] =	stream.indirect.scatter.add.f32 [tilespmem:s21], [sflag:$0x5], $0x1, s14, s20, $0xb8;
	[tilespmem:$0x1D3C0] =	vst v63  }
0x152: {  	s15 =	simm.s32 $0x15000  }
0x153: {  	[spmem:s5] =	stream.indirect.scatter.add.f32 [tilespmem:s21], [sflag:$0x5], $0x1, s15, s20, $0xb8;
	[tilespmem:$0x1D3C0] =	vst v63  }
0x154: {  	_ = 	snop  }
0x155: {  	[spmem:s5] =	stream.indirect.scatter.add.f32 [tilespmem:s21], [sflag:$0x5], $0x1, s17, s20, $0xb8;
	[tilespmem:$0x1D3C0] =	vst v63  }
0x156: {  	_ = 	snop  }
0x157: {  	[spmem:s5] =	stream.indirect.scatter.add.f32 [tilespmem:s21], [sflag:$0x5], $0x1, s18, s20, $0xb8;
	[tilespmem:$0x1D3C0] =	vst v63  }
0x158: {  	_ = 	snop  }
0x159: {  	[spmem:s5] =	stream.indirect.scatter.add.f32 [tilespmem:s21], [sflag:$0x5], $0x1, s19, s20, $0xb8;
	[tilespmem:$0x1D3C0] =	vst v63  }
0x15a: {  	_ = 	snop  }
0x15b: {  	[spmem:s5] =	stream.indirect.scatter.add.f32 [tilespmem:s21], [sflag:$0x5], $0x1, s25, s20, $0xb8;
	[tilespmem:$0x1D3C0] =	vst v63  }
0x15c: {  	s18 =	simm.s32 $0x15140  }
0x15d: {  	[spmem:s5] =	stream.indirect.scatter.add.f32 [tilespmem:s21], [sflag:$0x5], $0x1, s18, s20, $0xb8;
	[tilespmem:$0x1D3C0] =	vst v63  }
0x15e: {  	_ = 	snop  }
0x15f: {  	[spmem:s5] =	stream.indirect.scatter.add.f32 [tilespmem:s21], [sflag:$0x5], $0x1, s16, s20, $0xb8;
	[tilespmem:$0x1D3C0] =	vst v63  }
0x160: {  	s19 =	simm.s32 $0x151C0  }
0x161: {  	[spmem:s5] =	stream.indirect.scatter.add.f32 [tilespmem:s21], [sflag:$0x5], $0x1, s19, s20, $0xb8;
	[tilespmem:$0x1D3C0] =	vst v63  }
0x162: {  	s25 =	simm.s32 $0x15200  }
0x163: {  	[spmem:s5] =	stream.indirect.scatter.add.f32 [tilespmem:s21], [sflag:$0x5], $0x1, s25, s20, $0xb8;
	[tilespmem:$0x1D3C0] =	vst v63  }
0x164: {  	s14 =	simm.s32 $0x5  }
0x165: {  	[spmem:s5] =	stream.indirect.scatter.add.f32 [tilespmem:s21], [sflag:$0x5], $0x1, s13, s20, $0xb8;
	[tilespmem:$0x1D3C0] =	vst v63  }
0x166: {  	_ =	swait.ge [sflag:s14], $0x40  }
0x167: {  	s0 =	simm.s32 $0x13F;
	[sflag:s14] =	ssyncset.done $0x0  }
.LBB2_10:
0x168: {  	p1 =	sne.s32 s0, $0x1;
	s0 =	sadd.s32 $0xFFFFFFFF, s0;
	[sflag:s14] =	ssyncadd.s32 $0xFFFFFFC0  }
.Ltmp5:
0x169: {  	(pc) =	sbr.rel @p1 .LBB2_10-.Ltmp5, $3  }
0x16a: {  	_ =	sdelay $0x1  }
0x16b: {  	_ =	swait.ge [sflag:s14], $0x40  }
0x16c: {  	[sflag:s14] =	ssyncset.done $0x0  }
0x16d: {  	[sflag:s14] =	ssyncadd.s32 $0xFFFFFFC0  }
0x16e: {  	[bflag:$0x0] =	sbarrier.arrive $0xFFFF  }
0x16f: {  	s11 =	simm.s32 $0x9;
	s0 =	rddreg [dreg:$0x15]  }
0x170: {  	[tilespmem:s9], [sflag:$0x9] =	stream.linear.gather [spmem:s0], $0x280, $0x38;
	[tilespmem:$0x1D3C0] =	vst v63  }
0x171: {  	_ =	swait.ge [sflag:s11], $0x280  }
0x172: {  	[sflag:s11] =	ssyncset.done $0x0  }
0x173: {  	s0 =	simm.s32 $0x0;
	[sflag:s11] =	ssyncadd.s32 $0xFFFFFD80  }
0x174: {  	v3 =	vld [tilespmem:s0+$0x1CE80];
	_ =	sdelay $0x4  }
0x175: {  	v2 =	vshrl.u32 v3, $0x1;
	v4 =	vmul.f32 $5.000000000e-01, v3  }
0x176: {  	v2 =	vsub.s32 $0x5F3759DF, v2  }
0x177: {  	v5 =	vmul.f32 v2, v4;
	_ =	sdelay $0x1  }
0x178: {  	v5 =	vmul.f32 v2, v5;
	_ =	sdelay $0x1  }
0x179: {  	v5 =	vsub.f32 $1.500000000e+00, v5;
	_ =	sdelay $0x1  }
0x17a: {  	v2 =	vmul.f32 v2, v5;
	_ =	sdelay $0x1  }
0x17b: {  	v5 =	vmul.f32 v2, v4;
	_ =	sdelay $0x1  }
0x17c: {  	v5 =	vmul.f32 v5, v2;
	_ =	sdelay $0x1  }
0x17d: {  	v5 =	vsub.f32 $1.500000000e+00, v5;
	_ =	sdelay $0x1  }
0x17e: {  	v2 =	vmul.f32 v5, v2;
	_ =	sdelay $0x1  }
0x17f: {  	v4 =	vmul.f32 v2, v4;
	_ =	sdelay $0x1  }
0x180: {  	v4 =	vmul.f32 v4, v2;
	_ =	sdelay $0x1  }
0x181: {  	v4 =	vsub.f32 $1.500000000e+00, v4  }
0x182: {  	s1 =	simm.s32 $0x0  }
0x183: {  	s2 =	simm.s32 $0x40;
	s4 =	simm.s32 $0x80;
	s15 =	simm.s32 $0x19280;
	v2 =	vmul.f32 v4, v2  }
0x184: {  	s17 =	simm.s32 $0x14280;
	s18 =	simm.s32 $0x6;
	s19 =	simm.s32 $0x7;
	vm0 =	vgt.f32 v3, $0.0e+00  }
.LBB2_12:
0x185: {  	p1 =	sne.s32 s4, $0x9C0;
	v2 =	vnsel vm0, $0x0, v2  }
0x186: {  	s10 =	sshra.s32 s2, $0x2;
	s2 =	smov.u32 s4;
	[tilespmem:s0+$0x1CE80] =	vst v2;
	v2 =	vmul.f32 v2, v2  }
0x187: {  	v3 =	vld [tilespmem:s10+$0x1CE80]  }
0x188: {  	[tilespmem:s0+$0x1D100] =	vst v2;
	s0 =	smov.u32 s10;
	_ =	sdelay $0x3  }
0x189: {  	v2 =	vshrl.u32 v3, $0x1;
	v4 =	vmul.f32 $5.000000000e-01, v3  }
0x18a: {  	v2 =	vsub.s32 $0x5F3759DF, v2  }
0x18b: {  	v5 =	vmul.f32 v2, v4;
	_ =	sdelay $0x1  }
0x18c: {  	v5 =	vmul.f32 v2, v5;
	_ =	sdelay $0x1  }
0x18d: {  	v5 =	vsub.f32 $1.500000000e+00, v5;
	_ =	sdelay $0x1  }
0x18e: {  	v2 =	vmul.f32 v2, v5;
	_ =	sdelay $0x1  }
0x18f: {  	v5 =	vmul.f32 v2, v4;
	_ =	sdelay $0x1  }
0x190: {  	v5 =	vmul.f32 v5, v2;
	_ =	sdelay $0x1  }
0x191: {  	v5 =	vsub.f32 $1.500000000e+00, v5;
	_ =	sdelay $0x1  }
0x192: {  	v2 =	vmul.f32 v5, v2;
	_ =	sdelay $0x1  }
0x193: {  	v4 =	vmul.f32 v2, v4;
	_ =	sdelay $0x1  }
0x194: {  	v4 =	vmul.f32 v4, v2  }
.Ltmp6:
0x195: {  	(pc) =	sbr.rel @p1 .LBB2_12-.Ltmp6, $3  }
0x196: {  	v4 =	vsub.f32 $1.500000000e+00, v4;
	_ =	sdelay $0x1  }
0x197: {  	v2 =	vmul.f32 v4, v2  }
0x198: {  	s4 =	sadd.s32 $0x40, s4;
	vm0 =	vgt.f32 v3, $0.0e+00  }
0x199: {  	v2 =	vnsel vm0, $0x0, v2  }
0x19a: {  	s2 =	sshra.s32 s2, $0x2;
	[tilespmem:s0+$0x1CE80] =	vst v2  }
0x19b: {  	v3 =	vld [tilespmem:s2+$0x1CE80];
	_ =	sdelay $0x4  }
0x19c: {  	v4 =	vshrl.u32 v3, $0x1;
	v5 =	vmul.f32 $5.000000000e-01, v3  }
0x19d: {  	v4 =	vsub.s32 $0x5F3759DF, v4  }
0x19e: {  	v6 =	vmul.f32 v4, v5;
	_ =	sdelay $0x1  }
0x19f: {  	v6 =	vmul.f32 v4, v6;
	_ =	sdelay $0x1  }
0x1a0: {  	v6 =	vsub.f32 $1.500000000e+00, v6;
	_ =	sdelay $0x1  }
0x1a1: {  	v4 =	vmul.f32 v4, v6;
	_ =	sdelay $0x1  }
0x1a2: {  	v6 =	vmul.f32 v4, v5;
	_ =	sdelay $0x1  }
0x1a3: {  	v6 =	vmul.f32 v6, v4;
	_ =	sdelay $0x1  }
0x1a4: {  	v6 =	vsub.f32 $1.500000000e+00, v6;
	_ =	sdelay $0x1  }
0x1a5: {  	v4 =	vmul.f32 v6, v4;
	_ =	sdelay $0x1  }
0x1a6: {  	v5 =	vmul.f32 v4, v5;
	_ =	sdelay $0x1  }
0x1a7: {  	v5 =	vmul.f32 v5, v4;
	_ =	sdelay $0x1  }
0x1a8: {  	v5 =	vsub.f32 $1.500000000e+00, v5;
	_ =	sdelay $0x1  }
0x1a9: {  	v4 =	vmul.f32 v5, v4  }
0x1aa: {  	v2 =	vmul.f32 v2, v2;
	vm15 =	vgt.f32 v3, $0.0e+00  }
0x1ab: {  	v3 =	vnsel vm15, $0x0, v4  }
0x1ac: {  	[tilespmem:s0+$0x1D100] =	vst v2;
	v2 =	vmul.f32 v3, v3  }
0x1ad: {  	[tilespmem:s2+$0x1CE80] =	vst v3  }
0x1ae: {  	s8 =	simm.s32 $0x14A80;
	s0 =	simm.s32 $0x0;
	[tilespmem:s2+$0x1D100] =	vst v2  }
.LBB2_14:
0x1af: {  	s2 =	smul.u32 $0x50, s0  }
0x1b0: {  	s4 =	rddreg [dreg:$0x11]  }
0x1b1: {  	s2 =	sadd.s32 s4, s2  }
0x1b2: {  	s16 =	rddreg [dreg:$0x16];
	s2 =	sshll.u32 s2, $0x6  }
0x1b3: {  	s4 =	sadd.s32 s16, s2  }
0x1b4: {  	s10 =	rddreg [dreg:$0x1];
	s4 =	sshrl.u32 s4, $0x3  }
0x1b5: {  	s25 =	simm.s32 $0x0;
	s4 =	sadd.s32 s10, s4  }
0x1b6: {  	[tilespmem:s15], [sflag:$0x9] =	stream.linear.gather [hbm4b:s4+s25], $0x1400, $0x38;
	[tilespmem:$0x1D3C0] =	vst v63  }
0x1b7: {  	v2 =	vmov s1;
	_ =	swait.ge [sflag:s11], $0x1400  }
0x1b8: {  	[sflag:s11] =	ssyncset.done $0x0  }
0x1b9: {  	s4 =	simm.s32 $0x0;
	[sflag:s11] =	ssyncadd.s32 $0xFFFFEC00  }
0x1ba: {  	v3 =	vld [tilespmem:s4+$0x19280]  }
0x1bb: {  	v4 =	vld [tilespmem:s4+$0x19290]  }
0x1bc: {  	v7 =	vld.idx.msk [tilespmem:v2+s9+$0x0], $0xffff  }
0x1bd: {  	v6 =	vld [tilespmem:s4+$0x192A0]  }
0x1be: {  	v8 =	vld [tilespmem:s4+$0x192B0];
	_ =	sdelay $0x3  }
0x1bf: {  	s10 =	sadd.s32 $0x1, s1;
	v5 =	vmul.f32 v3, v7;
	v3 =	vmul.f32 v4, v7  }
0x1c0: {  	s12 =	simm.s32 $0x100;
	s13 =	simm.s32 $0x200;
	v2 =	vmov s10;
	v6 =	vmul.f32 v6, v7;
	v4 =	vmul.f32 v8, v7  }
.LBB2_15:
0x1c1: {  	p1 =	sne.s32 s13, $0x4F00;
	[tilespmem:s4+$0x1BA80] =	vst v5  }
0x1c2: {  	s16 =	sshra.s32 s12, $0x2;
	s12 =	smov.u32 s13;
	[tilespmem:s4+$0x1BA90] =	vst v3  }
0x1c3: {  	v3 =	vld [tilespmem:s16+$0x19280];
	[tilespmem:s4+$0x1BAA0] =	vst v6  }
0x1c4: {  	v6 =	vld [tilespmem:s16+$0x19290];
	[tilespmem:s4+$0x1BAB0] =	vst v4;
	s4 =	smov.u32 s16  }
0x1c5: {  	v4 =	vld.idx.msk [tilespmem:v2+s9+$0x0], $0xffff  }
0x1c6: {  	v7 =	vld [tilespmem:s4+$0x192A0]  }
0x1c7: {  	v8 =	vld [tilespmem:s4+$0x192B0]  }
.Ltmp7:
0x1c8: {  	(pc) =	sbr.rel @p1 .LBB2_15-.Ltmp7, $3  }
0x1c9: {  	_ =	sdelay $0x1  }
0x1ca: {  	s10 =	sadd.s32 $0x1, s10;
	v5 =	vmul.f32 v3, v4;
	v3 =	vmul.f32 v6, v4  }
0x1cb: {  	s13 =	sadd.s32 $0x100, s13;
	v2 =	vmov s10;
	v6 =	vmul.f32 v7, v4;
	v4 =	vmul.f32 v8, v4  }
0x1cc: {  	[tilespmem:s4+$0x1BA80] =	vst v5  }
0x1cd: {  	s10 =	sshra.s32 s12, $0x2;
	[tilespmem:s4+$0x1BA90] =	vst v3  }
0x1ce: {  	v3 =	vld [tilespmem:s10+$0x19280];
	[tilespmem:s4+$0x1BAA0] =	vst v6  }
0x1cf: {  	v5 =	vld [tilespmem:s10+$0x19290];
	[tilespmem:s4+$0x1BAB0] =	vst v4  }
0x1d0: {  	v2 =	vld.idx.msk [tilespmem:v2+s9+$0x0], $0xffff;
	_ =	sdelay $0x1  }
0x1d1: {  	v4 =	vld [tilespmem:s10+$0x192A0]  }
0x1d2: {  	v6 =	vld [tilespmem:s10+$0x192B0];
	_ =	sdelay $0x1  }
0x1d3: {  	v3 =	vmul.f32 v3, v2  }
0x1d4: {  	v5 =	vmul.f32 v5, v2  }
0x1d5: {  	v4 =	vmul.f32 v4, v2;
	[tilespmem:s10+$0x1BA80] =	vst v3  }
0x1d6: {  	v2 =	vmul.f32 v6, v2;
	[tilespmem:s10+$0x1BA90] =	vst v5  }
0x1d7: {  	[tilespmem:s10+$0x1BAA0] =	vst v4  }
0x1d8: {  	s2 =	sadd.s32 s2, s7;
	s16 =	simm.s32 $0x1BA80;
	[tilespmem:s10+$0x1BAB0] =	vst v2  }
0x1d9: {  	[spmem:s2] =	stream.linear.scatter [tilespmem:s16], [sflag:$0x9], $0x1400, $0x38;
	[tilespmem:$0x1D3C0] =	vst v63  }
0x1da: {  	_ =	swait.ge [sflag:s11], $0x1400  }
0x1db: {  	s0 =	sadd.s32 $0x1, s0;
	s25 =	rddreg [dreg:$0x13]  }
0x1dc: {  	p1 =	sne.s32 s0, s25  }
.Ltmp8:
0x1dd: {  	_ = 	snop;
	(pc) =	sbr.rel @p1 .LBB2_14-.Ltmp8, $3  }
0x1de: {  	_ =	sdelay $0x1  }
0x1df: {  	[sflag:s11] =	ssyncset.done $0x0  }
0x1e0: {  	s1 =	sadd.s32 $0x50, s1;
	[sflag:s11] =	ssyncadd.s32 $0xFFFFEC00  }
0x1e1: {  	[bflag:$0x0] =	sbarrier.arrive $0xFFFF  }
0x1e2: {  	s1 =	simm.s32 $0x0;
	s25 =	simm.s32 $0x0;
	s16 =	rddreg [dreg:$0x0]  }
.LBB2_18:
0x1e3: {  	s0 =	sshll.u32 s25, $0xB;
	s2 =	rddreg [dreg:$0x14]  }
0x1e4: {  	s0 =	sadd.s32 s2, s0  }
0x1e5: {  	s10 =	rddreg [dreg:$0x12];
	s0 =	sshrl.u32 s0, $0x3  }
0x1e6: {  	s2 =	sadd.s32 s10, s0  }
0x1e7: {  	[tilespmem:s17], [sflag:$0x9] =	stream.linear.gather [hbm4b:s2+s1], $0x800, $0x38;
	[tilespmem:$0x1D3C0] =	vst v63  }
0x1e8: {  	_ =	swait.ge [sflag:s11], $0x800  }
0x1e9: {  	[sflag:s11] =	ssyncset.done $0x0  }
0x1ea: {  	s0 =	sadd.s32 s16, s0;
	[sflag:s11] =	ssyncadd.s32 $0xFFFFF800  }
0x1eb: {  	[tilespmem:s8], [sflag:$0x9] =	stream.linear.gather [hbm4b:s0+s1], $0x800, $0x38;
	[tilespmem:$0x1D3C0] =	vst v63  }
0x1ec: {  	s12 =	sor.u32 s25, s1;
	_ =	swait.ge [sflag:s11], $0x800  }
0x1ed: {  	p1 =	seq.s32 s12, $0x0;
	[sflag:s11] =	ssyncset.done $0x0  }
0x1ee: {  	s0 =	simm.s32 @!p1 $0x5;
	[sflag:s11] =	ssyncadd.s32 $0xFFFFF800  }
0x1ef: {  	_ =	swait.ge @!p1 [sflag:s0], $0x1000  }
0x1f0: {  	[sflag:s0] =	ssyncset.done @!p1 $0x0  }
0x1f1: {  	[sflag:s0] =	ssyncadd.s32 @!p1 $0xFFFFF000;
	s0 =	simm.s32 @!p1 $0x6  }
0x1f2: {  	_ =	swait.ge @!p1 [sflag:s0], $0x1000  }
0x1f3: {  	[sflag:s0] =	ssyncset.done @!p1 $0x0  }
0x1f4: {  	[sflag:s0] =	ssyncadd.s32 @!p1 $0xFFFFF000;
	s0 =	simm.s32 @!p1 $0x7  }
0x1f5: {  	_ =	swait.ge @!p1 [sflag:s0], $0x1000  }
0x1f6: {  	[sflag:s0] =	ssyncset.done @!p1 $0x0  }
0x1f7: {  	[sflag:s0] =	ssyncadd.s32 @!p1 $0xFFFFF000;
	s0 =	simm.s32 @!p1 $0x8  }
0x1f8: {  	_ =	swait.ge @!p1 [sflag:s0], $0x1000  }
0x1f9: {  	[sflag:s0] =	ssyncset.done @!p1 $0x0  }
0x1fa: {  	s13 =	simm.s32 $0x14280;
	[sflag:s0] =	ssyncadd.s32 @!p1 $0xFFFFF000  }
0x1fb: {  	[tilespmem:s22], [sflag:$0x1] =	stream.indirect.gather [spmem:s7], $0x40, s13, s20, $0xb8;
	[tilespmem:$0x1D3C0] =	vst v63  }
0x1fc: {  	s2 =	simm.s32 $0x142C0  }
0x1fd: {  	[tilespmem:s23], [sflag:$0x2] =	stream.indirect.gather [spmem:s7], $0x40, s2, s20, $0xb8;
	[tilespmem:$0x1D3C0] =	vst v63  }
0x1fe: {  	s4 =	simm.s32 $0x14300  }
0x1ff: {  	[tilespmem:s24], [sflag:$0x3] =	stream.indirect.gather [spmem:s7], $0x40, s4, s20, $0xb8;
	[tilespmem:$0x1D3C0] =	vst v63  }
0x200: {  	s10 =	simm.s32 $0x14340  }
0x201: {  	[tilespmem:s26], [sflag:$0x4] =	stream.indirect.gather [spmem:s7], $0x40, s10, s20, $0xb8;
	[tilespmem:$0x1D3C0] =	vst v63  }
0x202: {  	_ =	swait.ge [sflag:s28], $0x1000  }
0x203: {  	[sflag:s28] =	ssyncset.done $0x0  }
0x204: {  	s12 =	simm.s32 $0x14A80;
	[sflag:s28] =	ssyncadd.s32 $0xFFFFF000  }
0x205: {  	[spmem:s6] =	stream.indirect.scatter.add.f32 [tilespmem:s22], [sflag:$0x5], $0x40, s12, s20, $0xb8;
	[tilespmem:$0x1D3C0] =	vst v63  }
0x206: {  	_ =	swait.ge [sflag:s29], $0x1000  }
0x207: {  	[sflag:s29] =	ssyncset.done $0x0  }
0x208: {  	s13 =	simm.s32 $0x14AC0;
	[sflag:s29] =	ssyncadd.s32 $0xFFFFF000  }
0x209: {  	[spmem:s6] =	stream.indirect.scatter.add.f32 [tilespmem:s23], [sflag:$0x6], $0x40, s13, s20, $0xb8;
	[tilespmem:$0x1D3C0] =	vst v63  }
0x20a: {  	_ =	swait.ge [sflag:s30], $0x1000  }
0x20b: {  	s0 =	simm.s32 $0x1;
	[sflag:s30] =	ssyncset.done $0x0  }
0x20c: {  	s4 =	simm.s32 $0x14B00;
	s10 =	sor.u32 s25, s0;
	[sflag:s30] =	ssyncadd.s32 $0xFFFFF000  }
0x20d: {  	[spmem:s6] =	stream.indirect.scatter.add.f32 [tilespmem:s24], [sflag:$0x7], $0x40, s4, s20, $0xb8;
	[tilespmem:$0x1D3C0] =	vst v63  }
0x20e: {  	s2 =	simm.s32 $0x400;
	p2 =	seq.s32 s10, $0x0;
	_ =	swait.ge [sflag:s31], $0x1000  }
0x20f: {  	s10 =	simm.s32 $0x14B40;
	s4 =	simm.s32 $0x800;
	[sflag:s31] =	ssyncset.done $0x0  }
.LBB2_19:
0x210: {  	s12 =	simm.s32 @!p2 $0x5  }
0x211: {  	[sflag:s31] =	ssyncadd.s32 $0xFFFFF000;
	s13 =	smov.u32 s4;
	s4 =	sadd.s32 $0x400, s4  }
0x212: {  	[spmem:s6] =	stream.indirect.scatter.add.f32 [tilespmem:s26], [sflag:$0x8], $0x40, s10, s20, $0xb8;
	[tilespmem:$0x1D3C0] =	vst v63  }
0x213: {  	p1 =	sne.s32 s4, $0x2000;
	_ =	swait.ge @!p2 [sflag:s12], $0x1000  }
0x214: {  	[sflag:s12] =	ssyncset.done @!p2 $0x0  }
0x215: {  	s10 =	simm.s32 @!p2 $0x6;
	[sflag:s12] =	ssyncadd.s32 @!p2 $0xFFFFF000  }
0x216: {  	_ =	swait.ge @!p2 [sflag:s10], $0x1000  }
0x217: {  	[sflag:s10] =	ssyncset.done @!p2 $0x0  }
0x218: {  	[sflag:s10] =	ssyncadd.s32 @!p2 $0xFFFFF000;
	s10 =	simm.s32 @!p2 $0x7  }
0x219: {  	_ =	swait.ge @!p2 [sflag:s10], $0x1000  }
0x21a: {  	[sflag:s10] =	ssyncset.done @!p2 $0x0  }
0x21b: {  	[sflag:s10] =	ssyncadd.s32 @!p2 $0xFFFFF000;
	s10 =	simm.s32 @!p2 $0x8  }
0x21c: {  	_ =	swait.ge @!p2 [sflag:s10], $0x1000  }
0x21d: {  	s12 =	sshra.s32 s2, $0x2;
	s2 =	smov.u32 s13;
	[sflag:s10] =	ssyncset.done @!p2 $0x0  }
0x21e: {  	[sflag:s10] =	ssyncadd.s32 @!p2 $0xFFFFF000;
	s10 =	sadd.s32 $0x14280, s12  }
0x21f: {  	[tilespmem:s22], [sflag:$0x1] =	stream.indirect.gather [spmem:s7], $0x40, s10, s20, $0xb8;
	[tilespmem:$0x1D3C0] =	vst v63  }
0x220: {  	s10 =	sadd.s32 $0x142C0, s12  }
0x221: {  	[tilespmem:s23], [sflag:$0x2] =	stream.indirect.gather [spmem:s7], $0x40, s10, s20, $0xb8;
	[tilespmem:$0x1D3C0] =	vst v63  }
0x222: {  	s10 =	sadd.s32 $0x14300, s12  }
0x223: {  	[tilespmem:s24], [sflag:$0x3] =	stream.indirect.gather [spmem:s7], $0x40, s10, s20, $0xb8;
	[tilespmem:$0x1D3C0] =	vst v63  }
0x224: {  	s10 =	sadd.s32 $0x14340, s12  }
0x225: {  	[tilespmem:s26], [sflag:$0x4] =	stream.indirect.gather [spmem:s7], $0x40, s10, s20, $0xb8;
	[tilespmem:$0x1D3C0] =	vst v63  }
0x226: {  	_ =	swait.ge [sflag:s28], $0x1000  }
0x227: {  	[sflag:s28] =	ssyncset.done $0x0  }
0x228: {  	s10 =	sadd.s32 $0x14A80, s12;
	[sflag:s28] =	ssyncadd.s32 $0xFFFFF000  }
0x229: {  	[spmem:s6] =	stream.indirect.scatter.add.f32 [tilespmem:s22], [sflag:$0x5], $0x40, s10, s20, $0xb8;
	[tilespmem:$0x1D3C0] =	vst v63  }
0x22a: {  	_ =	swait.ge [sflag:s29], $0x1000  }
0x22b: {  	[sflag:s29] =	ssyncset.done $0x0  }
0x22c: {  	s10 =	sadd.s32 $0x14AC0, s12;
	[sflag:s29] =	ssyncadd.s32 $0xFFFFF000  }
0x22d: {  	[spmem:s6] =	stream.indirect.scatter.add.f32 [tilespmem:s23], [sflag:$0x6], $0x40, s10, s20, $0xb8;
	[tilespmem:$0x1D3C0] =	vst v63  }
0x22e: {  	_ =	swait.ge [sflag:s30], $0x1000  }
.Ltmp9:
0x22f: {  	[sflag:s30] =	ssyncset.done $0x0;
	(pc) =	sbr.rel @p1 .LBB2_19-.Ltmp9, $4  }
0x230: {  	s0 =	sadd.s32 $0x1, s0;
	s10 =	sadd.s32 $0x14B00, s12;
	[sflag:s30] =	ssyncadd.s32 $0xFFFFF000  }
0x231: {  	[spmem:s6] =	stream.indirect.scatter.add.f32 [tilespmem:s24], [sflag:$0x7], $0x40, s10, s20, $0xb8;
	[tilespmem:$0x1D3C0] =	vst v63  }
0x232: {  	s10 =	sor.u32 s25, s0;
	_ =	swait.ge [sflag:s31], $0x1000  }
0x233: {  	p2 =	seq.s32 s10, $0x0;
	s10 =	sadd.s32 $0x14B40, s12;
	[sflag:s31] =	ssyncset.done $0x0  }
0x234: {  	s0 =	simm.s32 @!p2 $0x5;
	[sflag:s31] =	ssyncadd.s32 $0xFFFFF000  }
0x235: {  	[spmem:s6] =	stream.indirect.scatter.add.f32 [tilespmem:s26], [sflag:$0x8], $0x40, s10, s20, $0xb8;
	[tilespmem:$0x1D3C0] =	vst v63  }
0x236: {  	_ =	swait.ge @!p2 [sflag:s0], $0x1000  }
0x237: {  	[sflag:s0] =	ssyncset.done @!p2 $0x0  }
0x238: {  	[sflag:s0] =	ssyncadd.s32 @!p2 $0xFFFFF000;
	s0 =	simm.s32 @!p2 $0x6  }
0x239: {  	_ =	swait.ge @!p2 [sflag:s0], $0x1000  }
0x23a: {  	[sflag:s0] =	ssyncset.done @!p2 $0x0  }
0x23b: {  	[sflag:s0] =	ssyncadd.s32 @!p2 $0xFFFFF000;
	s0 =	simm.s32 @!p2 $0x7  }
0x23c: {  	_ =	swait.ge @!p2 [sflag:s0], $0x1000  }
0x23d: {  	[sflag:s0] =	ssyncset.done @!p2 $0x0  }
0x23e: {  	[sflag:s0] =	ssyncadd.s32 @!p2 $0xFFFFF000;
	s0 =	simm.s32 @!p2 $0x8  }
0x23f: {  	_ =	swait.ge @!p2 [sflag:s0], $0x1000  }
0x240: {  	s2 =	sshra.s32 s2, $0x2;
	[sflag:s0] =	ssyncset.done @!p2 $0x0  }
0x241: {  	s4 =	sadd.s32 $0x14280, s2;
	[sflag:s0] =	ssyncadd.s32 @!p2 $0xFFFFF000  }
0x242: {  	[tilespmem:s22], [sflag:$0x1] =	stream.indirect.gather [spmem:s7], $0x40, s4, s20, $0xb8;
	[tilespmem:$0x1D3C0] =	vst v63  }
0x243: {  	s10 =	sadd.s32 $0x142C0, s2  }
0x244: {  	[tilespmem:s23], [sflag:$0x2] =	stream.indirect.gather [spmem:s7], $0x40, s10, s20, $0xb8;
	[tilespmem:$0x1D3C0] =	vst v63  }
0x245: {  	s12 =	sadd.s32 $0x14300, s2  }
0x246: {  	[tilespmem:s24], [sflag:$0x3] =	stream.indirect.gather [spmem:s7], $0x40, s12, s20, $0xb8;
	[tilespmem:$0x1D3C0] =	vst v63  }
0x247: {  	s13 =	sadd.s32 $0x14340, s2  }
0x248: {  	[tilespmem:s26], [sflag:$0x4] =	stream.indirect.gather [spmem:s7], $0x40, s13, s20, $0xb8;
	[tilespmem:$0x1D3C0] =	vst v63  }
0x249: {  	_ =	swait.ge [sflag:s28], $0x1000  }
0x24a: {  	[sflag:s28] =	ssyncset.done $0x0  }
0x24b: {  	s4 =	sadd.s32 $0x14A80, s2;
	[sflag:s28] =	ssyncadd.s32 $0xFFFFF000  }
0x24c: {  	[spmem:s6] =	stream.indirect.scatter.add.f32 [tilespmem:s22], [sflag:$0x5], $0x40, s4, s20, $0xb8;
	[tilespmem:$0x1D3C0] =	vst v63  }
0x24d: {  	_ =	swait.ge [sflag:s29], $0x1000  }
0x24e: {  	[sflag:s29] =	ssyncset.done $0x0  }
0x24f: {  	s10 =	sadd.s32 $0x14AC0, s2;
	[sflag:s29] =	ssyncadd.s32 $0xFFFFF000  }
0x250: {  	[spmem:s6] =	stream.indirect.scatter.add.f32 [tilespmem:s23], [sflag:$0x6], $0x40, s10, s20, $0xb8;
	[tilespmem:$0x1D3C0] =	vst v63  }
0x251: {  	_ =	swait.ge [sflag:s30], $0x1000  }
0x252: {  	s25 =	sadd.s32 $0x1, s25;
	[sflag:s30] =	ssyncset.done $0x0  }
0x253: {  	p1 =	sne.s32 s25, $0xA;
	s12 =	sadd.s32 $0x14B00, s2;
	[sflag:s30] =	ssyncadd.s32 $0xFFFFF000  }
0x254: {  	[spmem:s6] =	stream.indirect.scatter.add.f32 [tilespmem:s24], [sflag:$0x7], $0x40, s12, s20, $0xb8;
	[tilespmem:$0x1D3C0] =	vst v63  }
.Ltmp10:
0x255: {  	_ = 	snop;
	(pc) =	sbr.rel @p1 .LBB2_18-.Ltmp10, $4  }
0x256: {  	_ =	swait.ge [sflag:s31], $0x1000  }
0x257: {  	[sflag:s31] =	ssyncset.done $0x0  }
0x258: {  	s13 =	sadd.s32 $0x14B40, s2;
	[sflag:s31] =	ssyncadd.s32 $0xFFFFF000  }
0x259: {  	[spmem:s6] =	stream.indirect.scatter.add.f32 [tilespmem:s26], [sflag:$0x8], $0x40, s13, s20, $0xb8;
	[tilespmem:$0x1D3C0] =	vst v63  }
0x25a: {  	_ =	swait.ge [sflag:s14], $0x1000  }
0x25b: {  	[sflag:s14] =	ssyncset.done $0x0  }
0x25c: {  	[sflag:s14] =	ssyncadd.s32 $0xFFFFF000  }
0x25d: {  	_ =	swait.ge [sflag:s18], $0x1000  }
0x25e: {  	[sflag:s18] =	ssyncset.done $0x0  }
0x25f: {  	[sflag:s18] =	ssyncadd.s32 $0xFFFFF000  }
0x260: {  	_ =	swait.ge [sflag:s19], $0x1000  }
0x261: {  	[sflag:s19] =	ssyncset.done $0x0  }
0x262: {  	s0 =	simm.s32 $0x8;
	[sflag:s19] =	ssyncadd.s32 $0xFFFFF000  }
0x263: {  	_ =	swait.ge [sflag:s0], $0x1000  }
0x264: {  	[sflag:s0] =	ssyncset.done $0x0  }
0x265: {  	[sflag:s0] =	ssyncadd.s32 $0xFFFFF000  }
0x266: {  	[bflag:$0x0] =	sbarrier.arrive $0xFFFF  }
0x267: {  	s16 =	simm.s32 $0x0;
	s25 =	simm.s32 $0x0;
	s12 =	rddreg [dreg:$0x2]  }
.LBB2_22:
0x268: {  	s0 =	smul.u32 $0x50, s25  }
0x269: {  	s1 =	rddreg [dreg:$0x11]  }
0x26a: {  	s0 =	sadd.s32 s1, s0  }
0x26b: {  	s2 =	sshll.u32 s0, $0x6  }
0x26c: {  	s13 =	sadd.s32 s2, s6  }
0x26d: {  	[tilespmem:s15], [sflag:$0x9] =	stream.linear.gather [spmem:s13], $0x1400, $0x38;
	[tilespmem:$0x1D3C0] =	vst v63  }
0x26e: {  	_ =	swait.ge [sflag:s11], $0x1400  }
0x26f: {  	s4 =	rddreg [dreg:$0x16]  }
0x270: {  	s0 =	sadd.s32 s4, s2  }
0x271: {  	[sflag:s11] =	ssyncset.done $0x0;
	s0 =	sshrl.u32 s0, $0x3  }
0x272: {  	v2 =	vmov s16;
	s10 =	simm.s32 $0x0;
	[sflag:s11] =	ssyncadd.s32 $0xFFFFEC00;
	s0 =	sadd.s32 s12, s0  }
0x273: {  	[hbm4b:s0+s10] =	stream.linear.scatter [tilespmem:s15], [sflag:$0x9], $0x1400, $0x38;
	[tilespmem:$0x1D3C0] =	vst v63  }
0x274: {  	_ =	swait.ge [sflag:s11], $0x1400  }
0x275: {  	[sflag:s11] =	ssyncset.done $0x0  }
0x276: {  	[sflag:s11] =	ssyncadd.s32 $0xFFFFEC00  }
0x277: {  	s0 =	simm.s32 $0x0;
	v3 =	vld.idx.msk [tilespmem:v2+s3+$0x0], $0xffff  }
0x278: {  	v4 =	vld [tilespmem:s0+$0x19280];
	_ =	sdelay $0x4  }
0x279: {  	v3 =	vmul.f32 v3, v4;
	_ =	sdelay $0x1  }
0x27a: {  	v4 =	vld [tilespmem:s0+$0x19290];
	[tilespmem:s0+$0x1BA80] =	vst v3  }
0x27b: {  	v3 =	vld.idx.msk [tilespmem:v2+s3+$0x0], $0xffff;
	_ =	sdelay $0x4  }
0x27c: {  	v3 =	vmul.f32 v3, v4;
	_ =	sdelay $0x1  }
0x27d: {  	v4 =	vld [tilespmem:s0+$0x192A0];
	[tilespmem:s0+$0x1BA90] =	vst v3  }
0x27e: {  	v3 =	vld.idx.msk [tilespmem:v2+s3+$0x0], $0xffff;
	_ =	sdelay $0x4  }
0x27f: {  	v3 =	vmul.f32 v3, v4;
	_ =	sdelay $0x1  }
0x280: {  	v4 =	vld [tilespmem:s0+$0x192B0];
	[tilespmem:s0+$0x1BAA0] =	vst v3  }
0x281: {  	v3 =	vld.idx.msk [tilespmem:v2+s3+$0x0], $0xffff;
	_ =	sdelay $0x1  }
0x282: {  	s10 =	sadd.s32 $0x1, s16  }
0x283: {  	s1 =	simm.s32 $0x200;
	s4 =	simm.s32 $0x100;
	v2 =	vmov s10  }
.LBB2_23:
0x284: {  	p1 =	sne.s32 s1, $0x4F00  }
0x285: {  	v3 =	vmul.f32 v3, v4;
	_ =	sdelay $0x1  }
0x286: {  	[tilespmem:s0+$0x1BAB0] =	vst v3  }
0x287: {  	s0 =	sshra.s32 s4, $0x2;
	s4 =	smov.u32 s1;
	v3 =	vld.idx.msk [tilespmem:v2+s3+$0x0], $0xffff  }
0x288: {  	v4 =	vld [tilespmem:s0+$0x19280];
	_ =	sdelay $0x4  }
0x289: {  	v3 =	vmul.f32 v3, v4;
	_ =	sdelay $0x1  }
0x28a: {  	[tilespmem:s0+$0x1BA80] =	vst v3  }
0x28b: {  	v3 =	vld.idx.msk [tilespmem:v2+s3+$0x0], $0xffff  }
0x28c: {  	v4 =	vld [tilespmem:s0+$0x19290];
	_ =	sdelay $0x4  }
0x28d: {  	v3 =	vmul.f32 v3, v4;
	_ =	sdelay $0x1  }
0x28e: {  	[tilespmem:s0+$0x1BA90] =	vst v3  }
0x28f: {  	v3 =	vld.idx.msk [tilespmem:v2+s3+$0x0], $0xffff  }
0x290: {  	v4 =	vld [tilespmem:s0+$0x192A0];
	_ =	sdelay $0x4  }
0x291: {  	v3 =	vmul.f32 v3, v4;
	_ =	sdelay $0x1  }
0x292: {  	[tilespmem:s0+$0x1BAA0] =	vst v3  }
.Ltmp11:
0x293: {  	v3 =	vld.idx.msk [tilespmem:v2+s3+$0x0], $0xffff;
	(pc) =	sbr.rel @p1 .LBB2_23-.Ltmp11, $3  }
0x294: {  	v4 =	vld [tilespmem:s0+$0x192B0];
	_ =	sdelay $0x1  }
0x295: {  	s10 =	sadd.s32 $0x1, s10  }
0x296: {  	s1 =	sadd.s32 $0x100, s1;
	v2 =	vmov s10  }
0x297: {  	_ = 	snop  }
0x298: {  	v3 =	vmul.f32 v3, v4;
	_ =	sdelay $0x1  }
0x299: {  	[tilespmem:s0+$0x1BAB0] =	vst v3  }
0x29a: {  	s4 =	sshra.s32 s4, $0x2;
	v3 =	vld.idx.msk [tilespmem:v2+s3+$0x0], $0xffff  }
0x29b: {  	v61 =	vld [tilespmem:s4+$0x19280];
	_ =	sdelay $0x4  }
0x29c: {  	v3 =	vmul.f32 v3, v61;
	_ =	sdelay $0x1  }
0x29d: {  	v62 =	vld [tilespmem:s4+$0x19290];
	[tilespmem:s4+$0x1BA80] =	vst v3  }
0x29e: {  	v3 =	vld.idx.msk [tilespmem:v2+s3+$0x0], $0xffff;
	_ =	sdelay $0x4  }
0x29f: {  	v3 =	vmul.f32 v3, v62;
	_ =	sdelay $0x1  }
0x2a0: {  	v63 =	vld [tilespmem:s4+$0x192A0];
	[tilespmem:s4+$0x1BA90] =	vst v3  }
0x2a1: {  	v3 =	vld.idx.msk [tilespmem:v2+s3+$0x0], $0xffff;
	_ =	sdelay $0x4  }
0x2a2: {  	v3 =	vmul.f32 v3, v63;
	_ =	sdelay $0x1  }
0x2a3: {  	[tilespmem:s4+$0x1BAA0] =	vst v3;
	v3 =	vld [tilespmem:s4+$0x192B0]  }
0x2a4: {  	v2 =	vld.idx.msk [tilespmem:v2+s3+$0x0], $0xffff;
	_ =	sdelay $0x4  }
0x2a5: {  	v2 =	vmul.f32 v2, v3;
	_ =	sdelay $0x1  }
0x2a6: {  	s10 =	sadd.s32 s2, s7;
	[tilespmem:s4+$0x1BAB0] =	vst v2;
	s4 =	simm.s32 $0x1BA80  }
0x2a7: {  	[spmem:s10] =	stream.linear.scatter [tilespmem:s4], [sflag:$0x9], $0x1400, $0x38;
	[tilespmem:$0x1D3C0] =	vst v63  }
0x2a8: {  	_ =	swait.ge [sflag:s11], $0x1400  }
0x2a9: {  	[sflag:s11] =	ssyncset.done $0x0  }
0x2aa: {  	s1 =	simm.s32 $0x100;
	s0 =	simm.s32 $0x0;
	[sflag:s11] =	ssyncadd.s32 $0xFFFFEC00  }
.LBB2_25:
0x2ab: {  	p1 =	sne.s32 s1, $0x4F00;
	[tilespmem:s0+$0x1BAB0] =	vst v1;
	s2 =	smov.u32 s1;
	s1 =	sadd.s32 $0x100, s1  }
.Ltmp12:
0x2ac: {  	[tilespmem:s0+$0x1BAA0] =	vst v1;
	(pc) =	sbr.rel @p1 .LBB2_25-.Ltmp12, $3  }
0x2ad: {  	[tilespmem:s0+$0x1BA80] =	vst v1  }
0x2ae: {  	[tilespmem:s0+$0x1BA90] =	vst v1;
	_ =	sdelay $0x1  }
0x2af: {  	s0 =	sshra.s32 s2, $0x2  }
0x2b0: {  	[tilespmem:s0+$0x1BAB0] =	vst v1  }
0x2b1: {  	[tilespmem:s0+$0x1BAA0] =	vst v1  }
0x2b2: {  	[tilespmem:s0+$0x1BA80] =	vst v1  }
0x2b3: {  	[tilespmem:s0+$0x1BA90] =	vst v1  }
0x2b4: {  	[spmem:s13] =	stream.linear.scatter [tilespmem:s4], [sflag:$0x9], $0x1400, $0x38;
	[tilespmem:$0x1D3C0] =	vst v63  }
0x2b5: {  	_ =	swait.ge [sflag:s11], $0x1400  }
0x2b6: {  	s25 =	sadd.s32 $0x1, s25;
	s13 =	rddreg [dreg:$0x13]  }
0x2b7: {  	p1 =	sne.s32 s25, s13  }
.Ltmp13:
0x2b8: {  	_ = 	snop;
	(pc) =	sbr.rel @p1 .LBB2_22-.Ltmp13, $3  }
0x2b9: {  	_ =	sdelay $0x1  }
0x2ba: {  	[sflag:s11] =	ssyncset.done $0x0  }
0x2bb: {  	s16 =	sadd.s32 $0x50, s16;
	[sflag:s11] =	ssyncadd.s32 $0xFFFFEC00  }
0x2bc: {  	[bflag:$0x0] =	sbarrier.arrive $0xFFFF  }
0x2bd: {  	s1 =	simm.s32 $0x0;
	s25 =	simm.s32 $0x0;
	s16 =	rddreg [dreg:$0x0]  }
.LBB2_28:
0x2be: {  	s0 =	sshll.u32 s25, $0xB;
	s2 =	rddreg [dreg:$0x14]  }
0x2bf: {  	s0 =	sadd.s32 s2, s0  }
0x2c0: {  	s10 =	rddreg [dreg:$0x12];
	s0 =	sshrl.u32 s0, $0x3  }
0x2c1: {  	s2 =	sadd.s32 s10, s0  }
0x2c2: {  	[tilespmem:s17], [sflag:$0x9] =	stream.linear.gather [hbm4b:s2+s1], $0x800, $0x38;
	[tilespmem:$0x1D3C0] =	vst v63  }
0x2c3: {  	_ =	swait.ge [sflag:s11], $0x800  }
0x2c4: {  	[sflag:s11] =	ssyncset.done $0x0  }
0x2c5: {  	s0 =	sadd.s32 s16, s0;
	[sflag:s11] =	ssyncadd.s32 $0xFFFFF800  }
0x2c6: {  	[tilespmem:s8], [sflag:$0x9] =	stream.linear.gather [hbm4b:s0+s1], $0x800, $0x38;
	[tilespmem:$0x1D3C0] =	vst v63  }
0x2c7: {  	s12 =	sor.u32 s25, s1;
	_ =	swait.ge [sflag:s11], $0x800  }
0x2c8: {  	p1 =	seq.s32 s12, $0x0;
	[sflag:s11] =	ssyncset.done $0x0  }
0x2c9: {  	s0 =	simm.s32 @!p1 $0x5;
	[sflag:s11] =	ssyncadd.s32 $0xFFFFF800  }
0x2ca: {  	_ =	swait.ge @!p1 [sflag:s0], $0x1000  }
0x2cb: {  	[sflag:s0] =	ssyncset.done @!p1 $0x0  }
0x2cc: {  	[sflag:s0] =	ssyncadd.s32 @!p1 $0xFFFFF000;
	s0 =	simm.s32 @!p1 $0x6  }
0x2cd: {  	_ =	swait.ge @!p1 [sflag:s0], $0x1000  }
0x2ce: {  	[sflag:s0] =	ssyncset.done @!p1 $0x0  }
0x2cf: {  	[sflag:s0] =	ssyncadd.s32 @!p1 $0xFFFFF000;
	s0 =	simm.s32 @!p1 $0x7  }
0x2d0: {  	_ =	swait.ge @!p1 [sflag:s0], $0x1000  }
0x2d1: {  	[sflag:s0] =	ssyncset.done @!p1 $0x0  }
0x2d2: {  	[sflag:s0] =	ssyncadd.s32 @!p1 $0xFFFFF000;
	s0 =	simm.s32 @!p1 $0x8  }
0x2d3: {  	_ =	swait.ge @!p1 [sflag:s0], $0x1000  }
0x2d4: {  	[sflag:s0] =	ssyncset.done @!p1 $0x0  }
0x2d5: {  	s13 =	simm.s32 $0x14280;
	[sflag:s0] =	ssyncadd.s32 @!p1 $0xFFFFF000  }
0x2d6: {  	[tilespmem:s22], [sflag:$0x1] =	stream.indirect.gather [spmem:s7], $0x40, s13, s20, $0xb8;
	[tilespmem:$0x1D3C0] =	vst v63  }
0x2d7: {  	s2 =	simm.s32 $0x142C0  }
0x2d8: {  	[tilespmem:s23], [sflag:$0x2] =	stream.indirect.gather [spmem:s7], $0x40, s2, s20, $0xb8;
	[tilespmem:$0x1D3C0] =	vst v63  }
0x2d9: {  	s4 =	simm.s32 $0x14300  }
0x2da: {  	[tilespmem:s24], [sflag:$0x3] =	stream.indirect.gather [spmem:s7], $0x40, s4, s20, $0xb8;
	[tilespmem:$0x1D3C0] =	vst v63  }
0x2db: {  	s10 =	simm.s32 $0x14340  }
0x2dc: {  	[tilespmem:s26], [sflag:$0x4] =	stream.indirect.gather [spmem:s7], $0x40, s10, s20, $0xb8;
	[tilespmem:$0x1D3C0] =	vst v63  }
0x2dd: {  	_ =	swait.ge [sflag:s28], $0x1000  }
0x2de: {  	[sflag:s28] =	ssyncset.done $0x0  }
0x2df: {  	s12 =	simm.s32 $0x14A80;
	[sflag:s28] =	ssyncadd.s32 $0xFFFFF000  }
0x2e0: {  	[spmem:s6] =	stream.indirect.scatter.add.f32 [tilespmem:s22], [sflag:$0x5], $0x40, s12, s20, $0xb8;
	[tilespmem:$0x1D3C0] =	vst v63  }
0x2e1: {  	_ =	swait.ge [sflag:s29], $0x1000  }
0x2e2: {  	[sflag:s29] =	ssyncset.done $0x0  }
0x2e3: {  	s13 =	simm.s32 $0x14AC0;
	[sflag:s29] =	ssyncadd.s32 $0xFFFFF000  }
0x2e4: {  	[spmem:s6] =	stream.indirect.scatter.add.f32 [tilespmem:s23], [sflag:$0x6], $0x40, s13, s20, $0xb8;
	[tilespmem:$0x1D3C0] =	vst v63  }
0x2e5: {  	_ =	swait.ge [sflag:s30], $0x1000  }
0x2e6: {  	s0 =	simm.s32 $0x1;
	[sflag:s30] =	ssyncset.done $0x0  }
0x2e7: {  	s4 =	simm.s32 $0x14B00;
	s10 =	sor.u32 s25, s0;
	[sflag:s30] =	ssyncadd.s32 $0xFFFFF000  }
0x2e8: {  	[spmem:s6] =	stream.indirect.scatter.add.f32 [tilespmem:s24], [sflag:$0x7], $0x40, s4, s20, $0xb8;
	[tilespmem:$0x1D3C0] =	vst v63  }
0x2e9: {  	s2 =	simm.s32 $0x400;
	p2 =	seq.s32 s10, $0x0;
	_ =	swait.ge [sflag:s31], $0x1000  }
0x2ea: {  	s10 =	simm.s32 $0x14B40;
	s4 =	simm.s32 $0x800;
	[sflag:s31] =	ssyncset.done $0x0  }
.LBB2_29:
0x2eb: {  	s12 =	simm.s32 @!p2 $0x5  }
0x2ec: {  	[sflag:s31] =	ssyncadd.s32 $0xFFFFF000;
	s13 =	smov.u32 s4;
	s4 =	sadd.s32 $0x400, s4  }
0x2ed: {  	[spmem:s6] =	stream.indirect.scatter.add.f32 [tilespmem:s26], [sflag:$0x8], $0x40, s10, s20, $0xb8;
	[tilespmem:$0x1D3C0] =	vst v63  }
0x2ee: {  	p1 =	sne.s32 s4, $0x2000;
	_ =	swait.ge @!p2 [sflag:s12], $0x1000  }
0x2ef: {  	[sflag:s12] =	ssyncset.done @!p2 $0x0  }
0x2f0: {  	s10 =	simm.s32 @!p2 $0x6;
	[sflag:s12] =	ssyncadd.s32 @!p2 $0xFFFFF000  }
0x2f1: {  	_ =	swait.ge @!p2 [sflag:s10], $0x1000  }
0x2f2: {  	[sflag:s10] =	ssyncset.done @!p2 $0x0  }
0x2f3: {  	[sflag:s10] =	ssyncadd.s32 @!p2 $0xFFFFF000;
	s10 =	simm.s32 @!p2 $0x7  }
0x2f4: {  	_ =	swait.ge @!p2 [sflag:s10], $0x1000  }
0x2f5: {  	[sflag:s10] =	ssyncset.done @!p2 $0x0  }
0x2f6: {  	[sflag:s10] =	ssyncadd.s32 @!p2 $0xFFFFF000;
	s10 =	simm.s32 @!p2 $0x8  }
0x2f7: {  	_ =	swait.ge @!p2 [sflag:s10], $0x1000  }
0x2f8: {  	s12 =	sshra.s32 s2, $0x2;
	s2 =	smov.u32 s13;
	[sflag:s10] =	ssyncset.done @!p2 $0x0  }
0x2f9: {  	[sflag:s10] =	ssyncadd.s32 @!p2 $0xFFFFF000;
	s10 =	sadd.s32 $0x14280, s12  }
0x2fa: {  	[tilespmem:s22], [sflag:$0x1] =	stream.indirect.gather [spmem:s7], $0x40, s10, s20, $0xb8;
	[tilespmem:$0x1D3C0] =	vst v63  }
0x2fb: {  	s10 =	sadd.s32 $0x142C0, s12  }
0x2fc: {  	[tilespmem:s23], [sflag:$0x2] =	stream.indirect.gather [spmem:s7], $0x40, s10, s20, $0xb8;
	[tilespmem:$0x1D3C0] =	vst v63  }
0x2fd: {  	s10 =	sadd.s32 $0x14300, s12  }
0x2fe: {  	[tilespmem:s24], [sflag:$0x3] =	stream.indirect.gather [spmem:s7], $0x40, s10, s20, $0xb8;
	[tilespmem:$0x1D3C0] =	vst v63  }
0x2ff: {  	s10 =	sadd.s32 $0x14340, s12  }
0x300: {  	[tilespmem:s26], [sflag:$0x4] =	stream.indirect.gather [spmem:s7], $0x40, s10, s20, $0xb8;
	[tilespmem:$0x1D3C0] =	vst v63  }
0x301: {  	_ =	swait.ge [sflag:s28], $0x1000  }
0x302: {  	[sflag:s28] =	ssyncset.done $0x0  }
0x303: {  	s10 =	sadd.s32 $0x14A80, s12;
	[sflag:s28] =	ssyncadd.s32 $0xFFFFF000  }
0x304: {  	[spmem:s6] =	stream.indirect.scatter.add.f32 [tilespmem:s22], [sflag:$0x5], $0x40, s10, s20, $0xb8;
	[tilespmem:$0x1D3C0] =	vst v63  }
0x305: {  	_ =	swait.ge [sflag:s29], $0x1000  }
0x306: {  	[sflag:s29] =	ssyncset.done $0x0  }
0x307: {  	s10 =	sadd.s32 $0x14AC0, s12;
	[sflag:s29] =	ssyncadd.s32 $0xFFFFF000  }
0x308: {  	[spmem:s6] =	stream.indirect.scatter.add.f32 [tilespmem:s23], [sflag:$0x6], $0x40, s10, s20, $0xb8;
	[tilespmem:$0x1D3C0] =	vst v63  }
0x309: {  	_ =	swait.ge [sflag:s30], $0x1000  }
.Ltmp14:
0x30a: {  	[sflag:s30] =	ssyncset.done $0x0;
	(pc) =	sbr.rel @p1 .LBB2_29-.Ltmp14, $4  }
0x30b: {  	s0 =	sadd.s32 $0x1, s0;
	s10 =	sadd.s32 $0x14B00, s12;
	[sflag:s30] =	ssyncadd.s32 $0xFFFFF000  }
0x30c: {  	[spmem:s6] =	stream.indirect.scatter.add.f32 [tilespmem:s24], [sflag:$0x7], $0x40, s10, s20, $0xb8;
	[tilespmem:$0x1D3C0] =	vst v63  }
0x30d: {  	s10 =	sor.u32 s25, s0;
	_ =	swait.ge [sflag:s31], $0x1000  }
0x30e: {  	p2 =	seq.s32 s10, $0x0;
	s10 =	sadd.s32 $0x14B40, s12;
	[sflag:s31] =	ssyncset.done $0x0  }
0x30f: {  	s0 =	simm.s32 @!p2 $0x5;
	[sflag:s31] =	ssyncadd.s32 $0xFFFFF000  }
0x310: {  	[spmem:s6] =	stream.indirect.scatter.add.f32 [tilespmem:s26], [sflag:$0x8], $0x40, s10, s20, $0xb8;
	[tilespmem:$0x1D3C0] =	vst v63  }
0x311: {  	_ =	swait.ge @!p2 [sflag:s0], $0x1000  }
0x312: {  	[sflag:s0] =	ssyncset.done @!p2 $0x0  }
0x313: {  	[sflag:s0] =	ssyncadd.s32 @!p2 $0xFFFFF000;
	s0 =	simm.s32 @!p2 $0x6  }
0x314: {  	_ =	swait.ge @!p2 [sflag:s0], $0x1000  }
0x315: {  	[sflag:s0] =	ssyncset.done @!p2 $0x0  }
0x316: {  	[sflag:s0] =	ssyncadd.s32 @!p2 $0xFFFFF000;
	s0 =	simm.s32 @!p2 $0x7  }
0x317: {  	_ =	swait.ge @!p2 [sflag:s0], $0x1000  }
0x318: {  	[sflag:s0] =	ssyncset.done @!p2 $0x0  }
0x319: {  	[sflag:s0] =	ssyncadd.s32 @!p2 $0xFFFFF000;
	s0 =	simm.s32 @!p2 $0x8  }
0x31a: {  	_ =	swait.ge @!p2 [sflag:s0], $0x1000  }
0x31b: {  	s2 =	sshra.s32 s2, $0x2;
	[sflag:s0] =	ssyncset.done @!p2 $0x0  }
0x31c: {  	s4 =	sadd.s32 $0x14280, s2;
	[sflag:s0] =	ssyncadd.s32 @!p2 $0xFFFFF000  }
0x31d: {  	[tilespmem:s22], [sflag:$0x1] =	stream.indirect.gather [spmem:s7], $0x40, s4, s20, $0xb8;
	[tilespmem:$0x1D3C0] =	vst v63  }
0x31e: {  	s10 =	sadd.s32 $0x142C0, s2  }
0x31f: {  	[tilespmem:s23], [sflag:$0x2] =	stream.indirect.gather [spmem:s7], $0x40, s10, s20, $0xb8;
	[tilespmem:$0x1D3C0] =	vst v63  }
0x320: {  	s12 =	sadd.s32 $0x14300, s2  }
0x321: {  	[tilespmem:s24], [sflag:$0x3] =	stream.indirect.gather [spmem:s7], $0x40, s12, s20, $0xb8;
	[tilespmem:$0x1D3C0] =	vst v63  }
0x322: {  	s13 =	sadd.s32 $0x14340, s2  }
0x323: {  	[tilespmem:s26], [sflag:$0x4] =	stream.indirect.gather [spmem:s7], $0x40, s13, s20, $0xb8;
	[tilespmem:$0x1D3C0] =	vst v63  }
0x324: {  	_ =	swait.ge [sflag:s28], $0x1000  }
0x325: {  	[sflag:s28] =	ssyncset.done $0x0  }
0x326: {  	s4 =	sadd.s32 $0x14A80, s2;
	[sflag:s28] =	ssyncadd.s32 $0xFFFFF000  }
0x327: {  	[spmem:s6] =	stream.indirect.scatter.add.f32 [tilespmem:s22], [sflag:$0x5], $0x40, s4, s20, $0xb8;
	[tilespmem:$0x1D3C0] =	vst v63  }
0x328: {  	_ =	swait.ge [sflag:s29], $0x1000  }
0x329: {  	[sflag:s29] =	ssyncset.done $0x0  }
0x32a: {  	s10 =	sadd.s32 $0x14AC0, s2;
	[sflag:s29] =	ssyncadd.s32 $0xFFFFF000  }
0x32b: {  	[spmem:s6] =	stream.indirect.scatter.add.f32 [tilespmem:s23], [sflag:$0x6], $0x40, s10, s20, $0xb8;
	[tilespmem:$0x1D3C0] =	vst v63  }
0x32c: {  	_ =	swait.ge [sflag:s30], $0x1000  }
0x32d: {  	s25 =	sadd.s32 $0x1, s25;
	[sflag:s30] =	ssyncset.done $0x0  }
0x32e: {  	p1 =	sne.s32 s25, $0xA;
	s12 =	sadd.s32 $0x14B00, s2;
	[sflag:s30] =	ssyncadd.s32 $0xFFFFF000  }
0x32f: {  	[spmem:s6] =	stream.indirect.scatter.add.f32 [tilespmem:s24], [sflag:$0x7], $0x40, s12, s20, $0xb8;
	[tilespmem:$0x1D3C0] =	vst v63  }
.Ltmp15:
0x330: {  	_ = 	snop;
	(pc) =	sbr.rel @p1 .LBB2_28-.Ltmp15, $4  }
0x331: {  	_ =	swait.ge [sflag:s31], $0x1000  }
0x332: {  	[sflag:s31] =	ssyncset.done $0x0  }
0x333: {  	s13 =	sadd.s32 $0x14B40, s2;
	[sflag:s31] =	ssyncadd.s32 $0xFFFFF000  }
0x334: {  	[spmem:s6] =	stream.indirect.scatter.add.f32 [tilespmem:s26], [sflag:$0x8], $0x40, s13, s20, $0xb8;
	[tilespmem:$0x1D3C0] =	vst v63  }
0x335: {  	_ =	swait.ge [sflag:s14], $0x1000  }
0x336: {  	[sflag:s14] =	ssyncset.done $0x0  }
0x337: {  	[sflag:s14] =	ssyncadd.s32 $0xFFFFF000  }
0x338: {  	_ =	swait.ge [sflag:s18], $0x1000  }
0x339: {  	[sflag:s18] =	ssyncset.done $0x0  }
0x33a: {  	[sflag:s18] =	ssyncadd.s32 $0xFFFFF000  }
0x33b: {  	_ =	swait.ge [sflag:s19], $0x1000  }
0x33c: {  	[sflag:s19] =	ssyncset.done $0x0  }
0x33d: {  	s0 =	simm.s32 $0x8;
	[sflag:s19] =	ssyncadd.s32 $0xFFFFF000  }
0x33e: {  	_ =	swait.ge [sflag:s0], $0x1000  }
0x33f: {  	[sflag:s0] =	ssyncset.done $0x0  }
0x340: {  	[sflag:s0] =	ssyncadd.s32 $0xFFFFF000  }
0x341: {  	[bflag:$0x0] =	sbarrier.arrive $0xFFFF  }
0x342: {  	s16 =	simm.s32 $0x0;
	s25 =	simm.s32 $0x0;
	s2 =	rddreg [dreg:$0x2]  }
.LBB2_32:
0x343: {  	s0 =	smul.u32 $0x50, s25  }
0x344: {  	s1 =	rddreg [dreg:$0x11]  }
0x345: {  	s0 =	sadd.s32 s1, s0  }
0x346: {  	s13 =	sshll.u32 s0, $0x6  }
0x347: {  	s1 =	sadd.s32 s13, s6  }
0x348: {  	[tilespmem:s15], [sflag:$0x9] =	stream.linear.gather [spmem:s1], $0x1400, $0x38;
	[tilespmem:$0x1D3C0] =	vst v63  }
0x349: {  	_ =	swait.ge [sflag:s11], $0x1400  }
0x34a: {  	s10 =	rddreg [dreg:$0x16]  }
0x34b: {  	s0 =	sadd.s32 s10, s13  }
0x34c: {  	s12 =	simm.s32 $0x1A680;
	[sflag:s11] =	ssyncset.done $0x0;
	s0 =	sshrl.u32 s0, $0x3  }
0x34d: {  	s4 =	simm.s32 $0x0;
	[sflag:s11] =	ssyncadd.s32 $0xFFFFEC00;
	s2 =	sadd.s32 s2, s0  }
0x34e: {  	[tilespmem:s12], [sflag:$0x9] =	stream.linear.gather [hbm4b:s2+s4], $0x1400, $0x38;
	[tilespmem:$0x1D3C0] =	vst v63  }
0x34f: {  	v2 =	vmov s16;
	_ =	swait.ge [sflag:s11], $0x1400  }
0x350: {  	[sflag:s11] =	ssyncset.done $0x0  }
0x351: {  	s0 =	simm.s32 $0x0;
	[sflag:s11] =	ssyncadd.s32 $0xFFFFEC00  }
0x352: {  	v3 =	vld [tilespmem:s0+$0x19280]  }
0x353: {  	v4 =	vld [tilespmem:s0+$0x1A680]  }
0x354: {  	v5 =	vld.idx.msk [tilespmem:v2+s3+$0x0], $0xffff;
	_ =	sdelay $0x3  }
0x355: {  	v4 =	vadd.f32 v4, v3  }
0x356: {  	v3 =	vmul.f32 v5, v3  }
0x357: {  	v5 =	vld [tilespmem:s0+$0x1A690];
	[tilespmem:s0+$0x1A680] =	vst v4  }
0x358: {  	v4 =	vld [tilespmem:s0+$0x19290];
	[tilespmem:s0+$0x1BA80] =	vst v3  }
0x359: {  	v3 =	vld.idx.msk [tilespmem:v2+s3+$0x0], $0xffff;
	_ =	sdelay $0x3  }
0x35a: {  	v5 =	vadd.f32 v5, v4  }
0x35b: {  	v7 =	vld [tilespmem:s0+$0x1A6B0];
	v3 =	vmul.f32 v3, v4  }
0x35c: {  	v4 =	vld [tilespmem:s0+$0x192A0];
	[tilespmem:s0+$0x1A690] =	vst v5  }
0x35d: {  	v5 =	vld [tilespmem:s0+$0x1A6A0];
	[tilespmem:s0+$0x1BA90] =	vst v3  }
0x35e: {  	v6 =	vld.idx.msk [tilespmem:v2+s3+$0x0], $0xffff  }
0x35f: {  	v3 =	vld [tilespmem:s0+$0x192B0];
	_ =	sdelay $0x2  }
0x360: {  	v5 =	vadd.f32 v5, v4  }
0x361: {  	v4 =	vmul.f32 v6, v4  }
0x362: {  	[tilespmem:s0+$0x1A6A0] =	vst v5;
	v6 =	vadd.f32 v7, v3  }
0x363: {  	[tilespmem:s0+$0x1BAA0] =	vst v4  }
0x364: {  	s12 =	simm.s32 $0x40;
	v5 =	vld.idx.msk [tilespmem:v2+s3+$0x0], $0xffff;
	[tilespmem:s0+$0x1A6B0] =	vst v6  }
0x365: {  	v4 =	vld [tilespmem:s12+$0x19280]  }
0x366: {  	v6 =	vld [tilespmem:s12+$0x1A680]  }
0x367: {  	s4 =	sadd.s32 $0x1, s16  }
0x368: {  	s10 =	simm.s32 $0x200;
	v2 =	vmov s4  }
.LBB2_33:
0x369: {  	p1 =	sne.s32 s10, $0x4F00  }
0x36a: {  	v3 =	vmul.f32 v5, v3  }
0x36b: {  	v5 =	vadd.f32 v6, v4  }
0x36c: {  	[tilespmem:s0+$0x1BAB0] =	vst v3;
	s0 =	smov.u32 s12  }
0x36d: {  	v3 =	vld.idx.msk [tilespmem:v2+s3+$0x0], $0xffff;
	[tilespmem:s0+$0x1A680] =	vst v5  }
0x36e: {  	v5 =	vld [tilespmem:s0+$0x19290]  }
0x36f: {  	v6 =	vld [tilespmem:s0+$0x1A690];
	_ =	sdelay $0x3  }
0x370: {  	v3 =	vmul.f32 v3, v4  }
0x371: {  	v4 =	vadd.f32 v6, v5  }
0x372: {  	[tilespmem:s0+$0x1BA80] =	vst v3  }
0x373: {  	v3 =	vld.idx.msk [tilespmem:v2+s3+$0x0], $0xffff;
	[tilespmem:s0+$0x1A690] =	vst v4;
	_ =	sdelay $0x5  }
0x374: {  	v3 =	vmul.f32 v3, v5  }
0x375: {  	v4 =	vld [tilespmem:s0+$0x192A0]  }
0x376: {  	[tilespmem:s0+$0x1BA90] =	vst v3;
	v5 =	vld [tilespmem:s0+$0x1A6A0]  }
0x377: {  	v6 =	vld.idx.msk [tilespmem:v2+s3+$0x0], $0xffff  }
0x378: {  	v3 =	vld [tilespmem:s0+$0x192B0]  }
0x379: {  	v7 =	vld [tilespmem:s0+$0x1A6B0];
	_ =	sdelay $0x2  }
0x37a: {  	v5 =	vadd.f32 v5, v4  }
0x37b: {  	v4 =	vmul.f32 v6, v4  }
0x37c: {  	[tilespmem:s0+$0x1A6A0] =	vst v5;
	v6 =	vadd.f32 v7, v3  }
0x37d: {  	[tilespmem:s0+$0x1BAA0] =	vst v4  }
.Ltmp16:
0x37e: {  	s12 =	sshra.s32 s10, $0x2;
	v5 =	vld.idx.msk [tilespmem:v2+s3+$0x0], $0xffff;
	[tilespmem:s0+$0x1A6B0] =	vst v6;
	(pc) =	sbr.rel @p1 .LBB2_33-.Ltmp16, $4  }
0x37f: {  	v4 =	vld [tilespmem:s12+$0x19280]  }
0x380: {  	v6 =	vld [tilespmem:s12+$0x1A680]  }
0x381: {  	s4 =	sadd.s32 $0x1, s4  }
0x382: {  	s10 =	sadd.s32 $0x100, s10;
	v2 =	vmov s4  }
0x383: {  	_ = 	snop  }
0x384: {  	v3 =	vmul.f32 v5, v3;
	_ =	sdelay $0x1  }
0x385: {  	[tilespmem:s0+$0x1BAB0] =	vst v3  }
0x386: {  	v3 =	vld.idx.msk [tilespmem:v2+s3+$0x0], $0xffff;
	_ =	sdelay $0x3  }
0x387: {  	v58 =	vadd.f32 v6, v4  }
0x388: {  	v3 =	vmul.f32 v3, v4  }
0x389: {  	v59 =	vld [tilespmem:s12+$0x19290];
	[tilespmem:s12+$0x1A680] =	vst v58  }
0x38a: {  	v60 =	vld [tilespmem:s12+$0x1A690];
	[tilespmem:s12+$0x1BA80] =	vst v3  }
0x38b: {  	v3 =	vld.idx.msk [tilespmem:v2+s3+$0x0], $0xffff;
	_ =	sdelay $0x3  }
0x38c: {  	v4 =	vadd.f32 v60, v59  }
0x38d: {  	v3 =	vmul.f32 v3, v59  }
0x38e: {  	v61 =	vld [tilespmem:s12+$0x192A0];
	[tilespmem:s12+$0x1A690] =	vst v4  }
0x38f: {  	[tilespmem:s12+$0x1BA90] =	vst v3;
	v3 =	vld [tilespmem:s12+$0x1A6A0]  }
0x390: {  	v62 =	vld.idx.msk [tilespmem:v2+s3+$0x0], $0xffff;
	_ =	sdelay $0x3  }
0x391: {  	v3 =	vadd.f32 v3, v61  }
0x392: {  	v4 =	vmul.f32 v62, v61  }
0x393: {  	v63 =	vld [tilespmem:s12+$0x192B0];
	[tilespmem:s12+$0x1A6A0] =	vst v3  }
0x394: {  	v7 =	vld [tilespmem:s12+$0x1A6B0];
	[tilespmem:s12+$0x1BAA0] =	vst v4  }
0x395: {  	v2 =	vld.idx.msk [tilespmem:v2+s3+$0x0], $0xffff;
	_ =	sdelay $0x3  }
0x396: {  	v3 =	vadd.f32 v7, v63  }
0x397: {  	v2 =	vmul.f32 v2, v63  }
0x398: {  	[tilespmem:s12+$0x1A6B0] =	vst v3  }
0x399: {  	s10 =	simm.s32 $0x0;
	s4 =	simm.s32 $0x1A680;
	[tilespmem:s12+$0x1BAB0] =	vst v2  }
0x39a: {  	[hbm4b:s2+s10] =	stream.linear.scatter [tilespmem:s4], [sflag:$0x9], $0x1400, $0x38;
	[tilespmem:$0x1D3C0] =	vst v63  }
0x39b: {  	_ =	swait.ge [sflag:s11], $0x1400  }
0x39c: {  	[sflag:s11] =	ssyncset.done $0x0  }
0x39d: {  	s12 =	sadd.s32 s13, s7;
	s13 =	simm.s32 $0x1BA80;
	[sflag:s11] =	ssyncadd.s32 $0xFFFFEC00  }
0x39e: {  	[spmem:s12] =	stream.linear.scatter [tilespmem:s13], [sflag:$0x9], $0x1400, $0x38;
	[tilespmem:$0x1D3C0] =	vst v63  }
0x39f: {  	_ =	swait.ge [sflag:s11], $0x1400  }
0x3a0: {  	[sflag:s11] =	ssyncset.done $0x0  }
0x3a1: {  	s0 =	simm.s32 $0x0;
	s2 =	simm.s32 $0x100;
	[sflag:s11] =	ssyncadd.s32 $0xFFFFEC00  }
.LBB2_35:
0x3a2: {  	p1 =	sne.s32 s2, $0x4F00;
	[tilespmem:s0+$0x1BAB0] =	vst v1;
	s4 =	smov.u32 s2;
	s2 =	sadd.s32 $0x100, s2  }
.Ltmp17:
0x3a3: {  	[tilespmem:s0+$0x1BAA0] =	vst v1;
	(pc) =	sbr.rel @p1 .LBB2_35-.Ltmp17, $3  }
0x3a4: {  	[tilespmem:s0+$0x1BA80] =	vst v1  }
0x3a5: {  	[tilespmem:s0+$0x1BA90] =	vst v1;
	_ =	sdelay $0x1  }
0x3a6: {  	s0 =	sshra.s32 s4, $0x2  }
0x3a7: {  	[tilespmem:s0+$0x1BAB0] =	vst v1  }
0x3a8: {  	[tilespmem:s0+$0x1BAA0] =	vst v1  }
0x3a9: {  	[tilespmem:s0+$0x1BA80] =	vst v1  }
0x3aa: {  	[tilespmem:s0+$0x1BA90] =	vst v1;
	s12 =	simm.s32 $0x1BA80  }
0x3ab: {  	[spmem:s1] =	stream.linear.scatter [tilespmem:s12], [sflag:$0x9], $0x1400, $0x38;
	[tilespmem:$0x1D3C0] =	vst v63  }
0x3ac: {  	_ =	swait.ge [sflag:s11], $0x1400  }
0x3ad: {  	s25 =	sadd.s32 $0x1, s25;
	s13 =	rddreg [dreg:$0x13]  }
0x3ae: {  	p1 =	sne.s32 s25, s13  }
.Ltmp18:
0x3af: {  	_ = 	snop;
	(pc) =	sbr.rel @p1 .LBB2_32-.Ltmp18, $4  }
0x3b0: {  	_ = 	snop  }
0x3b1: {  	[sflag:s11] =	ssyncset.done $0x0  }
0x3b2: {  	[sflag:s11] =	ssyncadd.s32 $0xFFFFEC00  }
0x3b3: {  	s16 =	sadd.s32 $0x50, s16;
	s2 =	rddreg [dreg:$0x2]  }
0x3b4: {  	[bflag:$0x0] =	sbarrier.arrive $0xFFFF  }
0x3b5: {  	s1 =	simm.s32 $0x0;
	s25 =	simm.s32 $0x0;
	s16 =	rddreg [dreg:$0x0]  }
.LBB2_38:
0x3b6: {  	s0 =	sshll.u32 s25, $0xB;
	s2 =	rddreg [dreg:$0x14]  }
0x3b7: {  	s0 =	sadd.s32 s2, s0  }
0x3b8: {  	s10 =	rddreg [dreg:$0x12];
	s0 =	sshrl.u32 s0, $0x3  }
0x3b9: {  	s2 =	sadd.s32 s10, s0  }
0x3ba: {  	[tilespmem:s17], [sflag:$0x9] =	stream.linear.gather [hbm4b:s2+s1], $0x800, $0x38;
	[tilespmem:$0x1D3C0] =	vst v63  }
0x3bb: {  	_ =	swait.ge [sflag:s11], $0x800  }
0x3bc: {  	[sflag:s11] =	ssyncset.done $0x0  }
0x3bd: {  	s0 =	sadd.s32 s16, s0;
	[sflag:s11] =	ssyncadd.s32 $0xFFFFF800  }
0x3be: {  	[tilespmem:s8], [sflag:$0x9] =	stream.linear.gather [hbm4b:s0+s1], $0x800, $0x38;
	[tilespmem:$0x1D3C0] =	vst v63  }
0x3bf: {  	s12 =	sor.u32 s25, s1;
	_ =	swait.ge [sflag:s11], $0x800  }
0x3c0: {  	p1 =	seq.s32 s12, $0x0;
	[sflag:s11] =	ssyncset.done $0x0  }
0x3c1: {  	s0 =	simm.s32 @!p1 $0x5;
	[sflag:s11] =	ssyncadd.s32 $0xFFFFF800  }
0x3c2: {  	_ =	swait.ge @!p1 [sflag:s0], $0x1000  }
0x3c3: {  	[sflag:s0] =	ssyncset.done @!p1 $0x0  }
0x3c4: {  	[sflag:s0] =	ssyncadd.s32 @!p1 $0xFFFFF000;
	s0 =	simm.s32 @!p1 $0x6  }
0x3c5: {  	_ =	swait.ge @!p1 [sflag:s0], $0x1000  }
0x3c6: {  	[sflag:s0] =	ssyncset.done @!p1 $0x0  }
0x3c7: {  	[sflag:s0] =	ssyncadd.s32 @!p1 $0xFFFFF000;
	s0 =	simm.s32 @!p1 $0x7  }
0x3c8: {  	_ =	swait.ge @!p1 [sflag:s0], $0x1000  }
0x3c9: {  	[sflag:s0] =	ssyncset.done @!p1 $0x0  }
0x3ca: {  	[sflag:s0] =	ssyncadd.s32 @!p1 $0xFFFFF000;
	s0 =	simm.s32 @!p1 $0x8  }
0x3cb: {  	_ =	swait.ge @!p1 [sflag:s0], $0x1000  }
0x3cc: {  	[sflag:s0] =	ssyncset.done @!p1 $0x0  }
0x3cd: {  	s13 =	simm.s32 $0x14280;
	[sflag:s0] =	ssyncadd.s32 @!p1 $0xFFFFF000  }
0x3ce: {  	[tilespmem:s22], [sflag:$0x1] =	stream.indirect.gather [spmem:s7], $0x40, s13, s20, $0xb8;
	[tilespmem:$0x1D3C0] =	vst v63  }
0x3cf: {  	s2 =	simm.s32 $0x142C0  }
0x3d0: {  	[tilespmem:s23], [sflag:$0x2] =	stream.indirect.gather [spmem:s7], $0x40, s2, s20, $0xb8;
	[tilespmem:$0x1D3C0] =	vst v63  }
0x3d1: {  	s4 =	simm.s32 $0x14300  }
0x3d2: {  	[tilespmem:s24], [sflag:$0x3] =	stream.indirect.gather [spmem:s7], $0x40, s4, s20, $0xb8;
	[tilespmem:$0x1D3C0] =	vst v63  }
0x3d3: {  	s10 =	simm.s32 $0x14340  }
0x3d4: {  	[tilespmem:s26], [sflag:$0x4] =	stream.indirect.gather [spmem:s7], $0x40, s10, s20, $0xb8;
	[tilespmem:$0x1D3C0] =	vst v63  }
0x3d5: {  	_ =	swait.ge [sflag:s28], $0x1000  }
0x3d6: {  	[sflag:s28] =	ssyncset.done $0x0  }
0x3d7: {  	s12 =	simm.s32 $0x14A80;
	[sflag:s28] =	ssyncadd.s32 $0xFFFFF000  }
0x3d8: {  	[spmem:s6] =	stream.indirect.scatter.add.f32 [tilespmem:s22], [sflag:$0x5], $0x40, s12, s20, $0xb8;
	[tilespmem:$0x1D3C0] =	vst v63  }
0x3d9: {  	_ =	swait.ge [sflag:s29], $0x1000  }
0x3da: {  	[sflag:s29] =	ssyncset.done $0x0  }
0x3db: {  	s13 =	simm.s32 $0x14AC0;
	[sflag:s29] =	ssyncadd.s32 $0xFFFFF000  }
0x3dc: {  	[spmem:s6] =	stream.indirect.scatter.add.f32 [tilespmem:s23], [sflag:$0x6], $0x40, s13, s20, $0xb8;
	[tilespmem:$0x1D3C0] =	vst v63  }
0x3dd: {  	_ =	swait.ge [sflag:s30], $0x1000  }
0x3de: {  	s0 =	simm.s32 $0x1;
	[sflag:s30] =	ssyncset.done $0x0  }
0x3df: {  	s4 =	simm.s32 $0x14B00;
	s10 =	sor.u32 s25, s0;
	[sflag:s30] =	ssyncadd.s32 $0xFFFFF000  }
0x3e0: {  	[spmem:s6] =	stream.indirect.scatter.add.f32 [tilespmem:s24], [sflag:$0x7], $0x40, s4, s20, $0xb8;
	[tilespmem:$0x1D3C0] =	vst v63  }
0x3e1: {  	s2 =	simm.s32 $0x400;
	p2 =	seq.s32 s10, $0x0;
	_ =	swait.ge [sflag:s31], $0x1000  }
0x3e2: {  	s10 =	simm.s32 $0x14B40;
	s4 =	simm.s32 $0x800;
	[sflag:s31] =	ssyncset.done $0x0  }
.LBB2_39:
0x3e3: {  	s12 =	simm.s32 @!p2 $0x5  }
0x3e4: {  	[sflag:s31] =	ssyncadd.s32 $0xFFFFF000;
	s13 =	smov.u32 s4;
	s4 =	sadd.s32 $0x400, s4  }
0x3e5: {  	[spmem:s6] =	stream.indirect.scatter.add.f32 [tilespmem:s26], [sflag:$0x8], $0x40, s10, s20, $0xb8;
	[tilespmem:$0x1D3C0] =	vst v63  }
0x3e6: {  	p1 =	sne.s32 s4, $0x2000;
	_ =	swait.ge @!p2 [sflag:s12], $0x1000  }
0x3e7: {  	[sflag:s12] =	ssyncset.done @!p2 $0x0  }
0x3e8: {  	s10 =	simm.s32 @!p2 $0x6;
	[sflag:s12] =	ssyncadd.s32 @!p2 $0xFFFFF000  }
0x3e9: {  	_ =	swait.ge @!p2 [sflag:s10], $0x1000  }
0x3ea: {  	[sflag:s10] =	ssyncset.done @!p2 $0x0  }
0x3eb: {  	[sflag:s10] =	ssyncadd.s32 @!p2 $0xFFFFF000;
	s10 =	simm.s32 @!p2 $0x7  }
0x3ec: {  	_ =	swait.ge @!p2 [sflag:s10], $0x1000  }
0x3ed: {  	[sflag:s10] =	ssyncset.done @!p2 $0x0  }
0x3ee: {  	[sflag:s10] =	ssyncadd.s32 @!p2 $0xFFFFF000;
	s10 =	simm.s32 @!p2 $0x8  }
0x3ef: {  	_ =	swait.ge @!p2 [sflag:s10], $0x1000  }
0x3f0: {  	s12 =	sshra.s32 s2, $0x2;
	s2 =	smov.u32 s13;
	[sflag:s10] =	ssyncset.done @!p2 $0x0  }
0x3f1: {  	[sflag:s10] =	ssyncadd.s32 @!p2 $0xFFFFF000;
	s10 =	sadd.s32 $0x14280, s12  }
0x3f2: {  	[tilespmem:s22], [sflag:$0x1] =	stream.indirect.gather [spmem:s7], $0x40, s10, s20, $0xb8;
	[tilespmem:$0x1D3C0] =	vst v63  }
0x3f3: {  	s10 =	sadd.s32 $0x142C0, s12  }
0x3f4: {  	[tilespmem:s23], [sflag:$0x2] =	stream.indirect.gather [spmem:s7], $0x40, s10, s20, $0xb8;
	[tilespmem:$0x1D3C0] =	vst v63  }
0x3f5: {  	s10 =	sadd.s32 $0x14300, s12  }
0x3f6: {  	[tilespmem:s24], [sflag:$0x3] =	stream.indirect.gather [spmem:s7], $0x40, s10, s20, $0xb8;
	[tilespmem:$0x1D3C0] =	vst v63  }
0x3f7: {  	s10 =	sadd.s32 $0x14340, s12  }
0x3f8: {  	[tilespmem:s26], [sflag:$0x4] =	stream.indirect.gather [spmem:s7], $0x40, s10, s20, $0xb8;
	[tilespmem:$0x1D3C0] =	vst v63  }
0x3f9: {  	_ =	swait.ge [sflag:s28], $0x1000  }
0x3fa: {  	[sflag:s28] =	ssyncset.done $0x0  }
0x3fb: {  	s10 =	sadd.s32 $0x14A80, s12;
	[sflag:s28] =	ssyncadd.s32 $0xFFFFF000  }
0x3fc: {  	[spmem:s6] =	stream.indirect.scatter.add.f32 [tilespmem:s22], [sflag:$0x5], $0x40, s10, s20, $0xb8;
	[tilespmem:$0x1D3C0] =	vst v63  }
0x3fd: {  	_ =	swait.ge [sflag:s29], $0x1000  }
0x3fe: {  	[sflag:s29] =	ssyncset.done $0x0  }
0x3ff: {  	s10 =	sadd.s32 $0x14AC0, s12;
	[sflag:s29] =	ssyncadd.s32 $0xFFFFF000  }
0x400: {  	[spmem:s6] =	stream.indirect.scatter.add.f32 [tilespmem:s23], [sflag:$0x6], $0x40, s10, s20, $0xb8;
	[tilespmem:$0x1D3C0] =	vst v63  }
0x401: {  	_ =	swait.ge [sflag:s30], $0x1000  }
.Ltmp19:
0x402: {  	[sflag:s30] =	ssyncset.done $0x0;
	(pc) =	sbr.rel @p1 .LBB2_39-.Ltmp19, $4  }
0x403: {  	s0 =	sadd.s32 $0x1, s0;
	s10 =	sadd.s32 $0x14B00, s12;
	[sflag:s30] =	ssyncadd.s32 $0xFFFFF000  }
0x404: {  	[spmem:s6] =	stream.indirect.scatter.add.f32 [tilespmem:s24], [sflag:$0x7], $0x40, s10, s20, $0xb8;
	[tilespmem:$0x1D3C0] =	vst v63  }
0x405: {  	s10 =	sor.u32 s25, s0;
	_ =	swait.ge [sflag:s31], $0x1000  }
0x406: {  	p2 =	seq.s32 s10, $0x0;
	s10 =	sadd.s32 $0x14B40, s12;
	[sflag:s31] =	ssyncset.done $0x0  }
0x407: {  	s0 =	simm.s32 @!p2 $0x5;
	[sflag:s31] =	ssyncadd.s32 $0xFFFFF000  }
0x408: {  	[spmem:s6] =	stream.indirect.scatter.add.f32 [tilespmem:s26], [sflag:$0x8], $0x40, s10, s20, $0xb8;
	[tilespmem:$0x1D3C0] =	vst v63  }
0x409: {  	_ =	swait.ge @!p2 [sflag:s0], $0x1000  }
0x40a: {  	[sflag:s0] =	ssyncset.done @!p2 $0x0  }
0x40b: {  	[sflag:s0] =	ssyncadd.s32 @!p2 $0xFFFFF000;
	s0 =	simm.s32 @!p2 $0x6  }
0x40c: {  	_ =	swait.ge @!p2 [sflag:s0], $0x1000  }
0x40d: {  	[sflag:s0] =	ssyncset.done @!p2 $0x0  }
0x40e: {  	[sflag:s0] =	ssyncadd.s32 @!p2 $0xFFFFF000;
	s0 =	simm.s32 @!p2 $0x7  }
0x40f: {  	_ =	swait.ge @!p2 [sflag:s0], $0x1000  }
0x410: {  	[sflag:s0] =	ssyncset.done @!p2 $0x0  }
0x411: {  	[sflag:s0] =	ssyncadd.s32 @!p2 $0xFFFFF000;
	s0 =	simm.s32 @!p2 $0x8  }
0x412: {  	_ =	swait.ge @!p2 [sflag:s0], $0x1000  }
0x413: {  	s2 =	sshra.s32 s2, $0x2;
	[sflag:s0] =	ssyncset.done @!p2 $0x0  }
0x414: {  	s4 =	sadd.s32 $0x14280, s2;
	[sflag:s0] =	ssyncadd.s32 @!p2 $0xFFFFF000  }
0x415: {  	[tilespmem:s22], [sflag:$0x1] =	stream.indirect.gather [spmem:s7], $0x40, s4, s20, $0xb8;
	[tilespmem:$0x1D3C0] =	vst v63  }
0x416: {  	s10 =	sadd.s32 $0x142C0, s2  }
0x417: {  	[tilespmem:s23], [sflag:$0x2] =	stream.indirect.gather [spmem:s7], $0x40, s10, s20, $0xb8;
	[tilespmem:$0x1D3C0] =	vst v63  }
0x418: {  	s12 =	sadd.s32 $0x14300, s2  }
0x419: {  	[tilespmem:s24], [sflag:$0x3] =	stream.indirect.gather [spmem:s7], $0x40, s12, s20, $0xb8;
	[tilespmem:$0x1D3C0] =	vst v63  }
0x41a: {  	s13 =	sadd.s32 $0x14340, s2  }
0x41b: {  	[tilespmem:s26], [sflag:$0x4] =	stream.indirect.gather [spmem:s7], $0x40, s13, s20, $0xb8;
	[tilespmem:$0x1D3C0] =	vst v63  }
0x41c: {  	_ =	swait.ge [sflag:s28], $0x1000  }
0x41d: {  	[sflag:s28] =	ssyncset.done $0x0  }
0x41e: {  	s4 =	sadd.s32 $0x14A80, s2;
	[sflag:s28] =	ssyncadd.s32 $0xFFFFF000  }
0x41f: {  	[spmem:s6] =	stream.indirect.scatter.add.f32 [tilespmem:s22], [sflag:$0x5], $0x40, s4, s20, $0xb8;
	[tilespmem:$0x1D3C0] =	vst v63  }
0x420: {  	_ =	swait.ge [sflag:s29], $0x1000  }
0x421: {  	[sflag:s29] =	ssyncset.done $0x0  }
0x422: {  	s10 =	sadd.s32 $0x14AC0, s2;
	[sflag:s29] =	ssyncadd.s32 $0xFFFFF000  }
0x423: {  	[spmem:s6] =	stream.indirect.scatter.add.f32 [tilespmem:s23], [sflag:$0x6], $0x40, s10, s20, $0xb8;
	[tilespmem:$0x1D3C0] =	vst v63  }
0x424: {  	_ =	swait.ge [sflag:s30], $0x1000  }
0x425: {  	s25 =	sadd.s32 $0x1, s25;
	[sflag:s30] =	ssyncset.done $0x0  }
0x426: {  	p1 =	sne.s32 s25, $0xA;
	s12 =	sadd.s32 $0x14B00, s2;
	[sflag:s30] =	ssyncadd.s32 $0xFFFFF000  }
0x427: {  	[spmem:s6] =	stream.indirect.scatter.add.f32 [tilespmem:s24], [sflag:$0x7], $0x40, s12, s20, $0xb8;
	[tilespmem:$0x1D3C0] =	vst v63  }
.Ltmp20:
0x428: {  	_ = 	snop;
	(pc) =	sbr.rel @p1 .LBB2_38-.Ltmp20, $4  }
0x429: {  	_ =	swait.ge [sflag:s31], $0x1000  }
0x42a: {  	[sflag:s31] =	ssyncset.done $0x0  }
0x42b: {  	s13 =	sadd.s32 $0x14B40, s2;
	[sflag:s31] =	ssyncadd.s32 $0xFFFFF000  }
0x42c: {  	[spmem:s6] =	stream.indirect.scatter.add.f32 [tilespmem:s26], [sflag:$0x8], $0x40, s13, s20, $0xb8;
	[tilespmem:$0x1D3C0] =	vst v63  }
0x42d: {  	_ =	swait.ge [sflag:s14], $0x1000  }
0x42e: {  	[sflag:s14] =	ssyncset.done $0x0  }
0x42f: {  	[sflag:s14] =	ssyncadd.s32 $0xFFFFF000  }
0x430: {  	_ =	swait.ge [sflag:s18], $0x1000  }
0x431: {  	[sflag:s18] =	ssyncset.done $0x0  }
0x432: {  	[sflag:s18] =	ssyncadd.s32 $0xFFFFF000  }
0x433: {  	_ =	swait.ge [sflag:s19], $0x1000  }
0x434: {  	[sflag:s19] =	ssyncset.done $0x0  }
0x435: {  	s0 =	simm.s32 $0x8;
	[sflag:s19] =	ssyncadd.s32 $0xFFFFF000  }
0x436: {  	_ =	swait.ge [sflag:s0], $0x1000  }
0x437: {  	[sflag:s0] =	ssyncset.done $0x0  }
0x438: {  	[sflag:s0] =	ssyncadd.s32 $0xFFFFF000  }
0x439: {  	s1 =	simm.s32 $0x0;
	[bflag:$0x0] =	sbarrier.arrive $0xFFFF  }
0x43a: {  	s25 =	simm.s32 $0x0;
	s14 =	simm.s32 $0x0;
	s12 =	rddreg [dreg:$0x2]  }
.LBB2_42:
0x43b: {  	s0 =	smul.u32 $0x50, s25  }
0x43c: {  	s2 =	rddreg [dreg:$0x11]  }
0x43d: {  	s0 =	sadd.s32 s2, s0  }
0x43e: {  	s0 =	sshll.u32 s0, $0x6  }
0x43f: {  	s16 =	sadd.s32 s0, s6  }
0x440: {  	[tilespmem:s15], [sflag:$0x9] =	stream.linear.gather [spmem:s16], $0x1400, $0x38;
	[tilespmem:$0x1D3C0] =	vst v63  }
0x441: {  	_ =	swait.ge [sflag:s11], $0x1400  }
0x442: {  	s17 =	rddreg [dreg:$0x16]  }
0x443: {  	s0 =	sadd.s32 s17, s0  }
0x444: {  	[sflag:s11] =	ssyncset.done $0x0;
	s0 =	sshrl.u32 s0, $0x3  }
0x445: {  	s18 =	simm.s32 $0x1A680;
	[sflag:s11] =	ssyncadd.s32 $0xFFFFEC00;
	s16 =	sadd.s32 s12, s0  }
0x446: {  	[tilespmem:s18], [sflag:$0x9] =	stream.linear.gather [hbm4b:s16+s14], $0x1400, $0x38;
	[tilespmem:$0x1D3C0] =	vst v63  }
0x447: {  	_ =	swait.ge [sflag:s11], $0x1400  }
0x448: {  	[sflag:s11] =	ssyncset.done $0x0  }
0x449: {  	[sflag:s11] =	ssyncadd.s32 $0xFFFFEC00  }
0x44a: {  	s19 =	rddreg [dreg:$0x1]  }
0x44b: {  	s0 =	sadd.s32 s19, s0  }
0x44c: {  	v2 =	vmov s1;
	[tilespmem:s22], [sflag:$0x9] =	stream.linear.gather [hbm4b:s0+s14], $0x1400, $0x38;
	[tilespmem:$0x1D3C0] =	vst v63  }
0x44d: {  	_ =	swait.ge [sflag:s11], $0x1400  }
0x44e: {  	[sflag:s11] =	ssyncset.done $0x0  }
0x44f: {  	s13 =	simm.s32 $0x0;
	[sflag:s11] =	ssyncadd.s32 $0xFFFFEC00  }
0x450: {  	v3 =	vld [tilespmem:s13+$0x19280]  }
0x451: {  	v4 =	vld.idx.msk [tilespmem:v2+s9+$0x0], $0xffff  }
0x452: {  	v5 =	vld [tilespmem:s13+$0x1A680];
	_ =	sdelay $0x1  }
0x453: {  	v6 =	vld [tilespmem:s13+$0x15280];
	_ =	sdelay $0x2  }
0x454: {  	v3 =	vadd.f32 v5, v3;
	v4 =	vmul.f32 $2.500000000e-01, v4;
	_ =	sdelay $0x1  }
0x455: {  	v5 =	vmul.f32 $2.500000000e-01, v6;
	v3 =	vmul.f32 v3, v4;
	_ =	sdelay $0x1  }
0x456: {  	v3 =	vadd.f32 v3, v5  }
0x457: {  	v5 =	vld [tilespmem:s13+$0x1A690]  }
0x458: {  	[tilespmem:s13+$0x1BA80] =	vst v3;
	v3 =	vld [tilespmem:s13+$0x19290]  }
0x459: {  	v4 =	vld.idx.msk [tilespmem:v2+s9+$0x0], $0xffff;
	_ =	sdelay $0x1  }
0x45a: {  	v6 =	vld [tilespmem:s13+$0x15290];
	_ =	sdelay $0x2  }
0x45b: {  	v3 =	vadd.f32 v5, v3;
	v4 =	vmul.f32 $2.500000000e-01, v4;
	_ =	sdelay $0x1  }
0x45c: {  	v5 =	vmul.f32 $2.500000000e-01, v6;
	v3 =	vmul.f32 v3, v4;
	_ =	sdelay $0x1  }
0x45d: {  	v3 =	vadd.f32 v3, v5  }
0x45e: {  	v5 =	vld [tilespmem:s13+$0x1A6A0]  }
0x45f: {  	[tilespmem:s13+$0x1BA90] =	vst v3;
	v3 =	vld [tilespmem:s13+$0x192A0]  }
0x460: {  	v4 =	vld.idx.msk [tilespmem:v2+s9+$0x0], $0xffff;
	_ =	sdelay $0x1  }
0x461: {  	v6 =	vld [tilespmem:s13+$0x152A0];
	_ =	sdelay $0x2  }
0x462: {  	v3 =	vadd.f32 v5, v3;
	v4 =	vmul.f32 $2.500000000e-01, v4;
	_ =	sdelay $0x1  }
0x463: {  	v5 =	vmul.f32 $2.500000000e-01, v6;
	v3 =	vmul.f32 v3, v4;
	_ =	sdelay $0x1  }
0x464: {  	v3 =	vadd.f32 v3, v5  }
0x465: {  	v4 =	vld [tilespmem:s13+$0x1A6B0]  }
0x466: {  	[tilespmem:s13+$0x1BAA0] =	vst v3;
	v3 =	vld [tilespmem:s13+$0x192B0]  }
0x467: {  	v2 =	vld.idx.msk [tilespmem:v2+s9+$0x0], $0xffff;
	_ =	sdelay $0x1  }
0x468: {  	v5 =	vld [tilespmem:s13+$0x152B0];
	_ =	sdelay $0x2  }
0x469: {  	v4 =	vadd.f32 v4, v3;
	v6 =	vmul.f32 $2.500000000e-01, v2  }
0x46a: {  	s2 =	sadd.s32 $0x1, s1  }
0x46b: {  	s4 =	simm.s32 $0x200;
	s0 =	simm.s32 $0x100;
	v3 =	vmul.f32 $2.500000000e-01, v5;
	v2 =	vmov s2;
	v4 =	vmul.f32 v4, v6  }
.LBB2_43:
0x46c: {  	p1 =	sne.s32 s4, $0x4F00  }
0x46d: {  	v3 =	vadd.f32 v4, v3  }
0x46e: {  	s10 =	sshra.s32 s0, $0x2;
	s0 =	smov.u32 s4  }
0x46f: {  	v4 =	vld [tilespmem:s10+$0x19280];
	[tilespmem:s13+$0x1BAB0] =	vst v3;
	s13 =	smov.u32 s10  }
0x470: {  	v3 =	vld.idx.msk [tilespmem:v2+s9+$0x0], $0xffff  }
0x471: {  	v5 =	vld [tilespmem:s13+$0x1A680];
	_ =	sdelay $0x1  }
0x472: {  	v6 =	vld [tilespmem:s13+$0x15280];
	_ =	sdelay $0x2  }
0x473: {  	v3 =	vmul.f32 $2.500000000e-01, v3;
	v4 =	vadd.f32 v5, v4;
	_ =	sdelay $0x1  }
0x474: {  	v5 =	vmul.f32 $2.500000000e-01, v6;
	v3 =	vmul.f32 v4, v3;
	_ =	sdelay $0x1  }
0x475: {  	v3 =	vadd.f32 v3, v5;
	_ =	sdelay $0x1  }
0x476: {  	[tilespmem:s13+$0x1BA80] =	vst v3;
	v3 =	vld [tilespmem:s13+$0x19290]  }
0x477: {  	v4 =	vld.idx.msk [tilespmem:v2+s9+$0x0], $0xffff  }
0x478: {  	v5 =	vld [tilespmem:s13+$0x1A690];
	_ =	sdelay $0x1  }
0x479: {  	v6 =	vld [tilespmem:s13+$0x15290];
	_ =	sdelay $0x2  }
0x47a: {  	v4 =	vmul.f32 $2.500000000e-01, v4;
	v3 =	vadd.f32 v5, v3;
	_ =	sdelay $0x1  }
0x47b: {  	v5 =	vmul.f32 $2.500000000e-01, v6;
	v3 =	vmul.f32 v3, v4;
	_ =	sdelay $0x1  }
0x47c: {  	v3 =	vadd.f32 v3, v5;
	_ =	sdelay $0x1  }
0x47d: {  	[tilespmem:s13+$0x1BA90] =	vst v3;
	v3 =	vld [tilespmem:s13+$0x192A0]  }
0x47e: {  	v4 =	vld.idx.msk [tilespmem:v2+s9+$0x0], $0xffff  }
0x47f: {  	v5 =	vld [tilespmem:s13+$0x1A6A0];
	_ =	sdelay $0x1  }
0x480: {  	v6 =	vld [tilespmem:s13+$0x152A0];
	_ =	sdelay $0x2  }
0x481: {  	v4 =	vmul.f32 $2.500000000e-01, v4;
	v3 =	vadd.f32 v5, v3;
	_ =	sdelay $0x1  }
0x482: {  	v5 =	vmul.f32 $2.500000000e-01, v6;
	v3 =	vmul.f32 v3, v4;
	_ =	sdelay $0x1  }
0x483: {  	v3 =	vadd.f32 v3, v5;
	_ =	sdelay $0x1  }
0x484: {  	[tilespmem:s13+$0x1BAA0] =	vst v3;
	v3 =	vld [tilespmem:s13+$0x192B0]  }
0x485: {  	v2 =	vld.idx.msk [tilespmem:v2+s9+$0x0], $0xffff  }
0x486: {  	v4 =	vld [tilespmem:s13+$0x1A6B0];
	_ =	sdelay $0x1  }
0x487: {  	v5 =	vld [tilespmem:s13+$0x152B0]  }
.Ltmp21:
0x488: {  	(pc) =	sbr.rel @p1 .LBB2_43-.Ltmp21, $4  }
0x489: {  	_ = 	snop  }
0x48a: {  	v6 =	vmul.f32 $2.500000000e-01, v2;
	v4 =	vadd.f32 v4, v3  }
0x48b: {  	s2 =	sadd.s32 $0x1, s2  }
0x48c: {  	s4 =	sadd.s32 $0x100, s4;
	v2 =	vmov s2;
	v3 =	vmul.f32 $2.500000000e-01, v5;
	v4 =	vmul.f32 v4, v6  }
0x48d: {  	_ = 	snop  }
0x48e: {  	v3 =	vadd.f32 v4, v3  }
0x48f: {  	s0 =	sshra.s32 s0, $0x2  }
0x490: {  	v51 =	vld [tilespmem:s0+$0x19280];
	[tilespmem:s13+$0x1BAB0] =	vst v3  }
0x491: {  	v3 =	vld.idx.msk [tilespmem:v2+s9+$0x0], $0xffff  }
0x492: {  	v5 =	vld [tilespmem:s0+$0x1A680];
	_ =	sdelay $0x1  }
0x493: {  	v6 =	vld [tilespmem:s0+$0x15280];
	_ =	sdelay $0x2  }
0x494: {  	v4 =	vadd.f32 v5, v51;
	v3 =	vmul.f32 $2.500000000e-01, v3;
	_ =	sdelay $0x1  }
0x495: {  	v52 =	vmul.f32 $2.500000000e-01, v6;
	v3 =	vmul.f32 v4, v3;
	_ =	sdelay $0x1  }
0x496: {  	v3 =	vadd.f32 v3, v52  }
0x497: {  	v54 =	vld [tilespmem:s0+$0x1A690]  }
0x498: {  	[tilespmem:s0+$0x1BA80] =	vst v3;
	v3 =	vld [tilespmem:s0+$0x19290]  }
0x499: {  	v53 =	vld.idx.msk [tilespmem:v2+s9+$0x0], $0xffff;
	_ =	sdelay $0x1  }
0x49a: {  	v55 =	vld [tilespmem:s0+$0x15290];
	_ =	sdelay $0x2  }
0x49b: {  	v3 =	vadd.f32 v54, v3;
	v4 =	vmul.f32 $2.500000000e-01, v53;
	_ =	sdelay $0x1  }
0x49c: {  	v56 =	vmul.f32 $2.500000000e-01, v55;
	v3 =	vmul.f32 v3, v4;
	_ =	sdelay $0x1  }
0x49d: {  	v3 =	vadd.f32 v3, v56  }
0x49e: {  	v58 =	vld [tilespmem:s0+$0x1A6A0]  }
0x49f: {  	[tilespmem:s0+$0x1BA90] =	vst v3;
	v3 =	vld [tilespmem:s0+$0x192A0]  }
0x4a0: {  	v57 =	vld.idx.msk [tilespmem:v2+s9+$0x0], $0xffff;
	_ =	sdelay $0x1  }
0x4a1: {  	v59 =	vld [tilespmem:s0+$0x152A0];
	_ =	sdelay $0x2  }
0x4a2: {  	v3 =	vadd.f32 v58, v3;
	v4 =	vmul.f32 $2.500000000e-01, v57;
	_ =	sdelay $0x1  }
0x4a3: {  	v60 =	vmul.f32 $2.500000000e-01, v59;
	v3 =	vmul.f32 v3, v4;
	_ =	sdelay $0x1  }
0x4a4: {  	v3 =	vadd.f32 v3, v60  }
0x4a5: {  	v61 =	vld [tilespmem:s0+$0x1A6B0]  }
0x4a6: {  	[tilespmem:s0+$0x1BAA0] =	vst v3;
	v3 =	vld [tilespmem:s0+$0x192B0]  }
0x4a7: {  	v2 =	vld.idx.msk [tilespmem:v2+s9+$0x0], $0xffff;
	_ =	sdelay $0x1  }
0x4a8: {  	v62 =	vld [tilespmem:s0+$0x152B0];
	_ =	sdelay $0x2  }
0x4a9: {  	v3 =	vadd.f32 v61, v3;
	v2 =	vmul.f32 $2.500000000e-01, v2;
	_ =	sdelay $0x1  }
0x4aa: {  	v63 =	vmul.f32 $2.500000000e-01, v62;
	v2 =	vmul.f32 v3, v2;
	_ =	sdelay $0x1  }
0x4ab: {  	v2 =	vadd.f32 v2, v63;
	_ =	sdelay $0x1  }
0x4ac: {  	s18 =	simm.s32 $0x0;
	s2 =	simm.s32 $0x1BA80;
	[tilespmem:s0+$0x1BAB0] =	vst v2  }
0x4ad: {  	[hbm4b:s16+s18] =	stream.linear.scatter [tilespmem:s2], [sflag:$0x9], $0x1400, $0x38;
	[tilespmem:$0x1D3C0] =	vst v63  }
0x4ae: {  	_ =	swait.ge [sflag:s11], $0x1400  }
0x4af: {  	s25 =	sadd.s32 $0x1, s25;
	s19 =	rddreg [dreg:$0x13]  }
0x4b0: {  	p1 =	sne.s32 s25, s19  }
.Ltmp22:
0x4b1: {  	_ = 	snop;
	(pc) =	sbr.rel @p1 .LBB2_42-.Ltmp22, $3  }
0x4b2: {  	_ =	sdelay $0x1  }
0x4b3: {  	[sflag:s11] =	ssyncset.done $0x0  }
0x4b4: {  	s1 =	sadd.s32 $0x50, s1;
	[sflag:s11] =	ssyncadd.s32 $0xFFFFEC00  }
0x4b5: {  	s1 =	sld [smem:$0x7F2];
	_ =	sdelay $0x2  }
0x4b6: {  	s0 =	rddreg [dreg:$0x17];
	s1 =	sadd.s32 $0x1, s1  }
0x4b7: {  	p1 =	sne.s32 s1, s0  }
.Ltmp23:
0x4b8: {  	_ = 	snop;
	(pc) =	sbr.rel @p1 .LBB2_1-.Ltmp23, $3  }
0x4b9: {  	_ =	sdelay $0x1  }
0x4ba: {  	s12 =	simm.s32 $0x0;
	s10 =	rddreg [dreg:$0x15]  }
0x4bb: {  	s4 =	simm.s32 $0x1BA80;
	s13 =	simm.s32 $0x14D00;
	s14 =	simm.s32 $0x14D40  }
0x4bc: {  	_ =	sfence.sel $0x180000  }
0x4bd: {  	[bflag:$0x0] =	sbarrier.arrive $0xFFFF  }
0x4be: {  	_ =	strace $0x90000047  }
0x4bf: {  	s0 =	stileid.u32;
	[bflag:$0x2] =	sbarrier.arrive $0xFFFF  }
0x4c0: {  	p0 =	sne.s32 s0, $0x0;
	s0 =	rddreg [dreg:$0x6]  }
0x4c1: {  	s0 =	sadd.s32 @!p0 $0x100000, s0  }
0x4c2: {  	[sflag:s0] =	ssyncadd.tile.s32 @!p0 $0x1;
	_ =	shalt  }
.Lfunc_end2:
_tile_overlayer_lowered:
.L_overlay_start_2:
0x4c3: {  	(tag) =	ssettag $0x2  }
0x4c4: {  	s0 =	rddreg [dreg:$0x0];
	s2 =	stileid.u32  }
0x4c5: {  	s1 =	rddreg [dreg:$0x1];
	p0 =	sne.s32 s2, $0x0  }
0x4c6: {  	s3 =	rddreg [dreg:$0x2];
	[bflag:$0x3] =	sbarrier.arrive $0xFFFF;
	s2 =	simm.s32 @!p0 $0x1C09  }
0x4c7: {  	[timem:s3], [sflag:s2] =	dma.local @!p0 [hbm:s0], s1  }
0x4c8: {  	s0 =	simm.s32 @!p0 $0x9  }
0x4c9: {  	_ =	swait.ge @!p0 [sflag:s0], s1  }
0x4ca: {  	s1 =	ssub.s32 @!p0 $0x0, s1;
	[sflag:s0] =	ssyncset.done @!p0 $0x0  }
0x4cb: {  	[sflag:s0] =	ssyncadd.s32 @!p0 s1  }
0x4cc: {  	[bflag:$0x3] =	sbarrier.arrive $0xFFFF  }
0x4cd: {  	_ =	shalt  }

</sc_bundles>
